<compile_context>
chip_gen: v7x
topology: tpu7x:2x2x1
jax: 0.10.2.dev20260603
libtpu: 0.0.44.dev20260713+nightly
codegen_flags: <defaults>
</compile_context>

<pallas_src>
import functools

import jax
import jax.numpy as jnp
from jax import lax
from jax.experimental import pallas as pl
from jax.experimental.pallas import tpu as pltpu
from jax.experimental.pallas import tpu_sc as plsc

_VOCAB = 100000
_MAXLEN = 2048
_EMB = 768
_HEMB = _EMB // 2
_COND = 128
_B = 4
_S = 2048
_EPS = 1e-12

_NTOK = _B * _S
_NC = 2
_NS = 16
_NW = _NC * _NS
_C = 32
_LANES = 16


def _sc_gather_sum(ids_flat, pos_flat, ids_table, pos_table, ntok):
    per_w = ntok // _NW
    nchunk = per_w // _C
    npair = nchunk // 2
    mesh = plsc.VectorSubcoreMesh(core_axis_name="c", subcore_axis_name="s")

    @functools.partial(
        pl.kernel,
        mesh=mesh,
        out_type=jax.ShapeDtypeStruct((ntok, _HEMB), jnp.int32),
        scratch_types=[
            pltpu.VMEM((per_w,), jnp.int32),
            pltpu.VMEM((per_w,), jnp.int32),
            pltpu.VMEM((2, _C, _EMB), jnp.float32),
            pltpu.VMEM((2, _C, _EMB), jnp.float32),
            pltpu.VMEM((2, _C, _HEMB), jnp.int32),
            pltpu.SemaphoreType.DMA,
            pltpu.SemaphoreType.DMA,
            pltpu.SemaphoreType.DMA,
            pltpu.SemaphoreType.DMA,
            pltpu.SemaphoreType.DMA,
            pltpu.SemaphoreType.DMA,
        ],
    )
    def sc_kernel(ids_hbm, pos_hbm, idtab_hbm, postab_hbm, out_hbm,
                  idx_i, idx_p, rows_i, rows_p, rows_w,
                  sem_gi0, sem_gi1, sem_gp0, sem_gp1, sem_w0, sem_w1):
        sem_gi = (sem_gi0, sem_gi1)
        sem_gp = (sem_gp0, sem_gp1)
        sem_w = (sem_w0, sem_w1)
        wid = lax.axis_index("s") * _NC + lax.axis_index("c")
        base = wid * per_w

        pltpu.sync_copy(ids_hbm.at[pl.ds(base, per_w)], idx_i)
        pltpu.sync_copy(pos_hbm.at[pl.ds(base, per_w)], idx_p)

        def fire_gathers(c, s):
            pltpu.async_copy(
                idtab_hbm.at[idx_i.at[pl.ds(c * _C, _C)]], rows_i.at[s],
                sem_gi[s])
            pltpu.async_copy(
                postab_hbm.at[idx_p.at[pl.ds(c * _C, _C)]], rows_p.at[s],
                sem_gp[s])

        def wait_gathers(s):
            pltpu.make_async_copy(
                idtab_hbm.at[pl.ds(0, _C)], rows_i.at[s], sem_gi[s]).wait()
            pltpu.make_async_copy(
                postab_hbm.at[pl.ds(0, _C)], rows_p.at[s], sem_gp[s]).wait()

        def fire_write(c, s):
            pltpu.async_copy(
                rows_w.at[s], out_hbm.at[pl.ds(base + c * _C, _C)], sem_w[s])

        def wait_write(s):
            pltpu.make_async_copy(
                rows_w.at[s], out_hbm.at[pl.ds(0, _C)], sem_w[s]).wait()

        msk = jnp.full((_LANES,), -65536, jnp.int32)
        sh16 = jnp.full((_LANES,), 16, jnp.int32)

        def compute(s):
            @plsc.parallel_loop(0, _C, 1, unroll=2)
            def row_body(r):
                for v in range(_HEMB // _LANES):
                    sl = pl.ds(v * _LANES, _LANES)
                    sh = pl.ds(_HEMB + v * _LANES, _LANES)
                    a = rows_i[s, r, sl] + rows_p[s, r, sl]
                    b = rows_i[s, r, sh] + rows_p[s, r, sh]
                    au = lax.bitcast_convert_type(a, jnp.int32)
                    bu = lax.bitcast_convert_type(b, jnp.int32)
                    lo = lax.shift_right_logical(au, sh16)
                    hi = lax.bitwise_and(bu, msk)
                    rows_w[s, r, sl] = lax.bitwise_or(lo, hi)

        fire_gathers(0, 0)

        def pair_body(p, carry):
            c = 2 * p
            fire_gathers(c + 1, 1)
            wait_gathers(0)

            @pl.when(p > 0)
            def _():
                wait_write(0)

            compute(0)
            fire_write(c, 0)

            @pl.when(p + 1 < npair)
            def _():
                fire_gathers(c + 2, 0)

            wait_gathers(1)

            @pl.when(p > 0)
            def _():
                wait_write(1)

            compute(1)
            fire_write(c + 1, 1)
            return carry

        lax.fori_loop(0, npair, pair_body, 0)
        wait_write(0)
        wait_write(1)

    return sc_kernel(ids_flat, pos_flat, ids_table, pos_table)


_TBLK = 512


def _tc_body(g_ref, cond_ref, w_ref, b_ref, scale_ref, bias_ref, o_ref):
    w = g_ref[...]
    first = lax.bitcast_convert_type(w << 16, jnp.float32)
    second = lax.bitcast_convert_type(w & jnp.int32(-65536), jnp.float32)
    g = jnp.concatenate([first, second], axis=-1)
    proj = jnp.dot(cond_ref[...], w_ref[...], preferred_element_type=jnp.float32)
    x = g + jnp.tanh(proj + b_ref[...])
    mu = jnp.mean(x, axis=-1, keepdims=True)
    xc = x - mu
    var = jnp.mean(xc * xc, axis=-1, keepdims=True)
    o_ref[...] = xc * lax.rsqrt(var + _EPS) * scale_ref[...] + bias_ref[...]


def _tc_fuse(gathered, cond2d, cond_W, cond_b, ln_scale, ln_bias):
    grid = (_NTOK // _TBLK,)
    return pl.pallas_call(
        _tc_body,
        grid=grid,
        in_specs=[
            pl.BlockSpec((_TBLK, _HEMB), lambda i: (i, 0)),
            pl.BlockSpec((_TBLK, _COND), lambda i: (i, 0)),
            pl.BlockSpec((_COND, _EMB), lambda i: (0, 0)),
            pl.BlockSpec((1, _EMB), lambda i: (0, 0)),
            pl.BlockSpec((1, _EMB), lambda i: (0, 0)),
            pl.BlockSpec((1, _EMB), lambda i: (0, 0)),
        ],
        out_specs=pl.BlockSpec((_TBLK, _EMB), lambda i: (i, 0)),
        out_shape=jax.ShapeDtypeStruct((_NTOK, _EMB), jnp.float32),
    )(gathered, cond2d, cond_W,
      cond_b.reshape(1, _EMB), ln_scale.reshape(1, _EMB),
      ln_bias.reshape(1, _EMB))


def kernel(ids, conditions, pos_ids, ids_table, pos_table, cond_W, cond_b,
           ln_scale, ln_bias):
    ids_flat = ids.reshape(_NTOK)
    pos_flat = pos_ids.reshape(_NTOK)
    gathered = _sc_gather_sum(ids_flat, pos_flat, ids_table, pos_table, _NTOK)
    y = _tc_fuse(gathered, conditions.reshape(_NTOK, _COND), cond_W, cond_b,
                 ln_scale, ln_bias)
    return y.reshape(_B, _S, _EMB)

# --- scband reference (transcript-rebuilt; emitter-appended) ---
"""Pipeline reference for scband-bert-embedding-34007551050547 (READ-ONLY COPY).

The authoritative reference and input builder live on the scoring server;
editing this copy changes nothing except your own understanding.
"""

import jax, jax.numpy as jnp
import numpy as np

VOCAB = 100000
MAXLEN = 2048
EMB = 768
COND = 128
B = 4
S = 2048
EPS = 1e-12


def setup_inputs(seed: int = 0) -> dict:
    key = jax.random.key(seed)
    ks = jax.random.split(key, 8)
    ids = jax.random.randint(ks[0], (B, S), 0, VOCAB, dtype=jnp.int32)
    conditions = jax.random.normal(ks[1], (B, S, COND), dtype=jnp.float32)
    pos_ids = jax.random.randint(ks[2], (B, S), 0, MAXLEN, dtype=jnp.int32)
    ids_table = jax.random.normal(ks[3], (VOCAB, EMB), dtype=jnp.float32) * 0.02
    pos_table = jax.random.normal(ks[4], (MAXLEN, EMB), dtype=jnp.float32) * 0.02
    cond_W = jax.random.normal(ks[5], (COND, EMB), dtype=jnp.float32) * 0.02
    cond_b = jnp.zeros((EMB,), dtype=jnp.float32)
    ln_scale = jnp.ones((EMB,), dtype=jnp.float32)
    ln_bias = jnp.zeros((EMB,), dtype=jnp.float32)
    return {
        "ids": ids,
        "conditions": conditions,
        "pos_ids": pos_ids,
        "ids_table": ids_table,
        "pos_table": pos_table,
        "cond_W": cond_W,
        "cond_b": cond_b,
        "ln_scale": ln_scale,
        "ln_bias": ln_bias,
    }


def reference(ids, conditions, pos_ids, ids_table, pos_table, cond_W, cond_b, ln_scale, ln_bias):
    # Embedding lookups (gather -> SparseCore friendly)
    ids_emb = jnp.take(ids_table, ids, axis=0)          # [B, S, EMB]
    pos_emb = jnp.take(pos_table, pos_ids, axis=0)      # [B, S, EMB]
    # Dense on conditions + tanh
    cond_emb = jnp.tanh(jnp.dot(conditions, cond_W) + cond_b)  # [B, S, EMB]
    x = ids_emb + pos_emb + cond_emb
    # LayerNorm over last dim, eps=1e-12 (flax default: scale & bias)
    mu = jnp.mean(x, axis=-1, keepdims=True)
    var = jnp.mean(jnp.square(x - mu), axis=-1, keepdims=True)
    y = (x - mu) / jnp.sqrt(var + EPS) * ln_scale + ln_bias
    # Dropout is deterministic (eval mode): identity
    return y

if __name__ == "__main__":
    import jax
    _d = setup_inputs()
    print(jax.jit(kernel)(*tuple(_d.values())))

</pallas_src>

<mosaic_0001>
#map = affine_map<(d0, d1) -> (0)>
#map1 = affine_map<(d0, d1) -> (0, 0)>
module attributes {stable_mosaic.version = 14 : i64} {
  func.func @sc_kernel(%arg0: i32, %arg1: i32, %arg2: memref<8192xi32, #tpu.memory_space<hbm>>, %arg3: memref<8192xi32, #tpu.memory_space<hbm>>, %arg4: memref<100000x768xf32, #tpu.memory_space<hbm>>, %arg5: memref<2048x768xf32, #tpu.memory_space<hbm>>, %arg6: memref<8192x384xi32, #tpu.memory_space<hbm>>, %arg7: memref<256xi32, #tpu.memory_space<vmem>>, %arg8: memref<256xi32, #tpu.memory_space<vmem>>, %arg9: memref<2x32x768xf32, #tpu.memory_space<vmem>>, %arg10: memref<2x32x768xf32, #tpu.memory_space<vmem>>, %arg11: memref<2x32x384xi32, #tpu.memory_space<vmem>>, %arg12: memref<!tpu.dma_semaphore, #tpu.memory_space<semaphore_mem>>, %arg13: memref<!tpu.dma_semaphore, #tpu.memory_space<semaphore_mem>>, %arg14: memref<!tpu.dma_semaphore, #tpu.memory_space<semaphore_mem>>, %arg15: memref<!tpu.dma_semaphore, #tpu.memory_space<semaphore_mem>>, %arg16: memref<!tpu.dma_semaphore, #tpu.memory_space<semaphore_mem>>, %arg17: memref<!tpu.dma_semaphore, #tpu.memory_space<semaphore_mem>>) attributes {dimension_semantics = [#tpu.dimension_semantics<core_parallel>, #tpu.dimension_semantics<subcore_parallel>], iteration_bounds = array<i64: 2, 16>, scalar_prefetch = 0 : i64, scratch_operands = 11 : i64, tpu.core_type = #tpu.core_type<sc_vector_subcore>, window_params = [{transform_indices = #map}, {transform_indices = #map}, {transform_indices = #map1}, {transform_indices = #map1}, {transform_indices = #map1}]} {
    %mul3A = arith.constant 2 : i32
    %mul3A_0 = arith.muli %arg1, %mul3A : i32
    %add3A = arith.addi %mul3A_0, %arg0 : i32
    %mul3A_1 = arith.constant 256 : i32
    %mul3A_2 = arith.muli %add3A, %mul3A_1 : i32
    "tpu.region"() ({
      %run_scoped3A = tpu.sem_alloc : memref<!tpu.dma_semaphore, #tpu.memory_space<semaphore_mem>>
      %dma_start3A_59 = tpu.memref_slice %arg2[%mul3A_2] : memref<8192xi32, #tpu.memory_space<hbm>> -> memref<256xi32, #tpu.memory_space<hbm>>
      %dma_start3A_60 = tpu.memref_slice %arg2[%mul3A_2] : memref<8192xi32, #tpu.memory_space<hbm>> -> memref<256xi32, #tpu.memory_space<hbm>>
      tpu.enqueue_dma source(%dma_start3A_60 : memref<256xi32, #tpu.memory_space<hbm>>) target(%arg7 : memref<256xi32, #tpu.memory_space<vmem>>) target_semaphore(%run_scoped3A : memref<!tpu.dma_semaphore, #tpu.memory_space<semaphore_mem>>)
      %dma_wait3A_61 = tpu.memref_slice %arg2[%mul3A_2] : memref<8192xi32, #tpu.memory_space<hbm>> -> memref<256xi32, #tpu.memory_space<hbm>>
      %dma_wait3A_62 = tpu.memref_slice %arg2[%mul3A_2] : memref<8192xi32, #tpu.memory_space<hbm>> -> memref<256xi32, #tpu.memory_space<hbm>>
      tpu.wait_dma2 semaphore(%run_scoped3A : memref<!tpu.dma_semaphore, #tpu.memory_space<semaphore_mem>>) src(%dma_wait3A_62 : memref<256xi32, #tpu.memory_space<hbm>>) dst(%arg7 : memref<256xi32, #tpu.memory_space<vmem>>)
      tpu.yield
    }) : () -> ()
    "tpu.region"() ({
      %run_scoped3A = tpu.sem_alloc : memref<!tpu.dma_semaphore, #tpu.memory_space<semaphore_mem>>
      %dma_start3A_59 = tpu.memref_slice %arg3[%mul3A_2] : memref<8192xi32, #tpu.memory_space<hbm>> -> memref<256xi32, #tpu.memory_space<hbm>>
      %dma_start3A_60 = tpu.memref_slice %arg3[%mul3A_2] : memref<8192xi32, #tpu.memory_space<hbm>> -> memref<256xi32, #tpu.memory_space<hbm>>
      tpu.enqueue_dma source(%dma_start3A_60 : memref<256xi32, #tpu.memory_space<hbm>>) target(%arg8 : memref<256xi32, #tpu.memory_space<vmem>>) target_semaphore(%run_scoped3A : memref<!tpu.dma_semaphore, #tpu.memory_space<semaphore_mem>>)
      %dma_wait3A_61 = tpu.memref_slice %arg3[%mul3A_2] : memref<8192xi32, #tpu.memory_space<hbm>> -> memref<256xi32, #tpu.memory_space<hbm>>
      %dma_wait3A_62 = tpu.memref_slice %arg3[%mul3A_2] : memref<8192xi32, #tpu.memory_space<hbm>> -> memref<256xi32, #tpu.memory_space<hbm>>
      tpu.wait_dma2 semaphore(%run_scoped3A : memref<!tpu.dma_semaphore, #tpu.memory_space<semaphore_mem>>) src(%dma_wait3A_62 : memref<256xi32, #tpu.memory_space<hbm>>) dst(%arg8 : memref<256xi32, #tpu.memory_space<vmem>>)
      tpu.yield
    }) : () -> ()
    %broadcast_in_dim3A = arith.constant -65536 : i32
    %broadcast_in_dim3A_3 = vector.broadcast %broadcast_in_dim3A : i32 to vector<16xi32>
    %broadcast_in_dim3A_4 = arith.constant 16 : i32
    %broadcast_in_dim3A_5 = vector.broadcast %broadcast_in_dim3A_4 : i32 to vector<16xi32>
    %dma_start3A = arith.constant 0 : i32
    %dma_start3A_6 = arith.constant 0 : i32
    %dma_start3A_7 = arith.constant 0 : i32
    %dma_start3A_8 = tpu.memref_slice %arg9[%dma_start3A, %dma_start3A_6, %dma_start3A_7] : memref<2x32x768xf32, #tpu.memory_space<vmem>> -> memref<1x32x768xf32, #tpu.memory_space<vmem>>
    %dma_start3A_9 = tpu.memref_squeeze %dma_start3A_8 : memref<1x32x768xf32, #tpu.memory_space<vmem>> -> memref<32x768xf32, #tpu.memory_space<vmem>>
    %dma_start3A_10 = arith.constant 0 : i32
    %dma_start3A_11 = tpu.memref_slice %arg7[%dma_start3A_10] : memref<256xi32, #tpu.memory_space<vmem>> -> memref<32xi32, #tpu.memory_space<vmem>>
    %dma_start3A_12 = arith.constant 0 : i32
    %dma_start3A_13 = arith.constant 0 : i32
    %dma_start3A_14 = tpu.memref_slice %arg4[%dma_start3A_12, %dma_start3A_13] : memref<100000x768xf32, #tpu.memory_space<hbm>> -> memref<100000x768xf32, #tpu.memory_space<hbm>>
    tpu.enqueue_indirect_dma source(%dma_start3A_14 : memref<100000x768xf32, #tpu.memory_space<hbm>>) target(%dma_start3A_9 : memref<32x768xf32, #tpu.memory_space<vmem>>) offsets(%dma_start3A_11 : memref<32xi32, #tpu.memory_space<vmem>>) semaphore(%arg12 : memref<!tpu.dma_semaphore, #tpu.memory_space<semaphore_mem>>)
    %dma_start3A_15 = arith.constant 0 : i32
    %dma_start3A_16 = arith.constant 0 : i32
    %dma_start3A_17 = arith.constant 0 : i32
    %dma_start3A_18 = tpu.memref_slice %arg10[%dma_start3A_15, %dma_start3A_16, %dma_start3A_17] : memref<2x32x768xf32, #tpu.memory_space<vmem>> -> memref<1x32x768xf32, #tpu.memory_space<vmem>>
    %dma_start3A_19 = tpu.memref_squeeze %dma_start3A_18 : memref<1x32x768xf32, #tpu.memory_space<vmem>> -> memref<32x768xf32, #tpu.memory_space<vmem>>
    %dma_start3A_20 = arith.constant 0 : i32
    %dma_start3A_21 = tpu.memref_slice %arg8[%dma_start3A_20] : memref<256xi32, #tpu.memory_space<vmem>> -> memref<32xi32, #tpu.memory_space<vmem>>
    %dma_start3A_22 = arith.constant 0 : i32
    %dma_start3A_23 = arith.constant 0 : i32
    %dma_start3A_24 = tpu.memref_slice %arg5[%dma_start3A_22, %dma_start3A_23] : memref<2048x768xf32, #tpu.memory_space<hbm>> -> memref<2048x768xf32, #tpu.memory_space<hbm>>
    tpu.enqueue_indirect_dma source(%dma_start3A_24 : memref<2048x768xf32, #tpu.memory_space<hbm>>) target(%dma_start3A_19 : memref<32x768xf32, #tpu.memory_space<vmem>>) offsets(%dma_start3A_21 : memref<32xi32, #tpu.memory_space<vmem>>) semaphore(%arg14 : memref<!tpu.dma_semaphore, #tpu.memory_space<semaphore_mem>>)
    %scan3A = arith.constant 0 : i32
    %scan3A_25 = arith.constant 0 : i32
    %scan3A_26 = arith.constant 4 : i32
    %scan3A_27 = arith.addi %scan3A_25, %scan3A_26 : i32
    %scan3A_28 = arith.constant 1 : i32
    scf.for %scan3A_59 = %scan3A_25 to %scan3A_27 step %scan3A_28  : i32 {
      %mul3A_60 = arith.constant 2 : i32
      %mul3A_61 = arith.muli %mul3A_60, %scan3A_59 : i32
      %add3A_62 = arith.constant 1 : i32
      %add3A_63 = arith.addi %mul3A_61, %add3A_62 : i32
      %mul3A_64 = arith.constant 32 : i32
      %mul3A_65 = arith.muli %add3A_63, %mul3A_64 : i32
      %dma_start3A_66 = arith.constant 1 : i32
      %dma_start3A_67 = arith.constant 0 : i32
      %dma_start3A_68 = arith.constant 0 : i32
      %dma_start3A_69 = tpu.memref_slice %arg9[%dma_start3A_66, %dma_start3A_67, %dma_start3A_68] : memref<2x32x768xf32, #tpu.memory_space<vmem>> -> memref<1x32x768xf32, #tpu.memory_space<vmem>>
      %dma_start3A_70 = tpu.memref_squeeze %dma_start3A_69 : memref<1x32x768xf32, #tpu.memory_space<vmem>> -> memref<32x768xf32, #tpu.memory_space<vmem>>
      %dma_start3A_71 = tpu.memref_slice %arg7[%mul3A_65] : memref<256xi32, #tpu.memory_space<vmem>> -> memref<32xi32, #tpu.memory_space<vmem>>
      %dma_start3A_72 = arith.constant 0 : i32
      %dma_start3A_73 = arith.constant 0 : i32
      %dma_start3A_74 = tpu.memref_slice %arg4[%dma_start3A_72, %dma_start3A_73] : memref<100000x768xf32, #tpu.memory_space<hbm>> -> memref<100000x768xf32, #tpu.memory_space<hbm>>
      tpu.enqueue_indirect_dma source(%dma_start3A_74 : memref<100000x768xf32, #tpu.memory_space<hbm>>) target(%dma_start3A_70 : memref<32x768xf32, #tpu.memory_space<vmem>>) offsets(%dma_start3A_71 : memref<32xi32, #tpu.memory_space<vmem>>) semaphore(%arg13 : memref<!tpu.dma_semaphore, #tpu.memory_space<semaphore_mem>>)
      %mul3A_75 = arith.constant 32 : i32
      %mul3A_76 = arith.muli %add3A_63, %mul3A_75 : i32
      %dma_start3A_77 = arith.constant 1 : i32
      %dma_start3A_78 = arith.constant 0 : i32
      %dma_start3A_79 = arith.constant 0 : i32
      %dma_start3A_80 = tpu.memref_slice %arg10[%dma_start3A_77, %dma_start3A_78, %dma_start3A_79] : memref<2x32x768xf32, #tpu.memory_space<vmem>> -> memref<1x32x768xf32, #tpu.memory_space<vmem>>
      %dma_start3A_81 = tpu.memref_squeeze %dma_start3A_80 : memref<1x32x768xf32, #tpu.memory_space<vmem>> -> memref<32x768xf32, #tpu.memory_space<vmem>>
      %dma_start3A_82 = tpu.memref_slice %arg8[%mul3A_76] : memref<256xi32, #tpu.memory_space<vmem>> -> memref<32xi32, #tpu.memory_space<vmem>>
      %dma_start3A_83 = arith.constant 0 : i32
      %dma_start3A_84 = arith.constant 0 : i32
      %dma_start3A_85 = tpu.memref_slice %arg5[%dma_start3A_83, %dma_start3A_84] : memref<2048x768xf32, #tpu.memory_space<hbm>> -> memref<2048x768xf32, #tpu.memory_space<hbm>>
      tpu.enqueue_indirect_dma source(%dma_start3A_85 : memref<2048x768xf32, #tpu.memory_space<hbm>>) target(%dma_start3A_81 : memref<32x768xf32, #tpu.memory_space<vmem>>) offsets(%dma_start3A_82 : memref<32xi32, #tpu.memory_space<vmem>>) semaphore(%arg15 : memref<!tpu.dma_semaphore, #tpu.memory_space<semaphore_mem>>)
      %dma_wait3A_86 = arith.constant 0 : i32
      %dma_wait3A_87 = arith.constant 0 : i32
      %dma_wait3A_88 = arith.constant 0 : i32
      %dma_wait3A_89 = tpu.memref_slice %arg9[%dma_wait3A_86, %dma_wait3A_87, %dma_wait3A_88] : memref<2x32x768xf32, #tpu.memory_space<vmem>> -> memref<1x32x768xf32, #tpu.memory_space<vmem>>
      %dma_wait3A_90 = tpu.memref_squeeze %dma_wait3A_89 : memref<1x32x768xf32, #tpu.memory_space<vmem>> -> memref<32x768xf32, #tpu.memory_space<vmem>>
      %dma_wait3A_91 = arith.constant 0 : i32
      %dma_wait3A_92 = arith.constant 0 : i32
      %dma_wait3A_93 = tpu.memref_slice %arg4[%dma_wait3A_91, %dma_wait3A_92] : memref<100000x768xf32, #tpu.memory_space<hbm>> -> memref<32x768xf32, #tpu.memory_space<hbm>>
      %dma_wait3A_94 = arith.constant 0 : i32
      %dma_wait3A_95 = arith.constant 0 : i32
      %dma_wait3A_96 = tpu.memref_slice %arg9[%dma_wait3A_86, %dma_wait3A_94, %dma_wait3A_95] : memref<2x32x768xf32, #tpu.memory_space<vmem>> -> memref<1x32x768xf32, #tpu.memory_space<vmem>>
      %dma_wait3A_97 = tpu.memref_squeeze %dma_wait3A_96 : memref<1x32x768xf32, #tpu.memory_space<vmem>> -> memref<32x768xf32, #tpu.memory_space<vmem>>
      %dma_wait3A_98 = arith.constant 0 : i32
      %dma_wait3A_99 = arith.constant 0 : i32
      %dma_wait3A_100 = tpu.memref_slice %arg4[%dma_wait3A_98, %dma_wait3A_99] : memref<100000x768xf32, #tpu.memory_space<hbm>> -> memref<32x768xf32, #tpu.memory_space<hbm>>
      tpu.wait_dma2 semaphore(%arg12 : memref<!tpu.dma_semaphore, #tpu.memory_space<semaphore_mem>>) src(%dma_wait3A_100 : memref<32x768xf32, #tpu.memory_space<hbm>>) dst(%dma_wait3A_97 : memref<32x768xf32, #tpu.memory_space<vmem>>)
      %dma_wait3A_101 = arith.constant 0 : i32
      %dma_wait3A_102 = arith.constant 0 : i32
      %dma_wait3A_103 = arith.constant 0 : i32
      %dma_wait3A_104 = tpu.memref_slice %arg10[%dma_wait3A_101, %dma_wait3A_102, %dma_wait3A_103] : memref<2x32x768xf32, #tpu.memory_space<vmem>> -> memref<1x32x768xf32, #tpu.memory_space<vmem>>
      %dma_wait3A_105 = tpu.memref_squeeze %dma_wait3A_104 : memref<1x32x768xf32, #tpu.memory_space<vmem>> -> memref<32x768xf32, #tpu.memory_space<vmem>>
      %dma_wait3A_106 = arith.constant 0 : i32
      %dma_wait3A_107 = arith.constant 0 : i32
      %dma_wait3A_108 = tpu.memref_slice %arg5[%dma_wait3A_106, %dma_wait3A_107] : memref<2048x768xf32, #tpu.memory_space<hbm>> -> memref<32x768xf32, #tpu.memory_space<hbm>>
      %dma_wait3A_109 = arith.constant 0 : i32
      %dma_wait3A_110 = arith.constant 0 : i32
      %dma_wait3A_111 = tpu.memref_slice %arg10[%dma_wait3A_101, %dma_wait3A_109, %dma_wait3A_110] : memref<2x32x768xf32, #tpu.memory_space<vmem>> -> memref<1x32x768xf32, #tpu.memory_space<vmem>>
      %dma_wait3A_112 = tpu.memref_squeeze %dma_wait3A_111 : memref<1x32x768xf32, #tpu.memory_space<vmem>> -> memref<32x768xf32, #tpu.memory_space<vmem>>
      %dma_wait3A_113 = arith.constant 0 : i32
      %dma_wait3A_114 = arith.constant 0 : i32
      %dma_wait3A_115 = tpu.memref_slice %arg5[%dma_wait3A_113, %dma_wait3A_114] : memref<2048x768xf32, #tpu.memory_space<hbm>> -> memref<32x768xf32, #tpu.memory_space<hbm>>
      tpu.wait_dma2 semaphore(%arg14 : memref<!tpu.dma_semaphore, #tpu.memory_space<semaphore_mem>>) src(%dma_wait3A_115 : memref<32x768xf32, #tpu.memory_space<hbm>>) dst(%dma_wait3A_112 : memref<32x768xf32, #tpu.memory_space<vmem>>)
      %gt3A = arith.constant 0 : i32
      %gt3A_116 = arith.cmpi sgt, %scan3A_59, %gt3A : i32
      %convert_element_type3A = arith.extui %gt3A_116 : i1 to i32
      %cond3A = arith.constant 0 : i32
      %cond3A_117 = arith.cmpi ne, %convert_element_type3A, %cond3A : i32
      scf.if %cond3A_117 {
        %dma_wait3A_198 = arith.constant 0 : i32
        %dma_wait3A_199 = arith.constant 0 : i32
        %dma_wait3A_200 = arith.constant 0 : i32
        %dma_wait3A_201 = tpu.memref_slice %arg11[%dma_wait3A_198, %dma_wait3A_199, %dma_wait3A_200] : memref<2x32x384xi32, #tpu.memory_space<vmem>> -> memref<1x32x384xi32, #tpu.memory_space<vmem>>
        %dma_wait3A_202 = tpu.memref_squeeze %dma_wait3A_201 : memref<1x32x384xi32, #tpu.memory_space<vmem>> -> memref<32x384xi32, #tpu.memory_space<vmem>>
        %dma_wait3A_203 = arith.constant 0 : i32
        %dma_wait3A_204 = arith.constant 0 : i32
        %dma_wait3A_205 = tpu.memref_slice %arg6[%dma_wait3A_203, %dma_wait3A_204] : memref<8192x384xi32, #tpu.memory_space<hbm>> -> memref<32x384xi32, #tpu.memory_space<hbm>>
        %dma_wait3A_206 = arith.constant 0 : i32
        %dma_wait3A_207 = arith.constant 0 : i32
        %dma_wait3A_208 = tpu.memref_slice %arg6[%dma_wait3A_206, %dma_wait3A_207] : memref<8192x384xi32, #tpu.memory_space<hbm>> -> memref<32x384xi32, #tpu.memory_space<hbm>>
        %dma_wait3A_209 = arith.constant 0 : i32
        %dma_wait3A_210 = arith.constant 0 : i32
        %dma_wait3A_211 = tpu.memref_slice %arg11[%dma_wait3A_198, %dma_wait3A_209, %dma_wait3A_210] : memref<2x32x384xi32, #tpu.memory_space<vmem>> -> memref<1x32x384xi32, #tpu.memory_space<vmem>>
        %dma_wait3A_212 = tpu.memref_squeeze %dma_wait3A_211 : memref<1x32x384xi32, #tpu.memory_space<vmem>> -> memref<32x384xi32, #tpu.memory_space<vmem>>
        tpu.wait_dma2 semaphore(%arg16 : memref<!tpu.dma_semaphore, #tpu.memory_space<semaphore_mem>>) src(%dma_wait3A_212 : memref<32x384xi32, #tpu.memory_space<vmem>>) dst(%dma_wait3A_208 : memref<32x384xi32, #tpu.memory_space<hbm>>)
      } else {
      }
      %parallel_loop3A = arith.constant 0 : i32
      %parallel_loop3A_118 = arith.constant 32 : i32
      %parallel_loop3A_119 = arith.constant 1 : i32
      scf.for %parallel_loop3A_198 = %parallel_loop3A to %parallel_loop3A_118 step %parallel_loop3A_119  : i32 {
        %parallel_loop3A_199 = arith.constant 0 : i32
        %parallel_loop3A_200 = arith.index_cast %parallel_loop3A_199 : i32 to index
        %parallel_loop3A_201 = arith.index_cast %parallel_loop3A_198 : i32 to index
        %parallel_loop3A_202 = arith.constant 0 : index
        %parallel_loop3A_203 = tpu.vector_load %arg9[%parallel_loop3A_200, %parallel_loop3A_201, %parallel_loop3A_202] {strides = array<i32>} : memref<2x32x768xf32, #tpu.memory_space<vmem>>, vector<1x1x16xf32>,
        %parallel_loop3A_204 = vector.shape_cast %parallel_loop3A_203 : vector<1x1x16xf32> to vector<16xf32>
        %parallel_loop3A_205 = arith.constant 0 : i32
        %parallel_loop3A_206 = arith.index_cast %parallel_loop3A_205 : i32 to index
        %parallel_loop3A_207 = arith.index_cast %parallel_loop3A_198 : i32 to index
        %parallel_loop3A_208 = arith.constant 0 : index
        %parallel_loop3A_209 = tpu.vector_load %arg10[%parallel_loop3A_206, %parallel_loop3A_207, %parallel_loop3A_208] {strides = array<i32>} : memref<2x32x768xf32, #tpu.memory_space<vmem>>, vector<1x1x16xf32>,
        %parallel_loop3A_210 = vector.shape_cast %parallel_loop3A_209 : vector<1x1x16xf32> to vector<16xf32>
        %parallel_loop3A_211 = arith.addf %parallel_loop3A_204, %parallel_loop3A_210 : vector<16xf32>
        %parallel_loop3A_212 = arith.constant 0 : i32
        %parallel_loop3A_213 = arith.index_cast %parallel_loop3A_212 : i32 to index
        %parallel_loop3A_214 = arith.index_cast %parallel_loop3A_198 : i32 to index
        %parallel_loop3A_215 = arith.constant 384 : index
        %parallel_loop3A_216 = tpu.vector_load %arg9[%parallel_loop3A_213, %parallel_loop3A_214, %parallel_loop3A_215] {strides = array<i32>} : memref<2x32x768xf32, #tpu.memory_space<vmem>>, vector<1x1x16xf32>,
        %parallel_loop3A_217 = vector.shape_cast %parallel_loop3A_216 : vector<1x1x16xf32> to vector<16xf32>
        %parallel_loop3A_218 = arith.constant 0 : i32
        %parallel_loop3A_219 = arith.index_cast %parallel_loop3A_218 : i32 to index
        %parallel_loop3A_220 = arith.index_cast %parallel_loop3A_198 : i32 to index
        %parallel_loop3A_221 = arith.constant 384 : index
        %parallel_loop3A_222 = tpu.vector_load %arg10[%parallel_loop3A_219, %parallel_loop3A_220, %parallel_loop3A_221] {strides = array<i32>} : memref<2x32x768xf32, #tpu.memory_space<vmem>>, vector<1x1x16xf32>,
        %parallel_loop3A_223 = vector.shape_cast %parallel_loop3A_222 : vector<1x1x16xf32> to vector<16xf32>
        %parallel_loop3A_224 = arith.addf %parallel_loop3A_217, %parallel_loop3A_223 : vector<16xf32>
        %parallel_loop3A_225 = tpu.bitcast %parallel_loop3A_211 : vector<16xf32> -> vector<16xi32>
        %parallel_loop3A_226 = tpu.bitcast %parallel_loop3A_224 : vector<16xf32> -> vector<16xi32>
        %parallel_loop3A_227 = arith.shrui %parallel_loop3A_225, %broadcast_in_dim3A_5 : vector<16xi32>
        %parallel_loop3A_228 = arith.andi %parallel_loop3A_226, %broadcast_in_dim3A_3 : vector<16xi32>
        %parallel_loop3A_229 = arith.ori %parallel_loop3A_227, %parallel_loop3A_228 : vector<16xi32>
        %parallel_loop3A_230 = arith.constant 0 : i32
        %parallel_loop3A_231 = arith.index_cast %parallel_loop3A_230 : i32 to index
        %parallel_loop3A_232 = arith.index_cast %parallel_loop3A_198 : i32 to index
        %parallel_loop3A_233 = arith.constant 0 : index
        %parallel_loop3A_234 = tpu.vector_load %arg11[%parallel_loop3A_231, %parallel_loop3A_232, %parallel_loop3A_233] {strides = array<i32>} : memref<2x32x384xi32, #tpu.memory_space<vmem>>, vector<1x1x16xi32>,
        %parallel_loop3A_235 = vector.shape_cast %parallel_loop3A_234 : vector<1x1x16xi32> to vector<16xi32>
        %parallel_loop3A_236 = vector.shape_cast %parallel_loop3A_229 : vector<16xi32> to vector<1x1x16xi32>
        tpu.vector_store %arg11[%parallel_loop3A_231, %parallel_loop3A_232, %parallel_loop3A_233], %parallel_loop3A_236 {strides = array<i32>} : memref<2x32x384xi32, #tpu.memory_space<vmem>>, vector<1x1x16xi32>,
        %parallel_loop3A_237 = arith.constant 0 : i32
        %parallel_loop3A_238 = arith.index_cast %parallel_loop3A_237 : i32 to index
        %parallel_loop3A_239 = arith.index_cast %parallel_loop3A_198 : i32 to index
        %parallel_loop3A_240 = arith.constant 16 : index
        %parallel_loop3A_241 = tpu.vector_load %arg9[%parallel_loop3A_238, %parallel_loop3A_239, %parallel_loop3A_240] {strides = array<i32>} : memref<2x32x768xf32, #tpu.memory_space<vmem>>, vector<1x1x16xf32>,
        %parallel_loop3A_242 = vector.shape_cast %parallel_loop3A_241 : vector<1x1x16xf32> to vector<16xf32>
        %parallel_loop3A_243 = arith.constant 0 : i32
        %parallel_loop3A_244 = arith.index_cast %parallel_loop3A_243 : i32 to index
        %parallel_loop3A_245 = arith.index_cast %parallel_loop3A_198 : i32 to index
        %parallel_loop3A_246 = arith.constant 16 : index
        %parallel_loop3A_247 = tpu.vector_load %arg10[%parallel_loop3A_244, %parallel_loop3A_245, %parallel_loop3A_246] {strides = array<i32>} : memref<2x32x768xf32, #tpu.memory_space<vmem>>, vector<1x1x16xf32>,
        %parallel_loop3A_248 = vector.shape_cast %parallel_loop3A_247 : vector<1x1x16xf32> to vector<16xf32>
        %parallel_loop3A_249 = arith.addf %parallel_loop3A_242, %parallel_loop3A_248 : vector<16xf32>
        %parallel_loop3A_250 = arith.constant 0 : i32
        %parallel_loop3A_251 = arith.index_cast %parallel_loop3A_250 : i32 to index
        %parallel_loop3A_252 = arith.index_cast %parallel_loop3A_198 : i32 to index
        %parallel_loop3A_253 = arith.constant 400 : index
        %parallel_loop3A_254 = tpu.vector_load %arg9[%parallel_loop3A_251, %parallel_loop3A_252, %parallel_loop3A_253] {strides = array<i32>} : memref<2x32x768xf32, #tpu.memory_space<vmem>>, vector<1x1x16xf32>,
        %parallel_loop3A_255 = vector.shape_cast %parallel_loop3A_254 : vector<1x1x16xf32> to vector<16xf32>
        %parallel_loop3A_256 = arith.constant 0 : i32
        %parallel_loop3A_257 = arith.index_cast %parallel_loop3A_256 : i32 to index
        %parallel_loop3A_258 = arith.index_cast %parallel_loop3A_198 : i32 to index
        %parallel_loop3A_259 = arith.constant 400 : index
        %parallel_loop3A_260 = tpu.vector_load %arg10[%parallel_loop3A_257, %parallel_loop3A_258, %parallel_loop3A_259] {strides = array<i32>} : memref<2x32x768xf32, #tpu.memory_space<vmem>>, vector<1x1x16xf32>,
        %parallel_loop3A_261 = vector.shape_cast %parallel_loop3A_260 : vector<1x1x16xf32> to vector<16xf32>
        %parallel_loop3A_262 = arith.addf %parallel_loop3A_255, %parallel_loop3A_261 : vector<16xf32>
        %parallel_loop3A_263 = tpu.bitcast %parallel_loop3A_249 : vector<16xf32> -> vector<16xi32>
        %parallel_loop3A_264 = tpu.bitcast %parallel_loop3A_262 : vector<16xf32> -> vector<16xi32>
        %parallel_loop3A_265 = arith.shrui %parallel_loop3A_263, %broadcast_in_dim3A_5 : vector<16xi32>
        %parallel_loop3A_266 = arith.andi %parallel_loop3A_264, %broadcast_in_dim3A_3 : vector<16xi32>
        %parallel_loop3A_267 = arith.ori %parallel_loop3A_265, %parallel_loop3A_266 : vector<16xi32>
        %parallel_loop3A_268 = arith.constant 0 : i32
        %parallel_loop3A_269 = arith.index_cast %parallel_loop3A_268 : i32 to index
        %parallel_loop3A_270 = arith.index_cast %parallel_loop3A_198 : i32 to index
        %parallel_loop3A_271 = arith.constant 16 : index
        %parallel_loop3A_272 = tpu.vector_load %arg11[%parallel_loop3A_269, %parallel_loop3A_270, %parallel_loop3A_271] {strides = array<i32>} : memref<2x32x384xi32, #tpu.memory_space<vmem>>, vector<1x1x16xi32>,
        %parallel_loop3A_273 = vector.shape_cast %parallel_loop3A_272 : vector<1x1x16xi32> to vector<16xi32>
        %parallel_loop3A_274 = vector.shape_cast %parallel_loop3A_267 : vector<16xi32> to vector<1x1x16xi32>
        tpu.vector_store %arg11[%parallel_loop3A_269, %parallel_loop3A_270, %parallel_loop3A_271], %parallel_loop3A_274 {strides = array<i32>} : memref<2x32x384xi32, #tpu.memory_space<vmem>>, vector<1x1x16xi32>,
        %parallel_loop3A_275 = arith.constant 0 : i32
        %parallel_loop3A_276 = arith.index_cast %parallel_loop3A_275 : i32 to index
        %parallel_loop3A_277 = arith.index_cast %parallel_loop3A_198 : i32 to index
        %parallel_loop3A_278 = arith.constant 32 : index
        %parallel_loop3A_279 = tpu.vector_load %arg9[%parallel_loop3A_276, %parallel_loop3A_277, %parallel_loop3A_278] {strides = array<i32>} : memref<2x32x768xf32, #tpu.memory_space<vmem>>, vector<1x1x16xf32>,
        %parallel_loop3A_280 = vector.shape_cast %parallel_loop3A_279 : vector<1x1x16xf32> to vector<16xf32>
        %parallel_loop3A_281 = arith.constant 0 : i32
        %parallel_loop3A_282 = arith.index_cast %parallel_loop3A_281 : i32 to index
        %parallel_loop3A_283 = arith.index_cast %parallel_loop3A_198 : i32 to index
        %parallel_loop3A_284 = arith.constant 32 : index
        %parallel_loop3A_285 = tpu.vector_load %arg10[%parallel_loop3A_282, %parallel_loop3A_283, %parallel_loop3A_284] {strides = array<i32>} : memref<2x32x768xf32, #tpu.memory_space<vmem>>, vector<1x1x16xf32>,
        %parallel_loop3A_286 = vector.shape_cast %parallel_loop3A_285 : vector<1x1x16xf32> to vector<16xf32>
        %parallel_loop3A_287 = arith.addf %parallel_loop3A_280, %parallel_loop3A_286 : vector<16xf32>
        %parallel_loop3A_288 = arith.constant 0 : i32
        %parallel_loop3A_289 = arith.index_cast %parallel_loop3A_288 : i32 to index
        %parallel_loop3A_290 = arith.index_cast %parallel_loop3A_198 : i32 to index
        %parallel_loop3A_291 = arith.constant 416 : index
        %parallel_loop3A_292 = tpu.vector_load %arg9[%parallel_loop3A_289, %parallel_loop3A_290, %parallel_loop3A_291] {strides = array<i32>} : memref<2x32x768xf32, #tpu.memory_space<vmem>>, vector<1x1x16xf32>,
        %parallel_loop3A_293 = vector.shape_cast %parallel_loop3A_292 : vector<1x1x16xf32> to vector<16xf32>
        %parallel_loop3A_294 = arith.constant 0 : i32
        %parallel_loop3A_295 = arith.index_cast %parallel_loop3A_294 : i32 to index
        %parallel_loop3A_296 = arith.index_cast %parallel_loop3A_198 : i32 to index
        %parallel_loop3A_297 = arith.constant 416 : index
        %parallel_loop3A_298 = tpu.vector_load %arg10[%parallel_loop3A_295, %parallel_loop3A_296, %parallel_loop3A_297] {strides = array<i32>} : memref<2x32x768xf32, #tpu.memory_space<vmem>>, vector<1x1x16xf32>,
        %parallel_loop3A_299 = vector.shape_cast %parallel_loop3A_298 : vector<1x1x16xf32> to vector<16xf32>
        %parallel_loop3A_300 = arith.addf %parallel_loop3A_293, %parallel_loop3A_299 : vector<16xf32>
        %parallel_loop3A_301 = tpu.bitcast %parallel_loop3A_287 : vector<16xf32> -> vector<16xi32>
        %parallel_loop3A_302 = tpu.bitcast %parallel_loop3A_300 : vector<16xf32> -> vector<16xi32>
        %parallel_loop3A_303 = arith.shrui %parallel_loop3A_301, %broadcast_in_dim3A_5 : vector<16xi32>
        %parallel_loop3A_304 = arith.andi %parallel_loop3A_302, %broadcast_in_dim3A_3 : vector<16xi32>
        %parallel_loop3A_305 = arith.ori %parallel_loop3A_303, %parallel_loop3A_304 : vector<16xi32>
        %parallel_loop3A_306 = arith.constant 0 : i32
        %parallel_loop3A_307 = arith.index_cast %parallel_loop3A_306 : i32 to index
        %parallel_loop3A_308 = arith.index_cast %parallel_loop3A_198 : i32 to index
        %parallel_loop3A_309 = arith.constant 32 : index
        %parallel_loop3A_310 = tpu.vector_load %arg11[%parallel_loop3A_307, %parallel_loop3A_308, %parallel_loop3A_309] {strides = array<i32>} : memref<2x32x384xi32, #tpu.memory_space<vmem>>, vector<1x1x16xi32>,
        %parallel_loop3A_311 = vector.shape_cast %parallel_loop3A_310 : vector<1x1x16xi32> to vector<16xi32>
        %parallel_loop3A_312 = vector.shape_cast %parallel_loop3A_305 : vector<16xi32> to vector<1x1x16xi32>
        tpu.vector_store %arg11[%parallel_loop3A_307, %parallel_loop3A_308, %parallel_loop3A_309], %parallel_loop3A_312 {strides = array<i32>} : memref<2x32x384xi32, #tpu.memory_space<vmem>>, vector<1x1x16xi32>,
        %parallel_loop3A_313 = arith.constant 0 : i32
        %parallel_loop3A_314 = arith.index_cast %parallel_loop3A_313 : i32 to index
        %parallel_loop3A_315 = arith.index_cast %parallel_loop3A_198 : i32 to index
        %parallel_loop3A_316 = arith.constant 48 : index
        %parallel_loop3A_317 = tpu.vector_load %arg9[%parallel_loop3A_314, %parallel_loop3A_315, %parallel_loop3A_316] {strides = array<i32>} : memref<2x32x768xf32, #tpu.memory_space<vmem>>, vector<1x1x16xf32>,
        %parallel_loop3A_318 = vector.shape_cast %parallel_loop3A_317 : vector<1x1x16xf32> to vector<16xf32>
        %parallel_loop3A_319 = arith.constant 0 : i32
        %parallel_loop3A_320 = arith.index_cast %parallel_loop3A_319 : i32 to index
        %parallel_loop3A_321 = arith.index_cast %parallel_loop3A_198 : i32 to index
        %parallel_loop3A_322 = arith.constant 48 : index
        %parallel_loop3A_323 = tpu.vector_load %arg10[%parallel_loop3A_320, %parallel_loop3A_321, %parallel_loop3A_322] {strides = array<i32>} : memref<2x32x768xf32, #tpu.memory_space<vmem>>, vector<1x1x16xf32>,
        %parallel_loop3A_324 = vector.shape_cast %parallel_loop3A_323 : vector<1x1x16xf32> to vector<16xf32>
        %parallel_loop3A_325 = arith.addf %parallel_loop3A_318, %parallel_loop3A_324 : vector<16xf32>
        %parallel_loop3A_326 = arith.constant 0 : i32
        %parallel_loop3A_327 = arith.index_cast %parallel_loop3A_326 : i32 to index
        %parallel_loop3A_328 = arith.index_cast %parallel_loop3A_198 : i32 to index
        %parallel_loop3A_329 = arith.constant 432 : index
        %parallel_loop3A_330 = tpu.vector_load %arg9[%parallel_loop3A_327, %parallel_loop3A_328, %parallel_loop3A_329] {strides = array<i32>} : memref<2x32x768xf32, #tpu.memory_space<vmem>>, vector<1x1x16xf32>,
        %parallel_loop3A_331 = vector.shape_cast %parallel_loop3A_330 : vector<1x1x16xf32> to vector<16xf32>
        %parallel_loop3A_332 = arith.constant 0 : i32
        %parallel_loop3A_333 = arith.index_cast %parallel_loop3A_332 : i32 to index
        %parallel_loop3A_334 = arith.index_cast %parallel_loop3A_198 : i32 to index
        %parallel_loop3A_335 = arith.constant 432 : index
        %parallel_loop3A_336 = tpu.vector_load %arg10[%parallel_loop3A_333, %parallel_loop3A_334, %parallel_loop3A_335] {strides = array<i32>} : memref<2x32x768xf32, #tpu.memory_space<vmem>>, vector<1x1x16xf32>,
        %parallel_loop3A_337 = vector.shape_cast %parallel_loop3A_336 : vector<1x1x16xf32> to vector<16xf32>
        %parallel_loop3A_338 = arith.addf %parallel_loop3A_331, %parallel_loop3A_337 : vector<16xf32>
        %parallel_loop3A_339 = tpu.bitcast %parallel_loop3A_325 : vector<16xf32> -> vector<16xi32>
        %parallel_loop3A_340 = tpu.bitcast %parallel_loop3A_338 : vector<16xf32> -> vector<16xi32>
        %parallel_loop3A_341 = arith.shrui %parallel_loop3A_339, %broadcast_in_dim3A_5 : vector<16xi32>
        %parallel_loop3A_342 = arith.andi %parallel_loop3A_340, %broadcast_in_dim3A_3 : vector<16xi32>
        %parallel_loop3A_343 = arith.ori %parallel_loop3A_341, %parallel_loop3A_342 : vector<16xi32>
        %parallel_loop3A_344 = arith.constant 0 : i32
        %parallel_loop3A_345 = arith.index_cast %parallel_loop3A_344 : i32 to index
        %parallel_loop3A_346 = arith.index_cast %parallel_loop3A_198 : i32 to index
        %parallel_loop3A_347 = arith.constant 48 : index
        %parallel_loop3A_348 = tpu.vector_load %arg11[%parallel_loop3A_345, %parallel_loop3A_346, %parallel_loop3A_347] {strides = array<i32>} : memref<2x32x384xi32, #tpu.memory_space<vmem>>, vector<1x1x16xi32>,
        %parallel_loop3A_349 = vector.shape_cast %parallel_loop3A_348 : vector<1x1x16xi32> to vector<16xi32>
        %parallel_loop3A_350 = vector.shape_cast %parallel_loop3A_343 : vector<16xi32> to vector<1x1x16xi32>
        tpu.vector_store %arg11[%parallel_loop3A_345, %parallel_loop3A_346, %parallel_loop3A_347], %parallel_loop3A_350 {strides = array<i32>} : memref<2x32x384xi32, #tpu.memory_space<vmem>>, vector<1x1x16xi32>,
        %parallel_loop3A_351 = arith.constant 0 : i32
        %parallel_loop3A_352 = arith.index_cast %parallel_loop3A_351 : i32 to index
        %parallel_loop3A_353 = arith.index_cast %parallel_loop3A_198 : i32 to index
        %parallel_loop3A_354 = arith.constant 64 : index
        %parallel_loop3A_355 = tpu.vector_load %arg9[%parallel_loop3A_352, %parallel_loop3A_353, %parallel_loop3A_354] {strides = array<i32>} : memref<2x32x768xf32, #tpu.memory_space<vmem>>, vector<1x1x16xf32>,
        %parallel_loop3A_356 = vector.shape_cast %parallel_loop3A_355 : vector<1x1x16xf32> to vector<16xf32>
        %parallel_loop3A_357 = arith.constant 0 : i32
        %parallel_loop3A_358 = arith.index_cast %parallel_loop3A_357 : i32 to index
        %parallel_loop3A_359 = arith.index_cast %parallel_loop3A_198 : i32 to index
        %parallel_loop3A_360 = arith.constant 64 : index
        %parallel_loop3A_361 = tpu.vector_load %arg10[%parallel_loop3A_358, %parallel_loop3A_359, %parallel_loop3A_360] {strides = array<i32>} : memref<2x32x768xf32, #tpu.memory_space<vmem>>, vector<1x1x16xf32>,
        %parallel_loop3A_362 = vector.shape_cast %parallel_loop3A_361 : vector<1x1x16xf32> to vector<16xf32>
        %parallel_loop3A_363 = arith.addf %parallel_loop3A_356, %parallel_loop3A_362 : vector<16xf32>
        %parallel_loop3A_364 = arith.constant 0 : i32
        %parallel_loop3A_365 = arith.index_cast %parallel_loop3A_364 : i32 to index
        %parallel_loop3A_366 = arith.index_cast %parallel_loop3A_198 : i32 to index
        %parallel_loop3A_367 = arith.constant 448 : index
        %parallel_loop3A_368 = tpu.vector_load %arg9[%parallel_loop3A_365, %parallel_loop3A_366, %parallel_loop3A_367] {strides = array<i32>} : memref<2x32x768xf32, #tpu.memory_space<vmem>>, vector<1x1x16xf32>,
        %parallel_loop3A_369 = vector.shape_cast %parallel_loop3A_368 : vector<1x1x16xf32> to vector<16xf32>
        %parallel_loop3A_370 = arith.constant 0 : i32
        %parallel_loop3A_371 = arith.index_cast %parallel_loop3A_370 : i32 to index
        %parallel_loop3A_372 = arith.index_cast %parallel_loop3A_198 : i32 to index
        %parallel_loop3A_373 = arith.constant 448 : index
        %parallel_loop3A_374 = tpu.vector_load %arg10[%parallel_loop3A_371, %parallel_loop3A_372, %parallel_loop3A_373] {strides = array<i32>} : memref<2x32x768xf32, #tpu.memory_space<vmem>>, vector<1x1x16xf32>,
        %parallel_loop3A_375 = vector.shape_cast %parallel_loop3A_374 : vector<1x1x16xf32> to vector<16xf32>
        %parallel_loop3A_376 = arith.addf %parallel_loop3A_369, %parallel_loop3A_375 : vector<16xf32>
        %parallel_loop3A_377 = tpu.bitcast %parallel_loop3A_363 : vector<16xf32> -> vector<16xi32>
        %parallel_loop3A_378 = tpu.bitcast %parallel_loop3A_376 : vector<16xf32> -> vector<16xi32>
        %parallel_loop3A_379 = arith.shrui %parallel_loop3A_377, %broadcast_in_dim3A_5 : vector<16xi32>
        %parallel_loop3A_380 = arith.andi %parallel_loop3A_378, %broadcast_in_dim3A_3 : vector<16xi32>
        %parallel_loop3A_381 = arith.ori %parallel_loop3A_379, %parallel_loop3A_380 : vector<16xi32>
        %parallel_loop3A_382 = arith.constant 0 : i32
        %parallel_loop3A_383 = arith.index_cast %parallel_loop3A_382 : i32 to index
        %parallel_loop3A_384 = arith.index_cast %parallel_loop3A_198 : i32 to index
        %parallel_loop3A_385 = arith.constant 64 : index
        %parallel_loop3A_386 = tpu.vector_load %arg11[%parallel_loop3A_383, %parallel_loop3A_384, %parallel_loop3A_385] {strides = array<i32>} : memref<2x32x384xi32, #tpu.memory_space<vmem>>, vector<1x1x16xi32>,
        %parallel_loop3A_387 = vector.shape_cast %parallel_loop3A_386 : vector<1x1x16xi32> to vector<16xi32>
        %parallel_loop3A_388 = vector.shape_cast %parallel_loop3A_381 : vector<16xi32> to vector<1x1x16xi32>
        tpu.vector_store %arg11[%parallel_loop3A_383, %parallel_loop3A_384, %parallel_loop3A_385], %parallel_loop3A_388 {strides = array<i32>} : memref<2x32x384xi32, #tpu.memory_space<vmem>>, vector<1x1x16xi32>,
        %parallel_loop3A_389 = arith.constant 0 : i32
        %parallel_loop3A_390 = arith.index_cast %parallel_loop3A_389 : i32 to index
        %parallel_loop3A_391 = arith.index_cast %parallel_loop3A_198 : i32 to index
        %parallel_loop3A_392 = arith.constant 80 : index
        %parallel_loop3A_393 = tpu.vector_load %arg9[%parallel_loop3A_390, %parallel_loop3A_391, %parallel_loop3A_392] {strides = array<i32>} : memref<2x32x768xf32, #tpu.memory_space<vmem>>, vector<1x1x16xf32>,
        %parallel_loop3A_394 = vector.shape_cast %parallel_loop3A_393 : vector<1x1x16xf32> to vector<16xf32>
        %parallel_loop3A_395 = arith.constant 0 : i32
        %parallel_loop3A_396 = arith.index_cast %parallel_loop3A_395 : i32 to index
        %parallel_loop3A_397 = arith.index_cast %parallel_loop3A_198 : i32 to index
        %parallel_loop3A_398 = arith.constant 80 : index
        %parallel_loop3A_399 = tpu.vector_load %arg10[%parallel_loop3A_396, %parallel_loop3A_397, %parallel_loop3A_398] {strides = array<i32>} : memref<2x32x768xf32, #tpu.memory_space<vmem>>, vector<1x1x16xf32>,
        %parallel_loop3A_400 = vector.shape_cast %parallel_loop3A_399 : vector<1x1x16xf32> to vector<16xf32>
        %parallel_loop3A_401 = arith.addf %parallel_loop3A_394, %parallel_loop3A_400 : vector<16xf32>
        %parallel_loop3A_402 = arith.constant 0 : i32
        %parallel_loop3A_403 = arith.index_cast %parallel_loop3A_402 : i32 to index
        %parallel_loop3A_404 = arith.index_cast %parallel_loop3A_198 : i32 to index
        %parallel_loop3A_405 = arith.constant 464 : index
        %parallel_loop3A_406 = tpu.vector_load %arg9[%parallel_loop3A_403, %parallel_loop3A_404, %parallel_loop3A_405] {strides = array<i32>} : memref<2x32x768xf32, #tpu.memory_space<vmem>>, vector<1x1x16xf32>,
        %parallel_loop3A_407 = vector.shape_cast %parallel_loop3A_406 : vector<1x1x16xf32> to vector<16xf32>
        %parallel_loop3A_408 = arith.constant 0 : i32
        %parallel_loop3A_409 = arith.index_cast %parallel_loop3A_408 : i32 to index
        %parallel_loop3A_410 = arith.index_cast %parallel_loop3A_198 : i32 to index
        %parallel_loop3A_411 = arith.constant 464 : index
        %parallel_loop3A_412 = tpu.vector_load %arg10[%parallel_loop3A_409, %parallel_loop3A_410, %parallel_loop3A_411] {strides = array<i32>} : memref<2x32x768xf32, #tpu.memory_space<vmem>>, vector<1x1x16xf32>,
        %parallel_loop3A_413 = vector.shape_cast %parallel_loop3A_412 : vector<1x1x16xf32> to vector<16xf32>
        %parallel_loop3A_414 = arith.addf %parallel_loop3A_407, %parallel_loop3A_413 : vector<16xf32>
        %parallel_loop3A_415 = tpu.bitcast %parallel_loop3A_401 : vector<16xf32> -> vector<16xi32>
        %parallel_loop3A_416 = tpu.bitcast %parallel_loop3A_414 : vector<16xf32> -> vector<16xi32>
        %parallel_loop3A_417 = arith.shrui %parallel_loop3A_415, %broadcast_in_dim3A_5 : vector<16xi32>
        %parallel_loop3A_418 = arith.andi %parallel_loop3A_416, %broadcast_in_dim3A_3 : vector<16xi32>
        %parallel_loop3A_419 = arith.ori %parallel_loop3A_417, %parallel_loop3A_418 : vector<16xi32>
        %parallel_loop3A_420 = arith.constant 0 : i32
        %parallel_loop3A_421 = arith.index_cast %parallel_loop3A_420 : i32 to index
        %parallel_loop3A_422 = arith.index_cast %parallel_loop3A_198 : i32 to index
        %parallel_loop3A_423 = arith.constant 80 : index
        %parallel_loop3A_424 = tpu.vector_load %arg11[%parallel_loop3A_421, %parallel_loop3A_422, %parallel_loop3A_423] {strides = array<i32>} : memref<2x32x384xi32, #tpu.memory_space<vmem>>, vector<1x1x16xi32>,
        %parallel_loop3A_425 = vector.shape_cast %parallel_loop3A_424 : vector<1x1x16xi32> to vector<16xi32>
        %parallel_loop3A_426 = vector.shape_cast %parallel_loop3A_419 : vector<16xi32> to vector<1x1x16xi32>
        tpu.vector_store %arg11[%parallel_loop3A_421, %parallel_loop3A_422, %parallel_loop3A_423], %parallel_loop3A_426 {strides = array<i32>} : memref<2x32x384xi32, #tpu.memory_space<vmem>>, vector<1x1x16xi32>,
        %parallel_loop3A_427 = arith.constant 0 : i32
        %parallel_loop3A_428 = arith.index_cast %parallel_loop3A_427 : i32 to index
        %parallel_loop3A_429 = arith.index_cast %parallel_loop3A_198 : i32 to index
        %parallel_loop3A_430 = arith.constant 96 : index
        %parallel_loop3A_431 = tpu.vector_load %arg9[%parallel_loop3A_428, %parallel_loop3A_429, %parallel_loop3A_430] {strides = array<i32>} : memref<2x32x768xf32, #tpu.memory_space<vmem>>, vector<1x1x16xf32>,
        %parallel_loop3A_432 = vector.shape_cast %parallel_loop3A_431 : vector<1x1x16xf32> to vector<16xf32>
        %parallel_loop3A_433 = arith.constant 0 : i32
        %parallel_loop3A_434 = arith.index_cast %parallel_loop3A_433 : i32 to index
        %parallel_loop3A_435 = arith.index_cast %parallel_loop3A_198 : i32 to index
        %parallel_loop3A_436 = arith.constant 96 : index
        %parallel_loop3A_437 = tpu.vector_load %arg10[%parallel_loop3A_434, %parallel_loop3A_435, %parallel_loop3A_436] {strides = array<i32>} : memref<2x32x768xf32, #tpu.memory_space<vmem>>, vector<1x1x16xf32>,
        %parallel_loop3A_438 = vector.shape_cast %parallel_loop3A_437 : vector<1x1x16xf32> to vector<16xf32>
        %parallel_loop3A_439 = arith.addf %parallel_loop3A_432, %parallel_loop3A_438 : vector<16xf32>
        %parallel_loop3A_440 = arith.constant 0 : i32
        %parallel_loop3A_441 = arith.index_cast %parallel_loop3A_440 : i32 to index
        %parallel_loop3A_442 = arith.index_cast %parallel_loop3A_198 : i32 to index
        %parallel_loop3A_443 = arith.constant 480 : index
        %parallel_loop3A_444 = tpu.vector_load %arg9[%parallel_loop3A_441, %parallel_loop3A_442, %parallel_loop3A_443] {strides = array<i32>} : memref<2x32x768xf32, #tpu.memory_space<vmem>>, vector<1x1x16xf32>,
        %parallel_loop3A_445 = vector.shape_cast %parallel_loop3A_444 : vector<1x1x16xf32> to vector<16xf32>
        %parallel_loop3A_446 = arith.constant 0 : i32
        %parallel_loop3A_447 = arith.index_cast %parallel_loop3A_446 : i32 to index
        %parallel_loop3A_448 = arith.index_cast %parallel_loop3A_198 : i32 to index
        %parallel_loop3A_449 = arith.constant 480 : index
        %parallel_loop3A_450 = tpu.vector_load %arg10[%parallel_loop3A_447, %parallel_loop3A_448, %parallel_loop3A_449] {strides = array<i32>} : memref<2x32x768xf32, #tpu.memory_space<vmem>>, vector<1x1x16xf32>,
        %parallel_loop3A_451 = vector.shape_cast %parallel_loop3A_450 : vector<1x1x16xf32> to vector<16xf32>
        %parallel_loop3A_452 = arith.addf %parallel_loop3A_445, %parallel_loop3A_451 : vector<16xf32>
        %parallel_loop3A_453 = tpu.bitcast %parallel_loop3A_439 : vector<16xf32> -> vector<16xi32>
        %parallel_loop3A_454 = tpu.bitcast %parallel_loop3A_452 : vector<16xf32> -> vector<16xi32>
        %parallel_loop3A_455 = arith.shrui %parallel_loop3A_453, %broadcast_in_dim3A_5 : vector<16xi32>
        %parallel_loop3A_456 = arith.andi %parallel_loop3A_454, %broadcast_in_dim3A_3 : vector<16xi32>
        %parallel_loop3A_457 = arith.ori %parallel_loop3A_455, %parallel_loop3A_456 : vector<16xi32>
        %parallel_loop3A_458 = arith.constant 0 : i32
        %parallel_loop3A_459 = arith.index_cast %parallel_loop3A_458 : i32 to index
        %parallel_loop3A_460 = arith.index_cast %parallel_loop3A_198 : i32 to index
        %parallel_loop3A_461 = arith.constant 96 : index
        %parallel_loop3A_462 = tpu.vector_load %arg11[%parallel_loop3A_459, %parallel_loop3A_460, %parallel_loop3A_461] {strides = array<i32>} : memref<2x32x384xi32, #tpu.memory_space<vmem>>, vector<1x1x16xi32>,
        %parallel_loop3A_463 = vector.shape_cast %parallel_loop3A_462 : vector<1x1x16xi32> to vector<16xi32>
        %parallel_loop3A_464 = vector.shape_cast %parallel_loop3A_457 : vector<16xi32> to vector<1x1x16xi32>
        tpu.vector_store %arg11[%parallel_loop3A_459, %parallel_loop3A_460, %parallel_loop3A_461], %parallel_loop3A_464 {strides = array<i32>} : memref<2x32x384xi32, #tpu.memory_space<vmem>>, vector<1x1x16xi32>,
        %parallel_loop3A_465 = arith.constant 0 : i32
        %parallel_loop3A_466 = arith.index_cast %parallel_loop3A_465 : i32 to index
        %parallel_loop3A_467 = arith.index_cast %parallel_loop3A_198 : i32 to index
        %parallel_loop3A_468 = arith.constant 112 : index
        %parallel_loop3A_469 = tpu.vector_load %arg9[%parallel_loop3A_466, %parallel_loop3A_467, %parallel_loop3A_468] {strides = array<i32>} : memref<2x32x768xf32, #tpu.memory_space<vmem>>, vector<1x1x16xf32>,
        %parallel_loop3A_470 = vector.shape_cast %parallel_loop3A_469 : vector<1x1x16xf32> to vector<16xf32>
        %parallel_loop3A_471 = arith.constant 0 : i32
        %parallel_loop3A_472 = arith.index_cast %parallel_loop3A_471 : i32 to index
        %parallel_loop3A_473 = arith.index_cast %parallel_loop3A_198 : i32 to index
        %parallel_loop3A_474 = arith.constant 112 : index
        %parallel_loop3A_475 = tpu.vector_load %arg10[%parallel_loop3A_472, %parallel_loop3A_473, %parallel_loop3A_474] {strides = array<i32>} : memref<2x32x768xf32, #tpu.memory_space<vmem>>, vector<1x1x16xf32>,
        %parallel_loop3A_476 = vector.shape_cast %parallel_loop3A_475 : vector<1x1x16xf32> to vector<16xf32>
        %parallel_loop3A_477 = arith.addf %parallel_loop3A_470, %parallel_loop3A_476 : vector<16xf32>
        %parallel_loop3A_478 = arith.constant 0 : i32
        %parallel_loop3A_479 = arith.index_cast %parallel_loop3A_478 : i32 to index
        %parallel_loop3A_480 = arith.index_cast %parallel_loop3A_198 : i32 to index
        %parallel_loop3A_481 = arith.constant 496 : index
        %parallel_loop3A_482 = tpu.vector_load %arg9[%parallel_loop3A_479, %parallel_loop3A_480, %parallel_loop3A_481] {strides = array<i32>} : memref<2x32x768xf32, #tpu.memory_space<vmem>>, vector<1x1x16xf32>,
        %parallel_loop3A_483 = vector.shape_cast %parallel_loop3A_482 : vector<1x1x16xf32> to vector<16xf32>
        %parallel_loop3A_484 = arith.constant 0 : i32
        %parallel_loop3A_485 = arith.index_cast %parallel_loop3A_484 : i32 to index
        %parallel_loop3A_486 = arith.index_cast %parallel_loop3A_198 : i32 to index
        %parallel_loop3A_487 = arith.constant 496 : index
        %parallel_loop3A_488 = tpu.vector_load %arg10[%parallel_loop3A_485, %parallel_loop3A_486, %parallel_loop3A_487] {strides = array<i32>} : memref<2x32x768xf32, #tpu.memory_space<vmem>>, vector<1x1x16xf32>,
        %parallel_loop3A_489 = vector.shape_cast %parallel_loop3A_488 : vector<1x1x16xf32> to vector<16xf32>
        %parallel_loop3A_490 = arith.addf %parallel_loop3A_483, %parallel_loop3A_489 : vector<16xf32>
        %parallel_loop3A_491 = tpu.bitcast %parallel_loop3A_477 : vector<16xf32> -> vector<16xi32>
        %parallel_loop3A_492 = tpu.bitcast %parallel_loop3A_490 : vector<16xf32> -> vector<16xi32>
        %parallel_loop3A_493 = arith.shrui %parallel_loop3A_491, %broadcast_in_dim3A_5 : vector<16xi32>
        %parallel_loop3A_494 = arith.andi %parallel_loop3A_492, %broadcast_in_dim3A_3 : vector<16xi32>
        %parallel_loop3A_495 = arith.ori %parallel_loop3A_493, %parallel_loop3A_494 : vector<16xi32>
        %parallel_loop3A_496 = arith.constant 0 : i32
        %parallel_loop3A_497 = arith.index_cast %parallel_loop3A_496 : i32 to index
        %parallel_loop3A_498 = arith.index_cast %parallel_loop3A_198 : i32 to index
        %parallel_loop3A_499 = arith.constant 112 : index
        %parallel_loop3A_500 = tpu.vector_load %arg11[%parallel_loop3A_497, %parallel_loop3A_498, %parallel_loop3A_499] {strides = array<i32>} : memref<2x32x384xi32, #tpu.memory_space<vmem>>, vector<1x1x16xi32>,
        %parallel_loop3A_501 = vector.shape_cast %parallel_loop3A_500 : vector<1x1x16xi32> to vector<16xi32>
        %parallel_loop3A_502 = vector.shape_cast %parallel_loop3A_495 : vector<16xi32> to vector<1x1x16xi32>
        tpu.vector_store %arg11[%parallel_loop3A_497, %parallel_loop3A_498, %parallel_loop3A_499], %parallel_loop3A_502 {strides = array<i32>} : memref<2x32x384xi32, #tpu.memory_space<vmem>>, vector<1x1x16xi32>,
        %parallel_loop3A_503 = arith.constant 0 : i32
        %parallel_loop3A_504 = arith.index_cast %parallel_loop3A_503 : i32 to index
        %parallel_loop3A_505 = arith.index_cast %parallel_loop3A_198 : i32 to index
        %parallel_loop3A_506 = arith.constant 128 : index
        %parallel_loop3A_507 = tpu.vector_load %arg9[%parallel_loop3A_504, %parallel_loop3A_505, %parallel_loop3A_506] {strides = array<i32>} : memref<2x32x768xf32, #tpu.memory_space<vmem>>, vector<1x1x16xf32>,
        %parallel_loop3A_508 = vector.shape_cast %parallel_loop3A_507 : vector<1x1x16xf32> to vector<16xf32>
        %parallel_loop3A_509 = arith.constant 0 : i32
        %parallel_loop3A_510 = arith.index_cast %parallel_loop3A_509 : i32 to index
        %parallel_loop3A_511 = arith.index_cast %parallel_loop3A_198 : i32 to index
        %parallel_loop3A_512 = arith.constant 128 : index
        %parallel_loop3A_513 = tpu.vector_load %arg10[%parallel_loop3A_510, %parallel_loop3A_511, %parallel_loop3A_512] {strides = array<i32>} : memref<2x32x768xf32, #tpu.memory_space<vmem>>, vector<1x1x16xf32>,
        %parallel_loop3A_514 = vector.shape_cast %parallel_loop3A_513 : vector<1x1x16xf32> to vector<16xf32>
        %parallel_loop3A_515 = arith.addf %parallel_loop3A_508, %parallel_loop3A_514 : vector<16xf32>
        %parallel_loop3A_516 = arith.constant 0 : i32
        %parallel_loop3A_517 = arith.index_cast %parallel_loop3A_516 : i32 to index
        %parallel_loop3A_518 = arith.index_cast %parallel_loop3A_198 : i32 to index
        %parallel_loop3A_519 = arith.constant 512 : index
        %parallel_loop3A_520 = tpu.vector_load %arg9[%parallel_loop3A_517, %parallel_loop3A_518, %parallel_loop3A_519] {strides = array<i32>} : memref<2x32x768xf32, #tpu.memory_space<vmem>>, vector<1x1x16xf32>,
        %parallel_loop3A_521 = vector.shape_cast %parallel_loop3A_520 : vector<1x1x16xf32> to vector<16xf32>
        %parallel_loop3A_522 = arith.constant 0 : i32
        %parallel_loop3A_523 = arith.index_cast %parallel_loop3A_522 : i32 to index
        %parallel_loop3A_524 = arith.index_cast %parallel_loop3A_198 : i32 to index
        %parallel_loop3A_525 = arith.constant 512 : index
        %parallel_loop3A_526 = tpu.vector_load %arg10[%parallel_loop3A_523, %parallel_loop3A_524, %parallel_loop3A_525] {strides = array<i32>} : memref<2x32x768xf32, #tpu.memory_space<vmem>>, vector<1x1x16xf32>,
        %parallel_loop3A_527 = vector.shape_cast %parallel_loop3A_526 : vector<1x1x16xf32> to vector<16xf32>
        %parallel_loop3A_528 = arith.addf %parallel_loop3A_521, %parallel_loop3A_527 : vector<16xf32>
        %parallel_loop3A_529 = tpu.bitcast %parallel_loop3A_515 : vector<16xf32> -> vector<16xi32>
        %parallel_loop3A_530 = tpu.bitcast %parallel_loop3A_528 : vector<16xf32> -> vector<16xi32>
        %parallel_loop3A_531 = arith.shrui %parallel_loop3A_529, %broadcast_in_dim3A_5 : vector<16xi32>
        %parallel_loop3A_532 = arith.andi %parallel_loop3A_530, %broadcast_in_dim3A_3 : vector<16xi32>
        %parallel_loop3A_533 = arith.ori %parallel_loop3A_531, %parallel_loop3A_532 : vector<16xi32>
        %parallel_loop3A_534 = arith.constant 0 : i32
        %parallel_loop3A_535 = arith.index_cast %parallel_loop3A_534 : i32 to index
        %parallel_loop3A_536 = arith.index_cast %parallel_loop3A_198 : i32 to index
        %parallel_loop3A_537 = arith.constant 128 : index
        %parallel_loop3A_538 = tpu.vector_load %arg11[%parallel_loop3A_535, %parallel_loop3A_536, %parallel_loop3A_537] {strides = array<i32>} : memref<2x32x384xi32, #tpu.memory_space<vmem>>, vector<1x1x16xi32>,
        %parallel_loop3A_539 = vector.shape_cast %parallel_loop3A_538 : vector<1x1x16xi32> to vector<16xi32>
        %parallel_loop3A_540 = vector.shape_cast %parallel_loop3A_533 : vector<16xi32> to vector<1x1x16xi32>
        tpu.vector_store %arg11[%parallel_loop3A_535, %parallel_loop3A_536, %parallel_loop3A_537], %parallel_loop3A_540 {strides = array<i32>} : memref<2x32x384xi32, #tpu.memory_space<vmem>>, vector<1x1x16xi32>,
        %parallel_loop3A_541 = arith.constant 0 : i32
        %parallel_loop3A_542 = arith.index_cast %parallel_loop3A_541 : i32 to index
        %parallel_loop3A_543 = arith.index_cast %parallel_loop3A_198 : i32 to index
        %parallel_loop3A_544 = arith.constant 144 : index
        %parallel_loop3A_545 = tpu.vector_load %arg9[%parallel_loop3A_542, %parallel_loop3A_543, %parallel_loop3A_544] {strides = array<i32>} : memref<2x32x768xf32, #tpu.memory_space<vmem>>, vector<1x1x16xf32>,
        %parallel_loop3A_546 = vector.shape_cast %parallel_loop3A_545 : vector<1x1x16xf32> to vector<16xf32>
        %parallel_loop3A_547 = arith.constant 0 : i32
        %parallel_loop3A_548 = arith.index_cast %parallel_loop3A_547 : i32 to index
        %parallel_loop3A_549 = arith.index_cast %parallel_loop3A_198 : i32 to index
        %parallel_loop3A_550 = arith.constant 144 : index
        %parallel_loop3A_551 = tpu.vector_load %arg10[%parallel_loop3A_548, %parallel_loop3A_549, %parallel_loop3A_550] {strides = array<i32>} : memref<2x32x768xf32, #tpu.memory_space<vmem>>, vector<1x1x16xf32>,
        %parallel_loop3A_552 = vector.shape_cast %parallel_loop3A_551 : vector<1x1x16xf32> to vector<16xf32>
        %parallel_loop3A_553 = arith.addf %parallel_loop3A_546, %parallel_loop3A_552 : vector<16xf32>
        %parallel_loop3A_554 = arith.constant 0 : i32
        %parallel_loop3A_555 = arith.index_cast %parallel_loop3A_554 : i32 to index
        %parallel_loop3A_556 = arith.index_cast %parallel_loop3A_198 : i32 to index
        %parallel_loop3A_557 = arith.constant 528 : index
        %parallel_loop3A_558 = tpu.vector_load %arg9[%parallel_loop3A_555, %parallel_loop3A_556, %parallel_loop3A_557] {strides = array<i32>} : memref<2x32x768xf32, #tpu.memory_space<vmem>>, vector<1x1x16xf32>,
        %parallel_loop3A_559 = vector.shape_cast %parallel_loop3A_558 : vector<1x1x16xf32> to vector<16xf32>
        %parallel_loop3A_560 = arith.constant 0 : i32
        %parallel_loop3A_561 = arith.index_cast %parallel_loop3A_560 : i32 to index
        %parallel_loop3A_562 = arith.index_cast %parallel_loop3A_198 : i32 to index
        %parallel_loop3A_563 = arith.constant 528 : index
        %parallel_loop3A_564 = tpu.vector_load %arg10[%parallel_loop3A_561, %parallel_loop3A_562, %parallel_loop3A_563] {strides = array<i32>} : memref<2x32x768xf32, #tpu.memory_space<vmem>>, vector<1x1x16xf32>,
        %parallel_loop3A_565 = vector.shape_cast %parallel_loop3A_564 : vector<1x1x16xf32> to vector<16xf32>
        %parallel_loop3A_566 = arith.addf %parallel_loop3A_559, %parallel_loop3A_565 : vector<16xf32>
        %parallel_loop3A_567 = tpu.bitcast %parallel_loop3A_553 : vector<16xf32> -> vector<16xi32>
        %parallel_loop3A_568 = tpu.bitcast %parallel_loop3A_566 : vector<16xf32> -> vector<16xi32>
        %parallel_loop3A_569 = arith.shrui %parallel_loop3A_567, %broadcast_in_dim3A_5 : vector<16xi32>
        %parallel_loop3A_570 = arith.andi %parallel_loop3A_568, %broadcast_in_dim3A_3 : vector<16xi32>
        %parallel_loop3A_571 = arith.ori %parallel_loop3A_569, %parallel_loop3A_570 : vector<16xi32>
        %parallel_loop3A_572 = arith.constant 0 : i32
        %parallel_loop3A_573 = arith.index_cast %parallel_loop3A_572 : i32 to index
        %parallel_loop3A_574 = arith.index_cast %parallel_loop3A_198 : i32 to index
        %parallel_loop3A_575 = arith.constant 144 : index
        %parallel_loop3A_576 = tpu.vector_load %arg11[%parallel_loop3A_573, %parallel_loop3A_574, %parallel_loop3A_575] {strides = array<i32>} : memref<2x32x384xi32, #tpu.memory_space<vmem>>, vector<1x1x16xi32>,
        %parallel_loop3A_577 = vector.shape_cast %parallel_loop3A_576 : vector<1x1x16xi32> to vector<16xi32>
        %parallel_loop3A_578 = vector.shape_cast %parallel_loop3A_571 : vector<16xi32> to vector<1x1x16xi32>
        tpu.vector_store %arg11[%parallel_loop3A_573, %parallel_loop3A_574, %parallel_loop3A_575], %parallel_loop3A_578 {strides = array<i32>} : memref<2x32x384xi32, #tpu.memory_space<vmem>>, vector<1x1x16xi32>,
        %parallel_loop3A_579 = arith.constant 0 : i32
        %parallel_loop3A_580 = arith.index_cast %parallel_loop3A_579 : i32 to index
        %parallel_loop3A_581 = arith.index_cast %parallel_loop3A_198 : i32 to index
        %parallel_loop3A_582 = arith.constant 160 : index
        %parallel_loop3A_583 = tpu.vector_load %arg9[%parallel_loop3A_580, %parallel_loop3A_581, %parallel_loop3A_582] {strides = array<i32>} : memref<2x32x768xf32, #tpu.memory_space<vmem>>, vector<1x1x16xf32>,
        %parallel_loop3A_584 = vector.shape_cast %parallel_loop3A_583 : vector<1x1x16xf32> to vector<16xf32>
        %parallel_loop3A_585 = arith.constant 0 : i32
        %parallel_loop3A_586 = arith.index_cast %parallel_loop3A_585 : i32 to index
        %parallel_loop3A_587 = arith.index_cast %parallel_loop3A_198 : i32 to index
        %parallel_loop3A_588 = arith.constant 160 : index
        %parallel_loop3A_589 = tpu.vector_load %arg10[%parallel_loop3A_586, %parallel_loop3A_587, %parallel_loop3A_588] {strides = array<i32>} : memref<2x32x768xf32, #tpu.memory_space<vmem>>, vector<1x1x16xf32>,
        %parallel_loop3A_590 = vector.shape_cast %parallel_loop3A_589 : vector<1x1x16xf32> to vector<16xf32>
        %parallel_loop3A_591 = arith.addf %parallel_loop3A_584, %parallel_loop3A_590 : vector<16xf32>
        %parallel_loop3A_592 = arith.constant 0 : i32
        %parallel_loop3A_593 = arith.index_cast %parallel_loop3A_592 : i32 to index
        %parallel_loop3A_594 = arith.index_cast %parallel_loop3A_198 : i32 to index
        %parallel_loop3A_595 = arith.constant 544 : index
        %parallel_loop3A_596 = tpu.vector_load %arg9[%parallel_loop3A_593, %parallel_loop3A_594, %parallel_loop3A_595] {strides = array<i32>} : memref<2x32x768xf32, #tpu.memory_space<vmem>>, vector<1x1x16xf32>,
        %parallel_loop3A_597 = vector.shape_cast %parallel_loop3A_596 : vector<1x1x16xf32> to vector<16xf32>
        %parallel_loop3A_598 = arith.constant 0 : i32
        %parallel_loop3A_599 = arith.index_cast %parallel_loop3A_598 : i32 to index
        %parallel_loop3A_600 = arith.index_cast %parallel_loop3A_198 : i32 to index
        %parallel_loop3A_601 = arith.constant 544 : index
        %parallel_loop3A_602 = tpu.vector_load %arg10[%parallel_loop3A_599, %parallel_loop3A_600, %parallel_loop3A_601] {strides = array<i32>} : memref<2x32x768xf32, #tpu.memory_space<vmem>>, vector<1x1x16xf32>,
        %parallel_loop3A_603 = vector.shape_cast %parallel_loop3A_602 : vector<1x1x16xf32> to vector<16xf32>
        %parallel_loop3A_604 = arith.addf %parallel_loop3A_597, %parallel_loop3A_603 : vector<16xf32>
        %parallel_loop3A_605 = tpu.bitcast %parallel_loop3A_591 : vector<16xf32> -> vector<16xi32>
        %parallel_loop3A_606 = tpu.bitcast %parallel_loop3A_604 : vector<16xf32> -> vector<16xi32>
        %parallel_loop3A_607 = arith.shrui %parallel_loop3A_605, %broadcast_in_dim3A_5 : vector<16xi32>
        %parallel_loop3A_608 = arith.andi %parallel_loop3A_606, %broadcast_in_dim3A_3 : vector<16xi32>
        %parallel_loop3A_609 = arith.ori %parallel_loop3A_607, %parallel_loop3A_608 : vector<16xi32>
        %parallel_loop3A_610 = arith.constant 0 : i32
        %parallel_loop3A_611 = arith.index_cast %parallel_loop3A_610 : i32 to index
        %parallel_loop3A_612 = arith.index_cast %parallel_loop3A_198 : i32 to index
        %parallel_loop3A_613 = arith.constant 160 : index
        %parallel_loop3A_614 = tpu.vector_load %arg11[%parallel_loop3A_611, %parallel_loop3A_612, %parallel_loop3A_613] {strides = array<i32>} : memref<2x32x384xi32, #tpu.memory_space<vmem>>, vector<1x1x16xi32>,
        %parallel_loop3A_615 = vector.shape_cast %parallel_loop3A_614 : vector<1x1x16xi32> to vector<16xi32>
        %parallel_loop3A_616 = vector.shape_cast %parallel_loop3A_609 : vector<16xi32> to vector<1x1x16xi32>
        tpu.vector_store %arg11[%parallel_loop3A_611, %parallel_loop3A_612, %parallel_loop3A_613], %parallel_loop3A_616 {strides = array<i32>} : memref<2x32x384xi32, #tpu.memory_space<vmem>>, vector<1x1x16xi32>,
        %parallel_loop3A_617 = arith.constant 0 : i32
        %parallel_loop3A_618 = arith.index_cast %parallel_loop3A_617 : i32 to index
        %parallel_loop3A_619 = arith.index_cast %parallel_loop3A_198 : i32 to index
        %parallel_loop3A_620 = arith.constant 176 : index
        %parallel_loop3A_621 = tpu.vector_load %arg9[%parallel_loop3A_618, %parallel_loop3A_619, %parallel_loop3A_620] {strides = array<i32>} : memref<2x32x768xf32, #tpu.memory_space<vmem>>, vector<1x1x16xf32>,
        %parallel_loop3A_622 = vector.shape_cast %parallel_loop3A_621 : vector<1x1x16xf32> to vector<16xf32>
        %parallel_loop3A_623 = arith.constant 0 : i32
        %parallel_loop3A_624 = arith.index_cast %parallel_loop3A_623 : i32 to index
        %parallel_loop3A_625 = arith.index_cast %parallel_loop3A_198 : i32 to index
        %parallel_loop3A_626 = arith.constant 176 : index
        %parallel_loop3A_627 = tpu.vector_load %arg10[%parallel_loop3A_624, %parallel_loop3A_625, %parallel_loop3A_626] {strides = array<i32>} : memref<2x32x768xf32, #tpu.memory_space<vmem>>, vector<1x1x16xf32>,
        %parallel_loop3A_628 = vector.shape_cast %parallel_loop3A_627 : vector<1x1x16xf32> to vector<16xf32>
        %parallel_loop3A_629 = arith.addf %parallel_loop3A_622, %parallel_loop3A_628 : vector<16xf32>
        %parallel_loop3A_630 = arith.constant 0 : i32
        %parallel_loop3A_631 = arith.index_cast %parallel_loop3A_630 : i32 to index
        %parallel_loop3A_632 = arith.index_cast %parallel_loop3A_198 : i32 to index
        %parallel_loop3A_633 = arith.constant 560 : index
        %parallel_loop3A_634 = tpu.vector_load %arg9[%parallel_loop3A_631, %parallel_loop3A_632, %parallel_loop3A_633] {strides = array<i32>} : memref<2x32x768xf32, #tpu.memory_space<vmem>>, vector<1x1x16xf32>,
        %parallel_loop3A_635 = vector.shape_cast %parallel_loop3A_634 : vector<1x1x16xf32> to vector<16xf32>
        %parallel_loop3A_636 = arith.constant 0 : i32
        %parallel_loop3A_637 = arith.index_cast %parallel_loop3A_636 : i32 to index
        %parallel_loop3A_638 = arith.index_cast %parallel_loop3A_198 : i32 to index
        %parallel_loop3A_639 = arith.constant 560 : index
        %parallel_loop3A_640 = tpu.vector_load %arg10[%parallel_loop3A_637, %parallel_loop3A_638, %parallel_loop3A_639] {strides = array<i32>} : memref<2x32x768xf32, #tpu.memory_space<vmem>>, vector<1x1x16xf32>,
        %parallel_loop3A_641 = vector.shape_cast %parallel_loop3A_640 : vector<1x1x16xf32> to vector<16xf32>
        %parallel_loop3A_642 = arith.addf %parallel_loop3A_635, %parallel_loop3A_641 : vector<16xf32>
        %parallel_loop3A_643 = tpu.bitcast %parallel_loop3A_629 : vector<16xf32> -> vector<16xi32>
        %parallel_loop3A_644 = tpu.bitcast %parallel_loop3A_642 : vector<16xf32> -> vector<16xi32>
        %parallel_loop3A_645 = arith.shrui %parallel_loop3A_643, %broadcast_in_dim3A_5 : vector<16xi32>
        %parallel_loop3A_646 = arith.andi %parallel_loop3A_644, %broadcast_in_dim3A_3 : vector<16xi32>
        %parallel_loop3A_647 = arith.ori %parallel_loop3A_645, %parallel_loop3A_646 : vector<16xi32>
        %parallel_loop3A_648 = arith.constant 0 : i32
        %parallel_loop3A_649 = arith.index_cast %parallel_loop3A_648 : i32 to index
        %parallel_loop3A_650 = arith.index_cast %parallel_loop3A_198 : i32 to index
        %parallel_loop3A_651 = arith.constant 176 : index
        %parallel_loop3A_652 = tpu.vector_load %arg11[%parallel_loop3A_649, %parallel_loop3A_650, %parallel_loop3A_651] {strides = array<i32>} : memref<2x32x384xi32, #tpu.memory_space<vmem>>, vector<1x1x16xi32>,
        %parallel_loop3A_653 = vector.shape_cast %parallel_loop3A_652 : vector<1x1x16xi32> to vector<16xi32>
        %parallel_loop3A_654 = vector.shape_cast %parallel_loop3A_647 : vector<16xi32> to vector<1x1x16xi32>
        tpu.vector_store %arg11[%parallel_loop3A_649, %parallel_loop3A_650, %parallel_loop3A_651], %parallel_loop3A_654 {strides = array<i32>} : memref<2x32x384xi32, #tpu.memory_space<vmem>>, vector<1x1x16xi32>,
        %parallel_loop3A_655 = arith.constant 0 : i32
        %parallel_loop3A_656 = arith.index_cast %parallel_loop3A_655 : i32 to index
        %parallel_loop3A_657 = arith.index_cast %parallel_loop3A_198 : i32 to index
        %parallel_loop3A_658 = arith.constant 192 : index
        %parallel_loop3A_659 = tpu.vector_load %arg9[%parallel_loop3A_656, %parallel_loop3A_657, %parallel_loop3A_658] {strides = array<i32>} : memref<2x32x768xf32, #tpu.memory_space<vmem>>, vector<1x1x16xf32>,
        %parallel_loop3A_660 = vector.shape_cast %parallel_loop3A_659 : vector<1x1x16xf32> to vector<16xf32>
        %parallel_loop3A_661 = arith.constant 0 : i32
        %parallel_loop3A_662 = arith.index_cast %parallel_loop3A_661 : i32 to index
        %parallel_loop3A_663 = arith.index_cast %parallel_loop3A_198 : i32 to index
        %parallel_loop3A_664 = arith.constant 192 : index
        %parallel_loop3A_665 = tpu.vector_load %arg10[%parallel_loop3A_662, %parallel_loop3A_663, %parallel_loop3A_664] {strides = array<i32>} : memref<2x32x768xf32, #tpu.memory_space<vmem>>, vector<1x1x16xf32>,
        %parallel_loop3A_666 = vector.shape_cast %parallel_loop3A_665 : vector<1x1x16xf32> to vector<16xf32>
        %parallel_loop3A_667 = arith.addf %parallel_loop3A_660, %parallel_loop3A_666 : vector<16xf32>
        %parallel_loop3A_668 = arith.constant 0 : i32
        %parallel_loop3A_669 = arith.index_cast %parallel_loop3A_668 : i32 to index
        %parallel_loop3A_670 = arith.index_cast %parallel_loop3A_198 : i32 to index
        %parallel_loop3A_671 = arith.constant 576 : index
        %parallel_loop3A_672 = tpu.vector_load %arg9[%parallel_loop3A_669, %parallel_loop3A_670, %parallel_loop3A_671] {strides = array<i32>} : memref<2x32x768xf32, #tpu.memory_space<vmem>>, vector<1x1x16xf32>,
        %parallel_loop3A_673 = vector.shape_cast %parallel_loop3A_672 : vector<1x1x16xf32> to vector<16xf32>
        %parallel_loop3A_674 = arith.constant 0 : i32
        %parallel_loop3A_675 = arith.index_cast %parallel_loop3A_674 : i32 to index
        %parallel_loop3A_676 = arith.index_cast %parallel_loop3A_198 : i32 to index
        %parallel_loop3A_677 = arith.constant 576 : index
        %parallel_loop3A_678 = tpu.vector_load %arg10[%parallel_loop3A_675, %parallel_loop3A_676, %parallel_loop3A_677] {strides = array<i32>} : memref<2x32x768xf32, #tpu.memory_space<vmem>>, vector<1x1x16xf32>,
        %parallel_loop3A_679 = vector.shape_cast %parallel_loop3A_678 : vector<1x1x16xf32> to vector<16xf32>
        %parallel_loop3A_680 = arith.addf %parallel_loop3A_673, %parallel_loop3A_679 : vector<16xf32>
        %parallel_loop3A_681 = tpu.bitcast %parallel_loop3A_667 : vector<16xf32> -> vector<16xi32>
        %parallel_loop3A_682 = tpu.bitcast %parallel_loop3A_680 : vector<16xf32> -> vector<16xi32>
        %parallel_loop3A_683 = arith.shrui %parallel_loop3A_681, %broadcast_in_dim3A_5 : vector<16xi32>
        %parallel_loop3A_684 = arith.andi %parallel_loop3A_682, %broadcast_in_dim3A_3 : vector<16xi32>
        %parallel_loop3A_685 = arith.ori %parallel_loop3A_683, %parallel_loop3A_684 : vector<16xi32>
        %parallel_loop3A_686 = arith.constant 0 : i32
        %parallel_loop3A_687 = arith.index_cast %parallel_loop3A_686 : i32 to index
        %parallel_loop3A_688 = arith.index_cast %parallel_loop3A_198 : i32 to index
        %parallel_loop3A_689 = arith.constant 192 : index
        %parallel_loop3A_690 = tpu.vector_load %arg11[%parallel_loop3A_687, %parallel_loop3A_688, %parallel_loop3A_689] {strides = array<i32>} : memref<2x32x384xi32, #tpu.memory_space<vmem>>, vector<1x1x16xi32>,
        %parallel_loop3A_691 = vector.shape_cast %parallel_loop3A_690 : vector<1x1x16xi32> to vector<16xi32>
        %parallel_loop3A_692 = vector.shape_cast %parallel_loop3A_685 : vector<16xi32> to vector<1x1x16xi32>
        tpu.vector_store %arg11[%parallel_loop3A_687, %parallel_loop3A_688, %parallel_loop3A_689], %parallel_loop3A_692 {strides = array<i32>} : memref<2x32x384xi32, #tpu.memory_space<vmem>>, vector<1x1x16xi32>,
        %parallel_loop3A_693 = arith.constant 0 : i32
        %parallel_loop3A_694 = arith.index_cast %parallel_loop3A_693 : i32 to index
        %parallel_loop3A_695 = arith.index_cast %parallel_loop3A_198 : i32 to index
        %parallel_loop3A_696 = arith.constant 208 : index
        %parallel_loop3A_697 = tpu.vector_load %arg9[%parallel_loop3A_694, %parallel_loop3A_695, %parallel_loop3A_696] {strides = array<i32>} : memref<2x32x768xf32, #tpu.memory_space<vmem>>, vector<1x1x16xf32>,
        %parallel_loop3A_698 = vector.shape_cast %parallel_loop3A_697 : vector<1x1x16xf32> to vector<16xf32>
        %parallel_loop3A_699 = arith.constant 0 : i32
        %parallel_loop3A_700 = arith.index_cast %parallel_loop3A_699 : i32 to index
        %parallel_loop3A_701 = arith.index_cast %parallel_loop3A_198 : i32 to index
        %parallel_loop3A_702 = arith.constant 208 : index
        %parallel_loop3A_703 = tpu.vector_load %arg10[%parallel_loop3A_700, %parallel_loop3A_701, %parallel_loop3A_702] {strides = array<i32>} : memref<2x32x768xf32, #tpu.memory_space<vmem>>, vector<1x1x16xf32>,
        %parallel_loop3A_704 = vector.shape_cast %parallel_loop3A_703 : vector<1x1x16xf32> to vector<16xf32>
        %parallel_loop3A_705 = arith.addf %parallel_loop3A_698, %parallel_loop3A_704 : vector<16xf32>
        %parallel_loop3A_706 = arith.constant 0 : i32
        %parallel_loop3A_707 = arith.index_cast %parallel_loop3A_706 : i32 to index
        %parallel_loop3A_708 = arith.index_cast %parallel_loop3A_198 : i32 to index
        %parallel_loop3A_709 = arith.constant 592 : index
        %parallel_loop3A_710 = tpu.vector_load %arg9[%parallel_loop3A_707, %parallel_loop3A_708, %parallel_loop3A_709] {strides = array<i32>} : memref<2x32x768xf32, #tpu.memory_space<vmem>>, vector<1x1x16xf32>,
        %parallel_loop3A_711 = vector.shape_cast %parallel_loop3A_710 : vector<1x1x16xf32> to vector<16xf32>
        %parallel_loop3A_712 = arith.constant 0 : i32
        %parallel_loop3A_713 = arith.index_cast %parallel_loop3A_712 : i32 to index
        %parallel_loop3A_714 = arith.index_cast %parallel_loop3A_198 : i32 to index
        %parallel_loop3A_715 = arith.constant 592 : index
        %parallel_loop3A_716 = tpu.vector_load %arg10[%parallel_loop3A_713, %parallel_loop3A_714, %parallel_loop3A_715] {strides = array<i32>} : memref<2x32x768xf32, #tpu.memory_space<vmem>>, vector<1x1x16xf32>,
        %parallel_loop3A_717 = vector.shape_cast %parallel_loop3A_716 : vector<1x1x16xf32> to vector<16xf32>
        %parallel_loop3A_718 = arith.addf %parallel_loop3A_711, %parallel_loop3A_717 : vector<16xf32>
        %parallel_loop3A_719 = tpu.bitcast %parallel_loop3A_705 : vector<16xf32> -> vector<16xi32>
        %parallel_loop3A_720 = tpu.bitcast %parallel_loop3A_718 : vector<16xf32> -> vector<16xi32>
        %parallel_loop3A_721 = arith.shrui %parallel_loop3A_719, %broadcast_in_dim3A_5 : vector<16xi32>
        %parallel_loop3A_722 = arith.andi %parallel_loop3A_720, %broadcast_in_dim3A_3 : vector<16xi32>
        %parallel_loop3A_723 = arith.ori %parallel_loop3A_721, %parallel_loop3A_722 : vector<16xi32>
        %parallel_loop3A_724 = arith.constant 0 : i32
        %parallel_loop3A_725 = arith.index_cast %parallel_loop3A_724 : i32 to index
        %parallel_loop3A_726 = arith.index_cast %parallel_loop3A_198 : i32 to index
        %parallel_loop3A_727 = arith.constant 208 : index
        %parallel_loop3A_728 = tpu.vector_load %arg11[%parallel_loop3A_725, %parallel_loop3A_726, %parallel_loop3A_727] {strides = array<i32>} : memref<2x32x384xi32, #tpu.memory_space<vmem>>, vector<1x1x16xi32>,
        %parallel_loop3A_729 = vector.shape_cast %parallel_loop3A_728 : vector<1x1x16xi32> to vector<16xi32>
        %parallel_loop3A_730 = vector.shape_cast %parallel_loop3A_723 : vector<16xi32> to vector<1x1x16xi32>
        tpu.vector_store %arg11[%parallel_loop3A_725, %parallel_loop3A_726, %parallel_loop3A_727], %parallel_loop3A_730 {strides = array<i32>} : memref<2x32x384xi32, #tpu.memory_space<vmem>>, vector<1x1x16xi32>,
        %parallel_loop3A_731 = arith.constant 0 : i32
        %parallel_loop3A_732 = arith.index_cast %parallel_loop3A_731 : i32 to index
        %parallel_loop3A_733 = arith.index_cast %parallel_loop3A_198 : i32 to index
        %parallel_loop3A_734 = arith.constant 224 : index
        %parallel_loop3A_735 = tpu.vector_load %arg9[%parallel_loop3A_732, %parallel_loop3A_733, %parallel_loop3A_734] {strides = array<i32>} : memref<2x32x768xf32, #tpu.memory_space<vmem>>, vector<1x1x16xf32>,
        %parallel_loop3A_736 = vector.shape_cast %parallel_loop3A_735 : vector<1x1x16xf32> to vector<16xf32>
        %parallel_loop3A_737 = arith.constant 0 : i32
        %parallel_loop3A_738 = arith.index_cast %parallel_loop3A_737 : i32 to index
        %parallel_loop3A_739 = arith.index_cast %parallel_loop3A_198 : i32 to index
        %parallel_loop3A_740 = arith.constant 224 : index
        %parallel_loop3A_741 = tpu.vector_load %arg10[%parallel_loop3A_738, %parallel_loop3A_739, %parallel_loop3A_740] {strides = array<i32>} : memref<2x32x768xf32, #tpu.memory_space<vmem>>, vector<1x1x16xf32>,
        %parallel_loop3A_742 = vector.shape_cast %parallel_loop3A_741 : vector<1x1x16xf32> to vector<16xf32>
        %parallel_loop3A_743 = arith.addf %parallel_loop3A_736, %parallel_loop3A_742 : vector<16xf32>
        %parallel_loop3A_744 = arith.constant 0 : i32
        %parallel_loop3A_745 = arith.index_cast %parallel_loop3A_744 : i32 to index
        %parallel_loop3A_746 = arith.index_cast %parallel_loop3A_198 : i32 to index
        %parallel_loop3A_747 = arith.constant 608 : index
        %parallel_loop3A_748 = tpu.vector_load %arg9[%parallel_loop3A_745, %parallel_loop3A_746, %parallel_loop3A_747] {strides = array<i32>} : memref<2x32x768xf32, #tpu.memory_space<vmem>>, vector<1x1x16xf32>,
        %parallel_loop3A_749 = vector.shape_cast %parallel_loop3A_748 : vector<1x1x16xf32> to vector<16xf32>
        %parallel_loop3A_750 = arith.constant 0 : i32
        %parallel_loop3A_751 = arith.index_cast %parallel_loop3A_750 : i32 to index
        %parallel_loop3A_752 = arith.index_cast %parallel_loop3A_198 : i32 to index
        %parallel_loop3A_753 = arith.constant 608 : index
        %parallel_loop3A_754 = tpu.vector_load %arg10[%parallel_loop3A_751, %parallel_loop3A_752, %parallel_loop3A_753] {strides = array<i32>} : memref<2x32x768xf32, #tpu.memory_space<vmem>>, vector<1x1x16xf32>,
        %parallel_loop3A_755 = vector.shape_cast %parallel_loop3A_754 : vector<1x1x16xf32> to vector<16xf32>
        %parallel_loop3A_756 = arith.addf %parallel_loop3A_749, %parallel_loop3A_755 : vector<16xf32>
        %parallel_loop3A_757 = tpu.bitcast %parallel_loop3A_743 : vector<16xf32> -> vector<16xi32>
        %parallel_loop3A_758 = tpu.bitcast %parallel_loop3A_756 : vector<16xf32> -> vector<16xi32>
        %parallel_loop3A_759 = arith.shrui %parallel_loop3A_757, %broadcast_in_dim3A_5 : vector<16xi32>
        %parallel_loop3A_760 = arith.andi %parallel_loop3A_758, %broadcast_in_dim3A_3 : vector<16xi32>
        %parallel_loop3A_761 = arith.ori %parallel_loop3A_759, %parallel_loop3A_760 : vector<16xi32>
        %parallel_loop3A_762 = arith.constant 0 : i32
        %parallel_loop3A_763 = arith.index_cast %parallel_loop3A_762 : i32 to index
        %parallel_loop3A_764 = arith.index_cast %parallel_loop3A_198 : i32 to index
        %parallel_loop3A_765 = arith.constant 224 : index
        %parallel_loop3A_766 = tpu.vector_load %arg11[%parallel_loop3A_763, %parallel_loop3A_764, %parallel_loop3A_765] {strides = array<i32>} : memref<2x32x384xi32, #tpu.memory_space<vmem>>, vector<1x1x16xi32>,
        %parallel_loop3A_767 = vector.shape_cast %parallel_loop3A_766 : vector<1x1x16xi32> to vector<16xi32>
        %parallel_loop3A_768 = vector.shape_cast %parallel_loop3A_761 : vector<16xi32> to vector<1x1x16xi32>
        tpu.vector_store %arg11[%parallel_loop3A_763, %parallel_loop3A_764, %parallel_loop3A_765], %parallel_loop3A_768 {strides = array<i32>} : memref<2x32x384xi32, #tpu.memory_space<vmem>>, vector<1x1x16xi32>,
        %parallel_loop3A_769 = arith.constant 0 : i32
        %parallel_loop3A_770 = arith.index_cast %parallel_loop3A_769 : i32 to index
        %parallel_loop3A_771 = arith.index_cast %parallel_loop3A_198 : i32 to index
        %parallel_loop3A_772 = arith.constant 240 : index
        %parallel_loop3A_773 = tpu.vector_load %arg9[%parallel_loop3A_770, %parallel_loop3A_771, %parallel_loop3A_772] {strides = array<i32>} : memref<2x32x768xf32, #tpu.memory_space<vmem>>, vector<1x1x16xf32>,
        %parallel_loop3A_774 = vector.shape_cast %parallel_loop3A_773 : vector<1x1x16xf32> to vector<16xf32>
        %parallel_loop3A_775 = arith.constant 0 : i32
        %parallel_loop3A_776 = arith.index_cast %parallel_loop3A_775 : i32 to index
        %parallel_loop3A_777 = arith.index_cast %parallel_loop3A_198 : i32 to index
        %parallel_loop3A_778 = arith.constant 240 : index
        %parallel_loop3A_779 = tpu.vector_load %arg10[%parallel_loop3A_776, %parallel_loop3A_777, %parallel_loop3A_778] {strides = array<i32>} : memref<2x32x768xf32, #tpu.memory_space<vmem>>, vector<1x1x16xf32>,
        %parallel_loop3A_780 = vector.shape_cast %parallel_loop3A_779 : vector<1x1x16xf32> to vector<16xf32>
        %parallel_loop3A_781 = arith.addf %parallel_loop3A_774, %parallel_loop3A_780 : vector<16xf32>
        %parallel_loop3A_782 = arith.constant 0 : i32
        %parallel_loop3A_783 = arith.index_cast %parallel_loop3A_782 : i32 to index
        %parallel_loop3A_784 = arith.index_cast %parallel_loop3A_198 : i32 to index
        %parallel_loop3A_785 = arith.constant 624 : index
        %parallel_loop3A_786 = tpu.vector_load %arg9[%parallel_loop3A_783, %parallel_loop3A_784, %parallel_loop3A_785] {strides = array<i32>} : memref<2x32x768xf32, #tpu.memory_space<vmem>>, vector<1x1x16xf32>,
        %parallel_loop3A_787 = vector.shape_cast %parallel_loop3A_786 : vector<1x1x16xf32> to vector<16xf32>
        %parallel_loop3A_788 = arith.constant 0 : i32
        %parallel_loop3A_789 = arith.index_cast %parallel_loop3A_788 : i32 to index
        %parallel_loop3A_790 = arith.index_cast %parallel_loop3A_198 : i32 to index
        %parallel_loop3A_791 = arith.constant 624 : index
        %parallel_loop3A_792 = tpu.vector_load %arg10[%parallel_loop3A_789, %parallel_loop3A_790, %parallel_loop3A_791] {strides = array<i32>} : memref<2x32x768xf32, #tpu.memory_space<vmem>>, vector<1x1x16xf32>,
        %parallel_loop3A_793 = vector.shape_cast %parallel_loop3A_792 : vector<1x1x16xf32> to vector<16xf32>
        %parallel_loop3A_794 = arith.addf %parallel_loop3A_787, %parallel_loop3A_793 : vector<16xf32>
        %parallel_loop3A_795 = tpu.bitcast %parallel_loop3A_781 : vector<16xf32> -> vector<16xi32>
        %parallel_loop3A_796 = tpu.bitcast %parallel_loop3A_794 : vector<16xf32> -> vector<16xi32>
        %parallel_loop3A_797 = arith.shrui %parallel_loop3A_795, %broadcast_in_dim3A_5 : vector<16xi32>
        %parallel_loop3A_798 = arith.andi %parallel_loop3A_796, %broadcast_in_dim3A_3 : vector<16xi32>
        %parallel_loop3A_799 = arith.ori %parallel_loop3A_797, %parallel_loop3A_798 : vector<16xi32>
        %parallel_loop3A_800 = arith.constant 0 : i32
        %parallel_loop3A_801 = arith.index_cast %parallel_loop3A_800 : i32 to index
        %parallel_loop3A_802 = arith.index_cast %parallel_loop3A_198 : i32 to index
        %parallel_loop3A_803 = arith.constant 240 : index
        %parallel_loop3A_804 = tpu.vector_load %arg11[%parallel_loop3A_801, %parallel_loop3A_802, %parallel_loop3A_803] {strides = array<i32>} : memref<2x32x384xi32, #tpu.memory_space<vmem>>, vector<1x1x16xi32>,
        %parallel_loop3A_805 = vector.shape_cast %parallel_loop3A_804 : vector<1x1x16xi32> to vector<16xi32>
        %parallel_loop3A_806 = vector.shape_cast %parallel_loop3A_799 : vector<16xi32> to vector<1x1x16xi32>
        tpu.vector_store %arg11[%parallel_loop3A_801, %parallel_loop3A_802, %parallel_loop3A_803], %parallel_loop3A_806 {strides = array<i32>} : memref<2x32x384xi32, #tpu.memory_space<vmem>>, vector<1x1x16xi32>,
        %parallel_loop3A_807 = arith.constant 0 : i32
        %parallel_loop3A_808 = arith.index_cast %parallel_loop3A_807 : i32 to index
        %parallel_loop3A_809 = arith.index_cast %parallel_loop3A_198 : i32 to index
        %parallel_loop3A_810 = arith.constant 256 : index
        %parallel_loop3A_811 = tpu.vector_load %arg9[%parallel_loop3A_808, %parallel_loop3A_809, %parallel_loop3A_810] {strides = array<i32>} : memref<2x32x768xf32, #tpu.memory_space<vmem>>, vector<1x1x16xf32>,
        %parallel_loop3A_812 = vector.shape_cast %parallel_loop3A_811 : vector<1x1x16xf32> to vector<16xf32>
        %parallel_loop3A_813 = arith.constant 0 : i32
        %parallel_loop3A_814 = arith.index_cast %parallel_loop3A_813 : i32 to index
        %parallel_loop3A_815 = arith.index_cast %parallel_loop3A_198 : i32 to index
        %parallel_loop3A_816 = arith.constant 256 : index
        %parallel_loop3A_817 = tpu.vector_load %arg10[%parallel_loop3A_814, %parallel_loop3A_815, %parallel_loop3A_816] {strides = array<i32>} : memref<2x32x768xf32, #tpu.memory_space<vmem>>, vector<1x1x16xf32>,
        %parallel_loop3A_818 = vector.shape_cast %parallel_loop3A_817 : vector<1x1x16xf32> to vector<16xf32>
        %parallel_loop3A_819 = arith.addf %parallel_loop3A_812, %parallel_loop3A_818 : vector<16xf32>
        %parallel_loop3A_820 = arith.constant 0 : i32
        %parallel_loop3A_821 = arith.index_cast %parallel_loop3A_820 : i32 to index
        %parallel_loop3A_822 = arith.index_cast %parallel_loop3A_198 : i32 to index
        %parallel_loop3A_823 = arith.constant 640 : index
        %parallel_loop3A_824 = tpu.vector_load %arg9[%parallel_loop3A_821, %parallel_loop3A_822, %parallel_loop3A_823] {strides = array<i32>} : memref<2x32x768xf32, #tpu.memory_space<vmem>>, vector<1x1x16xf32>,
        %parallel_loop3A_825 = vector.shape_cast %parallel_loop3A_824 : vector<1x1x16xf32> to vector<16xf32>
        %parallel_loop3A_826 = arith.constant 0 : i32
        %parallel_loop3A_827 = arith.index_cast %parallel_loop3A_826 : i32 to index
        %parallel_loop3A_828 = arith.index_cast %parallel_loop3A_198 : i32 to index
        %parallel_loop3A_829 = arith.constant 640 : index
        %parallel_loop3A_830 = tpu.vector_load %arg10[%parallel_loop3A_827, %parallel_loop3A_828, %parallel_loop3A_829] {strides = array<i32>} : memref<2x32x768xf32, #tpu.memory_space<vmem>>, vector<1x1x16xf32>,
        %parallel_loop3A_831 = vector.shape_cast %parallel_loop3A_830 : vector<1x1x16xf32> to vector<16xf32>
        %parallel_loop3A_832 = arith.addf %parallel_loop3A_825, %parallel_loop3A_831 : vector<16xf32>
        %parallel_loop3A_833 = tpu.bitcast %parallel_loop3A_819 : vector<16xf32> -> vector<16xi32>
        %parallel_loop3A_834 = tpu.bitcast %parallel_loop3A_832 : vector<16xf32> -> vector<16xi32>
        %parallel_loop3A_835 = arith.shrui %parallel_loop3A_833, %broadcast_in_dim3A_5 : vector<16xi32>
        %parallel_loop3A_836 = arith.andi %parallel_loop3A_834, %broadcast_in_dim3A_3 : vector<16xi32>
        %parallel_loop3A_837 = arith.ori %parallel_loop3A_835, %parallel_loop3A_836 : vector<16xi32>
        %parallel_loop3A_838 = arith.constant 0 : i32
        %parallel_loop3A_839 = arith.index_cast %parallel_loop3A_838 : i32 to index
        %parallel_loop3A_840 = arith.index_cast %parallel_loop3A_198 : i32 to index
        %parallel_loop3A_841 = arith.constant 256 : index
        %parallel_loop3A_842 = tpu.vector_load %arg11[%parallel_loop3A_839, %parallel_loop3A_840, %parallel_loop3A_841] {strides = array<i32>} : memref<2x32x384xi32, #tpu.memory_space<vmem>>, vector<1x1x16xi32>,
        %parallel_loop3A_843 = vector.shape_cast %parallel_loop3A_842 : vector<1x1x16xi32> to vector<16xi32>
        %parallel_loop3A_844 = vector.shape_cast %parallel_loop3A_837 : vector<16xi32> to vector<1x1x16xi32>
        tpu.vector_store %arg11[%parallel_loop3A_839, %parallel_loop3A_840, %parallel_loop3A_841], %parallel_loop3A_844 {strides = array<i32>} : memref<2x32x384xi32, #tpu.memory_space<vmem>>, vector<1x1x16xi32>,
        %parallel_loop3A_845 = arith.constant 0 : i32
        %parallel_loop3A_846 = arith.index_cast %parallel_loop3A_845 : i32 to index
        %parallel_loop3A_847 = arith.index_cast %parallel_loop3A_198 : i32 to index
        %parallel_loop3A_848 = arith.constant 272 : index
        %parallel_loop3A_849 = tpu.vector_load %arg9[%parallel_loop3A_846, %parallel_loop3A_847, %parallel_loop3A_848] {strides = array<i32>} : memref<2x32x768xf32, #tpu.memory_space<vmem>>, vector<1x1x16xf32>,
        %parallel_loop3A_850 = vector.shape_cast %parallel_loop3A_849 : vector<1x1x16xf32> to vector<16xf32>
        %parallel_loop3A_851 = arith.constant 0 : i32
        %parallel_loop3A_852 = arith.index_cast %parallel_loop3A_851 : i32 to index
        %parallel_loop3A_853 = arith.index_cast %parallel_loop3A_198 : i32 to index
        %parallel_loop3A_854 = arith.constant 272 : index
        %parallel_loop3A_855 = tpu.vector_load %arg10[%parallel_loop3A_852, %parallel_loop3A_853, %parallel_loop3A_854] {strides = array<i32>} : memref<2x32x768xf32, #tpu.memory_space<vmem>>, vector<1x1x16xf32>,
        %parallel_loop3A_856 = vector.shape_cast %parallel_loop3A_855 : vector<1x1x16xf32> to vector<16xf32>
        %parallel_loop3A_857 = arith.addf %parallel_loop3A_850, %parallel_loop3A_856 : vector<16xf32>
        %parallel_loop3A_858 = arith.constant 0 : i32
        %parallel_loop3A_859 = arith.index_cast %parallel_loop3A_858 : i32 to index
        %parallel_loop3A_860 = arith.index_cast %parallel_loop3A_198 : i32 to index
        %parallel_loop3A_861 = arith.constant 656 : index
        %parallel_loop3A_862 = tpu.vector_load %arg9[%parallel_loop3A_859, %parallel_loop3A_860, %parallel_loop3A_861] {strides = array<i32>} : memref<2x32x768xf32, #tpu.memory_space<vmem>>, vector<1x1x16xf32>,
        %parallel_loop3A_863 = vector.shape_cast %parallel_loop3A_862 : vector<1x1x16xf32> to vector<16xf32>
        %parallel_loop3A_864 = arith.constant 0 : i32
        %parallel_loop3A_865 = arith.index_cast %parallel_loop3A_864 : i32 to index
        %parallel_loop3A_866 = arith.index_cast %parallel_loop3A_198 : i32 to index
        %parallel_loop3A_867 = arith.constant 656 : index
        %parallel_loop3A_868 = tpu.vector_load %arg10[%parallel_loop3A_865, %parallel_loop3A_866, %parallel_loop3A_867] {strides = array<i32>} : memref<2x32x768xf32, #tpu.memory_space<vmem>>, vector<1x1x16xf32>,
        %parallel_loop3A_869 = vector.shape_cast %parallel_loop3A_868 : vector<1x1x16xf32> to vector<16xf32>
        %parallel_loop3A_870 = arith.addf %parallel_loop3A_863, %parallel_loop3A_869 : vector<16xf32>
        %parallel_loop3A_871 = tpu.bitcast %parallel_loop3A_857 : vector<16xf32> -> vector<16xi32>
        %parallel_loop3A_872 = tpu.bitcast %parallel_loop3A_870 : vector<16xf32> -> vector<16xi32>
        %parallel_loop3A_873 = arith.shrui %parallel_loop3A_871, %broadcast_in_dim3A_5 : vector<16xi32>
        %parallel_loop3A_874 = arith.andi %parallel_loop3A_872, %broadcast_in_dim3A_3 : vector<16xi32>
        %parallel_loop3A_875 = arith.ori %parallel_loop3A_873, %parallel_loop3A_874 : vector<16xi32>
        %parallel_loop3A_876 = arith.constant 0 : i32
        %parallel_loop3A_877 = arith.index_cast %parallel_loop3A_876 : i32 to index
        %parallel_loop3A_878 = arith.index_cast %parallel_loop3A_198 : i32 to index
        %parallel_loop3A_879 = arith.constant 272 : index
        %parallel_loop3A_880 = tpu.vector_load %arg11[%parallel_loop3A_877, %parallel_loop3A_878, %parallel_loop3A_879] {strides = array<i32>} : memref<2x32x384xi32, #tpu.memory_space<vmem>>, vector<1x1x16xi32>,
        %parallel_loop3A_881 = vector.shape_cast %parallel_loop3A_880 : vector<1x1x16xi32> to vector<16xi32>
        %parallel_loop3A_882 = vector.shape_cast %parallel_loop3A_875 : vector<16xi32> to vector<1x1x16xi32>
        tpu.vector_store %arg11[%parallel_loop3A_877, %parallel_loop3A_878, %parallel_loop3A_879], %parallel_loop3A_882 {strides = array<i32>} : memref<2x32x384xi32, #tpu.memory_space<vmem>>, vector<1x1x16xi32>,
        %parallel_loop3A_883 = arith.constant 0 : i32
        %parallel_loop3A_884 = arith.index_cast %parallel_loop3A_883 : i32 to index
        %parallel_loop3A_885 = arith.index_cast %parallel_loop3A_198 : i32 to index
        %parallel_loop3A_886 = arith.constant 288 : index
        %parallel_loop3A_887 = tpu.vector_load %arg9[%parallel_loop3A_884, %parallel_loop3A_885, %parallel_loop3A_886] {strides = array<i32>} : memref<2x32x768xf32, #tpu.memory_space<vmem>>, vector<1x1x16xf32>,
        %parallel_loop3A_888 = vector.shape_cast %parallel_loop3A_887 : vector<1x1x16xf32> to vector<16xf32>
        %parallel_loop3A_889 = arith.constant 0 : i32
        %parallel_loop3A_890 = arith.index_cast %parallel_loop3A_889 : i32 to index
        %parallel_loop3A_891 = arith.index_cast %parallel_loop3A_198 : i32 to index
        %parallel_loop3A_892 = arith.constant 288 : index
        %parallel_loop3A_893 = tpu.vector_load %arg10[%parallel_loop3A_890, %parallel_loop3A_891, %parallel_loop3A_892] {strides = array<i32>} : memref<2x32x768xf32, #tpu.memory_space<vmem>>, vector<1x1x16xf32>,
        %parallel_loop3A_894 = vector.shape_cast %parallel_loop3A_893 : vector<1x1x16xf32> to vector<16xf32>
        %parallel_loop3A_895 = arith.addf %parallel_loop3A_888, %parallel_loop3A_894 : vector<16xf32>
        %parallel_loop3A_896 = arith.constant 0 : i32
        %parallel_loop3A_897 = arith.index_cast %parallel_loop3A_896 : i32 to index
        %parallel_loop3A_898 = arith.index_cast %parallel_loop3A_198 : i32 to index
        %parallel_loop3A_899 = arith.constant 672 : index
        %parallel_loop3A_900 = tpu.vector_load %arg9[%parallel_loop3A_897, %parallel_loop3A_898, %parallel_loop3A_899] {strides = array<i32>} : memref<2x32x768xf32, #tpu.memory_space<vmem>>, vector<1x1x16xf32>,
        %parallel_loop3A_901 = vector.shape_cast %parallel_loop3A_900 : vector<1x1x16xf32> to vector<16xf32>
        %parallel_loop3A_902 = arith.constant 0 : i32
        %parallel_loop3A_903 = arith.index_cast %parallel_loop3A_902 : i32 to index
        %parallel_loop3A_904 = arith.index_cast %parallel_loop3A_198 : i32 to index
        %parallel_loop3A_905 = arith.constant 672 : index
        %parallel_loop3A_906 = tpu.vector_load %arg10[%parallel_loop3A_903, %parallel_loop3A_904, %parallel_loop3A_905] {strides = array<i32>} : memref<2x32x768xf32, #tpu.memory_space<vmem>>, vector<1x1x16xf32>,
        %parallel_loop3A_907 = vector.shape_cast %parallel_loop3A_906 : vector<1x1x16xf32> to vector<16xf32>
        %parallel_loop3A_908 = arith.addf %parallel_loop3A_901, %parallel_loop3A_907 : vector<16xf32>
        %parallel_loop3A_909 = tpu.bitcast %parallel_loop3A_895 : vector<16xf32> -> vector<16xi32>
        %parallel_loop3A_910 = tpu.bitcast %parallel_loop3A_908 : vector<16xf32> -> vector<16xi32>
        %parallel_loop3A_911 = arith.shrui %parallel_loop3A_909, %broadcast_in_dim3A_5 : vector<16xi32>
        %parallel_loop3A_912 = arith.andi %parallel_loop3A_910, %broadcast_in_dim3A_3 : vector<16xi32>
        %parallel_loop3A_913 = arith.ori %parallel_loop3A_911, %parallel_loop3A_912 : vector<16xi32>
        %parallel_loop3A_914 = arith.constant 0 : i32
        %parallel_loop3A_915 = arith.index_cast %parallel_loop3A_914 : i32 to index
        %parallel_loop3A_916 = arith.index_cast %parallel_loop3A_198 : i32 to index
        %parallel_loop3A_917 = arith.constant 288 : index
        %parallel_loop3A_918 = tpu.vector_load %arg11[%parallel_loop3A_915, %parallel_loop3A_916, %parallel_loop3A_917] {strides = array<i32>} : memref<2x32x384xi32, #tpu.memory_space<vmem>>, vector<1x1x16xi32>,
        %parallel_loop3A_919 = vector.shape_cast %parallel_loop3A_918 : vector<1x1x16xi32> to vector<16xi32>
        %parallel_loop3A_920 = vector.shape_cast %parallel_loop3A_913 : vector<16xi32> to vector<1x1x16xi32>
        tpu.vector_store %arg11[%parallel_loop3A_915, %parallel_loop3A_916, %parallel_loop3A_917], %parallel_loop3A_920 {strides = array<i32>} : memref<2x32x384xi32, #tpu.memory_space<vmem>>, vector<1x1x16xi32>,
        %parallel_loop3A_921 = arith.constant 0 : i32
        %parallel_loop3A_922 = arith.index_cast %parallel_loop3A_921 : i32 to index
        %parallel_loop3A_923 = arith.index_cast %parallel_loop3A_198 : i32 to index
        %parallel_loop3A_924 = arith.constant 304 : index
        %parallel_loop3A_925 = tpu.vector_load %arg9[%parallel_loop3A_922, %parallel_loop3A_923, %parallel_loop3A_924] {strides = array<i32>} : memref<2x32x768xf32, #tpu.memory_space<vmem>>, vector<1x1x16xf32>,
        %parallel_loop3A_926 = vector.shape_cast %parallel_loop3A_925 : vector<1x1x16xf32> to vector<16xf32>
        %parallel_loop3A_927 = arith.constant 0 : i32
        %parallel_loop3A_928 = arith.index_cast %parallel_loop3A_927 : i32 to index
        %parallel_loop3A_929 = arith.index_cast %parallel_loop3A_198 : i32 to index
        %parallel_loop3A_930 = arith.constant 304 : index
        %parallel_loop3A_931 = tpu.vector_load %arg10[%parallel_loop3A_928, %parallel_loop3A_929, %parallel_loop3A_930] {strides = array<i32>} : memref<2x32x768xf32, #tpu.memory_space<vmem>>, vector<1x1x16xf32>,
        %parallel_loop3A_932 = vector.shape_cast %parallel_loop3A_931 : vector<1x1x16xf32> to vector<16xf32>
        %parallel_loop3A_933 = arith.addf %parallel_loop3A_926, %parallel_loop3A_932 : vector<16xf32>
        %parallel_loop3A_934 = arith.constant 0 : i32
        %parallel_loop3A_935 = arith.index_cast %parallel_loop3A_934 : i32 to index
        %parallel_loop3A_936 = arith.index_cast %parallel_loop3A_198 : i32 to index
        %parallel_loop3A_937 = arith.constant 688 : index
        %parallel_loop3A_938 = tpu.vector_load %arg9[%parallel_loop3A_935, %parallel_loop3A_936, %parallel_loop3A_937] {strides = array<i32>} : memref<2x32x768xf32, #tpu.memory_space<vmem>>, vector<1x1x16xf32>,
        %parallel_loop3A_939 = vector.shape_cast %parallel_loop3A_938 : vector<1x1x16xf32> to vector<16xf32>
        %parallel_loop3A_940 = arith.constant 0 : i32
        %parallel_loop3A_941 = arith.index_cast %parallel_loop3A_940 : i32 to index
        %parallel_loop3A_942 = arith.index_cast %parallel_loop3A_198 : i32 to index
        %parallel_loop3A_943 = arith.constant 688 : index
        %parallel_loop3A_944 = tpu.vector_load %arg10[%parallel_loop3A_941, %parallel_loop3A_942, %parallel_loop3A_943] {strides = array<i32>} : memref<2x32x768xf32, #tpu.memory_space<vmem>>, vector<1x1x16xf32>,
        %parallel_loop3A_945 = vector.shape_cast %parallel_loop3A_944 : vector<1x1x16xf32> to vector<16xf32>
        %parallel_loop3A_946 = arith.addf %parallel_loop3A_939, %parallel_loop3A_945 : vector<16xf32>
        %parallel_loop3A_947 = tpu.bitcast %parallel_loop3A_933 : vector<16xf32> -> vector<16xi32>
        %parallel_loop3A_948 = tpu.bitcast %parallel_loop3A_946 : vector<16xf32> -> vector<16xi32>
        %parallel_loop3A_949 = arith.shrui %parallel_loop3A_947, %broadcast_in_dim3A_5 : vector<16xi32>
        %parallel_loop3A_950 = arith.andi %parallel_loop3A_948, %broadcast_in_dim3A_3 : vector<16xi32>
        %parallel_loop3A_951 = arith.ori %parallel_loop3A_949, %parallel_loop3A_950 : vector<16xi32>
        %parallel_loop3A_952 = arith.constant 0 : i32
        %parallel_loop3A_953 = arith.index_cast %parallel_loop3A_952 : i32 to index
        %parallel_loop3A_954 = arith.index_cast %parallel_loop3A_198 : i32 to index
        %parallel_loop3A_955 = arith.constant 304 : index
        %parallel_loop3A_956 = tpu.vector_load %arg11[%parallel_loop3A_953, %parallel_loop3A_954, %parallel_loop3A_955] {strides = array<i32>} : memref<2x32x384xi32, #tpu.memory_space<vmem>>, vector<1x1x16xi32>,
        %parallel_loop3A_957 = vector.shape_cast %parallel_loop3A_956 : vector<1x1x16xi32> to vector<16xi32>
        %parallel_loop3A_958 = vector.shape_cast %parallel_loop3A_951 : vector<16xi32> to vector<1x1x16xi32>
        tpu.vector_store %arg11[%parallel_loop3A_953, %parallel_loop3A_954, %parallel_loop3A_955], %parallel_loop3A_958 {strides = array<i32>} : memref<2x32x384xi32, #tpu.memory_space<vmem>>, vector<1x1x16xi32>,
        %parallel_loop3A_959 = arith.constant 0 : i32
        %parallel_loop3A_960 = arith.index_cast %parallel_loop3A_959 : i32 to index
        %parallel_loop3A_961 = arith.index_cast %parallel_loop3A_198 : i32 to index
        %parallel_loop3A_962 = arith.constant 320 : index
        %parallel_loop3A_963 = tpu.vector_load %arg9[%parallel_loop3A_960, %parallel_loop3A_961, %parallel_loop3A_962] {strides = array<i32>} : memref<2x32x768xf32, #tpu.memory_space<vmem>>, vector<1x1x16xf32>,
        %parallel_loop3A_964 = vector.shape_cast %parallel_loop3A_963 : vector<1x1x16xf32> to vector<16xf32>
        %parallel_loop3A_965 = arith.constant 0 : i32
        %parallel_loop3A_966 = arith.index_cast %parallel_loop3A_965 : i32 to index
        %parallel_loop3A_967 = arith.index_cast %parallel_loop3A_198 : i32 to index
        %parallel_loop3A_968 = arith.constant 320 : index
        %parallel_loop3A_969 = tpu.vector_load %arg10[%parallel_loop3A_966, %parallel_loop3A_967, %parallel_loop3A_968] {strides = array<i32>} : memref<2x32x768xf32, #tpu.memory_space<vmem>>, vector<1x1x16xf32>,
        %parallel_loop3A_970 = vector.shape_cast %parallel_loop3A_969 : vector<1x1x16xf32> to vector<16xf32>
        %parallel_loop3A_971 = arith.addf %parallel_loop3A_964, %parallel_loop3A_970 : vector<16xf32>
        %parallel_loop3A_972 = arith.constant 0 : i32
        %parallel_loop3A_973 = arith.index_cast %parallel_loop3A_972 : i32 to index
        %parallel_loop3A_974 = arith.index_cast %parallel_loop3A_198 : i32 to index
        %parallel_loop3A_975 = arith.constant 704 : index
        %parallel_loop3A_976 = tpu.vector_load %arg9[%parallel_loop3A_973, %parallel_loop3A_974, %parallel_loop3A_975] {strides = array<i32>} : memref<2x32x768xf32, #tpu.memory_space<vmem>>, vector<1x1x16xf32>,
        %parallel_loop3A_977 = vector.shape_cast %parallel_loop3A_976 : vector<1x1x16xf32> to vector<16xf32>
        %parallel_loop3A_978 = arith.constant 0 : i32
        %parallel_loop3A_979 = arith.index_cast %parallel_loop3A_978 : i32 to index
        %parallel_loop3A_980 = arith.index_cast %parallel_loop3A_198 : i32 to index
        %parallel_loop3A_981 = arith.constant 704 : index
        %parallel_loop3A_982 = tpu.vector_load %arg10[%parallel_loop3A_979, %parallel_loop3A_980, %parallel_loop3A_981] {strides = array<i32>} : memref<2x32x768xf32, #tpu.memory_space<vmem>>, vector<1x1x16xf32>,
        %parallel_loop3A_983 = vector.shape_cast %parallel_loop3A_982 : vector<1x1x16xf32> to vector<16xf32>
        %parallel_loop3A_984 = arith.addf %parallel_loop3A_977, %parallel_loop3A_983 : vector<16xf32>
        %parallel_loop3A_985 = tpu.bitcast %parallel_loop3A_971 : vector<16xf32> -> vector<16xi32>
        %parallel_loop3A_986 = tpu.bitcast %parallel_loop3A_984 : vector<16xf32> -> vector<16xi32>
        %parallel_loop3A_987 = arith.shrui %parallel_loop3A_985, %broadcast_in_dim3A_5 : vector<16xi32>
        %parallel_loop3A_988 = arith.andi %parallel_loop3A_986, %broadcast_in_dim3A_3 : vector<16xi32>
        %parallel_loop3A_989 = arith.ori %parallel_loop3A_987, %parallel_loop3A_988 : vector<16xi32>
        %parallel_loop3A_990 = arith.constant 0 : i32
        %parallel_loop3A_991 = arith.index_cast %parallel_loop3A_990 : i32 to index
        %parallel_loop3A_992 = arith.index_cast %parallel_loop3A_198 : i32 to index
        %parallel_loop3A_993 = arith.constant 320 : index
        %parallel_loop3A_994 = tpu.vector_load %arg11[%parallel_loop3A_991, %parallel_loop3A_992, %parallel_loop3A_993] {strides = array<i32>} : memref<2x32x384xi32, #tpu.memory_space<vmem>>, vector<1x1x16xi32>,
        %parallel_loop3A_995 = vector.shape_cast %parallel_loop3A_994 : vector<1x1x16xi32> to vector<16xi32>
        %parallel_loop3A_996 = vector.shape_cast %parallel_loop3A_989 : vector<16xi32> to vector<1x1x16xi32>
        tpu.vector_store %arg11[%parallel_loop3A_991, %parallel_loop3A_992, %parallel_loop3A_993], %parallel_loop3A_996 {strides = array<i32>} : memref<2x32x384xi32, #tpu.memory_space<vmem>>, vector<1x1x16xi32>,
        %parallel_loop3A_997 = arith.constant 0 : i32
        %parallel_loop3A_998 = arith.index_cast %parallel_loop3A_997 : i32 to index
        %parallel_loop3A_999 = arith.index_cast %parallel_loop3A_198 : i32 to index
        %parallel_loop3A_1000 = arith.constant 336 : index
        %parallel_loop3A_1001 = tpu.vector_load %arg9[%parallel_loop3A_998, %parallel_loop3A_999, %parallel_loop3A_1000] {strides = array<i32>} : memref<2x32x768xf32, #tpu.memory_space<vmem>>, vector<1x1x16xf32>,
        %parallel_loop3A_1002 = vector.shape_cast %parallel_loop3A_1001 : vector<1x1x16xf32> to vector<16xf32>
        %parallel_loop3A_1003 = arith.constant 0 : i32
        %parallel_loop3A_1004 = arith.index_cast %parallel_loop3A_1003 : i32 to index
        %parallel_loop3A_1005 = arith.index_cast %parallel_loop3A_198 : i32 to index
        %parallel_loop3A_1006 = arith.constant 336 : index
        %parallel_loop3A_1007 = tpu.vector_load %arg10[%parallel_loop3A_1004, %parallel_loop3A_1005, %parallel_loop3A_1006] {strides = array<i32>} : memref<2x32x768xf32, #tpu.memory_space<vmem>>, vector<1x1x16xf32>,
        %parallel_loop3A_1008 = vector.shape_cast %parallel_loop3A_1007 : vector<1x1x16xf32> to vector<16xf32>
        %parallel_loop3A_1009 = arith.addf %parallel_loop3A_1002, %parallel_loop3A_1008 : vector<16xf32>
        %parallel_loop3A_1010 = arith.constant 0 : i32
        %parallel_loop3A_1011 = arith.index_cast %parallel_loop3A_1010 : i32 to index
        %parallel_loop3A_1012 = arith.index_cast %parallel_loop3A_198 : i32 to index
        %parallel_loop3A_1013 = arith.constant 720 : index
        %parallel_loop3A_1014 = tpu.vector_load %arg9[%parallel_loop3A_1011, %parallel_loop3A_1012, %parallel_loop3A_1013] {strides = array<i32>} : memref<2x32x768xf32, #tpu.memory_space<vmem>>, vector<1x1x16xf32>,
        %parallel_loop3A_1015 = vector.shape_cast %parallel_loop3A_1014 : vector<1x1x16xf32> to vector<16xf32>
        %parallel_loop3A_1016 = arith.constant 0 : i32
        %parallel_loop3A_1017 = arith.index_cast %parallel_loop3A_1016 : i32 to index
        %parallel_loop3A_1018 = arith.index_cast %parallel_loop3A_198 : i32 to index
        %parallel_loop3A_1019 = arith.constant 720 : index
        %parallel_loop3A_1020 = tpu.vector_load %arg10[%parallel_loop3A_1017, %parallel_loop3A_1018, %parallel_loop3A_1019] {strides = array<i32>} : memref<2x32x768xf32, #tpu.memory_space<vmem>>, vector<1x1x16xf32>,
        %parallel_loop3A_1021 = vector.shape_cast %parallel_loop3A_1020 : vector<1x1x16xf32> to vector<16xf32>
        %parallel_loop3A_1022 = arith.addf %parallel_loop3A_1015, %parallel_loop3A_1021 : vector<16xf32>
        %parallel_loop3A_1023 = tpu.bitcast %parallel_loop3A_1009 : vector<16xf32> -> vector<16xi32>
        %parallel_loop3A_1024 = tpu.bitcast %parallel_loop3A_1022 : vector<16xf32> -> vector<16xi32>
        %parallel_loop3A_1025 = arith.shrui %parallel_loop3A_1023, %broadcast_in_dim3A_5 : vector<16xi32>
        %parallel_loop3A_1026 = arith.andi %parallel_loop3A_1024, %broadcast_in_dim3A_3 : vector<16xi32>
        %parallel_loop3A_1027 = arith.ori %parallel_loop3A_1025, %parallel_loop3A_1026 : vector<16xi32>
        %parallel_loop3A_1028 = arith.constant 0 : i32
        %parallel_loop3A_1029 = arith.index_cast %parallel_loop3A_1028 : i32 to index
        %parallel_loop3A_1030 = arith.index_cast %parallel_loop3A_198 : i32 to index
        %parallel_loop3A_1031 = arith.constant 336 : index
        %parallel_loop3A_1032 = tpu.vector_load %arg11[%parallel_loop3A_1029, %parallel_loop3A_1030, %parallel_loop3A_1031] {strides = array<i32>} : memref<2x32x384xi32, #tpu.memory_space<vmem>>, vector<1x1x16xi32>,
        %parallel_loop3A_1033 = vector.shape_cast %parallel_loop3A_1032 : vector<1x1x16xi32> to vector<16xi32>
        %parallel_loop3A_1034 = vector.shape_cast %parallel_loop3A_1027 : vector<16xi32> to vector<1x1x16xi32>
        tpu.vector_store %arg11[%parallel_loop3A_1029, %parallel_loop3A_1030, %parallel_loop3A_1031], %parallel_loop3A_1034 {strides = array<i32>} : memref<2x32x384xi32, #tpu.memory_space<vmem>>, vector<1x1x16xi32>,
        %parallel_loop3A_1035 = arith.constant 0 : i32
        %parallel_loop3A_1036 = arith.index_cast %parallel_loop3A_1035 : i32 to index
        %parallel_loop3A_1037 = arith.index_cast %parallel_loop3A_198 : i32 to index
        %parallel_loop3A_1038 = arith.constant 352 : index
        %parallel_loop3A_1039 = tpu.vector_load %arg9[%parallel_loop3A_1036, %parallel_loop3A_1037, %parallel_loop3A_1038] {strides = array<i32>} : memref<2x32x768xf32, #tpu.memory_space<vmem>>, vector<1x1x16xf32>,
        %parallel_loop3A_1040 = vector.shape_cast %parallel_loop3A_1039 : vector<1x1x16xf32> to vector<16xf32>
        %parallel_loop3A_1041 = arith.constant 0 : i32
        %parallel_loop3A_1042 = arith.index_cast %parallel_loop3A_1041 : i32 to index
        %parallel_loop3A_1043 = arith.index_cast %parallel_loop3A_198 : i32 to index
        %parallel_loop3A_1044 = arith.constant 352 : index
        %parallel_loop3A_1045 = tpu.vector_load %arg10[%parallel_loop3A_1042, %parallel_loop3A_1043, %parallel_loop3A_1044] {strides = array<i32>} : memref<2x32x768xf32, #tpu.memory_space<vmem>>, vector<1x1x16xf32>,
        %parallel_loop3A_1046 = vector.shape_cast %parallel_loop3A_1045 : vector<1x1x16xf32> to vector<16xf32>
        %parallel_loop3A_1047 = arith.addf %parallel_loop3A_1040, %parallel_loop3A_1046 : vector<16xf32>
        %parallel_loop3A_1048 = arith.constant 0 : i32
        %parallel_loop3A_1049 = arith.index_cast %parallel_loop3A_1048 : i32 to index
        %parallel_loop3A_1050 = arith.index_cast %parallel_loop3A_198 : i32 to index
        %parallel_loop3A_1051 = arith.constant 736 : index
        %parallel_loop3A_1052 = tpu.vector_load %arg9[%parallel_loop3A_1049, %parallel_loop3A_1050, %parallel_loop3A_1051] {strides = array<i32>} : memref<2x32x768xf32, #tpu.memory_space<vmem>>, vector<1x1x16xf32>,
        %parallel_loop3A_1053 = vector.shape_cast %parallel_loop3A_1052 : vector<1x1x16xf32> to vector<16xf32>
        %parallel_loop3A_1054 = arith.constant 0 : i32
        %parallel_loop3A_1055 = arith.index_cast %parallel_loop3A_1054 : i32 to index
        %parallel_loop3A_1056 = arith.index_cast %parallel_loop3A_198 : i32 to index
        %parallel_loop3A_1057 = arith.constant 736 : index
        %parallel_loop3A_1058 = tpu.vector_load %arg10[%parallel_loop3A_1055, %parallel_loop3A_1056, %parallel_loop3A_1057] {strides = array<i32>} : memref<2x32x768xf32, #tpu.memory_space<vmem>>, vector<1x1x16xf32>,
        %parallel_loop3A_1059 = vector.shape_cast %parallel_loop3A_1058 : vector<1x1x16xf32> to vector<16xf32>
        %parallel_loop3A_1060 = arith.addf %parallel_loop3A_1053, %parallel_loop3A_1059 : vector<16xf32>
        %parallel_loop3A_1061 = tpu.bitcast %parallel_loop3A_1047 : vector<16xf32> -> vector<16xi32>
        %parallel_loop3A_1062 = tpu.bitcast %parallel_loop3A_1060 : vector<16xf32> -> vector<16xi32>
        %parallel_loop3A_1063 = arith.shrui %parallel_loop3A_1061, %broadcast_in_dim3A_5 : vector<16xi32>
        %parallel_loop3A_1064 = arith.andi %parallel_loop3A_1062, %broadcast_in_dim3A_3 : vector<16xi32>
        %parallel_loop3A_1065 = arith.ori %parallel_loop3A_1063, %parallel_loop3A_1064 : vector<16xi32>
        %parallel_loop3A_1066 = arith.constant 0 : i32
        %parallel_loop3A_1067 = arith.index_cast %parallel_loop3A_1066 : i32 to index
        %parallel_loop3A_1068 = arith.index_cast %parallel_loop3A_198 : i32 to index
        %parallel_loop3A_1069 = arith.constant 352 : index
        %parallel_loop3A_1070 = tpu.vector_load %arg11[%parallel_loop3A_1067, %parallel_loop3A_1068, %parallel_loop3A_1069] {strides = array<i32>} : memref<2x32x384xi32, #tpu.memory_space<vmem>>, vector<1x1x16xi32>,
        %parallel_loop3A_1071 = vector.shape_cast %parallel_loop3A_1070 : vector<1x1x16xi32> to vector<16xi32>
        %parallel_loop3A_1072 = vector.shape_cast %parallel_loop3A_1065 : vector<16xi32> to vector<1x1x16xi32>
        tpu.vector_store %arg11[%parallel_loop3A_1067, %parallel_loop3A_1068, %parallel_loop3A_1069], %parallel_loop3A_1072 {strides = array<i32>} : memref<2x32x384xi32, #tpu.memory_space<vmem>>, vector<1x1x16xi32>,
        %parallel_loop3A_1073 = arith.constant 0 : i32
        %parallel_loop3A_1074 = arith.index_cast %parallel_loop3A_1073 : i32 to index
        %parallel_loop3A_1075 = arith.index_cast %parallel_loop3A_198 : i32 to index
        %parallel_loop3A_1076 = arith.constant 368 : index
        %parallel_loop3A_1077 = tpu.vector_load %arg9[%parallel_loop3A_1074, %parallel_loop3A_1075, %parallel_loop3A_1076] {strides = array<i32>} : memref<2x32x768xf32, #tpu.memory_space<vmem>>, vector<1x1x16xf32>,
        %parallel_loop3A_1078 = vector.shape_cast %parallel_loop3A_1077 : vector<1x1x16xf32> to vector<16xf32>
        %parallel_loop3A_1079 = arith.constant 0 : i32
        %parallel_loop3A_1080 = arith.index_cast %parallel_loop3A_1079 : i32 to index
        %parallel_loop3A_1081 = arith.index_cast %parallel_loop3A_198 : i32 to index
        %parallel_loop3A_1082 = arith.constant 368 : index
        %parallel_loop3A_1083 = tpu.vector_load %arg10[%parallel_loop3A_1080, %parallel_loop3A_1081, %parallel_loop3A_1082] {strides = array<i32>} : memref<2x32x768xf32, #tpu.memory_space<vmem>>, vector<1x1x16xf32>,
        %parallel_loop3A_1084 = vector.shape_cast %parallel_loop3A_1083 : vector<1x1x16xf32> to vector<16xf32>
        %parallel_loop3A_1085 = arith.addf %parallel_loop3A_1078, %parallel_loop3A_1084 : vector<16xf32>
        %parallel_loop3A_1086 = arith.constant 0 : i32
        %parallel_loop3A_1087 = arith.index_cast %parallel_loop3A_1086 : i32 to index
        %parallel_loop3A_1088 = arith.index_cast %parallel_loop3A_198 : i32 to index
        %parallel_loop3A_1089 = arith.constant 752 : index
        %parallel_loop3A_1090 = tpu.vector_load %arg9[%parallel_loop3A_1087, %parallel_loop3A_1088, %parallel_loop3A_1089] {strides = array<i32>} : memref<2x32x768xf32, #tpu.memory_space<vmem>>, vector<1x1x16xf32>,
        %parallel_loop3A_1091 = vector.shape_cast %parallel_loop3A_1090 : vector<1x1x16xf32> to vector<16xf32>
        %parallel_loop3A_1092 = arith.constant 0 : i32
        %parallel_loop3A_1093 = arith.index_cast %parallel_loop3A_1092 : i32 to index
        %parallel_loop3A_1094 = arith.index_cast %parallel_loop3A_198 : i32 to index
        %parallel_loop3A_1095 = arith.constant 752 : index
        %parallel_loop3A_1096 = tpu.vector_load %arg10[%parallel_loop3A_1093, %parallel_loop3A_1094, %parallel_loop3A_1095] {strides = array<i32>} : memref<2x32x768xf32, #tpu.memory_space<vmem>>, vector<1x1x16xf32>,
        %parallel_loop3A_1097 = vector.shape_cast %parallel_loop3A_1096 : vector<1x1x16xf32> to vector<16xf32>
        %parallel_loop3A_1098 = arith.addf %parallel_loop3A_1091, %parallel_loop3A_1097 : vector<16xf32>
        %parallel_loop3A_1099 = tpu.bitcast %parallel_loop3A_1085 : vector<16xf32> -> vector<16xi32>
        %parallel_loop3A_1100 = tpu.bitcast %parallel_loop3A_1098 : vector<16xf32> -> vector<16xi32>
        %parallel_loop3A_1101 = arith.shrui %parallel_loop3A_1099, %broadcast_in_dim3A_5 : vector<16xi32>
        %parallel_loop3A_1102 = arith.andi %parallel_loop3A_1100, %broadcast_in_dim3A_3 : vector<16xi32>
        %parallel_loop3A_1103 = arith.ori %parallel_loop3A_1101, %parallel_loop3A_1102 : vector<16xi32>
        %parallel_loop3A_1104 = arith.constant 0 : i32
        %parallel_loop3A_1105 = arith.index_cast %parallel_loop3A_1104 : i32 to index
        %parallel_loop3A_1106 = arith.index_cast %parallel_loop3A_198 : i32 to index
        %parallel_loop3A_1107 = arith.constant 368 : index
        %parallel_loop3A_1108 = tpu.vector_load %arg11[%parallel_loop3A_1105, %parallel_loop3A_1106, %parallel_loop3A_1107] {strides = array<i32>} : memref<2x32x384xi32, #tpu.memory_space<vmem>>, vector<1x1x16xi32>,
        %parallel_loop3A_1109 = vector.shape_cast %parallel_loop3A_1108 : vector<1x1x16xi32> to vector<16xi32>
        %parallel_loop3A_1110 = vector.shape_cast %parallel_loop3A_1103 : vector<16xi32> to vector<1x1x16xi32>
        tpu.vector_store %arg11[%parallel_loop3A_1105, %parallel_loop3A_1106, %parallel_loop3A_1107], %parallel_loop3A_1110 {strides = array<i32>} : memref<2x32x384xi32, #tpu.memory_space<vmem>>, vector<1x1x16xi32>,
      } {sc.loop_unroll_factor = 2 : i64, sc.parallel_access}
      %mul3A_120 = arith.constant 32 : i32
      %mul3A_121 = arith.muli %mul3A_61, %mul3A_120 : i32
      %add3A_122 = arith.addi %mul3A_2, %mul3A_121 : i32
      %dma_start3A_123 = arith.constant 0 : i32
      %dma_start3A_124 = arith.constant 0 : i32
      %dma_start3A_125 = arith.constant 0 : i32
      %dma_start3A_126 = tpu.memref_slice %arg11[%dma_start3A_123, %dma_start3A_124, %dma_start3A_125] : memref<2x32x384xi32, #tpu.memory_space<vmem>> -> memref<1x32x384xi32, #tpu.memory_space<vmem>>
      %dma_start3A_127 = tpu.memref_squeeze %dma_start3A_126 : memref<1x32x384xi32, #tpu.memory_space<vmem>> -> memref<32x384xi32, #tpu.memory_space<vmem>>
      %dma_start3A_128 = arith.constant 0 : i32
      %dma_start3A_129 = tpu.memref_slice %arg6[%add3A_122, %dma_start3A_128] : memref<8192x384xi32, #tpu.memory_space<hbm>> -> memref<32x384xi32, #tpu.memory_space<hbm>>
      %dma_start3A_130 = arith.constant 0 : i32
      %dma_start3A_131 = tpu.memref_slice %arg6[%add3A_122, %dma_start3A_130] : memref<8192x384xi32, #tpu.memory_space<hbm>> -> memref<32x384xi32, #tpu.memory_space<hbm>>
      %dma_start3A_132 = arith.constant 0 : i32
      %dma_start3A_133 = arith.constant 0 : i32
      %dma_start3A_134 = tpu.memref_slice %arg11[%dma_start3A_123, %dma_start3A_132, %dma_start3A_133] : memref<2x32x384xi32, #tpu.memory_space<vmem>> -> memref<1x32x384xi32, #tpu.memory_space<vmem>>
      %dma_start3A_135 = tpu.memref_squeeze %dma_start3A_134 : memref<1x32x384xi32, #tpu.memory_space<vmem>> -> memref<32x384xi32, #tpu.memory_space<vmem>>
      tpu.enqueue_dma source(%dma_start3A_135 : memref<32x384xi32, #tpu.memory_space<vmem>>) target(%dma_start3A_131 : memref<32x384xi32, #tpu.memory_space<hbm>>) target_semaphore(%arg16 : memref<!tpu.dma_semaphore, #tpu.memory_space<semaphore_mem>>)
      %add3A_136 = arith.constant 1 : i32
      %add3A_137 = arith.addi %scan3A_59, %add3A_136 : i32
      %lt3A = arith.constant 4 : i32
      %lt3A_138 = arith.cmpi slt, %add3A_137, %lt3A : i32
      %convert_element_type3A_139 = arith.extui %lt3A_138 : i1 to i32
      %cond3A_140 = arith.constant 0 : i32
      %cond3A_141 = arith.cmpi ne, %convert_element_type3A_139, %cond3A_140 : i32
      scf.if %cond3A_141 {
        %add3A_198 = arith.constant 2 : i32
        %add3A_199 = arith.addi %mul3A_61, %add3A_198 : i32
        %mul3A_200 = arith.constant 32 : i32
        %mul3A_201 = arith.muli %add3A_199, %mul3A_200 : i32
        %dma_start3A_202 = arith.constant 0 : i32
        %dma_start3A_203 = arith.constant 0 : i32
        %dma_start3A_204 = arith.constant 0 : i32
        %dma_start3A_205 = tpu.memref_slice %arg9[%dma_start3A_202, %dma_start3A_203, %dma_start3A_204] : memref<2x32x768xf32, #tpu.memory_space<vmem>> -> memref<1x32x768xf32, #tpu.memory_space<vmem>>
        %dma_start3A_206 = tpu.memref_squeeze %dma_start3A_205 : memref<1x32x768xf32, #tpu.memory_space<vmem>> -> memref<32x768xf32, #tpu.memory_space<vmem>>
        %dma_start3A_207 = tpu.memref_slice %arg7[%mul3A_201] : memref<256xi32, #tpu.memory_space<vmem>> -> memref<32xi32, #tpu.memory_space<vmem>>
        %dma_start3A_208 = arith.constant 0 : i32
        %dma_start3A_209 = arith.constant 0 : i32
        %dma_start3A_210 = tpu.memref_slice %arg4[%dma_start3A_208, %dma_start3A_209] : memref<100000x768xf32, #tpu.memory_space<hbm>> -> memref<100000x768xf32, #tpu.memory_space<hbm>>
        tpu.enqueue_indirect_dma source(%dma_start3A_210 : memref<100000x768xf32, #tpu.memory_space<hbm>>) target(%dma_start3A_206 : memref<32x768xf32, #tpu.memory_space<vmem>>) offsets(%dma_start3A_207 : memref<32xi32, #tpu.memory_space<vmem>>) semaphore(%arg12 : memref<!tpu.dma_semaphore, #tpu.memory_space<semaphore_mem>>)
        %mul3A_211 = arith.constant 32 : i32
        %mul3A_212 = arith.muli %add3A_199, %mul3A_211 : i32
        %dma_start3A_213 = arith.constant 0 : i32
        %dma_start3A_214 = arith.constant 0 : i32
        %dma_start3A_215 = arith.constant 0 : i32
        %dma_start3A_216 = tpu.memref_slice %arg10[%dma_start3A_213, %dma_start3A_214, %dma_start3A_215] : memref<2x32x768xf32, #tpu.memory_space<vmem>> -> memref<1x32x768xf32, #tpu.memory_space<vmem>>
        %dma_start3A_217 = tpu.memref_squeeze %dma_start3A_216 : memref<1x32x768xf32, #tpu.memory_space<vmem>> -> memref<32x768xf32, #tpu.memory_space<vmem>>
        %dma_start3A_218 = tpu.memref_slice %arg8[%mul3A_212] : memref<256xi32, #tpu.memory_space<vmem>> -> memref<32xi32, #tpu.memory_space<vmem>>
        %dma_start3A_219 = arith.constant 0 : i32
        %dma_start3A_220 = arith.constant 0 : i32
        %dma_start3A_221 = tpu.memref_slice %arg5[%dma_start3A_219, %dma_start3A_220] : memref<2048x768xf32, #tpu.memory_space<hbm>> -> memref<2048x768xf32, #tpu.memory_space<hbm>>
        tpu.enqueue_indirect_dma source(%dma_start3A_221 : memref<2048x768xf32, #tpu.memory_space<hbm>>) target(%dma_start3A_217 : memref<32x768xf32, #tpu.memory_space<vmem>>) offsets(%dma_start3A_218 : memref<32xi32, #tpu.memory_space<vmem>>) semaphore(%arg14 : memref<!tpu.dma_semaphore, #tpu.memory_space<semaphore_mem>>)
      } else {
      }
      %dma_wait3A_142 = arith.constant 1 : i32
      %dma_wait3A_143 = arith.constant 0 : i32
      %dma_wait3A_144 = arith.constant 0 : i32
      %dma_wait3A_145 = tpu.memref_slice %arg9[%dma_wait3A_142, %dma_wait3A_143, %dma_wait3A_144] : memref<2x32x768xf32, #tpu.memory_space<vmem>> -> memref<1x32x768xf32, #tpu.memory_space<vmem>>
      %dma_wait3A_146 = tpu.memref_squeeze %dma_wait3A_145 : memref<1x32x768xf32, #tpu.memory_space<vmem>> -> memref<32x768xf32, #tpu.memory_space<vmem>>
      %dma_wait3A_147 = arith.constant 0 : i32
      %dma_wait3A_148 = arith.constant 0 : i32
      %dma_wait3A_149 = tpu.memref_slice %arg4[%dma_wait3A_147, %dma_wait3A_148] : memref<100000x768xf32, #tpu.memory_space<hbm>> -> memref<32x768xf32, #tpu.memory_space<hbm>>
      %dma_wait3A_150 = arith.constant 0 : i32
      %dma_wait3A_151 = arith.constant 0 : i32
      %dma_wait3A_152 = tpu.memref_slice %arg9[%dma_wait3A_142, %dma_wait3A_150, %dma_wait3A_151] : memref<2x32x768xf32, #tpu.memory_space<vmem>> -> memref<1x32x768xf32, #tpu.memory_space<vmem>>
      %dma_wait3A_153 = tpu.memref_squeeze %dma_wait3A_152 : memref<1x32x768xf32, #tpu.memory_space<vmem>> -> memref<32x768xf32, #tpu.memory_space<vmem>>
      %dma_wait3A_154 = arith.constant 0 : i32
      %dma_wait3A_155 = arith.constant 0 : i32
      %dma_wait3A_156 = tpu.memref_slice %arg4[%dma_wait3A_154, %dma_wait3A_155] : memref<100000x768xf32, #tpu.memory_space<hbm>> -> memref<32x768xf32, #tpu.memory_space<hbm>>
      tpu.wait_dma2 semaphore(%arg13 : memref<!tpu.dma_semaphore, #tpu.memory_space<semaphore_mem>>) src(%dma_wait3A_156 : memref<32x768xf32, #tpu.memory_space<hbm>>) dst(%dma_wait3A_153 : memref<32x768xf32, #tpu.memory_space<vmem>>)
      %dma_wait3A_157 = arith.constant 1 : i32
      %dma_wait3A_158 = arith.constant 0 : i32
      %dma_wait3A_159 = arith.constant 0 : i32
      %dma_wait3A_160 = tpu.memref_slice %arg10[%dma_wait3A_157, %dma_wait3A_158, %dma_wait3A_159] : memref<2x32x768xf32, #tpu.memory_space<vmem>> -> memref<1x32x768xf32, #tpu.memory_space<vmem>>
      %dma_wait3A_161 = tpu.memref_squeeze %dma_wait3A_160 : memref<1x32x768xf32, #tpu.memory_space<vmem>> -> memref<32x768xf32, #tpu.memory_space<vmem>>
      %dma_wait3A_162 = arith.constant 0 : i32
      %dma_wait3A_163 = arith.constant 0 : i32
      %dma_wait3A_164 = tpu.memref_slice %arg5[%dma_wait3A_162, %dma_wait3A_163] : memref<2048x768xf32, #tpu.memory_space<hbm>> -> memref<32x768xf32, #tpu.memory_space<hbm>>
      %dma_wait3A_165 = arith.constant 0 : i32
      %dma_wait3A_166 = arith.constant 0 : i32
      %dma_wait3A_167 = tpu.memref_slice %arg10[%dma_wait3A_157, %dma_wait3A_165, %dma_wait3A_166] : memref<2x32x768xf32, #tpu.memory_space<vmem>> -> memref<1x32x768xf32, #tpu.memory_space<vmem>>
      %dma_wait3A_168 = tpu.memref_squeeze %dma_wait3A_167 : memref<1x32x768xf32, #tpu.memory_space<vmem>> -> memref<32x768xf32, #tpu.memory_space<vmem>>
      %dma_wait3A_169 = arith.constant 0 : i32
      %dma_wait3A_170 = arith.constant 0 : i32
      %dma_wait3A_171 = tpu.memref_slice %arg5[%dma_wait3A_169, %dma_wait3A_170] : memref<2048x768xf32, #tpu.memory_space<hbm>> -> memref<32x768xf32, #tpu.memory_space<hbm>>
      tpu.wait_dma2 semaphore(%arg15 : memref<!tpu.dma_semaphore, #tpu.memory_space<semaphore_mem>>) src(%dma_wait3A_171 : memref<32x768xf32, #tpu.memory_space<hbm>>) dst(%dma_wait3A_168 : memref<32x768xf32, #tpu.memory_space<vmem>>)
      %gt3A_172 = arith.constant 0 : i32
      %gt3A_173 = arith.cmpi sgt, %scan3A_59, %gt3A_172 : i32
      %convert_element_type3A_174 = arith.extui %gt3A_173 : i1 to i32
      %cond3A_175 = arith.constant 0 : i32
      %cond3A_176 = arith.cmpi ne, %convert_element_type3A_174, %cond3A_175 : i32
      scf.if %cond3A_176 {
        %dma_wait3A_198 = arith.constant 1 : i32
        %dma_wait3A_199 = arith.constant 0 : i32
        %dma_wait3A_200 = arith.constant 0 : i32
        %dma_wait3A_201 = tpu.memref_slice %arg11[%dma_wait3A_198, %dma_wait3A_199, %dma_wait3A_200] : memref<2x32x384xi32, #tpu.memory_space<vmem>> -> memref<1x32x384xi32, #tpu.memory_space<vmem>>
        %dma_wait3A_202 = tpu.memref_squeeze %dma_wait3A_201 : memref<1x32x384xi32, #tpu.memory_space<vmem>> -> memref<32x384xi32, #tpu.memory_space<vmem>>
        %dma_wait3A_203 = arith.constant 0 : i32
        %dma_wait3A_204 = arith.constant 0 : i32
        %dma_wait3A_205 = tpu.memref_slice %arg6[%dma_wait3A_203, %dma_wait3A_204] : memref<8192x384xi32, #tpu.memory_space<hbm>> -> memref<32x384xi32, #tpu.memory_space<hbm>>
        %dma_wait3A_206 = arith.constant 0 : i32
        %dma_wait3A_207 = arith.constant 0 : i32
        %dma_wait3A_208 = tpu.memref_slice %arg6[%dma_wait3A_206, %dma_wait3A_207] : memref<8192x384xi32, #tpu.memory_space<hbm>> -> memref<32x384xi32, #tpu.memory_space<hbm>>
        %dma_wait3A_209 = arith.constant 0 : i32
        %dma_wait3A_210 = arith.constant 0 : i32
        %dma_wait3A_211 = tpu.memref_slice %arg11[%dma_wait3A_198, %dma_wait3A_209, %dma_wait3A_210] : memref<2x32x384xi32, #tpu.memory_space<vmem>> -> memref<1x32x384xi32, #tpu.memory_space<vmem>>
        %dma_wait3A_212 = tpu.memref_squeeze %dma_wait3A_211 : memref<1x32x384xi32, #tpu.memory_space<vmem>> -> memref<32x384xi32, #tpu.memory_space<vmem>>
        tpu.wait_dma2 semaphore(%arg17 : memref<!tpu.dma_semaphore, #tpu.memory_space<semaphore_mem>>) src(%dma_wait3A_212 : memref<32x384xi32, #tpu.memory_space<vmem>>) dst(%dma_wait3A_208 : memref<32x384xi32, #tpu.memory_space<hbm>>)
      } else {
      }
      %parallel_loop3A_177 = arith.constant 0 : i32
      %parallel_loop3A_178 = arith.constant 32 : i32
      %parallel_loop3A_179 = arith.constant 1 : i32
      scf.for %parallel_loop3A_198 = %parallel_loop3A_177 to %parallel_loop3A_178 step %parallel_loop3A_179  : i32 {
        %parallel_loop3A_199 = arith.constant 1 : i32
        %parallel_loop3A_200 = arith.index_cast %parallel_loop3A_199 : i32 to index
        %parallel_loop3A_201 = arith.index_cast %parallel_loop3A_198 : i32 to index
        %parallel_loop3A_202 = arith.constant 0 : index
        %parallel_loop3A_203 = tpu.vector_load %arg9[%parallel_loop3A_200, %parallel_loop3A_201, %parallel_loop3A_202] {strides = array<i32>} : memref<2x32x768xf32, #tpu.memory_space<vmem>>, vector<1x1x16xf32>,
        %parallel_loop3A_204 = vector.shape_cast %parallel_loop3A_203 : vector<1x1x16xf32> to vector<16xf32>
        %parallel_loop3A_205 = arith.constant 1 : i32
        %parallel_loop3A_206 = arith.index_cast %parallel_loop3A_205 : i32 to index
        %parallel_loop3A_207 = arith.index_cast %parallel_loop3A_198 : i32 to index
        %parallel_loop3A_208 = arith.constant 0 : index
        %parallel_loop3A_209 = tpu.vector_load %arg10[%parallel_loop3A_206, %parallel_loop3A_207, %parallel_loop3A_208] {strides = array<i32>} : memref<2x32x768xf32, #tpu.memory_space<vmem>>, vector<1x1x16xf32>,
        %parallel_loop3A_210 = vector.shape_cast %parallel_loop3A_209 : vector<1x1x16xf32> to vector<16xf32>
        %parallel_loop3A_211 = arith.addf %parallel_loop3A_204, %parallel_loop3A_210 : vector<16xf32>
        %parallel_loop3A_212 = arith.constant 1 : i32
        %parallel_loop3A_213 = arith.index_cast %parallel_loop3A_212 : i32 to index
        %parallel_loop3A_214 = arith.index_cast %parallel_loop3A_198 : i32 to index
        %parallel_loop3A_215 = arith.constant 384 : index
        %parallel_loop3A_216 = tpu.vector_load %arg9[%parallel_loop3A_213, %parallel_loop3A_214, %parallel_loop3A_215] {strides = array<i32>} : memref<2x32x768xf32, #tpu.memory_space<vmem>>, vector<1x1x16xf32>,
        %parallel_loop3A_217 = vector.shape_cast %parallel_loop3A_216 : vector<1x1x16xf32> to vector<16xf32>
        %parallel_loop3A_218 = arith.constant 1 : i32
        %parallel_loop3A_219 = arith.index_cast %parallel_loop3A_218 : i32 to index
        %parallel_loop3A_220 = arith.index_cast %parallel_loop3A_198 : i32 to index
        %parallel_loop3A_221 = arith.constant 384 : index
        %parallel_loop3A_222 = tpu.vector_load %arg10[%parallel_loop3A_219, %parallel_loop3A_220, %parallel_loop3A_221] {strides = array<i32>} : memref<2x32x768xf32, #tpu.memory_space<vmem>>, vector<1x1x16xf32>,
        %parallel_loop3A_223 = vector.shape_cast %parallel_loop3A_222 : vector<1x1x16xf32> to vector<16xf32>
        %parallel_loop3A_224 = arith.addf %parallel_loop3A_217, %parallel_loop3A_223 : vector<16xf32>
        %parallel_loop3A_225 = tpu.bitcast %parallel_loop3A_211 : vector<16xf32> -> vector<16xi32>
        %parallel_loop3A_226 = tpu.bitcast %parallel_loop3A_224 : vector<16xf32> -> vector<16xi32>
        %parallel_loop3A_227 = arith.shrui %parallel_loop3A_225, %broadcast_in_dim3A_5 : vector<16xi32>
        %parallel_loop3A_228 = arith.andi %parallel_loop3A_226, %broadcast_in_dim3A_3 : vector<16xi32>
        %parallel_loop3A_229 = arith.ori %parallel_loop3A_227, %parallel_loop3A_228 : vector<16xi32>
        %parallel_loop3A_230 = arith.constant 1 : i32
        %parallel_loop3A_231 = arith.index_cast %parallel_loop3A_230 : i32 to index
        %parallel_loop3A_232 = arith.index_cast %parallel_loop3A_198 : i32 to index
        %parallel_loop3A_233 = arith.constant 0 : index
        %parallel_loop3A_234 = tpu.vector_load %arg11[%parallel_loop3A_231, %parallel_loop3A_232, %parallel_loop3A_233] {strides = array<i32>} : memref<2x32x384xi32, #tpu.memory_space<vmem>>, vector<1x1x16xi32>,
        %parallel_loop3A_235 = vector.shape_cast %parallel_loop3A_234 : vector<1x1x16xi32> to vector<16xi32>
        %parallel_loop3A_236 = vector.shape_cast %parallel_loop3A_229 : vector<16xi32> to vector<1x1x16xi32>
        tpu.vector_store %arg11[%parallel_loop3A_231, %parallel_loop3A_232, %parallel_loop3A_233], %parallel_loop3A_236 {strides = array<i32>} : memref<2x32x384xi32, #tpu.memory_space<vmem>>, vector<1x1x16xi32>,
        %parallel_loop3A_237 = arith.constant 1 : i32
        %parallel_loop3A_238 = arith.index_cast %parallel_loop3A_237 : i32 to index
        %parallel_loop3A_239 = arith.index_cast %parallel_loop3A_198 : i32 to index
        %parallel_loop3A_240 = arith.constant 16 : index
        %parallel_loop3A_241 = tpu.vector_load %arg9[%parallel_loop3A_238, %parallel_loop3A_239, %parallel_loop3A_240] {strides = array<i32>} : memref<2x32x768xf32, #tpu.memory_space<vmem>>, vector<1x1x16xf32>,
        %parallel_loop3A_242 = vector.shape_cast %parallel_loop3A_241 : vector<1x1x16xf32> to vector<16xf32>
        %parallel_loop3A_243 = arith.constant 1 : i32
        %parallel_loop3A_244 = arith.index_cast %parallel_loop3A_243 : i32 to index
        %parallel_loop3A_245 = arith.index_cast %parallel_loop3A_198 : i32 to index
        %parallel_loop3A_246 = arith.constant 16 : index
        %parallel_loop3A_247 = tpu.vector_load %arg10[%parallel_loop3A_244, %parallel_loop3A_245, %parallel_loop3A_246] {strides = array<i32>} : memref<2x32x768xf32, #tpu.memory_space<vmem>>, vector<1x1x16xf32>,
        %parallel_loop3A_248 = vector.shape_cast %parallel_loop3A_247 : vector<1x1x16xf32> to vector<16xf32>
        %parallel_loop3A_249 = arith.addf %parallel_loop3A_242, %parallel_loop3A_248 : vector<16xf32>
        %parallel_loop3A_250 = arith.constant 1 : i32
        %parallel_loop3A_251 = arith.index_cast %parallel_loop3A_250 : i32 to index
        %parallel_loop3A_252 = arith.index_cast %parallel_loop3A_198 : i32 to index
        %parallel_loop3A_253 = arith.constant 400 : index
        %parallel_loop3A_254 = tpu.vector_load %arg9[%parallel_loop3A_251, %parallel_loop3A_252, %parallel_loop3A_253] {strides = array<i32>} : memref<2x32x768xf32, #tpu.memory_space<vmem>>, vector<1x1x16xf32>,
        %parallel_loop3A_255 = vector.shape_cast %parallel_loop3A_254 : vector<1x1x16xf32> to vector<16xf32>
        %parallel_loop3A_256 = arith.constant 1 : i32
        %parallel_loop3A_257 = arith.index_cast %parallel_loop3A_256 : i32 to index
        %parallel_loop3A_258 = arith.index_cast %parallel_loop3A_198 : i32 to index
        %parallel_loop3A_259 = arith.constant 400 : index
        %parallel_loop3A_260 = tpu.vector_load %arg10[%parallel_loop3A_257, %parallel_loop3A_258, %parallel_loop3A_259] {strides = array<i32>} : memref<2x32x768xf32, #tpu.memory_space<vmem>>, vector<1x1x16xf32>,
        %parallel_loop3A_261 = vector.shape_cast %parallel_loop3A_260 : vector<1x1x16xf32> to vector<16xf32>
        %parallel_loop3A_262 = arith.addf %parallel_loop3A_255, %parallel_loop3A_261 : vector<16xf32>
        %parallel_loop3A_263 = tpu.bitcast %parallel_loop3A_249 : vector<16xf32> -> vector<16xi32>
        %parallel_loop3A_264 = tpu.bitcast %parallel_loop3A_262 : vector<16xf32> -> vector<16xi32>
        %parallel_loop3A_265 = arith.shrui %parallel_loop3A_263, %broadcast_in_dim3A_5 : vector<16xi32>
        %parallel_loop3A_266 = arith.andi %parallel_loop3A_264, %broadcast_in_dim3A_3 : vector<16xi32>
        %parallel_loop3A_267 = arith.ori %parallel_loop3A_265, %parallel_loop3A_266 : vector<16xi32>
        %parallel_loop3A_268 = arith.constant 1 : i32
        %parallel_loop3A_269 = arith.index_cast %parallel_loop3A_268 : i32 to index
        %parallel_loop3A_270 = arith.index_cast %parallel_loop3A_198 : i32 to index
        %parallel_loop3A_271 = arith.constant 16 : index
        %parallel_loop3A_272 = tpu.vector_load %arg11[%parallel_loop3A_269, %parallel_loop3A_270, %parallel_loop3A_271] {strides = array<i32>} : memref<2x32x384xi32, #tpu.memory_space<vmem>>, vector<1x1x16xi32>,
        %parallel_loop3A_273 = vector.shape_cast %parallel_loop3A_272 : vector<1x1x16xi32> to vector<16xi32>
        %parallel_loop3A_274 = vector.shape_cast %parallel_loop3A_267 : vector<16xi32> to vector<1x1x16xi32>
        tpu.vector_store %arg11[%parallel_loop3A_269, %parallel_loop3A_270, %parallel_loop3A_271], %parallel_loop3A_274 {strides = array<i32>} : memref<2x32x384xi32, #tpu.memory_space<vmem>>, vector<1x1x16xi32>,
        %parallel_loop3A_275 = arith.constant 1 : i32
        %parallel_loop3A_276 = arith.index_cast %parallel_loop3A_275 : i32 to index
        %parallel_loop3A_277 = arith.index_cast %parallel_loop3A_198 : i32 to index
        %parallel_loop3A_278 = arith.constant 32 : index
        %parallel_loop3A_279 = tpu.vector_load %arg9[%parallel_loop3A_276, %parallel_loop3A_277, %parallel_loop3A_278] {strides = array<i32>} : memref<2x32x768xf32, #tpu.memory_space<vmem>>, vector<1x1x16xf32>,
        %parallel_loop3A_280 = vector.shape_cast %parallel_loop3A_279 : vector<1x1x16xf32> to vector<16xf32>
        %parallel_loop3A_281 = arith.constant 1 : i32
        %parallel_loop3A_282 = arith.index_cast %parallel_loop3A_281 : i32 to index
        %parallel_loop3A_283 = arith.index_cast %parallel_loop3A_198 : i32 to index
        %parallel_loop3A_284 = arith.constant 32 : index
        %parallel_loop3A_285 = tpu.vector_load %arg10[%parallel_loop3A_282, %parallel_loop3A_283, %parallel_loop3A_284] {strides = array<i32>} : memref<2x32x768xf32, #tpu.memory_space<vmem>>, vector<1x1x16xf32>,
        %parallel_loop3A_286 = vector.shape_cast %parallel_loop3A_285 : vector<1x1x16xf32> to vector<16xf32>
        %parallel_loop3A_287 = arith.addf %parallel_loop3A_280, %parallel_loop3A_286 : vector<16xf32>
        %parallel_loop3A_288 = arith.constant 1 : i32
        %parallel_loop3A_289 = arith.index_cast %parallel_loop3A_288 : i32 to index
        %parallel_loop3A_290 = arith.index_cast %parallel_loop3A_198 : i32 to index
        %parallel_loop3A_291 = arith.constant 416 : index
        %parallel_loop3A_292 = tpu.vector_load %arg9[%parallel_loop3A_289, %parallel_loop3A_290, %parallel_loop3A_291] {strides = array<i32>} : memref<2x32x768xf32, #tpu.memory_space<vmem>>, vector<1x1x16xf32>,
        %parallel_loop3A_293 = vector.shape_cast %parallel_loop3A_292 : vector<1x1x16xf32> to vector<16xf32>
        %parallel_loop3A_294 = arith.constant 1 : i32
        %parallel_loop3A_295 = arith.index_cast %parallel_loop3A_294 : i32 to index
        %parallel_loop3A_296 = arith.index_cast %parallel_loop3A_198 : i32 to index
        %parallel_loop3A_297 = arith.constant 416 : index
        %parallel_loop3A_298 = tpu.vector_load %arg10[%parallel_loop3A_295, %parallel_loop3A_296, %parallel_loop3A_297] {strides = array<i32>} : memref<2x32x768xf32, #tpu.memory_space<vmem>>, vector<1x1x16xf32>,
        %parallel_loop3A_299 = vector.shape_cast %parallel_loop3A_298 : vector<1x1x16xf32> to vector<16xf32>
        %parallel_loop3A_300 = arith.addf %parallel_loop3A_293, %parallel_loop3A_299 : vector<16xf32>
        %parallel_loop3A_301 = tpu.bitcast %parallel_loop3A_287 : vector<16xf32> -> vector<16xi32>
        %parallel_loop3A_302 = tpu.bitcast %parallel_loop3A_300 : vector<16xf32> -> vector<16xi32>
        %parallel_loop3A_303 = arith.shrui %parallel_loop3A_301, %broadcast_in_dim3A_5 : vector<16xi32>
        %parallel_loop3A_304 = arith.andi %parallel_loop3A_302, %broadcast_in_dim3A_3 : vector<16xi32>
        %parallel_loop3A_305 = arith.ori %parallel_loop3A_303, %parallel_loop3A_304 : vector<16xi32>
        %parallel_loop3A_306 = arith.constant 1 : i32
        %parallel_loop3A_307 = arith.index_cast %parallel_loop3A_306 : i32 to index
        %parallel_loop3A_308 = arith.index_cast %parallel_loop3A_198 : i32 to index
        %parallel_loop3A_309 = arith.constant 32 : index
        %parallel_loop3A_310 = tpu.vector_load %arg11[%parallel_loop3A_307, %parallel_loop3A_308, %parallel_loop3A_309] {strides = array<i32>} : memref<2x32x384xi32, #tpu.memory_space<vmem>>, vector<1x1x16xi32>,
        %parallel_loop3A_311 = vector.shape_cast %parallel_loop3A_310 : vector<1x1x16xi32> to vector<16xi32>
        %parallel_loop3A_312 = vector.shape_cast %parallel_loop3A_305 : vector<16xi32> to vector<1x1x16xi32>
        tpu.vector_store %arg11[%parallel_loop3A_307, %parallel_loop3A_308, %parallel_loop3A_309], %parallel_loop3A_312 {strides = array<i32>} : memref<2x32x384xi32, #tpu.memory_space<vmem>>, vector<1x1x16xi32>,
        %parallel_loop3A_313 = arith.constant 1 : i32
        %parallel_loop3A_314 = arith.index_cast %parallel_loop3A_313 : i32 to index
        %parallel_loop3A_315 = arith.index_cast %parallel_loop3A_198 : i32 to index
        %parallel_loop3A_316 = arith.constant 48 : index
        %parallel_loop3A_317 = tpu.vector_load %arg9[%parallel_loop3A_314, %parallel_loop3A_315, %parallel_loop3A_316] {strides = array<i32>} : memref<2x32x768xf32, #tpu.memory_space<vmem>>, vector<1x1x16xf32>,
        %parallel_loop3A_318 = vector.shape_cast %parallel_loop3A_317 : vector<1x1x16xf32> to vector<16xf32>
        %parallel_loop3A_319 = arith.constant 1 : i32
        %parallel_loop3A_320 = arith.index_cast %parallel_loop3A_319 : i32 to index
        %parallel_loop3A_321 = arith.index_cast %parallel_loop3A_198 : i32 to index
        %parallel_loop3A_322 = arith.constant 48 : index
        %parallel_loop3A_323 = tpu.vector_load %arg10[%parallel_loop3A_320, %parallel_loop3A_321, %parallel_loop3A_322] {strides = array<i32>} : memref<2x32x768xf32, #tpu.memory_space<vmem>>, vector<1x1x16xf32>,
        %parallel_loop3A_324 = vector.shape_cast %parallel_loop3A_323 : vector<1x1x16xf32> to vector<16xf32>
        %parallel_loop3A_325 = arith.addf %parallel_loop3A_318, %parallel_loop3A_324 : vector<16xf32>
        %parallel_loop3A_326 = arith.constant 1 : i32
        %parallel_loop3A_327 = arith.index_cast %parallel_loop3A_326 : i32 to index
        %parallel_loop3A_328 = arith.index_cast %parallel_loop3A_198 : i32 to index
        %parallel_loop3A_329 = arith.constant 432 : index
        %parallel_loop3A_330 = tpu.vector_load %arg9[%parallel_loop3A_327, %parallel_loop3A_328, %parallel_loop3A_329] {strides = array<i32>} : memref<2x32x768xf32, #tpu.memory_space<vmem>>, vector<1x1x16xf32>,
        %parallel_loop3A_331 = vector.shape_cast %parallel_loop3A_330 : vector<1x1x16xf32> to vector<16xf32>
        %parallel_loop3A_332 = arith.constant 1 : i32
        %parallel_loop3A_333 = arith.index_cast %parallel_loop3A_332 : i32 to index
        %parallel_loop3A_334 = arith.index_cast %parallel_loop3A_198 : i32 to index
        %parallel_loop3A_335 = arith.constant 432 : index
        %parallel_loop3A_336 = tpu.vector_load %arg10[%parallel_loop3A_333, %parallel_loop3A_334, %parallel_loop3A_335] {strides = array<i32>} : memref<2x32x768xf32, #tpu.memory_space<vmem>>, vector<1x1x16xf32>,
        %parallel_loop3A_337 = vector.shape_cast %parallel_loop3A_336 : vector<1x1x16xf32> to vector<16xf32>
        %parallel_loop3A_338 = arith.addf %parallel_loop3A_331, %parallel_loop3A_337 : vector<16xf32>
        %parallel_loop3A_339 = tpu.bitcast %parallel_loop3A_325 : vector<16xf32> -> vector<16xi32>
        %parallel_loop3A_340 = tpu.bitcast %parallel_loop3A_338 : vector<16xf32> -> vector<16xi32>
        %parallel_loop3A_341 = arith.shrui %parallel_loop3A_339, %broadcast_in_dim3A_5 : vector<16xi32>
        %parallel_loop3A_342 = arith.andi %parallel_loop3A_340, %broadcast_in_dim3A_3 : vector<16xi32>
        %parallel_loop3A_343 = arith.ori %parallel_loop3A_341, %parallel_loop3A_342 : vector<16xi32>
        %parallel_loop3A_344 = arith.constant 1 : i32
        %parallel_loop3A_345 = arith.index_cast %parallel_loop3A_344 : i32 to index
        %parallel_loop3A_346 = arith.index_cast %parallel_loop3A_198 : i32 to index
        %parallel_loop3A_347 = arith.constant 48 : index
        %parallel_loop3A_348 = tpu.vector_load %arg11[%parallel_loop3A_345, %parallel_loop3A_346, %parallel_loop3A_347] {strides = array<i32>} : memref<2x32x384xi32, #tpu.memory_space<vmem>>, vector<1x1x16xi32>,
        %parallel_loop3A_349 = vector.shape_cast %parallel_loop3A_348 : vector<1x1x16xi32> to vector<16xi32>
        %parallel_loop3A_350 = vector.shape_cast %parallel_loop3A_343 : vector<16xi32> to vector<1x1x16xi32>
        tpu.vector_store %arg11[%parallel_loop3A_345, %parallel_loop3A_346, %parallel_loop3A_347], %parallel_loop3A_350 {strides = array<i32>} : memref<2x32x384xi32, #tpu.memory_space<vmem>>, vector<1x1x16xi32>,
        %parallel_loop3A_351 = arith.constant 1 : i32
        %parallel_loop3A_352 = arith.index_cast %parallel_loop3A_351 : i32 to index
        %parallel_loop3A_353 = arith.index_cast %parallel_loop3A_198 : i32 to index
        %parallel_loop3A_354 = arith.constant 64 : index
        %parallel_loop3A_355 = tpu.vector_load %arg9[%parallel_loop3A_352, %parallel_loop3A_353, %parallel_loop3A_354] {strides = array<i32>} : memref<2x32x768xf32, #tpu.memory_space<vmem>>, vector<1x1x16xf32>,
        %parallel_loop3A_356 = vector.shape_cast %parallel_loop3A_355 : vector<1x1x16xf32> to vector<16xf32>
        %parallel_loop3A_357 = arith.constant 1 : i32
        %parallel_loop3A_358 = arith.index_cast %parallel_loop3A_357 : i32 to index
        %parallel_loop3A_359 = arith.index_cast %parallel_loop3A_198 : i32 to index
        %parallel_loop3A_360 = arith.constant 64 : index
        %parallel_loop3A_361 = tpu.vector_load %arg10[%parallel_loop3A_358, %parallel_loop3A_359, %parallel_loop3A_360] {strides = array<i32>} : memref<2x32x768xf32, #tpu.memory_space<vmem>>, vector<1x1x16xf32>,
        %parallel_loop3A_362 = vector.shape_cast %parallel_loop3A_361 : vector<1x1x16xf32> to vector<16xf32>
        %parallel_loop3A_363 = arith.addf %parallel_loop3A_356, %parallel_loop3A_362 : vector<16xf32>
        %parallel_loop3A_364 = arith.constant 1 : i32
        %parallel_loop3A_365 = arith.index_cast %parallel_loop3A_364 : i32 to index
        %parallel_loop3A_366 = arith.index_cast %parallel_loop3A_198 : i32 to index
        %parallel_loop3A_367 = arith.constant 448 : index
        %parallel_loop3A_368 = tpu.vector_load %arg9[%parallel_loop3A_365, %parallel_loop3A_366, %parallel_loop3A_367] {strides = array<i32>} : memref<2x32x768xf32, #tpu.memory_space<vmem>>, vector<1x1x16xf32>,
        %parallel_loop3A_369 = vector.shape_cast %parallel_loop3A_368 : vector<1x1x16xf32> to vector<16xf32>
        %parallel_loop3A_370 = arith.constant 1 : i32
        %parallel_loop3A_371 = arith.index_cast %parallel_loop3A_370 : i32 to index
        %parallel_loop3A_372 = arith.index_cast %parallel_loop3A_198 : i32 to index
        %parallel_loop3A_373 = arith.constant 448 : index
        %parallel_loop3A_374 = tpu.vector_load %arg10[%parallel_loop3A_371, %parallel_loop3A_372, %parallel_loop3A_373] {strides = array<i32>} : memref<2x32x768xf32, #tpu.memory_space<vmem>>, vector<1x1x16xf32>,
        %parallel_loop3A_375 = vector.shape_cast %parallel_loop3A_374 : vector<1x1x16xf32> to vector<16xf32>
        %parallel_loop3A_376 = arith.addf %parallel_loop3A_369, %parallel_loop3A_375 : vector<16xf32>
        %parallel_loop3A_377 = tpu.bitcast %parallel_loop3A_363 : vector<16xf32> -> vector<16xi32>
        %parallel_loop3A_378 = tpu.bitcast %parallel_loop3A_376 : vector<16xf32> -> vector<16xi32>
        %parallel_loop3A_379 = arith.shrui %parallel_loop3A_377, %broadcast_in_dim3A_5 : vector<16xi32>
        %parallel_loop3A_380 = arith.andi %parallel_loop3A_378, %broadcast_in_dim3A_3 : vector<16xi32>
        %parallel_loop3A_381 = arith.ori %parallel_loop3A_379, %parallel_loop3A_380 : vector<16xi32>
        %parallel_loop3A_382 = arith.constant 1 : i32
        %parallel_loop3A_383 = arith.index_cast %parallel_loop3A_382 : i32 to index
        %parallel_loop3A_384 = arith.index_cast %parallel_loop3A_198 : i32 to index
        %parallel_loop3A_385 = arith.constant 64 : index
        %parallel_loop3A_386 = tpu.vector_load %arg11[%parallel_loop3A_383, %parallel_loop3A_384, %parallel_loop3A_385] {strides = array<i32>} : memref<2x32x384xi32, #tpu.memory_space<vmem>>, vector<1x1x16xi32>,
        %parallel_loop3A_387 = vector.shape_cast %parallel_loop3A_386 : vector<1x1x16xi32> to vector<16xi32>
        %parallel_loop3A_388 = vector.shape_cast %parallel_loop3A_381 : vector<16xi32> to vector<1x1x16xi32>
        tpu.vector_store %arg11[%parallel_loop3A_383, %parallel_loop3A_384, %parallel_loop3A_385], %parallel_loop3A_388 {strides = array<i32>} : memref<2x32x384xi32, #tpu.memory_space<vmem>>, vector<1x1x16xi32>,
        %parallel_loop3A_389 = arith.constant 1 : i32
        %parallel_loop3A_390 = arith.index_cast %parallel_loop3A_389 : i32 to index
        %parallel_loop3A_391 = arith.index_cast %parallel_loop3A_198 : i32 to index
        %parallel_loop3A_392 = arith.constant 80 : index
        %parallel_loop3A_393 = tpu.vector_load %arg9[%parallel_loop3A_390, %parallel_loop3A_391, %parallel_loop3A_392] {strides = array<i32>} : memref<2x32x768xf32, #tpu.memory_space<vmem>>, vector<1x1x16xf32>,
        %parallel_loop3A_394 = vector.shape_cast %parallel_loop3A_393 : vector<1x1x16xf32> to vector<16xf32>
        %parallel_loop3A_395 = arith.constant 1 : i32
        %parallel_loop3A_396 = arith.index_cast %parallel_loop3A_395 : i32 to index
        %parallel_loop3A_397 = arith.index_cast %parallel_loop3A_198 : i32 to index
        %parallel_loop3A_398 = arith.constant 80 : index
        %parallel_loop3A_399 = tpu.vector_load %arg10[%parallel_loop3A_396, %parallel_loop3A_397, %parallel_loop3A_398] {strides = array<i32>} : memref<2x32x768xf32, #tpu.memory_space<vmem>>, vector<1x1x16xf32>,
        %parallel_loop3A_400 = vector.shape_cast %parallel_loop3A_399 : vector<1x1x16xf32> to vector<16xf32>
        %parallel_loop3A_401 = arith.addf %parallel_loop3A_394, %parallel_loop3A_400 : vector<16xf32>
        %parallel_loop3A_402 = arith.constant 1 : i32
        %parallel_loop3A_403 = arith.index_cast %parallel_loop3A_402 : i32 to index
        %parallel_loop3A_404 = arith.index_cast %parallel_loop3A_198 : i32 to index
        %parallel_loop3A_405 = arith.constant 464 : index
        %parallel_loop3A_406 = tpu.vector_load %arg9[%parallel_loop3A_403, %parallel_loop3A_404, %parallel_loop3A_405] {strides = array<i32>} : memref<2x32x768xf32, #tpu.memory_space<vmem>>, vector<1x1x16xf32>,
        %parallel_loop3A_407 = vector.shape_cast %parallel_loop3A_406 : vector<1x1x16xf32> to vector<16xf32>
        %parallel_loop3A_408 = arith.constant 1 : i32
        %parallel_loop3A_409 = arith.index_cast %parallel_loop3A_408 : i32 to index
        %parallel_loop3A_410 = arith.index_cast %parallel_loop3A_198 : i32 to index
        %parallel_loop3A_411 = arith.constant 464 : index
        %parallel_loop3A_412 = tpu.vector_load %arg10[%parallel_loop3A_409, %parallel_loop3A_410, %parallel_loop3A_411] {strides = array<i32>} : memref<2x32x768xf32, #tpu.memory_space<vmem>>, vector<1x1x16xf32>,
        %parallel_loop3A_413 = vector.shape_cast %parallel_loop3A_412 : vector<1x1x16xf32> to vector<16xf32>
        %parallel_loop3A_414 = arith.addf %parallel_loop3A_407, %parallel_loop3A_413 : vector<16xf32>
        %parallel_loop3A_415 = tpu.bitcast %parallel_loop3A_401 : vector<16xf32> -> vector<16xi32>
        %parallel_loop3A_416 = tpu.bitcast %parallel_loop3A_414 : vector<16xf32> -> vector<16xi32>
        %parallel_loop3A_417 = arith.shrui %parallel_loop3A_415, %broadcast_in_dim3A_5 : vector<16xi32>
        %parallel_loop3A_418 = arith.andi %parallel_loop3A_416, %broadcast_in_dim3A_3 : vector<16xi32>
        %parallel_loop3A_419 = arith.ori %parallel_loop3A_417, %parallel_loop3A_418 : vector<16xi32>
        %parallel_loop3A_420 = arith.constant 1 : i32
        %parallel_loop3A_421 = arith.index_cast %parallel_loop3A_420 : i32 to index
        %parallel_loop3A_422 = arith.index_cast %parallel_loop3A_198 : i32 to index
        %parallel_loop3A_423 = arith.constant 80 : index
        %parallel_loop3A_424 = tpu.vector_load %arg11[%parallel_loop3A_421, %parallel_loop3A_422, %parallel_loop3A_423] {strides = array<i32>} : memref<2x32x384xi32, #tpu.memory_space<vmem>>, vector<1x1x16xi32>,
        %parallel_loop3A_425 = vector.shape_cast %parallel_loop3A_424 : vector<1x1x16xi32> to vector<16xi32>
        %parallel_loop3A_426 = vector.shape_cast %parallel_loop3A_419 : vector<16xi32> to vector<1x1x16xi32>
        tpu.vector_store %arg11[%parallel_loop3A_421, %parallel_loop3A_422, %parallel_loop3A_423], %parallel_loop3A_426 {strides = array<i32>} : memref<2x32x384xi32, #tpu.memory_space<vmem>>, vector<1x1x16xi32>,
        %parallel_loop3A_427 = arith.constant 1 : i32
        %parallel_loop3A_428 = arith.index_cast %parallel_loop3A_427 : i32 to index
        %parallel_loop3A_429 = arith.index_cast %parallel_loop3A_198 : i32 to index
        %parallel_loop3A_430 = arith.constant 96 : index
        %parallel_loop3A_431 = tpu.vector_load %arg9[%parallel_loop3A_428, %parallel_loop3A_429, %parallel_loop3A_430] {strides = array<i32>} : memref<2x32x768xf32, #tpu.memory_space<vmem>>, vector<1x1x16xf32>,
        %parallel_loop3A_432 = vector.shape_cast %parallel_loop3A_431 : vector<1x1x16xf32> to vector<16xf32>
        %parallel_loop3A_433 = arith.constant 1 : i32
        %parallel_loop3A_434 = arith.index_cast %parallel_loop3A_433 : i32 to index
        %parallel_loop3A_435 = arith.index_cast %parallel_loop3A_198 : i32 to index
        %parallel_loop3A_436 = arith.constant 96 : index
        %parallel_loop3A_437 = tpu.vector_load %arg10[%parallel_loop3A_434, %parallel_loop3A_435, %parallel_loop3A_436] {strides = array<i32>} : memref<2x32x768xf32, #tpu.memory_space<vmem>>, vector<1x1x16xf32>,
        %parallel_loop3A_438 = vector.shape_cast %parallel_loop3A_437 : vector<1x1x16xf32> to vector<16xf32>
        %parallel_loop3A_439 = arith.addf %parallel_loop3A_432, %parallel_loop3A_438 : vector<16xf32>
        %parallel_loop3A_440 = arith.constant 1 : i32
        %parallel_loop3A_441 = arith.index_cast %parallel_loop3A_440 : i32 to index
        %parallel_loop3A_442 = arith.index_cast %parallel_loop3A_198 : i32 to index
        %parallel_loop3A_443 = arith.constant 480 : index
        %parallel_loop3A_444 = tpu.vector_load %arg9[%parallel_loop3A_441, %parallel_loop3A_442, %parallel_loop3A_443] {strides = array<i32>} : memref<2x32x768xf32, #tpu.memory_space<vmem>>, vector<1x1x16xf32>,
        %parallel_loop3A_445 = vector.shape_cast %parallel_loop3A_444 : vector<1x1x16xf32> to vector<16xf32>
        %parallel_loop3A_446 = arith.constant 1 : i32
        %parallel_loop3A_447 = arith.index_cast %parallel_loop3A_446 : i32 to index
        %parallel_loop3A_448 = arith.index_cast %parallel_loop3A_198 : i32 to index
        %parallel_loop3A_449 = arith.constant 480 : index
        %parallel_loop3A_450 = tpu.vector_load %arg10[%parallel_loop3A_447, %parallel_loop3A_448, %parallel_loop3A_449] {strides = array<i32>} : memref<2x32x768xf32, #tpu.memory_space<vmem>>, vector<1x1x16xf32>,
        %parallel_loop3A_451 = vector.shape_cast %parallel_loop3A_450 : vector<1x1x16xf32> to vector<16xf32>
        %parallel_loop3A_452 = arith.addf %parallel_loop3A_445, %parallel_loop3A_451 : vector<16xf32>
        %parallel_loop3A_453 = tpu.bitcast %parallel_loop3A_439 : vector<16xf32> -> vector<16xi32>
        %parallel_loop3A_454 = tpu.bitcast %parallel_loop3A_452 : vector<16xf32> -> vector<16xi32>
        %parallel_loop3A_455 = arith.shrui %parallel_loop3A_453, %broadcast_in_dim3A_5 : vector<16xi32>
        %parallel_loop3A_456 = arith.andi %parallel_loop3A_454, %broadcast_in_dim3A_3 : vector<16xi32>
        %parallel_loop3A_457 = arith.ori %parallel_loop3A_455, %parallel_loop3A_456 : vector<16xi32>
        %parallel_loop3A_458 = arith.constant 1 : i32
        %parallel_loop3A_459 = arith.index_cast %parallel_loop3A_458 : i32 to index
        %parallel_loop3A_460 = arith.index_cast %parallel_loop3A_198 : i32 to index
        %parallel_loop3A_461 = arith.constant 96 : index
        %parallel_loop3A_462 = tpu.vector_load %arg11[%parallel_loop3A_459, %parallel_loop3A_460, %parallel_loop3A_461] {strides = array<i32>} : memref<2x32x384xi32, #tpu.memory_space<vmem>>, vector<1x1x16xi32>,
        %parallel_loop3A_463 = vector.shape_cast %parallel_loop3A_462 : vector<1x1x16xi32> to vector<16xi32>
        %parallel_loop3A_464 = vector.shape_cast %parallel_loop3A_457 : vector<16xi32> to vector<1x1x16xi32>
        tpu.vector_store %arg11[%parallel_loop3A_459, %parallel_loop3A_460, %parallel_loop3A_461], %parallel_loop3A_464 {strides = array<i32>} : memref<2x32x384xi32, #tpu.memory_space<vmem>>, vector<1x1x16xi32>,
        %parallel_loop3A_465 = arith.constant 1 : i32
        %parallel_loop3A_466 = arith.index_cast %parallel_loop3A_465 : i32 to index
        %parallel_loop3A_467 = arith.index_cast %parallel_loop3A_198 : i32 to index
        %parallel_loop3A_468 = arith.constant 112 : index
        %parallel_loop3A_469 = tpu.vector_load %arg9[%parallel_loop3A_466, %parallel_loop3A_467, %parallel_loop3A_468] {strides = array<i32>} : memref<2x32x768xf32, #tpu.memory_space<vmem>>, vector<1x1x16xf32>,
        %parallel_loop3A_470 = vector.shape_cast %parallel_loop3A_469 : vector<1x1x16xf32> to vector<16xf32>
        %parallel_loop3A_471 = arith.constant 1 : i32
        %parallel_loop3A_472 = arith.index_cast %parallel_loop3A_471 : i32 to index
        %parallel_loop3A_473 = arith.index_cast %parallel_loop3A_198 : i32 to index
        %parallel_loop3A_474 = arith.constant 112 : index
        %parallel_loop3A_475 = tpu.vector_load %arg10[%parallel_loop3A_472, %parallel_loop3A_473, %parallel_loop3A_474] {strides = array<i32>} : memref<2x32x768xf32, #tpu.memory_space<vmem>>, vector<1x1x16xf32>,
        %parallel_loop3A_476 = vector.shape_cast %parallel_loop3A_475 : vector<1x1x16xf32> to vector<16xf32>
        %parallel_loop3A_477 = arith.addf %parallel_loop3A_470, %parallel_loop3A_476 : vector<16xf32>
        %parallel_loop3A_478 = arith.constant 1 : i32
        %parallel_loop3A_479 = arith.index_cast %parallel_loop3A_478 : i32 to index
        %parallel_loop3A_480 = arith.index_cast %parallel_loop3A_198 : i32 to index
        %parallel_loop3A_481 = arith.constant 496 : index
        %parallel_loop3A_482 = tpu.vector_load %arg9[%parallel_loop3A_479, %parallel_loop3A_480, %parallel_loop3A_481] {strides = array<i32>} : memref<2x32x768xf32, #tpu.memory_space<vmem>>, vector<1x1x16xf32>,
        %parallel_loop3A_483 = vector.shape_cast %parallel_loop3A_482 : vector<1x1x16xf32> to vector<16xf32>
        %parallel_loop3A_484 = arith.constant 1 : i32
        %parallel_loop3A_485 = arith.index_cast %parallel_loop3A_484 : i32 to index
        %parallel_loop3A_486 = arith.index_cast %parallel_loop3A_198 : i32 to index
        %parallel_loop3A_487 = arith.constant 496 : index
        %parallel_loop3A_488 = tpu.vector_load %arg10[%parallel_loop3A_485, %parallel_loop3A_486, %parallel_loop3A_487] {strides = array<i32>} : memref<2x32x768xf32, #tpu.memory_space<vmem>>, vector<1x1x16xf32>,
        %parallel_loop3A_489 = vector.shape_cast %parallel_loop3A_488 : vector<1x1x16xf32> to vector<16xf32>
        %parallel_loop3A_490 = arith.addf %parallel_loop3A_483, %parallel_loop3A_489 : vector<16xf32>
        %parallel_loop3A_491 = tpu.bitcast %parallel_loop3A_477 : vector<16xf32> -> vector<16xi32>
        %parallel_loop3A_492 = tpu.bitcast %parallel_loop3A_490 : vector<16xf32> -> vector<16xi32>
        %parallel_loop3A_493 = arith.shrui %parallel_loop3A_491, %broadcast_in_dim3A_5 : vector<16xi32>
        %parallel_loop3A_494 = arith.andi %parallel_loop3A_492, %broadcast_in_dim3A_3 : vector<16xi32>
        %parallel_loop3A_495 = arith.ori %parallel_loop3A_493, %parallel_loop3A_494 : vector<16xi32>
        %parallel_loop3A_496 = arith.constant 1 : i32
        %parallel_loop3A_497 = arith.index_cast %parallel_loop3A_496 : i32 to index
        %parallel_loop3A_498 = arith.index_cast %parallel_loop3A_198 : i32 to index
        %parallel_loop3A_499 = arith.constant 112 : index
        %parallel_loop3A_500 = tpu.vector_load %arg11[%parallel_loop3A_497, %parallel_loop3A_498, %parallel_loop3A_499] {strides = array<i32>} : memref<2x32x384xi32, #tpu.memory_space<vmem>>, vector<1x1x16xi32>,
        %parallel_loop3A_501 = vector.shape_cast %parallel_loop3A_500 : vector<1x1x16xi32> to vector<16xi32>
        %parallel_loop3A_502 = vector.shape_cast %parallel_loop3A_495 : vector<16xi32> to vector<1x1x16xi32>
        tpu.vector_store %arg11[%parallel_loop3A_497, %parallel_loop3A_498, %parallel_loop3A_499], %parallel_loop3A_502 {strides = array<i32>} : memref<2x32x384xi32, #tpu.memory_space<vmem>>, vector<1x1x16xi32>,
        %parallel_loop3A_503 = arith.constant 1 : i32
        %parallel_loop3A_504 = arith.index_cast %parallel_loop3A_503 : i32 to index
        %parallel_loop3A_505 = arith.index_cast %parallel_loop3A_198 : i32 to index
        %parallel_loop3A_506 = arith.constant 128 : index
        %parallel_loop3A_507 = tpu.vector_load %arg9[%parallel_loop3A_504, %parallel_loop3A_505, %parallel_loop3A_506] {strides = array<i32>} : memref<2x32x768xf32, #tpu.memory_space<vmem>>, vector<1x1x16xf32>,
        %parallel_loop3A_508 = vector.shape_cast %parallel_loop3A_507 : vector<1x1x16xf32> to vector<16xf32>
        %parallel_loop3A_509 = arith.constant 1 : i32
        %parallel_loop3A_510 = arith.index_cast %parallel_loop3A_509 : i32 to index
        %parallel_loop3A_511 = arith.index_cast %parallel_loop3A_198 : i32 to index
        %parallel_loop3A_512 = arith.constant 128 : index
        %parallel_loop3A_513 = tpu.vector_load %arg10[%parallel_loop3A_510, %parallel_loop3A_511, %parallel_loop3A_512] {strides = array<i32>} : memref<2x32x768xf32, #tpu.memory_space<vmem>>, vector<1x1x16xf32>,
        %parallel_loop3A_514 = vector.shape_cast %parallel_loop3A_513 : vector<1x1x16xf32> to vector<16xf32>
        %parallel_loop3A_515 = arith.addf %parallel_loop3A_508, %parallel_loop3A_514 : vector<16xf32>
        %parallel_loop3A_516 = arith.constant 1 : i32
        %parallel_loop3A_517 = arith.index_cast %parallel_loop3A_516 : i32 to index
        %parallel_loop3A_518 = arith.index_cast %parallel_loop3A_198 : i32 to index
        %parallel_loop3A_519 = arith.constant 512 : index
        %parallel_loop3A_520 = tpu.vector_load %arg9[%parallel_loop3A_517, %parallel_loop3A_518, %parallel_loop3A_519] {strides = array<i32>} : memref<2x32x768xf32, #tpu.memory_space<vmem>>, vector<1x1x16xf32>,
        %parallel_loop3A_521 = vector.shape_cast %parallel_loop3A_520 : vector<1x1x16xf32> to vector<16xf32>
        %parallel_loop3A_522 = arith.constant 1 : i32
        %parallel_loop3A_523 = arith.index_cast %parallel_loop3A_522 : i32 to index
        %parallel_loop3A_524 = arith.index_cast %parallel_loop3A_198 : i32 to index
        %parallel_loop3A_525 = arith.constant 512 : index
        %parallel_loop3A_526 = tpu.vector_load %arg10[%parallel_loop3A_523, %parallel_loop3A_524, %parallel_loop3A_525] {strides = array<i32>} : memref<2x32x768xf32, #tpu.memory_space<vmem>>, vector<1x1x16xf32>,
        %parallel_loop3A_527 = vector.shape_cast %parallel_loop3A_526 : vector<1x1x16xf32> to vector<16xf32>
        %parallel_loop3A_528 = arith.addf %parallel_loop3A_521, %parallel_loop3A_527 : vector<16xf32>
        %parallel_loop3A_529 = tpu.bitcast %parallel_loop3A_515 : vector<16xf32> -> vector<16xi32>
        %parallel_loop3A_530 = tpu.bitcast %parallel_loop3A_528 : vector<16xf32> -> vector<16xi32>
        %parallel_loop3A_531 = arith.shrui %parallel_loop3A_529, %broadcast_in_dim3A_5 : vector<16xi32>
        %parallel_loop3A_532 = arith.andi %parallel_loop3A_530, %broadcast_in_dim3A_3 : vector<16xi32>
        %parallel_loop3A_533 = arith.ori %parallel_loop3A_531, %parallel_loop3A_532 : vector<16xi32>
        %parallel_loop3A_534 = arith.constant 1 : i32
        %parallel_loop3A_535 = arith.index_cast %parallel_loop3A_534 : i32 to index
        %parallel_loop3A_536 = arith.index_cast %parallel_loop3A_198 : i32 to index
        %parallel_loop3A_537 = arith.constant 128 : index
        %parallel_loop3A_538 = tpu.vector_load %arg11[%parallel_loop3A_535, %parallel_loop3A_536, %parallel_loop3A_537] {strides = array<i32>} : memref<2x32x384xi32, #tpu.memory_space<vmem>>, vector<1x1x16xi32>,
        %parallel_loop3A_539 = vector.shape_cast %parallel_loop3A_538 : vector<1x1x16xi32> to vector<16xi32>
        %parallel_loop3A_540 = vector.shape_cast %parallel_loop3A_533 : vector<16xi32> to vector<1x1x16xi32>
        tpu.vector_store %arg11[%parallel_loop3A_535, %parallel_loop3A_536, %parallel_loop3A_537], %parallel_loop3A_540 {strides = array<i32>} : memref<2x32x384xi32, #tpu.memory_space<vmem>>, vector<1x1x16xi32>,
        %parallel_loop3A_541 = arith.constant 1 : i32
        %parallel_loop3A_542 = arith.index_cast %parallel_loop3A_541 : i32 to index
        %parallel_loop3A_543 = arith.index_cast %parallel_loop3A_198 : i32 to index
        %parallel_loop3A_544 = arith.constant 144 : index
        %parallel_loop3A_545 = tpu.vector_load %arg9[%parallel_loop3A_542, %parallel_loop3A_543, %parallel_loop3A_544] {strides = array<i32>} : memref<2x32x768xf32, #tpu.memory_space<vmem>>, vector<1x1x16xf32>,
        %parallel_loop3A_546 = vector.shape_cast %parallel_loop3A_545 : vector<1x1x16xf32> to vector<16xf32>
        %parallel_loop3A_547 = arith.constant 1 : i32
        %parallel_loop3A_548 = arith.index_cast %parallel_loop3A_547 : i32 to index
        %parallel_loop3A_549 = arith.index_cast %parallel_loop3A_198 : i32 to index
        %parallel_loop3A_550 = arith.constant 144 : index
        %parallel_loop3A_551 = tpu.vector_load %arg10[%parallel_loop3A_548, %parallel_loop3A_549, %parallel_loop3A_550] {strides = array<i32>} : memref<2x32x768xf32, #tpu.memory_space<vmem>>, vector<1x1x16xf32>,
        %parallel_loop3A_552 = vector.shape_cast %parallel_loop3A_551 : vector<1x1x16xf32> to vector<16xf32>
        %parallel_loop3A_553 = arith.addf %parallel_loop3A_546, %parallel_loop3A_552 : vector<16xf32>
        %parallel_loop3A_554 = arith.constant 1 : i32
        %parallel_loop3A_555 = arith.index_cast %parallel_loop3A_554 : i32 to index
        %parallel_loop3A_556 = arith.index_cast %parallel_loop3A_198 : i32 to index
        %parallel_loop3A_557 = arith.constant 528 : index
        %parallel_loop3A_558 = tpu.vector_load %arg9[%parallel_loop3A_555, %parallel_loop3A_556, %parallel_loop3A_557] {strides = array<i32>} : memref<2x32x768xf32, #tpu.memory_space<vmem>>, vector<1x1x16xf32>,
        %parallel_loop3A_559 = vector.shape_cast %parallel_loop3A_558 : vector<1x1x16xf32> to vector<16xf32>
        %parallel_loop3A_560 = arith.constant 1 : i32
        %parallel_loop3A_561 = arith.index_cast %parallel_loop3A_560 : i32 to index
        %parallel_loop3A_562 = arith.index_cast %parallel_loop3A_198 : i32 to index
        %parallel_loop3A_563 = arith.constant 528 : index
        %parallel_loop3A_564 = tpu.vector_load %arg10[%parallel_loop3A_561, %parallel_loop3A_562, %parallel_loop3A_563] {strides = array<i32>} : memref<2x32x768xf32, #tpu.memory_space<vmem>>, vector<1x1x16xf32>,
        %parallel_loop3A_565 = vector.shape_cast %parallel_loop3A_564 : vector<1x1x16xf32> to vector<16xf32>
        %parallel_loop3A_566 = arith.addf %parallel_loop3A_559, %parallel_loop3A_565 : vector<16xf32>
        %parallel_loop3A_567 = tpu.bitcast %parallel_loop3A_553 : vector<16xf32> -> vector<16xi32>
        %parallel_loop3A_568 = tpu.bitcast %parallel_loop3A_566 : vector<16xf32> -> vector<16xi32>
        %parallel_loop3A_569 = arith.shrui %parallel_loop3A_567, %broadcast_in_dim3A_5 : vector<16xi32>
        %parallel_loop3A_570 = arith.andi %parallel_loop3A_568, %broadcast_in_dim3A_3 : vector<16xi32>
        %parallel_loop3A_571 = arith.ori %parallel_loop3A_569, %parallel_loop3A_570 : vector<16xi32>
        %parallel_loop3A_572 = arith.constant 1 : i32
        %parallel_loop3A_573 = arith.index_cast %parallel_loop3A_572 : i32 to index
        %parallel_loop3A_574 = arith.index_cast %parallel_loop3A_198 : i32 to index
        %parallel_loop3A_575 = arith.constant 144 : index
        %parallel_loop3A_576 = tpu.vector_load %arg11[%parallel_loop3A_573, %parallel_loop3A_574, %parallel_loop3A_575] {strides = array<i32>} : memref<2x32x384xi32, #tpu.memory_space<vmem>>, vector<1x1x16xi32>,
        %parallel_loop3A_577 = vector.shape_cast %parallel_loop3A_576 : vector<1x1x16xi32> to vector<16xi32>
        %parallel_loop3A_578 = vector.shape_cast %parallel_loop3A_571 : vector<16xi32> to vector<1x1x16xi32>
        tpu.vector_store %arg11[%parallel_loop3A_573, %parallel_loop3A_574, %parallel_loop3A_575], %parallel_loop3A_578 {strides = array<i32>} : memref<2x32x384xi32, #tpu.memory_space<vmem>>, vector<1x1x16xi32>,
        %parallel_loop3A_579 = arith.constant 1 : i32
        %parallel_loop3A_580 = arith.index_cast %parallel_loop3A_579 : i32 to index
        %parallel_loop3A_581 = arith.index_cast %parallel_loop3A_198 : i32 to index
        %parallel_loop3A_582 = arith.constant 160 : index
        %parallel_loop3A_583 = tpu.vector_load %arg9[%parallel_loop3A_580, %parallel_loop3A_581, %parallel_loop3A_582] {strides = array<i32>} : memref<2x32x768xf32, #tpu.memory_space<vmem>>, vector<1x1x16xf32>,
        %parallel_loop3A_584 = vector.shape_cast %parallel_loop3A_583 : vector<1x1x16xf32> to vector<16xf32>
        %parallel_loop3A_585 = arith.constant 1 : i32
        %parallel_loop3A_586 = arith.index_cast %parallel_loop3A_585 : i32 to index
        %parallel_loop3A_587 = arith.index_cast %parallel_loop3A_198 : i32 to index
        %parallel_loop3A_588 = arith.constant 160 : index
        %parallel_loop3A_589 = tpu.vector_load %arg10[%parallel_loop3A_586, %parallel_loop3A_587, %parallel_loop3A_588] {strides = array<i32>} : memref<2x32x768xf32, #tpu.memory_space<vmem>>, vector<1x1x16xf32>,
        %parallel_loop3A_590 = vector.shape_cast %parallel_loop3A_589 : vector<1x1x16xf32> to vector<16xf32>
        %parallel_loop3A_591 = arith.addf %parallel_loop3A_584, %parallel_loop3A_590 : vector<16xf32>
        %parallel_loop3A_592 = arith.constant 1 : i32
        %parallel_loop3A_593 = arith.index_cast %parallel_loop3A_592 : i32 to index
        %parallel_loop3A_594 = arith.index_cast %parallel_loop3A_198 : i32 to index
        %parallel_loop3A_595 = arith.constant 544 : index
        %parallel_loop3A_596 = tpu.vector_load %arg9[%parallel_loop3A_593, %parallel_loop3A_594, %parallel_loop3A_595] {strides = array<i32>} : memref<2x32x768xf32, #tpu.memory_space<vmem>>, vector<1x1x16xf32>,
        %parallel_loop3A_597 = vector.shape_cast %parallel_loop3A_596 : vector<1x1x16xf32> to vector<16xf32>
        %parallel_loop3A_598 = arith.constant 1 : i32
        %parallel_loop3A_599 = arith.index_cast %parallel_loop3A_598 : i32 to index
        %parallel_loop3A_600 = arith.index_cast %parallel_loop3A_198 : i32 to index
        %parallel_loop3A_601 = arith.constant 544 : index
        %parallel_loop3A_602 = tpu.vector_load %arg10[%parallel_loop3A_599, %parallel_loop3A_600, %parallel_loop3A_601] {strides = array<i32>} : memref<2x32x768xf32, #tpu.memory_space<vmem>>, vector<1x1x16xf32>,
        %parallel_loop3A_603 = vector.shape_cast %parallel_loop3A_602 : vector<1x1x16xf32> to vector<16xf32>
        %parallel_loop3A_604 = arith.addf %parallel_loop3A_597, %parallel_loop3A_603 : vector<16xf32>
        %parallel_loop3A_605 = tpu.bitcast %parallel_loop3A_591 : vector<16xf32> -> vector<16xi32>
        %parallel_loop3A_606 = tpu.bitcast %parallel_loop3A_604 : vector<16xf32> -> vector<16xi32>
        %parallel_loop3A_607 = arith.shrui %parallel_loop3A_605, %broadcast_in_dim3A_5 : vector<16xi32>
        %parallel_loop3A_608 = arith.andi %parallel_loop3A_606, %broadcast_in_dim3A_3 : vector<16xi32>
        %parallel_loop3A_609 = arith.ori %parallel_loop3A_607, %parallel_loop3A_608 : vector<16xi32>
        %parallel_loop3A_610 = arith.constant 1 : i32
        %parallel_loop3A_611 = arith.index_cast %parallel_loop3A_610 : i32 to index
        %parallel_loop3A_612 = arith.index_cast %parallel_loop3A_198 : i32 to index
        %parallel_loop3A_613 = arith.constant 160 : index
        %parallel_loop3A_614 = tpu.vector_load %arg11[%parallel_loop3A_611, %parallel_loop3A_612, %parallel_loop3A_613] {strides = array<i32>} : memref<2x32x384xi32, #tpu.memory_space<vmem>>, vector<1x1x16xi32>,
        %parallel_loop3A_615 = vector.shape_cast %parallel_loop3A_614 : vector<1x1x16xi32> to vector<16xi32>
        %parallel_loop3A_616 = vector.shape_cast %parallel_loop3A_609 : vector<16xi32> to vector<1x1x16xi32>
        tpu.vector_store %arg11[%parallel_loop3A_611, %parallel_loop3A_612, %parallel_loop3A_613], %parallel_loop3A_616 {strides = array<i32>} : memref<2x32x384xi32, #tpu.memory_space<vmem>>, vector<1x1x16xi32>,
        %parallel_loop3A_617 = arith.constant 1 : i32
        %parallel_loop3A_618 = arith.index_cast %parallel_loop3A_617 : i32 to index
        %parallel_loop3A_619 = arith.index_cast %parallel_loop3A_198 : i32 to index
        %parallel_loop3A_620 = arith.constant 176 : index
        %parallel_loop3A_621 = tpu.vector_load %arg9[%parallel_loop3A_618, %parallel_loop3A_619, %parallel_loop3A_620] {strides = array<i32>} : memref<2x32x768xf32, #tpu.memory_space<vmem>>, vector<1x1x16xf32>,
        %parallel_loop3A_622 = vector.shape_cast %parallel_loop3A_621 : vector<1x1x16xf32> to vector<16xf32>
        %parallel_loop3A_623 = arith.constant 1 : i32
        %parallel_loop3A_624 = arith.index_cast %parallel_loop3A_623 : i32 to index
        %parallel_loop3A_625 = arith.index_cast %parallel_loop3A_198 : i32 to index
        %parallel_loop3A_626 = arith.constant 176 : index
        %parallel_loop3A_627 = tpu.vector_load %arg10[%parallel_loop3A_624, %parallel_loop3A_625, %parallel_loop3A_626] {strides = array<i32>} : memref<2x32x768xf32, #tpu.memory_space<vmem>>, vector<1x1x16xf32>,
        %parallel_loop3A_628 = vector.shape_cast %parallel_loop3A_627 : vector<1x1x16xf32> to vector<16xf32>
        %parallel_loop3A_629 = arith.addf %parallel_loop3A_622, %parallel_loop3A_628 : vector<16xf32>
        %parallel_loop3A_630 = arith.constant 1 : i32
        %parallel_loop3A_631 = arith.index_cast %parallel_loop3A_630 : i32 to index
        %parallel_loop3A_632 = arith.index_cast %parallel_loop3A_198 : i32 to index
        %parallel_loop3A_633 = arith.constant 560 : index
        %parallel_loop3A_634 = tpu.vector_load %arg9[%parallel_loop3A_631, %parallel_loop3A_632, %parallel_loop3A_633] {strides = array<i32>} : memref<2x32x768xf32, #tpu.memory_space<vmem>>, vector<1x1x16xf32>,
        %parallel_loop3A_635 = vector.shape_cast %parallel_loop3A_634 : vector<1x1x16xf32> to vector<16xf32>
        %parallel_loop3A_636 = arith.constant 1 : i32
        %parallel_loop3A_637 = arith.index_cast %parallel_loop3A_636 : i32 to index
        %parallel_loop3A_638 = arith.index_cast %parallel_loop3A_198 : i32 to index
        %parallel_loop3A_639 = arith.constant 560 : index
        %parallel_loop3A_640 = tpu.vector_load %arg10[%parallel_loop3A_637, %parallel_loop3A_638, %parallel_loop3A_639] {strides = array<i32>} : memref<2x32x768xf32, #tpu.memory_space<vmem>>, vector<1x1x16xf32>,
        %parallel_loop3A_641 = vector.shape_cast %parallel_loop3A_640 : vector<1x1x16xf32> to vector<16xf32>
        %parallel_loop3A_642 = arith.addf %parallel_loop3A_635, %parallel_loop3A_641 : vector<16xf32>
        %parallel_loop3A_643 = tpu.bitcast %parallel_loop3A_629 : vector<16xf32> -> vector<16xi32>
        %parallel_loop3A_644 = tpu.bitcast %parallel_loop3A_642 : vector<16xf32> -> vector<16xi32>
        %parallel_loop3A_645 = arith.shrui %parallel_loop3A_643, %broadcast_in_dim3A_5 : vector<16xi32>
        %parallel_loop3A_646 = arith.andi %parallel_loop3A_644, %broadcast_in_dim3A_3 : vector<16xi32>
        %parallel_loop3A_647 = arith.ori %parallel_loop3A_645, %parallel_loop3A_646 : vector<16xi32>
        %parallel_loop3A_648 = arith.constant 1 : i32
        %parallel_loop3A_649 = arith.index_cast %parallel_loop3A_648 : i32 to index
        %parallel_loop3A_650 = arith.index_cast %parallel_loop3A_198 : i32 to index
        %parallel_loop3A_651 = arith.constant 176 : index
        %parallel_loop3A_652 = tpu.vector_load %arg11[%parallel_loop3A_649, %parallel_loop3A_650, %parallel_loop3A_651] {strides = array<i32>} : memref<2x32x384xi32, #tpu.memory_space<vmem>>, vector<1x1x16xi32>,
        %parallel_loop3A_653 = vector.shape_cast %parallel_loop3A_652 : vector<1x1x16xi32> to vector<16xi32>
        %parallel_loop3A_654 = vector.shape_cast %parallel_loop3A_647 : vector<16xi32> to vector<1x1x16xi32>
        tpu.vector_store %arg11[%parallel_loop3A_649, %parallel_loop3A_650, %parallel_loop3A_651], %parallel_loop3A_654 {strides = array<i32>} : memref<2x32x384xi32, #tpu.memory_space<vmem>>, vector<1x1x16xi32>,
        %parallel_loop3A_655 = arith.constant 1 : i32
        %parallel_loop3A_656 = arith.index_cast %parallel_loop3A_655 : i32 to index
        %parallel_loop3A_657 = arith.index_cast %parallel_loop3A_198 : i32 to index
        %parallel_loop3A_658 = arith.constant 192 : index
        %parallel_loop3A_659 = tpu.vector_load %arg9[%parallel_loop3A_656, %parallel_loop3A_657, %parallel_loop3A_658] {strides = array<i32>} : memref<2x32x768xf32, #tpu.memory_space<vmem>>, vector<1x1x16xf32>,
        %parallel_loop3A_660 = vector.shape_cast %parallel_loop3A_659 : vector<1x1x16xf32> to vector<16xf32>
        %parallel_loop3A_661 = arith.constant 1 : i32
        %parallel_loop3A_662 = arith.index_cast %parallel_loop3A_661 : i32 to index
        %parallel_loop3A_663 = arith.index_cast %parallel_loop3A_198 : i32 to index
        %parallel_loop3A_664 = arith.constant 192 : index
        %parallel_loop3A_665 = tpu.vector_load %arg10[%parallel_loop3A_662, %parallel_loop3A_663, %parallel_loop3A_664] {strides = array<i32>} : memref<2x32x768xf32, #tpu.memory_space<vmem>>, vector<1x1x16xf32>,
        %parallel_loop3A_666 = vector.shape_cast %parallel_loop3A_665 : vector<1x1x16xf32> to vector<16xf32>
        %parallel_loop3A_667 = arith.addf %parallel_loop3A_660, %parallel_loop3A_666 : vector<16xf32>
        %parallel_loop3A_668 = arith.constant 1 : i32
        %parallel_loop3A_669 = arith.index_cast %parallel_loop3A_668 : i32 to index
        %parallel_loop3A_670 = arith.index_cast %parallel_loop3A_198 : i32 to index
        %parallel_loop3A_671 = arith.constant 576 : index
        %parallel_loop3A_672 = tpu.vector_load %arg9[%parallel_loop3A_669, %parallel_loop3A_670, %parallel_loop3A_671] {strides = array<i32>} : memref<2x32x768xf32, #tpu.memory_space<vmem>>, vector<1x1x16xf32>,
        %parallel_loop3A_673 = vector.shape_cast %parallel_loop3A_672 : vector<1x1x16xf32> to vector<16xf32>
        %parallel_loop3A_674 = arith.constant 1 : i32
        %parallel_loop3A_675 = arith.index_cast %parallel_loop3A_674 : i32 to index
        %parallel_loop3A_676 = arith.index_cast %parallel_loop3A_198 : i32 to index
        %parallel_loop3A_677 = arith.constant 576 : index
        %parallel_loop3A_678 = tpu.vector_load %arg10[%parallel_loop3A_675, %parallel_loop3A_676, %parallel_loop3A_677] {strides = array<i32>} : memref<2x32x768xf32, #tpu.memory_space<vmem>>, vector<1x1x16xf32>,
        %parallel_loop3A_679 = vector.shape_cast %parallel_loop3A_678 : vector<1x1x16xf32> to vector<16xf32>
        %parallel_loop3A_680 = arith.addf %parallel_loop3A_673, %parallel_loop3A_679 : vector<16xf32>
        %parallel_loop3A_681 = tpu.bitcast %parallel_loop3A_667 : vector<16xf32> -> vector<16xi32>
        %parallel_loop3A_682 = tpu.bitcast %parallel_loop3A_680 : vector<16xf32> -> vector<16xi32>
        %parallel_loop3A_683 = arith.shrui %parallel_loop3A_681, %broadcast_in_dim3A_5 : vector<16xi32>
        %parallel_loop3A_684 = arith.andi %parallel_loop3A_682, %broadcast_in_dim3A_3 : vector<16xi32>
        %parallel_loop3A_685 = arith.ori %parallel_loop3A_683, %parallel_loop3A_684 : vector<16xi32>
        %parallel_loop3A_686 = arith.constant 1 : i32
        %parallel_loop3A_687 = arith.index_cast %parallel_loop3A_686 : i32 to index
        %parallel_loop3A_688 = arith.index_cast %parallel_loop3A_198 : i32 to index
        %parallel_loop3A_689 = arith.constant 192 : index
        %parallel_loop3A_690 = tpu.vector_load %arg11[%parallel_loop3A_687, %parallel_loop3A_688, %parallel_loop3A_689] {strides = array<i32>} : memref<2x32x384xi32, #tpu.memory_space<vmem>>, vector<1x1x16xi32>,
        %parallel_loop3A_691 = vector.shape_cast %parallel_loop3A_690 : vector<1x1x16xi32> to vector<16xi32>
        %parallel_loop3A_692 = vector.shape_cast %parallel_loop3A_685 : vector<16xi32> to vector<1x1x16xi32>
        tpu.vector_store %arg11[%parallel_loop3A_687, %parallel_loop3A_688, %parallel_loop3A_689], %parallel_loop3A_692 {strides = array<i32>} : memref<2x32x384xi32, #tpu.memory_space<vmem>>, vector<1x1x16xi32>,
        %parallel_loop3A_693 = arith.constant 1 : i32
        %parallel_loop3A_694 = arith.index_cast %parallel_loop3A_693 : i32 to index
        %parallel_loop3A_695 = arith.index_cast %parallel_loop3A_198 : i32 to index
        %parallel_loop3A_696 = arith.constant 208 : index
        %parallel_loop3A_697 = tpu.vector_load %arg9[%parallel_loop3A_694, %parallel_loop3A_695, %parallel_loop3A_696] {strides = array<i32>} : memref<2x32x768xf32, #tpu.memory_space<vmem>>, vector<1x1x16xf32>,
        %parallel_loop3A_698 = vector.shape_cast %parallel_loop3A_697 : vector<1x1x16xf32> to vector<16xf32>
        %parallel_loop3A_699 = arith.constant 1 : i32
        %parallel_loop3A_700 = arith.index_cast %parallel_loop3A_699 : i32 to index
        %parallel_loop3A_701 = arith.index_cast %parallel_loop3A_198 : i32 to index
        %parallel_loop3A_702 = arith.constant 208 : index
        %parallel_loop3A_703 = tpu.vector_load %arg10[%parallel_loop3A_700, %parallel_loop3A_701, %parallel_loop3A_702] {strides = array<i32>} : memref<2x32x768xf32, #tpu.memory_space<vmem>>, vector<1x1x16xf32>,
        %parallel_loop3A_704 = vector.shape_cast %parallel_loop3A_703 : vector<1x1x16xf32> to vector<16xf32>
        %parallel_loop3A_705 = arith.addf %parallel_loop3A_698, %parallel_loop3A_704 : vector<16xf32>
        %parallel_loop3A_706 = arith.constant 1 : i32
        %parallel_loop3A_707 = arith.index_cast %parallel_loop3A_706 : i32 to index
        %parallel_loop3A_708 = arith.index_cast %parallel_loop3A_198 : i32 to index
        %parallel_loop3A_709 = arith.constant 592 : index
        %parallel_loop3A_710 = tpu.vector_load %arg9[%parallel_loop3A_707, %parallel_loop3A_708, %parallel_loop3A_709] {strides = array<i32>} : memref<2x32x768xf32, #tpu.memory_space<vmem>>, vector<1x1x16xf32>,
        %parallel_loop3A_711 = vector.shape_cast %parallel_loop3A_710 : vector<1x1x16xf32> to vector<16xf32>
        %parallel_loop3A_712 = arith.constant 1 : i32
        %parallel_loop3A_713 = arith.index_cast %parallel_loop3A_712 : i32 to index
        %parallel_loop3A_714 = arith.index_cast %parallel_loop3A_198 : i32 to index
        %parallel_loop3A_715 = arith.constant 592 : index
        %parallel_loop3A_716 = tpu.vector_load %arg10[%parallel_loop3A_713, %parallel_loop3A_714, %parallel_loop3A_715] {strides = array<i32>} : memref<2x32x768xf32, #tpu.memory_space<vmem>>, vector<1x1x16xf32>,
        %parallel_loop3A_717 = vector.shape_cast %parallel_loop3A_716 : vector<1x1x16xf32> to vector<16xf32>
        %parallel_loop3A_718 = arith.addf %parallel_loop3A_711, %parallel_loop3A_717 : vector<16xf32>
        %parallel_loop3A_719 = tpu.bitcast %parallel_loop3A_705 : vector<16xf32> -> vector<16xi32>
        %parallel_loop3A_720 = tpu.bitcast %parallel_loop3A_718 : vector<16xf32> -> vector<16xi32>
        %parallel_loop3A_721 = arith.shrui %parallel_loop3A_719, %broadcast_in_dim3A_5 : vector<16xi32>
        %parallel_loop3A_722 = arith.andi %parallel_loop3A_720, %broadcast_in_dim3A_3 : vector<16xi32>
        %parallel_loop3A_723 = arith.ori %parallel_loop3A_721, %parallel_loop3A_722 : vector<16xi32>
        %parallel_loop3A_724 = arith.constant 1 : i32
        %parallel_loop3A_725 = arith.index_cast %parallel_loop3A_724 : i32 to index
        %parallel_loop3A_726 = arith.index_cast %parallel_loop3A_198 : i32 to index
        %parallel_loop3A_727 = arith.constant 208 : index
        %parallel_loop3A_728 = tpu.vector_load %arg11[%parallel_loop3A_725, %parallel_loop3A_726, %parallel_loop3A_727] {strides = array<i32>} : memref<2x32x384xi32, #tpu.memory_space<vmem>>, vector<1x1x16xi32>,
        %parallel_loop3A_729 = vector.shape_cast %parallel_loop3A_728 : vector<1x1x16xi32> to vector<16xi32>
        %parallel_loop3A_730 = vector.shape_cast %parallel_loop3A_723 : vector<16xi32> to vector<1x1x16xi32>
        tpu.vector_store %arg11[%parallel_loop3A_725, %parallel_loop3A_726, %parallel_loop3A_727], %parallel_loop3A_730 {strides = array<i32>} : memref<2x32x384xi32, #tpu.memory_space<vmem>>, vector<1x1x16xi32>,
        %parallel_loop3A_731 = arith.constant 1 : i32
        %parallel_loop3A_732 = arith.index_cast %parallel_loop3A_731 : i32 to index
        %parallel_loop3A_733 = arith.index_cast %parallel_loop3A_198 : i32 to index
        %parallel_loop3A_734 = arith.constant 224 : index
        %parallel_loop3A_735 = tpu.vector_load %arg9[%parallel_loop3A_732, %parallel_loop3A_733, %parallel_loop3A_734] {strides = array<i32>} : memref<2x32x768xf32, #tpu.memory_space<vmem>>, vector<1x1x16xf32>,
        %parallel_loop3A_736 = vector.shape_cast %parallel_loop3A_735 : vector<1x1x16xf32> to vector<16xf32>
        %parallel_loop3A_737 = arith.constant 1 : i32
        %parallel_loop3A_738 = arith.index_cast %parallel_loop3A_737 : i32 to index
        %parallel_loop3A_739 = arith.index_cast %parallel_loop3A_198 : i32 to index
        %parallel_loop3A_740 = arith.constant 224 : index
        %parallel_loop3A_741 = tpu.vector_load %arg10[%parallel_loop3A_738, %parallel_loop3A_739, %parallel_loop3A_740] {strides = array<i32>} : memref<2x32x768xf32, #tpu.memory_space<vmem>>, vector<1x1x16xf32>,
        %parallel_loop3A_742 = vector.shape_cast %parallel_loop3A_741 : vector<1x1x16xf32> to vector<16xf32>
        %parallel_loop3A_743 = arith.addf %parallel_loop3A_736, %parallel_loop3A_742 : vector<16xf32>
        %parallel_loop3A_744 = arith.constant 1 : i32
        %parallel_loop3A_745 = arith.index_cast %parallel_loop3A_744 : i32 to index
        %parallel_loop3A_746 = arith.index_cast %parallel_loop3A_198 : i32 to index
        %parallel_loop3A_747 = arith.constant 608 : index
        %parallel_loop3A_748 = tpu.vector_load %arg9[%parallel_loop3A_745, %parallel_loop3A_746, %parallel_loop3A_747] {strides = array<i32>} : memref<2x32x768xf32, #tpu.memory_space<vmem>>, vector<1x1x16xf32>,
        %parallel_loop3A_749 = vector.shape_cast %parallel_loop3A_748 : vector<1x1x16xf32> to vector<16xf32>
        %parallel_loop3A_750 = arith.constant 1 : i32
        %parallel_loop3A_751 = arith.index_cast %parallel_loop3A_750 : i32 to index
        %parallel_loop3A_752 = arith.index_cast %parallel_loop3A_198 : i32 to index
        %parallel_loop3A_753 = arith.constant 608 : index
        %parallel_loop3A_754 = tpu.vector_load %arg10[%parallel_loop3A_751, %parallel_loop3A_752, %parallel_loop3A_753] {strides = array<i32>} : memref<2x32x768xf32, #tpu.memory_space<vmem>>, vector<1x1x16xf32>,
        %parallel_loop3A_755 = vector.shape_cast %parallel_loop3A_754 : vector<1x1x16xf32> to vector<16xf32>
        %parallel_loop3A_756 = arith.addf %parallel_loop3A_749, %parallel_loop3A_755 : vector<16xf32>
        %parallel_loop3A_757 = tpu.bitcast %parallel_loop3A_743 : vector<16xf32> -> vector<16xi32>
        %parallel_loop3A_758 = tpu.bitcast %parallel_loop3A_756 : vector<16xf32> -> vector<16xi32>
        %parallel_loop3A_759 = arith.shrui %parallel_loop3A_757, %broadcast_in_dim3A_5 : vector<16xi32>
        %parallel_loop3A_760 = arith.andi %parallel_loop3A_758, %broadcast_in_dim3A_3 : vector<16xi32>
        %parallel_loop3A_761 = arith.ori %parallel_loop3A_759, %parallel_loop3A_760 : vector<16xi32>
        %parallel_loop3A_762 = arith.constant 1 : i32
        %parallel_loop3A_763 = arith.index_cast %parallel_loop3A_762 : i32 to index
        %parallel_loop3A_764 = arith.index_cast %parallel_loop3A_198 : i32 to index
        %parallel_loop3A_765 = arith.constant 224 : index
        %parallel_loop3A_766 = tpu.vector_load %arg11[%parallel_loop3A_763, %parallel_loop3A_764, %parallel_loop3A_765] {strides = array<i32>} : memref<2x32x384xi32, #tpu.memory_space<vmem>>, vector<1x1x16xi32>,
        %parallel_loop3A_767 = vector.shape_cast %parallel_loop3A_766 : vector<1x1x16xi32> to vector<16xi32>
        %parallel_loop3A_768 = vector.shape_cast %parallel_loop3A_761 : vector<16xi32> to vector<1x1x16xi32>
        tpu.vector_store %arg11[%parallel_loop3A_763, %parallel_loop3A_764, %parallel_loop3A_765], %parallel_loop3A_768 {strides = array<i32>} : memref<2x32x384xi32, #tpu.memory_space<vmem>>, vector<1x1x16xi32>,
        %parallel_loop3A_769 = arith.constant 1 : i32
        %parallel_loop3A_770 = arith.index_cast %parallel_loop3A_769 : i32 to index
        %parallel_loop3A_771 = arith.index_cast %parallel_loop3A_198 : i32 to index
        %parallel_loop3A_772 = arith.constant 240 : index
        %parallel_loop3A_773 = tpu.vector_load %arg9[%parallel_loop3A_770, %parallel_loop3A_771, %parallel_loop3A_772] {strides = array<i32>} : memref<2x32x768xf32, #tpu.memory_space<vmem>>, vector<1x1x16xf32>,
        %parallel_loop3A_774 = vector.shape_cast %parallel_loop3A_773 : vector<1x1x16xf32> to vector<16xf32>
        %parallel_loop3A_775 = arith.constant 1 : i32
        %parallel_loop3A_776 = arith.index_cast %parallel_loop3A_775 : i32 to index
        %parallel_loop3A_777 = arith.index_cast %parallel_loop3A_198 : i32 to index
        %parallel_loop3A_778 = arith.constant 240 : index
        %parallel_loop3A_779 = tpu.vector_load %arg10[%parallel_loop3A_776, %parallel_loop3A_777, %parallel_loop3A_778] {strides = array<i32>} : memref<2x32x768xf32, #tpu.memory_space<vmem>>, vector<1x1x16xf32>,
        %parallel_loop3A_780 = vector.shape_cast %parallel_loop3A_779 : vector<1x1x16xf32> to vector<16xf32>
        %parallel_loop3A_781 = arith.addf %parallel_loop3A_774, %parallel_loop3A_780 : vector<16xf32>
        %parallel_loop3A_782 = arith.constant 1 : i32
        %parallel_loop3A_783 = arith.index_cast %parallel_loop3A_782 : i32 to index
        %parallel_loop3A_784 = arith.index_cast %parallel_loop3A_198 : i32 to index
        %parallel_loop3A_785 = arith.constant 624 : index
        %parallel_loop3A_786 = tpu.vector_load %arg9[%parallel_loop3A_783, %parallel_loop3A_784, %parallel_loop3A_785] {strides = array<i32>} : memref<2x32x768xf32, #tpu.memory_space<vmem>>, vector<1x1x16xf32>,
        %parallel_loop3A_787 = vector.shape_cast %parallel_loop3A_786 : vector<1x1x16xf32> to vector<16xf32>
        %parallel_loop3A_788 = arith.constant 1 : i32
        %parallel_loop3A_789 = arith.index_cast %parallel_loop3A_788 : i32 to index
        %parallel_loop3A_790 = arith.index_cast %parallel_loop3A_198 : i32 to index
        %parallel_loop3A_791 = arith.constant 624 : index
        %parallel_loop3A_792 = tpu.vector_load %arg10[%parallel_loop3A_789, %parallel_loop3A_790, %parallel_loop3A_791] {strides = array<i32>} : memref<2x32x768xf32, #tpu.memory_space<vmem>>, vector<1x1x16xf32>,
        %parallel_loop3A_793 = vector.shape_cast %parallel_loop3A_792 : vector<1x1x16xf32> to vector<16xf32>
        %parallel_loop3A_794 = arith.addf %parallel_loop3A_787, %parallel_loop3A_793 : vector<16xf32>
        %parallel_loop3A_795 = tpu.bitcast %parallel_loop3A_781 : vector<16xf32> -> vector<16xi32>
        %parallel_loop3A_796 = tpu.bitcast %parallel_loop3A_794 : vector<16xf32> -> vector<16xi32>
        %parallel_loop3A_797 = arith.shrui %parallel_loop3A_795, %broadcast_in_dim3A_5 : vector<16xi32>
        %parallel_loop3A_798 = arith.andi %parallel_loop3A_796, %broadcast_in_dim3A_3 : vector<16xi32>
        %parallel_loop3A_799 = arith.ori %parallel_loop3A_797, %parallel_loop3A_798 : vector<16xi32>
        %parallel_loop3A_800 = arith.constant 1 : i32
        %parallel_loop3A_801 = arith.index_cast %parallel_loop3A_800 : i32 to index
        %parallel_loop3A_802 = arith.index_cast %parallel_loop3A_198 : i32 to index
        %parallel_loop3A_803 = arith.constant 240 : index
        %parallel_loop3A_804 = tpu.vector_load %arg11[%parallel_loop3A_801, %parallel_loop3A_802, %parallel_loop3A_803] {strides = array<i32>} : memref<2x32x384xi32, #tpu.memory_space<vmem>>, vector<1x1x16xi32>,
        %parallel_loop3A_805 = vector.shape_cast %parallel_loop3A_804 : vector<1x1x16xi32> to vector<16xi32>
        %parallel_loop3A_806 = vector.shape_cast %parallel_loop3A_799 : vector<16xi32> to vector<1x1x16xi32>
        tpu.vector_store %arg11[%parallel_loop3A_801, %parallel_loop3A_802, %parallel_loop3A_803], %parallel_loop3A_806 {strides = array<i32>} : memref<2x32x384xi32, #tpu.memory_space<vmem>>, vector<1x1x16xi32>,
        %parallel_loop3A_807 = arith.constant 1 : i32
        %parallel_loop3A_808 = arith.index_cast %parallel_loop3A_807 : i32 to index
        %parallel_loop3A_809 = arith.index_cast %parallel_loop3A_198 : i32 to index
        %parallel_loop3A_810 = arith.constant 256 : index
        %parallel_loop3A_811 = tpu.vector_load %arg9[%parallel_loop3A_808, %parallel_loop3A_809, %parallel_loop3A_810] {strides = array<i32>} : memref<2x32x768xf32, #tpu.memory_space<vmem>>, vector<1x1x16xf32>,
        %parallel_loop3A_812 = vector.shape_cast %parallel_loop3A_811 : vector<1x1x16xf32> to vector<16xf32>
        %parallel_loop3A_813 = arith.constant 1 : i32
        %parallel_loop3A_814 = arith.index_cast %parallel_loop3A_813 : i32 to index
        %parallel_loop3A_815 = arith.index_cast %parallel_loop3A_198 : i32 to index
        %parallel_loop3A_816 = arith.constant 256 : index
        %parallel_loop3A_817 = tpu.vector_load %arg10[%parallel_loop3A_814, %parallel_loop3A_815, %parallel_loop3A_816] {strides = array<i32>} : memref<2x32x768xf32, #tpu.memory_space<vmem>>, vector<1x1x16xf32>,
        %parallel_loop3A_818 = vector.shape_cast %parallel_loop3A_817 : vector<1x1x16xf32> to vector<16xf32>
        %parallel_loop3A_819 = arith.addf %parallel_loop3A_812, %parallel_loop3A_818 : vector<16xf32>
        %parallel_loop3A_820 = arith.constant 1 : i32
        %parallel_loop3A_821 = arith.index_cast %parallel_loop3A_820 : i32 to index
        %parallel_loop3A_822 = arith.index_cast %parallel_loop3A_198 : i32 to index
        %parallel_loop3A_823 = arith.constant 640 : index
        %parallel_loop3A_824 = tpu.vector_load %arg9[%parallel_loop3A_821, %parallel_loop3A_822, %parallel_loop3A_823] {strides = array<i32>} : memref<2x32x768xf32, #tpu.memory_space<vmem>>, vector<1x1x16xf32>,
        %parallel_loop3A_825 = vector.shape_cast %parallel_loop3A_824 : vector<1x1x16xf32> to vector<16xf32>
        %parallel_loop3A_826 = arith.constant 1 : i32
        %parallel_loop3A_827 = arith.index_cast %parallel_loop3A_826 : i32 to index
        %parallel_loop3A_828 = arith.index_cast %parallel_loop3A_198 : i32 to index
        %parallel_loop3A_829 = arith.constant 640 : index
        %parallel_loop3A_830 = tpu.vector_load %arg10[%parallel_loop3A_827, %parallel_loop3A_828, %parallel_loop3A_829] {strides = array<i32>} : memref<2x32x768xf32, #tpu.memory_space<vmem>>, vector<1x1x16xf32>,
        %parallel_loop3A_831 = vector.shape_cast %parallel_loop3A_830 : vector<1x1x16xf32> to vector<16xf32>
        %parallel_loop3A_832 = arith.addf %parallel_loop3A_825, %parallel_loop3A_831 : vector<16xf32>
        %parallel_loop3A_833 = tpu.bitcast %parallel_loop3A_819 : vector<16xf32> -> vector<16xi32>
        %parallel_loop3A_834 = tpu.bitcast %parallel_loop3A_832 : vector<16xf32> -> vector<16xi32>
        %parallel_loop3A_835 = arith.shrui %parallel_loop3A_833, %broadcast_in_dim3A_5 : vector<16xi32>
        %parallel_loop3A_836 = arith.andi %parallel_loop3A_834, %broadcast_in_dim3A_3 : vector<16xi32>
        %parallel_loop3A_837 = arith.ori %parallel_loop3A_835, %parallel_loop3A_836 : vector<16xi32>
        %parallel_loop3A_838 = arith.constant 1 : i32
        %parallel_loop3A_839 = arith.index_cast %parallel_loop3A_838 : i32 to index
        %parallel_loop3A_840 = arith.index_cast %parallel_loop3A_198 : i32 to index
        %parallel_loop3A_841 = arith.constant 256 : index
        %parallel_loop3A_842 = tpu.vector_load %arg11[%parallel_loop3A_839, %parallel_loop3A_840, %parallel_loop3A_841] {strides = array<i32>} : memref<2x32x384xi32, #tpu.memory_space<vmem>>, vector<1x1x16xi32>,
        %parallel_loop3A_843 = vector.shape_cast %parallel_loop3A_842 : vector<1x1x16xi32> to vector<16xi32>
        %parallel_loop3A_844 = vector.shape_cast %parallel_loop3A_837 : vector<16xi32> to vector<1x1x16xi32>
        tpu.vector_store %arg11[%parallel_loop3A_839, %parallel_loop3A_840, %parallel_loop3A_841], %parallel_loop3A_844 {strides = array<i32>} : memref<2x32x384xi32, #tpu.memory_space<vmem>>, vector<1x1x16xi32>,
        %parallel_loop3A_845 = arith.constant 1 : i32
        %parallel_loop3A_846 = arith.index_cast %parallel_loop3A_845 : i32 to index
        %parallel_loop3A_847 = arith.index_cast %parallel_loop3A_198 : i32 to index
        %parallel_loop3A_848 = arith.constant 272 : index
        %parallel_loop3A_849 = tpu.vector_load %arg9[%parallel_loop3A_846, %parallel_loop3A_847, %parallel_loop3A_848] {strides = array<i32>} : memref<2x32x768xf32, #tpu.memory_space<vmem>>, vector<1x1x16xf32>,
        %parallel_loop3A_850 = vector.shape_cast %parallel_loop3A_849 : vector<1x1x16xf32> to vector<16xf32>
        %parallel_loop3A_851 = arith.constant 1 : i32
        %parallel_loop3A_852 = arith.index_cast %parallel_loop3A_851 : i32 to index
        %parallel_loop3A_853 = arith.index_cast %parallel_loop3A_198 : i32 to index
        %parallel_loop3A_854 = arith.constant 272 : index
        %parallel_loop3A_855 = tpu.vector_load %arg10[%parallel_loop3A_852, %parallel_loop3A_853, %parallel_loop3A_854] {strides = array<i32>} : memref<2x32x768xf32, #tpu.memory_space<vmem>>, vector<1x1x16xf32>,
        %parallel_loop3A_856 = vector.shape_cast %parallel_loop3A_855 : vector<1x1x16xf32> to vector<16xf32>
        %parallel_loop3A_857 = arith.addf %parallel_loop3A_850, %parallel_loop3A_856 : vector<16xf32>
        %parallel_loop3A_858 = arith.constant 1 : i32
        %parallel_loop3A_859 = arith.index_cast %parallel_loop3A_858 : i32 to index
        %parallel_loop3A_860 = arith.index_cast %parallel_loop3A_198 : i32 to index
        %parallel_loop3A_861 = arith.constant 656 : index
        %parallel_loop3A_862 = tpu.vector_load %arg9[%parallel_loop3A_859, %parallel_loop3A_860, %parallel_loop3A_861] {strides = array<i32>} : memref<2x32x768xf32, #tpu.memory_space<vmem>>, vector<1x1x16xf32>,
        %parallel_loop3A_863 = vector.shape_cast %parallel_loop3A_862 : vector<1x1x16xf32> to vector<16xf32>
        %parallel_loop3A_864 = arith.constant 1 : i32
        %parallel_loop3A_865 = arith.index_cast %parallel_loop3A_864 : i32 to index
        %parallel_loop3A_866 = arith.index_cast %parallel_loop3A_198 : i32 to index
        %parallel_loop3A_867 = arith.constant 656 : index
        %parallel_loop3A_868 = tpu.vector_load %arg10[%parallel_loop3A_865, %parallel_loop3A_866, %parallel_loop3A_867] {strides = array<i32>} : memref<2x32x768xf32, #tpu.memory_space<vmem>>, vector<1x1x16xf32>,
        %parallel_loop3A_869 = vector.shape_cast %parallel_loop3A_868 : vector<1x1x16xf32> to vector<16xf32>
        %parallel_loop3A_870 = arith.addf %parallel_loop3A_863, %parallel_loop3A_869 : vector<16xf32>
        %parallel_loop3A_871 = tpu.bitcast %parallel_loop3A_857 : vector<16xf32> -> vector<16xi32>
        %parallel_loop3A_872 = tpu.bitcast %parallel_loop3A_870 : vector<16xf32> -> vector<16xi32>
        %parallel_loop3A_873 = arith.shrui %parallel_loop3A_871, %broadcast_in_dim3A_5 : vector<16xi32>
        %parallel_loop3A_874 = arith.andi %parallel_loop3A_872, %broadcast_in_dim3A_3 : vector<16xi32>
        %parallel_loop3A_875 = arith.ori %parallel_loop3A_873, %parallel_loop3A_874 : vector<16xi32>
        %parallel_loop3A_876 = arith.constant 1 : i32
        %parallel_loop3A_877 = arith.index_cast %parallel_loop3A_876 : i32 to index
        %parallel_loop3A_878 = arith.index_cast %parallel_loop3A_198 : i32 to index
        %parallel_loop3A_879 = arith.constant 272 : index
        %parallel_loop3A_880 = tpu.vector_load %arg11[%parallel_loop3A_877, %parallel_loop3A_878, %parallel_loop3A_879] {strides = array<i32>} : memref<2x32x384xi32, #tpu.memory_space<vmem>>, vector<1x1x16xi32>,
        %parallel_loop3A_881 = vector.shape_cast %parallel_loop3A_880 : vector<1x1x16xi32> to vector<16xi32>
        %parallel_loop3A_882 = vector.shape_cast %parallel_loop3A_875 : vector<16xi32> to vector<1x1x16xi32>
        tpu.vector_store %arg11[%parallel_loop3A_877, %parallel_loop3A_878, %parallel_loop3A_879], %parallel_loop3A_882 {strides = array<i32>} : memref<2x32x384xi32, #tpu.memory_space<vmem>>, vector<1x1x16xi32>,
        %parallel_loop3A_883 = arith.constant 1 : i32
        %parallel_loop3A_884 = arith.index_cast %parallel_loop3A_883 : i32 to index
        %parallel_loop3A_885 = arith.index_cast %parallel_loop3A_198 : i32 to index
        %parallel_loop3A_886 = arith.constant 288 : index
        %parallel_loop3A_887 = tpu.vector_load %arg9[%parallel_loop3A_884, %parallel_loop3A_885, %parallel_loop3A_886] {strides = array<i32>} : memref<2x32x768xf32, #tpu.memory_space<vmem>>, vector<1x1x16xf32>,
        %parallel_loop3A_888 = vector.shape_cast %parallel_loop3A_887 : vector<1x1x16xf32> to vector<16xf32>
        %parallel_loop3A_889 = arith.constant 1 : i32
        %parallel_loop3A_890 = arith.index_cast %parallel_loop3A_889 : i32 to index
        %parallel_loop3A_891 = arith.index_cast %parallel_loop3A_198 : i32 to index
        %parallel_loop3A_892 = arith.constant 288 : index
        %parallel_loop3A_893 = tpu.vector_load %arg10[%parallel_loop3A_890, %parallel_loop3A_891, %parallel_loop3A_892] {strides = array<i32>} : memref<2x32x768xf32, #tpu.memory_space<vmem>>, vector<1x1x16xf32>,
        %parallel_loop3A_894 = vector.shape_cast %parallel_loop3A_893 : vector<1x1x16xf32> to vector<16xf32>
        %parallel_loop3A_895 = arith.addf %parallel_loop3A_888, %parallel_loop3A_894 : vector<16xf32>
        %parallel_loop3A_896 = arith.constant 1 : i32
        %parallel_loop3A_897 = arith.index_cast %parallel_loop3A_896 : i32 to index
        %parallel_loop3A_898 = arith.index_cast %parallel_loop3A_198 : i32 to index
        %parallel_loop3A_899 = arith.constant 672 : index
        %parallel_loop3A_900 = tpu.vector_load %arg9[%parallel_loop3A_897, %parallel_loop3A_898, %parallel_loop3A_899] {strides = array<i32>} : memref<2x32x768xf32, #tpu.memory_space<vmem>>, vector<1x1x16xf32>,
        %parallel_loop3A_901 = vector.shape_cast %parallel_loop3A_900 : vector<1x1x16xf32> to vector<16xf32>
        %parallel_loop3A_902 = arith.constant 1 : i32
        %parallel_loop3A_903 = arith.index_cast %parallel_loop3A_902 : i32 to index
        %parallel_loop3A_904 = arith.index_cast %parallel_loop3A_198 : i32 to index
        %parallel_loop3A_905 = arith.constant 672 : index
        %parallel_loop3A_906 = tpu.vector_load %arg10[%parallel_loop3A_903, %parallel_loop3A_904, %parallel_loop3A_905] {strides = array<i32>} : memref<2x32x768xf32, #tpu.memory_space<vmem>>, vector<1x1x16xf32>,
        %parallel_loop3A_907 = vector.shape_cast %parallel_loop3A_906 : vector<1x1x16xf32> to vector<16xf32>
        %parallel_loop3A_908 = arith.addf %parallel_loop3A_901, %parallel_loop3A_907 : vector<16xf32>
        %parallel_loop3A_909 = tpu.bitcast %parallel_loop3A_895 : vector<16xf32> -> vector<16xi32>
        %parallel_loop3A_910 = tpu.bitcast %parallel_loop3A_908 : vector<16xf32> -> vector<16xi32>
        %parallel_loop3A_911 = arith.shrui %parallel_loop3A_909, %broadcast_in_dim3A_5 : vector<16xi32>
        %parallel_loop3A_912 = arith.andi %parallel_loop3A_910, %broadcast_in_dim3A_3 : vector<16xi32>
        %parallel_loop3A_913 = arith.ori %parallel_loop3A_911, %parallel_loop3A_912 : vector<16xi32>
        %parallel_loop3A_914 = arith.constant 1 : i32
        %parallel_loop3A_915 = arith.index_cast %parallel_loop3A_914 : i32 to index
        %parallel_loop3A_916 = arith.index_cast %parallel_loop3A_198 : i32 to index
        %parallel_loop3A_917 = arith.constant 288 : index
        %parallel_loop3A_918 = tpu.vector_load %arg11[%parallel_loop3A_915, %parallel_loop3A_916, %parallel_loop3A_917] {strides = array<i32>} : memref<2x32x384xi32, #tpu.memory_space<vmem>>, vector<1x1x16xi32>,
        %parallel_loop3A_919 = vector.shape_cast %parallel_loop3A_918 : vector<1x1x16xi32> to vector<16xi32>
        %parallel_loop3A_920 = vector.shape_cast %parallel_loop3A_913 : vector<16xi32> to vector<1x1x16xi32>
        tpu.vector_store %arg11[%parallel_loop3A_915, %parallel_loop3A_916, %parallel_loop3A_917], %parallel_loop3A_920 {strides = array<i32>} : memref<2x32x384xi32, #tpu.memory_space<vmem>>, vector<1x1x16xi32>,
        %parallel_loop3A_921 = arith.constant 1 : i32
        %parallel_loop3A_922 = arith.index_cast %parallel_loop3A_921 : i32 to index
        %parallel_loop3A_923 = arith.index_cast %parallel_loop3A_198 : i32 to index
        %parallel_loop3A_924 = arith.constant 304 : index
        %parallel_loop3A_925 = tpu.vector_load %arg9[%parallel_loop3A_922, %parallel_loop3A_923, %parallel_loop3A_924] {strides = array<i32>} : memref<2x32x768xf32, #tpu.memory_space<vmem>>, vector<1x1x16xf32>,
        %parallel_loop3A_926 = vector.shape_cast %parallel_loop3A_925 : vector<1x1x16xf32> to vector<16xf32>
        %parallel_loop3A_927 = arith.constant 1 : i32
        %parallel_loop3A_928 = arith.index_cast %parallel_loop3A_927 : i32 to index
        %parallel_loop3A_929 = arith.index_cast %parallel_loop3A_198 : i32 to index
        %parallel_loop3A_930 = arith.constant 304 : index
        %parallel_loop3A_931 = tpu.vector_load %arg10[%parallel_loop3A_928, %parallel_loop3A_929, %parallel_loop3A_930] {strides = array<i32>} : memref<2x32x768xf32, #tpu.memory_space<vmem>>, vector<1x1x16xf32>,
        %parallel_loop3A_932 = vector.shape_cast %parallel_loop3A_931 : vector<1x1x16xf32> to vector<16xf32>
        %parallel_loop3A_933 = arith.addf %parallel_loop3A_926, %parallel_loop3A_932 : vector<16xf32>
        %parallel_loop3A_934 = arith.constant 1 : i32
        %parallel_loop3A_935 = arith.index_cast %parallel_loop3A_934 : i32 to index
        %parallel_loop3A_936 = arith.index_cast %parallel_loop3A_198 : i32 to index
        %parallel_loop3A_937 = arith.constant 688 : index
        %parallel_loop3A_938 = tpu.vector_load %arg9[%parallel_loop3A_935, %parallel_loop3A_936, %parallel_loop3A_937] {strides = array<i32>} : memref<2x32x768xf32, #tpu.memory_space<vmem>>, vector<1x1x16xf32>,
        %parallel_loop3A_939 = vector.shape_cast %parallel_loop3A_938 : vector<1x1x16xf32> to vector<16xf32>
        %parallel_loop3A_940 = arith.constant 1 : i32
        %parallel_loop3A_941 = arith.index_cast %parallel_loop3A_940 : i32 to index
        %parallel_loop3A_942 = arith.index_cast %parallel_loop3A_198 : i32 to index
        %parallel_loop3A_943 = arith.constant 688 : index
        %parallel_loop3A_944 = tpu.vector_load %arg10[%parallel_loop3A_941, %parallel_loop3A_942, %parallel_loop3A_943] {strides = array<i32>} : memref<2x32x768xf32, #tpu.memory_space<vmem>>, vector<1x1x16xf32>,
        %parallel_loop3A_945 = vector.shape_cast %parallel_loop3A_944 : vector<1x1x16xf32> to vector<16xf32>
        %parallel_loop3A_946 = arith.addf %parallel_loop3A_939, %parallel_loop3A_945 : vector<16xf32>
        %parallel_loop3A_947 = tpu.bitcast %parallel_loop3A_933 : vector<16xf32> -> vector<16xi32>
        %parallel_loop3A_948 = tpu.bitcast %parallel_loop3A_946 : vector<16xf32> -> vector<16xi32>
        %parallel_loop3A_949 = arith.shrui %parallel_loop3A_947, %broadcast_in_dim3A_5 : vector<16xi32>
        %parallel_loop3A_950 = arith.andi %parallel_loop3A_948, %broadcast_in_dim3A_3 : vector<16xi32>
        %parallel_loop3A_951 = arith.ori %parallel_loop3A_949, %parallel_loop3A_950 : vector<16xi32>
        %parallel_loop3A_952 = arith.constant 1 : i32
        %parallel_loop3A_953 = arith.index_cast %parallel_loop3A_952 : i32 to index
        %parallel_loop3A_954 = arith.index_cast %parallel_loop3A_198 : i32 to index
        %parallel_loop3A_955 = arith.constant 304 : index
        %parallel_loop3A_956 = tpu.vector_load %arg11[%parallel_loop3A_953, %parallel_loop3A_954, %parallel_loop3A_955] {strides = array<i32>} : memref<2x32x384xi32, #tpu.memory_space<vmem>>, vector<1x1x16xi32>,
        %parallel_loop3A_957 = vector.shape_cast %parallel_loop3A_956 : vector<1x1x16xi32> to vector<16xi32>
        %parallel_loop3A_958 = vector.shape_cast %parallel_loop3A_951 : vector<16xi32> to vector<1x1x16xi32>
        tpu.vector_store %arg11[%parallel_loop3A_953, %parallel_loop3A_954, %parallel_loop3A_955], %parallel_loop3A_958 {strides = array<i32>} : memref<2x32x384xi32, #tpu.memory_space<vmem>>, vector<1x1x16xi32>,
        %parallel_loop3A_959 = arith.constant 1 : i32
        %parallel_loop3A_960 = arith.index_cast %parallel_loop3A_959 : i32 to index
        %parallel_loop3A_961 = arith.index_cast %parallel_loop3A_198 : i32 to index
        %parallel_loop3A_962 = arith.constant 320 : index
        %parallel_loop3A_963 = tpu.vector_load %arg9[%parallel_loop3A_960, %parallel_loop3A_961, %parallel_loop3A_962] {strides = array<i32>} : memref<2x32x768xf32, #tpu.memory_space<vmem>>, vector<1x1x16xf32>,
        %parallel_loop3A_964 = vector.shape_cast %parallel_loop3A_963 : vector<1x1x16xf32> to vector<16xf32>
        %parallel_loop3A_965 = arith.constant 1 : i32
        %parallel_loop3A_966 = arith.index_cast %parallel_loop3A_965 : i32 to index
        %parallel_loop3A_967 = arith.index_cast %parallel_loop3A_198 : i32 to index
        %parallel_loop3A_968 = arith.constant 320 : index
        %parallel_loop3A_969 = tpu.vector_load %arg10[%parallel_loop3A_966, %parallel_loop3A_967, %parallel_loop3A_968] {strides = array<i32>} : memref<2x32x768xf32, #tpu.memory_space<vmem>>, vector<1x1x16xf32>,
        %parallel_loop3A_970 = vector.shape_cast %parallel_loop3A_969 : vector<1x1x16xf32> to vector<16xf32>
        %parallel_loop3A_971 = arith.addf %parallel_loop3A_964, %parallel_loop3A_970 : vector<16xf32>
        %parallel_loop3A_972 = arith.constant 1 : i32
        %parallel_loop3A_973 = arith.index_cast %parallel_loop3A_972 : i32 to index
        %parallel_loop3A_974 = arith.index_cast %parallel_loop3A_198 : i32 to index
        %parallel_loop3A_975 = arith.constant 704 : index
        %parallel_loop3A_976 = tpu.vector_load %arg9[%parallel_loop3A_973, %parallel_loop3A_974, %parallel_loop3A_975] {strides = array<i32>} : memref<2x32x768xf32, #tpu.memory_space<vmem>>, vector<1x1x16xf32>,
        %parallel_loop3A_977 = vector.shape_cast %parallel_loop3A_976 : vector<1x1x16xf32> to vector<16xf32>
        %parallel_loop3A_978 = arith.constant 1 : i32
        %parallel_loop3A_979 = arith.index_cast %parallel_loop3A_978 : i32 to index
        %parallel_loop3A_980 = arith.index_cast %parallel_loop3A_198 : i32 to index
        %parallel_loop3A_981 = arith.constant 704 : index
        %parallel_loop3A_982 = tpu.vector_load %arg10[%parallel_loop3A_979, %parallel_loop3A_980, %parallel_loop3A_981] {strides = array<i32>} : memref<2x32x768xf32, #tpu.memory_space<vmem>>, vector<1x1x16xf32>,
        %parallel_loop3A_983 = vector.shape_cast %parallel_loop3A_982 : vector<1x1x16xf32> to vector<16xf32>
        %parallel_loop3A_984 = arith.addf %parallel_loop3A_977, %parallel_loop3A_983 : vector<16xf32>
        %parallel_loop3A_985 = tpu.bitcast %parallel_loop3A_971 : vector<16xf32> -> vector<16xi32>
        %parallel_loop3A_986 = tpu.bitcast %parallel_loop3A_984 : vector<16xf32> -> vector<16xi32>
        %parallel_loop3A_987 = arith.shrui %parallel_loop3A_985, %broadcast_in_dim3A_5 : vector<16xi32>
        %parallel_loop3A_988 = arith.andi %parallel_loop3A_986, %broadcast_in_dim3A_3 : vector<16xi32>
        %parallel_loop3A_989 = arith.ori %parallel_loop3A_987, %parallel_loop3A_988 : vector<16xi32>
        %parallel_loop3A_990 = arith.constant 1 : i32
        %parallel_loop3A_991 = arith.index_cast %parallel_loop3A_990 : i32 to index
        %parallel_loop3A_992 = arith.index_cast %parallel_loop3A_198 : i32 to index
        %parallel_loop3A_993 = arith.constant 320 : index
        %parallel_loop3A_994 = tpu.vector_load %arg11[%parallel_loop3A_991, %parallel_loop3A_992, %parallel_loop3A_993] {strides = array<i32>} : memref<2x32x384xi32, #tpu.memory_space<vmem>>, vector<1x1x16xi32>,
        %parallel_loop3A_995 = vector.shape_cast %parallel_loop3A_994 : vector<1x1x16xi32> to vector<16xi32>
        %parallel_loop3A_996 = vector.shape_cast %parallel_loop3A_989 : vector<16xi32> to vector<1x1x16xi32>
        tpu.vector_store %arg11[%parallel_loop3A_991, %parallel_loop3A_992, %parallel_loop3A_993], %parallel_loop3A_996 {strides = array<i32>} : memref<2x32x384xi32, #tpu.memory_space<vmem>>, vector<1x1x16xi32>,
        %parallel_loop3A_997 = arith.constant 1 : i32
        %parallel_loop3A_998 = arith.index_cast %parallel_loop3A_997 : i32 to index
        %parallel_loop3A_999 = arith.index_cast %parallel_loop3A_198 : i32 to index
        %parallel_loop3A_1000 = arith.constant 336 : index
        %parallel_loop3A_1001 = tpu.vector_load %arg9[%parallel_loop3A_998, %parallel_loop3A_999, %parallel_loop3A_1000] {strides = array<i32>} : memref<2x32x768xf32, #tpu.memory_space<vmem>>, vector<1x1x16xf32>,
        %parallel_loop3A_1002 = vector.shape_cast %parallel_loop3A_1001 : vector<1x1x16xf32> to vector<16xf32>
        %parallel_loop3A_1003 = arith.constant 1 : i32
        %parallel_loop3A_1004 = arith.index_cast %parallel_loop3A_1003 : i32 to index
        %parallel_loop3A_1005 = arith.index_cast %parallel_loop3A_198 : i32 to index
        %parallel_loop3A_1006 = arith.constant 336 : index
        %parallel_loop3A_1007 = tpu.vector_load %arg10[%parallel_loop3A_1004, %parallel_loop3A_1005, %parallel_loop3A_1006] {strides = array<i32>} : memref<2x32x768xf32, #tpu.memory_space<vmem>>, vector<1x1x16xf32>,
        %parallel_loop3A_1008 = vector.shape_cast %parallel_loop3A_1007 : vector<1x1x16xf32> to vector<16xf32>
        %parallel_loop3A_1009 = arith.addf %parallel_loop3A_1002, %parallel_loop3A_1008 : vector<16xf32>
        %parallel_loop3A_1010 = arith.constant 1 : i32
        %parallel_loop3A_1011 = arith.index_cast %parallel_loop3A_1010 : i32 to index
        %parallel_loop3A_1012 = arith.index_cast %parallel_loop3A_198 : i32 to index
        %parallel_loop3A_1013 = arith.constant 720 : index
        %parallel_loop3A_1014 = tpu.vector_load %arg9[%parallel_loop3A_1011, %parallel_loop3A_1012, %parallel_loop3A_1013] {strides = array<i32>} : memref<2x32x768xf32, #tpu.memory_space<vmem>>, vector<1x1x16xf32>,
        %parallel_loop3A_1015 = vector.shape_cast %parallel_loop3A_1014 : vector<1x1x16xf32> to vector<16xf32>
        %parallel_loop3A_1016 = arith.constant 1 : i32
        %parallel_loop3A_1017 = arith.index_cast %parallel_loop3A_1016 : i32 to index
        %parallel_loop3A_1018 = arith.index_cast %parallel_loop3A_198 : i32 to index
        %parallel_loop3A_1019 = arith.constant 720 : index
        %parallel_loop3A_1020 = tpu.vector_load %arg10[%parallel_loop3A_1017, %parallel_loop3A_1018, %parallel_loop3A_1019] {strides = array<i32>} : memref<2x32x768xf32, #tpu.memory_space<vmem>>, vector<1x1x16xf32>,
        %parallel_loop3A_1021 = vector.shape_cast %parallel_loop3A_1020 : vector<1x1x16xf32> to vector<16xf32>
        %parallel_loop3A_1022 = arith.addf %parallel_loop3A_1015, %parallel_loop3A_1021 : vector<16xf32>
        %parallel_loop3A_1023 = tpu.bitcast %parallel_loop3A_1009 : vector<16xf32> -> vector<16xi32>
        %parallel_loop3A_1024 = tpu.bitcast %parallel_loop3A_1022 : vector<16xf32> -> vector<16xi32>
        %parallel_loop3A_1025 = arith.shrui %parallel_loop3A_1023, %broadcast_in_dim3A_5 : vector<16xi32>
        %parallel_loop3A_1026 = arith.andi %parallel_loop3A_1024, %broadcast_in_dim3A_3 : vector<16xi32>
        %parallel_loop3A_1027 = arith.ori %parallel_loop3A_1025, %parallel_loop3A_1026 : vector<16xi32>
        %parallel_loop3A_1028 = arith.constant 1 : i32
        %parallel_loop3A_1029 = arith.index_cast %parallel_loop3A_1028 : i32 to index
        %parallel_loop3A_1030 = arith.index_cast %parallel_loop3A_198 : i32 to index
        %parallel_loop3A_1031 = arith.constant 336 : index
        %parallel_loop3A_1032 = tpu.vector_load %arg11[%parallel_loop3A_1029, %parallel_loop3A_1030, %parallel_loop3A_1031] {strides = array<i32>} : memref<2x32x384xi32, #tpu.memory_space<vmem>>, vector<1x1x16xi32>,
        %parallel_loop3A_1033 = vector.shape_cast %parallel_loop3A_1032 : vector<1x1x16xi32> to vector<16xi32>
        %parallel_loop3A_1034 = vector.shape_cast %parallel_loop3A_1027 : vector<16xi32> to vector<1x1x16xi32>
        tpu.vector_store %arg11[%parallel_loop3A_1029, %parallel_loop3A_1030, %parallel_loop3A_1031], %parallel_loop3A_1034 {strides = array<i32>} : memref<2x32x384xi32, #tpu.memory_space<vmem>>, vector<1x1x16xi32>,
        %parallel_loop3A_1035 = arith.constant 1 : i32
        %parallel_loop3A_1036 = arith.index_cast %parallel_loop3A_1035 : i32 to index
        %parallel_loop3A_1037 = arith.index_cast %parallel_loop3A_198 : i32 to index
        %parallel_loop3A_1038 = arith.constant 352 : index
        %parallel_loop3A_1039 = tpu.vector_load %arg9[%parallel_loop3A_1036, %parallel_loop3A_1037, %parallel_loop3A_1038] {strides = array<i32>} : memref<2x32x768xf32, #tpu.memory_space<vmem>>, vector<1x1x16xf32>,
        %parallel_loop3A_1040 = vector.shape_cast %parallel_loop3A_1039 : vector<1x1x16xf32> to vector<16xf32>
        %parallel_loop3A_1041 = arith.constant 1 : i32
        %parallel_loop3A_1042 = arith.index_cast %parallel_loop3A_1041 : i32 to index
        %parallel_loop3A_1043 = arith.index_cast %parallel_loop3A_198 : i32 to index
        %parallel_loop3A_1044 = arith.constant 352 : index
        %parallel_loop3A_1045 = tpu.vector_load %arg10[%parallel_loop3A_1042, %parallel_loop3A_1043, %parallel_loop3A_1044] {strides = array<i32>} : memref<2x32x768xf32, #tpu.memory_space<vmem>>, vector<1x1x16xf32>,
        %parallel_loop3A_1046 = vector.shape_cast %parallel_loop3A_1045 : vector<1x1x16xf32> to vector<16xf32>
        %parallel_loop3A_1047 = arith.addf %parallel_loop3A_1040, %parallel_loop3A_1046 : vector<16xf32>
        %parallel_loop3A_1048 = arith.constant 1 : i32
        %parallel_loop3A_1049 = arith.index_cast %parallel_loop3A_1048 : i32 to index
        %parallel_loop3A_1050 = arith.index_cast %parallel_loop3A_198 : i32 to index
        %parallel_loop3A_1051 = arith.constant 736 : index
        %parallel_loop3A_1052 = tpu.vector_load %arg9[%parallel_loop3A_1049, %parallel_loop3A_1050, %parallel_loop3A_1051] {strides = array<i32>} : memref<2x32x768xf32, #tpu.memory_space<vmem>>, vector<1x1x16xf32>,
        %parallel_loop3A_1053 = vector.shape_cast %parallel_loop3A_1052 : vector<1x1x16xf32> to vector<16xf32>
        %parallel_loop3A_1054 = arith.constant 1 : i32
        %parallel_loop3A_1055 = arith.index_cast %parallel_loop3A_1054 : i32 to index
        %parallel_loop3A_1056 = arith.index_cast %parallel_loop3A_198 : i32 to index
        %parallel_loop3A_1057 = arith.constant 736 : index
        %parallel_loop3A_1058 = tpu.vector_load %arg10[%parallel_loop3A_1055, %parallel_loop3A_1056, %parallel_loop3A_1057] {strides = array<i32>} : memref<2x32x768xf32, #tpu.memory_space<vmem>>, vector<1x1x16xf32>,
        %parallel_loop3A_1059 = vector.shape_cast %parallel_loop3A_1058 : vector<1x1x16xf32> to vector<16xf32>
        %parallel_loop3A_1060 = arith.addf %parallel_loop3A_1053, %parallel_loop3A_1059 : vector<16xf32>
        %parallel_loop3A_1061 = tpu.bitcast %parallel_loop3A_1047 : vector<16xf32> -> vector<16xi32>
        %parallel_loop3A_1062 = tpu.bitcast %parallel_loop3A_1060 : vector<16xf32> -> vector<16xi32>
        %parallel_loop3A_1063 = arith.shrui %parallel_loop3A_1061, %broadcast_in_dim3A_5 : vector<16xi32>
        %parallel_loop3A_1064 = arith.andi %parallel_loop3A_1062, %broadcast_in_dim3A_3 : vector<16xi32>
        %parallel_loop3A_1065 = arith.ori %parallel_loop3A_1063, %parallel_loop3A_1064 : vector<16xi32>
        %parallel_loop3A_1066 = arith.constant 1 : i32
        %parallel_loop3A_1067 = arith.index_cast %parallel_loop3A_1066 : i32 to index
        %parallel_loop3A_1068 = arith.index_cast %parallel_loop3A_198 : i32 to index
        %parallel_loop3A_1069 = arith.constant 352 : index
        %parallel_loop3A_1070 = tpu.vector_load %arg11[%parallel_loop3A_1067, %parallel_loop3A_1068, %parallel_loop3A_1069] {strides = array<i32>} : memref<2x32x384xi32, #tpu.memory_space<vmem>>, vector<1x1x16xi32>,
        %parallel_loop3A_1071 = vector.shape_cast %parallel_loop3A_1070 : vector<1x1x16xi32> to vector<16xi32>
        %parallel_loop3A_1072 = vector.shape_cast %parallel_loop3A_1065 : vector<16xi32> to vector<1x1x16xi32>
        tpu.vector_store %arg11[%parallel_loop3A_1067, %parallel_loop3A_1068, %parallel_loop3A_1069], %parallel_loop3A_1072 {strides = array<i32>} : memref<2x32x384xi32, #tpu.memory_space<vmem>>, vector<1x1x16xi32>,
        %parallel_loop3A_1073 = arith.constant 1 : i32
        %parallel_loop3A_1074 = arith.index_cast %parallel_loop3A_1073 : i32 to index
        %parallel_loop3A_1075 = arith.index_cast %parallel_loop3A_198 : i32 to index
        %parallel_loop3A_1076 = arith.constant 368 : index
        %parallel_loop3A_1077 = tpu.vector_load %arg9[%parallel_loop3A_1074, %parallel_loop3A_1075, %parallel_loop3A_1076] {strides = array<i32>} : memref<2x32x768xf32, #tpu.memory_space<vmem>>, vector<1x1x16xf32>,
        %parallel_loop3A_1078 = vector.shape_cast %parallel_loop3A_1077 : vector<1x1x16xf32> to vector<16xf32>
        %parallel_loop3A_1079 = arith.constant 1 : i32
        %parallel_loop3A_1080 = arith.index_cast %parallel_loop3A_1079 : i32 to index
        %parallel_loop3A_1081 = arith.index_cast %parallel_loop3A_198 : i32 to index
        %parallel_loop3A_1082 = arith.constant 368 : index
        %parallel_loop3A_1083 = tpu.vector_load %arg10[%parallel_loop3A_1080, %parallel_loop3A_1081, %parallel_loop3A_1082] {strides = array<i32>} : memref<2x32x768xf32, #tpu.memory_space<vmem>>, vector<1x1x16xf32>,
        %parallel_loop3A_1084 = vector.shape_cast %parallel_loop3A_1083 : vector<1x1x16xf32> to vector<16xf32>
        %parallel_loop3A_1085 = arith.addf %parallel_loop3A_1078, %parallel_loop3A_1084 : vector<16xf32>
        %parallel_loop3A_1086 = arith.constant 1 : i32
        %parallel_loop3A_1087 = arith.index_cast %parallel_loop3A_1086 : i32 to index
        %parallel_loop3A_1088 = arith.index_cast %parallel_loop3A_198 : i32 to index
        %parallel_loop3A_1089 = arith.constant 752 : index
        %parallel_loop3A_1090 = tpu.vector_load %arg9[%parallel_loop3A_1087, %parallel_loop3A_1088, %parallel_loop3A_1089] {strides = array<i32>} : memref<2x32x768xf32, #tpu.memory_space<vmem>>, vector<1x1x16xf32>,
        %parallel_loop3A_1091 = vector.shape_cast %parallel_loop3A_1090 : vector<1x1x16xf32> to vector<16xf32>
        %parallel_loop3A_1092 = arith.constant 1 : i32
        %parallel_loop3A_1093 = arith.index_cast %parallel_loop3A_1092 : i32 to index
        %parallel_loop3A_1094 = arith.index_cast %parallel_loop3A_198 : i32 to index
        %parallel_loop3A_1095 = arith.constant 752 : index
        %parallel_loop3A_1096 = tpu.vector_load %arg10[%parallel_loop3A_1093, %parallel_loop3A_1094, %parallel_loop3A_1095] {strides = array<i32>} : memref<2x32x768xf32, #tpu.memory_space<vmem>>, vector<1x1x16xf32>,
        %parallel_loop3A_1097 = vector.shape_cast %parallel_loop3A_1096 : vector<1x1x16xf32> to vector<16xf32>
        %parallel_loop3A_1098 = arith.addf %parallel_loop3A_1091, %parallel_loop3A_1097 : vector<16xf32>
        %parallel_loop3A_1099 = tpu.bitcast %parallel_loop3A_1085 : vector<16xf32> -> vector<16xi32>
        %parallel_loop3A_1100 = tpu.bitcast %parallel_loop3A_1098 : vector<16xf32> -> vector<16xi32>
        %parallel_loop3A_1101 = arith.shrui %parallel_loop3A_1099, %broadcast_in_dim3A_5 : vector<16xi32>
        %parallel_loop3A_1102 = arith.andi %parallel_loop3A_1100, %broadcast_in_dim3A_3 : vector<16xi32>
        %parallel_loop3A_1103 = arith.ori %parallel_loop3A_1101, %parallel_loop3A_1102 : vector<16xi32>
        %parallel_loop3A_1104 = arith.constant 1 : i32
        %parallel_loop3A_1105 = arith.index_cast %parallel_loop3A_1104 : i32 to index
        %parallel_loop3A_1106 = arith.index_cast %parallel_loop3A_198 : i32 to index
        %parallel_loop3A_1107 = arith.constant 368 : index
        %parallel_loop3A_1108 = tpu.vector_load %arg11[%parallel_loop3A_1105, %parallel_loop3A_1106, %parallel_loop3A_1107] {strides = array<i32>} : memref<2x32x384xi32, #tpu.memory_space<vmem>>, vector<1x1x16xi32>,
        %parallel_loop3A_1109 = vector.shape_cast %parallel_loop3A_1108 : vector<1x1x16xi32> to vector<16xi32>
        %parallel_loop3A_1110 = vector.shape_cast %parallel_loop3A_1103 : vector<16xi32> to vector<1x1x16xi32>
        tpu.vector_store %arg11[%parallel_loop3A_1105, %parallel_loop3A_1106, %parallel_loop3A_1107], %parallel_loop3A_1110 {strides = array<i32>} : memref<2x32x384xi32, #tpu.memory_space<vmem>>, vector<1x1x16xi32>,
      } {sc.loop_unroll_factor = 2 : i64, sc.parallel_access}
      %add3A_180 = arith.constant 1 : i32
      %add3A_181 = arith.addi %mul3A_61, %add3A_180 : i32
      %mul3A_182 = arith.constant 32 : i32
      %mul3A_183 = arith.muli %add3A_181, %mul3A_182 : i32
      %add3A_184 = arith.addi %mul3A_2, %mul3A_183 : i32
      %dma_start3A_185 = arith.constant 1 : i32
      %dma_start3A_186 = arith.constant 0 : i32
      %dma_start3A_187 = arith.constant 0 : i32
      %dma_start3A_188 = tpu.memref_slice %arg11[%dma_start3A_185, %dma_start3A_186, %dma_start3A_187] : memref<2x32x384xi32, #tpu.memory_space<vmem>> -> memref<1x32x384xi32, #tpu.memory_space<vmem>>
      %dma_start3A_189 = tpu.memref_squeeze %dma_start3A_188 : memref<1x32x384xi32, #tpu.memory_space<vmem>> -> memref<32x384xi32, #tpu.memory_space<vmem>>
      %dma_start3A_190 = arith.constant 0 : i32
      %dma_start3A_191 = tpu.memref_slice %arg6[%add3A_184, %dma_start3A_190] : memref<8192x384xi32, #tpu.memory_space<hbm>> -> memref<32x384xi32, #tpu.memory_space<hbm>>
      %dma_start3A_192 = arith.constant 0 : i32
      %dma_start3A_193 = tpu.memref_slice %arg6[%add3A_184, %dma_start3A_192] : memref<8192x384xi32, #tpu.memory_space<hbm>> -> memref<32x384xi32, #tpu.memory_space<hbm>>
      %dma_start3A_194 = arith.constant 0 : i32
      %dma_start3A_195 = arith.constant 0 : i32
      %dma_start3A_196 = tpu.memref_slice %arg11[%dma_start3A_185, %dma_start3A_194, %dma_start3A_195] : memref<2x32x384xi32, #tpu.memory_space<vmem>> -> memref<1x32x384xi32, #tpu.memory_space<vmem>>
      %dma_start3A_197 = tpu.memref_squeeze %dma_start3A_196 : memref<1x32x384xi32, #tpu.memory_space<vmem>> -> memref<32x384xi32, #tpu.memory_space<vmem>>
      tpu.enqueue_dma source(%dma_start3A_197 : memref<32x384xi32, #tpu.memory_space<vmem>>) target(%dma_start3A_193 : memref<32x384xi32, #tpu.memory_space<hbm>>) target_semaphore(%arg17 : memref<!tpu.dma_semaphore, #tpu.memory_space<semaphore_mem>>)
    }
    %scan3A_29 = arith.constant 4 : i32
    %dma_wait3A = arith.constant 0 : i32
    %dma_wait3A_30 = arith.constant 0 : i32
    %dma_wait3A_31 = arith.constant 0 : i32
    %dma_wait3A_32 = tpu.memref_slice %arg11[%dma_wait3A, %dma_wait3A_30, %dma_wait3A_31] : memref<2x32x384xi32, #tpu.memory_space<vmem>> -> memref<1x32x384xi32, #tpu.memory_space<vmem>>
    %dma_wait3A_33 = tpu.memref_squeeze %dma_wait3A_32 : memref<1x32x384xi32, #tpu.memory_space<vmem>> -> memref<32x384xi32, #tpu.memory_space<vmem>>
    %dma_wait3A_34 = arith.constant 0 : i32
    %dma_wait3A_35 = arith.constant 0 : i32
    %dma_wait3A_36 = tpu.memref_slice %arg6[%dma_wait3A_34, %dma_wait3A_35] : memref<8192x384xi32, #tpu.memory_space<hbm>> -> memref<32x384xi32, #tpu.memory_space<hbm>>
    %dma_wait3A_37 = arith.constant 0 : i32
    %dma_wait3A_38 = arith.constant 0 : i32
    %dma_wait3A_39 = tpu.memref_slice %arg6[%dma_wait3A_37, %dma_wait3A_38] : memref<8192x384xi32, #tpu.memory_space<hbm>> -> memref<32x384xi32, #tpu.memory_space<hbm>>
    %dma_wait3A_40 = arith.constant 0 : i32
    %dma_wait3A_41 = arith.constant 0 : i32
    %dma_wait3A_42 = tpu.memref_slice %arg11[%dma_wait3A, %dma_wait3A_40, %dma_wait3A_41] : memref<2x32x384xi32, #tpu.memory_space<vmem>> -> memref<1x32x384xi32, #tpu.memory_space<vmem>>
    %dma_wait3A_43 = tpu.memref_squeeze %dma_wait3A_42 : memref<1x32x384xi32, #tpu.memory_space<vmem>> -> memref<32x384xi32, #tpu.memory_space<vmem>>
    tpu.wait_dma2 semaphore(%arg16 : memref<!tpu.dma_semaphore, #tpu.memory_space<semaphore_mem>>) src(%dma_wait3A_43 : memref<32x384xi32, #tpu.memory_space<vmem>>) dst(%dma_wait3A_39 : memref<32x384xi32, #tpu.memory_space<hbm>>)
    %dma_wait3A_44 = arith.constant 1 : i32
    %dma_wait3A_45 = arith.constant 0 : i32
    %dma_wait3A_46 = arith.constant 0 : i32
    %dma_wait3A_47 = tpu.memref_slice %arg11[%dma_wait3A_44, %dma_wait3A_45, %dma_wait3A_46] : memref<2x32x384xi32, #tpu.memory_space<vmem>> -> memref<1x32x384xi32, #tpu.memory_space<vmem>>
    %dma_wait3A_48 = tpu.memref_squeeze %dma_wait3A_47 : memref<1x32x384xi32, #tpu.memory_space<vmem>> -> memref<32x384xi32, #tpu.memory_space<vmem>>
    %dma_wait3A_49 = arith.constant 0 : i32
    %dma_wait3A_50 = arith.constant 0 : i32
    %dma_wait3A_51 = tpu.memref_slice %arg6[%dma_wait3A_49, %dma_wait3A_50] : memref<8192x384xi32, #tpu.memory_space<hbm>> -> memref<32x384xi32, #tpu.memory_space<hbm>>
    %dma_wait3A_52 = arith.constant 0 : i32
    %dma_wait3A_53 = arith.constant 0 : i32
    %dma_wait3A_54 = tpu.memref_slice %arg6[%dma_wait3A_52, %dma_wait3A_53] : memref<8192x384xi32, #tpu.memory_space<hbm>> -> memref<32x384xi32, #tpu.memory_space<hbm>>
    %dma_wait3A_55 = arith.constant 0 : i32
    %dma_wait3A_56 = arith.constant 0 : i32
    %dma_wait3A_57 = tpu.memref_slice %arg11[%dma_wait3A_44, %dma_wait3A_55, %dma_wait3A_56] : memref<2x32x384xi32, #tpu.memory_space<vmem>> -> memref<1x32x384xi32, #tpu.memory_space<vmem>>
    %dma_wait3A_58 = tpu.memref_squeeze %dma_wait3A_57 : memref<1x32x384xi32, #tpu.memory_space<vmem>> -> memref<32x384xi32, #tpu.memory_space<vmem>>
    tpu.wait_dma2 semaphore(%arg17 : memref<!tpu.dma_semaphore, #tpu.memory_space<semaphore_mem>>) src(%dma_wait3A_58 : memref<32x384xi32, #tpu.memory_space<vmem>>) dst(%dma_wait3A_54 : memref<32x384xi32, #tpu.memory_space<hbm>>)
    return
  }
}

module attributes {stable_mosaic.version = 14 : i64} {
  func.func @_tc_body(%arg0: i32, %arg1: memref<512x384xi32, #tpu.memory_space<vmem>>, %arg2: memref<512x128xf32, #tpu.memory_space<vmem>>, %arg3: memref<128x768xf32, #tpu.memory_space<vmem>>, %arg4: memref<1x768xf32, #tpu.memory_space<vmem>>, %arg5: memref<1x768xf32, #tpu.memory_space<vmem>>, %arg6: memref<1x768xf32, #tpu.memory_space<vmem>>, %arg7: memref<512x768xf32, #tpu.memory_space<vmem>>) attributes {dimension_semantics = [#tpu.dimension_semantics<arbitrary>], iteration_bounds = array<i64: 16>, scalar_prefetch = 0 : i64, scratch_operands = 0 : i64, tpu.core_type = #tpu.core_type<tc>, window_params = [{transform_indices = @transform_0, window_bounds = array<i64: 512, 384>}, {transform_indices = @transform_1, window_bounds = array<i64: 512, 128>}, {pipeline_mode = #tpu.pipeline_mode<synchronous>, transform_indices = @transform_2, window_bounds = array<i64: 128, 768>}, {pipeline_mode = #tpu.pipeline_mode<synchronous>, transform_indices = @transform_3, window_bounds = array<i64: 1, 768>}, {pipeline_mode = #tpu.pipeline_mode<synchronous>, transform_indices = @transform_4, window_bounds = array<i64: 1, 768>}, {pipeline_mode = #tpu.pipeline_mode<synchronous>, transform_indices = @transform_5, window_bounds = array<i64: 1, 768>}, {transform_indices = @transform_6, window_bounds = array<i64: 512, 768>}]} {
    %get3A = arith.constant 0 : index
    %get3A_0 = arith.constant 0 : index
    %get3A_1 = vector.load %arg1[%get3A, %get3A_0] : memref<512x384xi32, #tpu.memory_space<vmem>>, vector<512x384xi32>
    %shift_left3A = arith.constant 16 : i32
    %shift_left3A_2 = vector.broadcast %shift_left3A : i32 to vector<512x384xi32>
    %shift_left3A_3 = arith.shli %get3A_1, %shift_left3A_2 : vector<512x384xi32>
    %bitcast_convert_type3A = tpu.bitcast %shift_left3A_3 : vector<512x384xi32> -> vector<512x384xf32>
    %and3A = arith.constant -65536 : i32
    %and3A_4 = vector.broadcast %and3A : i32 to vector<512x384xi32>
    %and3A_5 = arith.andi %get3A_1, %and3A_4 : vector<512x384xi32>
    %bitcast_convert_type3A_6 = tpu.bitcast %and3A_5 : vector<512x384xi32> -> vector<512x384xf32>
    %concatenate3A = tpu.concatenate %bitcast_convert_type3A, %bitcast_convert_type3A_6 in 1 : vector<512x384xf32>, vector<512x384xf32> -> vector<512x768xf32>
    %get3A_7 = arith.constant 0 : index
    %get3A_8 = arith.constant 0 : index
    %get3A_9 = vector.load %arg2[%get3A_7, %get3A_8] : memref<512x128xf32, #tpu.memory_space<vmem>>, vector<512x128xf32>
    %get3A_10 = arith.constant 0 : index
    %get3A_11 = arith.constant 0 : index
    %get3A_12 = vector.load %arg3[%get3A_10, %get3A_11] : memref<128x768xf32, #tpu.memory_space<vmem>>, vector<128x768xf32>
    %dot_general3A = arith.constant dense<0.000000e+00> : vector<512x768xf32>
    %dot_general3A_13 = tpu.matmul %get3A_9, %get3A_12, %dot_general3A {dimension_numbers = #tpu.dot_dimension_numbers<[1], [0], [0], [1], [0, 0, 1, 1], [], []>, transpose_lhs_hint = false} : vector<512x128xf32>, vector<128x768xf32>, vector<512x768xf32> -> vector<512x768xf32>
    %get3A_14 = arith.constant 0 : index
    %get3A_15 = arith.constant 0 : index
    %get3A_16 = vector.load %arg4[%get3A_14, %get3A_15] : memref<1x768xf32, #tpu.memory_space<vmem>>, vector<1x768xf32>
    %add3A = vector.broadcast %get3A_16 : vector<1x768xf32> to vector<512x768xf32>
    %add3A_17 = arith.addf %dot_general3A_13, %add3A : vector<512x768xf32>
    %tanh3A = math.tanh %add3A_17 : vector<512x768xf32>
    %add3A_18 = arith.addf %concatenate3A, %tanh3A : vector<512x768xf32>
    %reduce_sum3A = arith.constant dense<0.000000e+00> : vector<512xf32>
    %reduce_sum3A_19 = vector.multi_reduction <add>, %add3A_18, %reduce_sum3A [1] : vector<512x768xf32> to vector<512xf32>
    %broadcast_in_dim3A = vector.shape_cast %reduce_sum3A_19 : vector<512xf32> to vector<512x1xf32>
    %div3A = arith.constant 7.680000e+02 : f32
    %div3A_20 = vector.broadcast %div3A : f32 to vector<512x1xf32>
    %div3A_21 = arith.divf %broadcast_in_dim3A, %div3A_20 : vector<512x1xf32>
    %sub3A = vector.broadcast %div3A_21 : vector<512x1xf32> to vector<512x768xf32>
    %sub3A_22 = arith.subf %add3A_18, %sub3A : vector<512x768xf32>
    %mul3A = arith.mulf %sub3A_22, %sub3A_22 : vector<512x768xf32>
    %reduce_sum3A_23 = arith.constant dense<0.000000e+00> : vector<512xf32>
    %reduce_sum3A_24 = vector.multi_reduction <add>, %mul3A, %reduce_sum3A_23 [1] : vector<512x768xf32> to vector<512xf32>
    %broadcast_in_dim3A_25 = vector.shape_cast %reduce_sum3A_24 : vector<512xf32> to vector<512x1xf32>
    %div3A_26 = arith.constant 7.680000e+02 : f32
    %div3A_27 = vector.broadcast %div3A_26 : f32 to vector<512x1xf32>
    %div3A_28 = arith.divf %broadcast_in_dim3A_25, %div3A_27 : vector<512x1xf32>
    %add3A_29 = arith.constant 9.99999996E-13 : f32
    %add3A_30 = vector.broadcast %add3A_29 : f32 to vector<512x1xf32>
    %add3A_31 = arith.addf %div3A_28, %add3A_30 : vector<512x1xf32>
    %rsqrt3A = math.rsqrt %add3A_31 : vector<512x1xf32>
    %mul3A_32 = vector.broadcast %rsqrt3A : vector<512x1xf32> to vector<512x768xf32>
    %mul3A_33 = arith.mulf %sub3A_22, %mul3A_32 : vector<512x768xf32>
    %get3A_34 = arith.constant 0 : index
    %get3A_35 = arith.constant 0 : index
    %get3A_36 = vector.load %arg5[%get3A_34, %get3A_35] : memref<1x768xf32, #tpu.memory_space<vmem>>, vector<1x768xf32>
    %mul3A_37 = vector.broadcast %get3A_36 : vector<1x768xf32> to vector<512x768xf32>
    %mul3A_38 = arith.mulf %mul3A_33, %mul3A_37 : vector<512x768xf32>
    %get3A_39 = arith.constant 0 : index
    %get3A_40 = arith.constant 0 : index
    %get3A_41 = vector.load %arg6[%get3A_39, %get3A_40] : memref<1x768xf32, #tpu.memory_space<vmem>>, vector<1x768xf32>
    %add3A_42 = vector.broadcast %get3A_41 : vector<1x768xf32> to vector<512x768xf32>
    %add3A_43 = arith.addf %mul3A_38, %add3A_42 : vector<512x768xf32>
    %swap3A = arith.constant 0 : index
    %swap3A_44 = arith.constant 0 : index
    %swap3A_45 = vector.load %arg7[%swap3A, %swap3A_44] : memref<512x768xf32, #tpu.memory_space<vmem>>, vector<512x768xf32>
    tpu.vector_store %arg7[%swap3A, %swap3A_44], %add3A_43 {strides = array<i32>} : memref<512x768xf32, #tpu.memory_space<vmem>>, vector<512x768xf32>,
    return
  }
  func.func @transform_0(%arg0: i32) -> (i32, i32) {
    %c0_i32 = arith.constant 0 : i32
    %c0_i32_0 = arith.constant 0 : i32
    return %arg0, %c0_i32 : i32, i32
  }
  func.func @transform_1(%arg0: i32) -> (i32, i32) {
    %c0_i32 = arith.constant 0 : i32
    %c0_i32_0 = arith.constant 0 : i32
    return %arg0, %c0_i32 : i32, i32
  }
  func.func @transform_2(%arg0: i32) -> (i32, i32) {
    %c0_i32 = arith.constant 0 : i32
    %c0_i32_0 = arith.constant 0 : i32
    %c0_i32_1 = arith.constant 0 : i32
    return %c0_i32, %c0_i32_0 : i32, i32
  }
  func.func @transform_3(%arg0: i32) -> (i32, i32) {
    %c0_i32 = arith.constant 0 : i32
    %c0_i32_0 = arith.constant 0 : i32
    %c0_i32_1 = arith.constant 0 : i32
    return %c0_i32, %c0_i32_0 : i32, i32
  }
  func.func @transform_4(%arg0: i32) -> (i32, i32) {
    %c0_i32 = arith.constant 0 : i32
    %c0_i32_0 = arith.constant 0 : i32
    %c0_i32_1 = arith.constant 0 : i32
    return %c0_i32, %c0_i32_0 : i32, i32
  }
  func.func @transform_5(%arg0: i32) -> (i32, i32) {
    %c0_i32 = arith.constant 0 : i32
    %c0_i32_0 = arith.constant 0 : i32
    %c0_i32_1 = arith.constant 0 : i32
    return %c0_i32, %c0_i32_0 : i32, i32
  }
  func.func @transform_6(%arg0: i32) -> (i32, i32) {
    %c0_i32 = arith.constant 0 : i32
    %c0_i32_0 = arith.constant 0 : i32
    return %arg0, %c0_i32 : i32, i32
  }
}

</mosaic_0001>

<sc_bundles>
// kernel: kernel.4.cloned.1.call-start
scs
__scs_entry_jumppad:
0x0: {  	(pc) =	sbr.rel $0x88, $3  }
0x1: {  	(tag) =	ssettag $0x0;
	lr =	simm.s32 $0x1  }
0x2: {  	[smem:$0x3F98] =	sst lr;
	_ =	strace $0xD0000000  }
0x3: {  	_ = 	snop  }
0x4: {  	_ = 	snop  }
0x5: {  	_ = 	snop  }
0x6: {  	_ = 	snop  }
0x7: {  	_ = 	snop  }
__scs_overlays_trampoline_lowered:
0x8: {  	[smem:$0x3FA7] =	sst s0  }
0x9: {  	[smem:$0x3FA8] =	sst s1  }
0xa: {  	[smem:$0x3FA9] =	sst s2  }
0xb: {  	[smem:$0x3FAA] =	sst s3  }
0xc: {  	[smem:$0x3FAB] =	sst s4  }
0xd: {  	[smem:$0x3FAC] =	sst s5  }
0xe: {  	[smem:$0x3FAD] =	sst s6  }
0xf: {  	[smem:$0x3FAE] =	sst s7  }
0x10: {  	[smem:$0x3FAF] =	sst s8  }
0x11: {  	[smem:$0x3FB0] =	sst s9;
	s0 =	simm.s32 @!p0 $0x0  }
0x12: {  	s1 =	sld [smem:$0x3F96];
	s0 =	simm.s32 @p0 $0x1  }
0x13: {  	[smem:$0x3FB1] =	sst s0;
	s0 =	simm.s32 @!p1 $0x0  }
0x14: {  	s2 =	sld [smem:$0x3F95];
	s0 =	simm.s32 @p1 $0x1  }
0x15: {  	[smem:$0x3FB2] =	sst s0;
	s0 =	simm.s32 @!p2 $0x0  }
0x16: {  	s3 =	sld [smem:$0x3FDB];
	s0 =	simm.s32 @p2 $0x1  }
0x17: {  	s4 =	simm.s32 $0x1BF5;
	[smem:$0x3FB4] =	sst s0  }
0x18: {  	s0 =	sld [smem:$0x3F97];
	_ =	swait.ge [sflag:s4], $0x0  }
0x19: {  	s7 =	sld [smem:$0x3F98]  }
0x1a: {  	s8 =	sadd.s32 $0xFFFFE003, lr  }
0x1b: {  	s9 =	sadd.s32 $0xFFFFFEF7, lr;
	s5 =	simm.s32 $0xFFFFFFFF;
	p2 =	slt.u32 s8, $0xFFFFF086  }
0x1c: {  	p1 =	slt.u32 s9, $0xF7A;
	s5 =	simm.s32 @!p2 $0x0  }
0x1d: {  	s5 =	simm.s32 @p1 $0x1;
	p0 =	seq.s32 s7, s2  }
0x1e: {  	s7 =	smul.u32 @!p0 $0xF7A, s2;
	p2 =	seq.s32 @!p0 s5, $0x0  }
0x1f: {  	s9 =	smul.u32 $0xF7A, s1;
	s8 =	simm.s32 @!p0 $0x1BF5;
	p2 =	por !p2, p0  }
0x20: {  	[sflag:s8] =	ssyncset.s32 @!p0 $0xFFFFF086;
	s6 =	sadd.s32 @!p0 s3, s7;
	s7 =	simm.s32 @!p0 $0x108  }
0x21: {  	s3 =	sadd.s32 s3, s9;
	s6 =	sadd.s32 @!p0 $0x88, s6;
	s7 =	simm.s32 @p2 $0x1082  }
0x22: {  	[simem:s7], [sflag:s8] =	dma.local @!p0 [hbm:s6], $0xF7A  }
0x23: {  	s9 =	sor.u32 $0xD0000000, s2;
	s6 =	simm.s32 $0x108;
	_ =	swait.ge @!p0 [sflag:s8], $0x0  }
0x24: {  	s3 =	sadd.s32 $0x88, s3;
	s6 =	simm.s32 @!p1 $0x1082;
	[sflag:s4] =	ssyncset.s32 $0xFFFFF086  }
0x25: {  	[simem:s6], [sflag:s4] =	dma.local [hbm:s3], $0xF7A  }
0x26: {  	[smem:$0x3F98] =	sst s1;
	(tag) =	ssettag s2;
	_ =	strace s9  }
0x27: {  	s1 =	sld [smem:$0x3FA8]  }
0x28: {  	s2 =	sld [smem:$0x3FA9]  }
0x29: {  	s4 =	sld [smem:$0x3FAB]  }
0x2a: {  	p0 =	seq.s32 s5, $0x0;
	s5 =	sld [smem:$0x3FAC]  }
0x2b: {  	s6 =	sld [smem:$0x3FAD]  }
0x2c: {  	s7 =	sld [smem:$0x3FAE]  }
0x2d: {  	s3 =	simm.s32 $0x108;
	s8 =	sld [smem:$0x3FAF]  }
0x2e: {  	s3 =	simm.s32 @!p0 $0x1082;
	s9 =	sld [smem:$0x3FB0]  }
0x2f: {  	lr =	sadd.s32 s0, s3;
	s0 =	sld [smem:$0x3FA7]  }
0x30: {  	s3 =	sld [smem:$0x3FAA]  }
0x31: {  	[smem:$0x3FB3] =	sst s10  }
0x32: {  	s10 =	sld [smem:$0x3FB1];
	_ =	sdelay $0x3  }
0x33: {  	p0 =	seq.s32 s10, $0x1;
	s10 =	sld [smem:$0x3FB3];
	_ =	sdelay $0x3  }
0x34: {  	[smem:$0x3FB3] =	sst s10  }
0x35: {  	s10 =	sld [smem:$0x3FB2];
	_ =	sdelay $0x3  }
0x36: {  	p1 =	seq.s32 s10, $0x1;
	s10 =	sld [smem:$0x3FB3];
	_ =	sdelay $0x3  }
0x37: {  	[smem:$0x3FB3] =	sst s10  }
0x38: {  	s10 =	sld [smem:$0x3FB4]  }
0x39: {  	_ = 	snop;
	(pc) =	sbr.ind lr, $3  }
0x3a: {  	_ = 	snop  }
0x3b: {  	_ = 	snop  }
0x3c: {  	p2 =	seq.s32 s10, $0x1;
	s10 =	sld [smem:$0x3FB3]  }
0x3d: {  	_ =	shalt  }
0x3e: {  	_ =	shalt  }
0x3f: {  	_ =	shalt  }
0x40: {  	_ =	shalt  }
0x41: {  	_ =	shalt  }
0x42: {  	_ =	shalt  }
0x43: {  	_ =	shalt  }
0x44: {  	_ =	shalt  }
0x45: {  	_ =	shalt  }
0x46: {  	_ =	shalt  }
0x47: {  	_ =	shalt  }
0x48: {  	_ =	shalt  }
0x49: {  	_ =	shalt  }
0x4a: {  	_ =	shalt  }
0x4b: {  	_ =	shalt  }
0x4c: {  	_ =	shalt  }
0x4d: {  	_ =	shalt  }
0x4e: {  	_ =	shalt  }
0x4f: {  	_ =	shalt  }
0x50: {  	_ =	shalt  }
0x51: {  	_ =	shalt  }
0x52: {  	_ =	shalt  }
0x53: {  	_ =	shalt  }
0x54: {  	_ =	shalt  }
0x55: {  	_ =	shalt  }
0x56: {  	_ =	shalt  }
0x57: {  	_ =	shalt  }
0x58: {  	_ =	shalt  }
0x59: {  	_ =	shalt  }
0x5a: {  	_ =	shalt  }
0x5b: {  	_ =	shalt  }
0x5c: {  	_ =	shalt  }
0x5d: {  	_ =	shalt  }
0x5e: {  	_ =	shalt  }
0x5f: {  	_ =	shalt  }
0x60: {  	_ =	shalt  }
0x61: {  	_ =	shalt  }
0x62: {  	_ =	shalt  }
0x63: {  	_ =	shalt  }
0x64: {  	_ =	shalt  }
0x65: {  	_ =	shalt  }
0x66: {  	_ =	shalt  }
0x67: {  	_ =	shalt  }
0x68: {  	_ =	shalt  }
0x69: {  	_ =	shalt  }
0x6a: {  	_ =	shalt  }
0x6b: {  	_ =	shalt  }
0x6c: {  	_ =	shalt  }
0x6d: {  	_ =	shalt  }
0x6e: {  	_ =	shalt  }
0x6f: {  	_ =	shalt  }
0x70: {  	_ =	shalt  }
0x71: {  	_ =	shalt  }
0x72: {  	_ =	shalt  }
0x73: {  	_ =	shalt  }
0x74: {  	_ =	shalt  }
0x75: {  	_ =	shalt  }
0x76: {  	_ =	shalt  }
0x77: {  	_ =	shalt  }
0x78: {  	_ =	shalt  }
0x79: {  	_ =	shalt  }
0x7a: {  	_ =	shalt  }
0x7b: {  	_ =	shalt  }
0x7c: {  	_ =	shalt  }
0x7d: {  	_ =	shalt  }
0x7e: {  	_ =	shalt  }
0x7f: {  	_ =	shalt  }
0x80: {  	_ =	shalt  }
0x81: {  	_ =	shalt  }
0x82: {  	_ =	shalt  }
0x83: {  	_ =	shalt  }
0x84: {  	_ =	shalt  }
0x85: {  	_ =	shalt  }
0x86: {  	_ =	shalt  }
0x87: {  	_ =	shalt  }
.Lfunc_end0:
.L_simem_size_0:
called_computation_lowered:
.L_overlay_start_0:
0x88: {  	s2 =	sld [smem:$0x3FD9]  }
0x89: {  	s3 =	sld [smem:$0x3FFE];
	_ =	sdelay $0x1  }
0x8a: {  	s1 =	srdreg.scid  }
0x8b: {  	s0 =	sand.u32 $0x1, s1  }
0x8c: {  	s17 =	sshll.u32 s0, $0xA;
	s2 =	sadd.s32 s3, s2  }
0x8d: {  	s2 =	sadd.s32 s2, s17  }
0x8e: {  	[smem:$0x3FBF] =	sst s2  }
0x8f: {  	_ = 	snop  }
0x90: {  	s2 =	sld [smem:$0x3FC6]  }
0x91: {  	s18 =	sld [smem:$0x3FC5]  }
0x92: {  	s4 =	sld [smem:$0x3FD0];
	(tm) =	ssettm $0x1  }
0x93: {  	s5 =	sld [smem:$0x3FFB];
	_ =	sdelay $0x3  }
0x94: {  	_ =	strace s5  }
0x95: {  	s5 =	sld [smem:$0x3FFC];
	_ =	sdelay $0x3  }
0x96: {  	_ =	strace s5  }
0x97: {  	s5 =	sld [smem:$0x3FFD];
	_ =	sdelay $0x3  }
0x98: {  	_ =	strace s5  }
0x99: {  	_ =	strace $0x8FFFFFFF  }
0x9a: {  	s19 =	sld [smem:$0x3FDB];
	_ =	sdelay $0x1  }
0x9b: {  	s6 =	simm.s32 $_scs_section_size  }
0x9c: {  	s7 =	simm.s32 $_size__tile_overlayer_lowered;
	s8 =	simm.s32 $_tile_overlayer_lowered  }
0x9d: {  	s22 =	simm.s32 $0x1BFF;
	s21 =	sshll.u32 s8, $0x1;
	s5 =	sadd.s32 s6, s19  }
0x9e: {  	s9 =	simm.s32 $0x0;
	s20 =	sshll.u32 s7, $0x1;
	s7 =	sadd.s32 s21, s5  }
0x9f: {  	[timem:s9], [sflag:s22] =	dma.local [hbm:s7], s20  }
0xa0: {  	_ =	swait.ge [sflag:s22], s20  }
0xa1: {  	s6 =	ssub.s32 $0x0, s20;
	[sflag:s22] =	ssyncset.done $0x0  }
0xa2: {  	[sflag:s22] =	ssyncadd.s32 s6;
	_ =	sdelay $0x1  }
0xa3: {  	s23 =	simm.s32 $0x1B8B  }
0xa4: {  	_ =	swait.ge [sflag:s23], $0x1  }
0xa5: {  	[sflag:s23] =	ssyncset.done $0x0  }
0xa6: {  	s25 =	simm.s32 $0x1B8E;
	s24 =	sld [smem:$0x3FFE];
	[sflag:s23] =	ssyncadd.s32 $0xFFFFFFFF  }
0xa7: {  	s26 =	simm.s32 $execute0_lowered;
	[smem:$0x3FD2] =	sst s25  }
0xa8: {  	s7 =	sshll.u32 s26, $0x1;
	_ =	strace $0x80000046;
	[dreg:$0x1] =	wrdreg $0xFFFFFFFF  }
0xa9: {  	s28 =	simm.s32 $_size_execute0_lowered;
	s5 =	sadd.s32 s5, s7;
	[dreg:$0x0] =	wrdreg $0x0  }
0xaa: {  	s7 =	sshll.u32 s28, $0x1;
	[dreg:$0x2] =	wrdreg s5  }
0xab: {  	[dreg:$0x3] =	wrdreg s7  }
0xac: {  	[dreg:$0x4] =	wrdreg $0xC0  }
0xad: {  	_ =	task [dreg:s9], $0x5FFFF  }
0xae: {  	[dreg:$0x1] =	wrdreg $0xFFFFFFFF  }
0xaf: {  	[dreg:$0x0] =	wrdreg $0x60  }
0xb0: {  	[dreg:$0x2] =	wrdreg s24  }
0xb1: {  	[dreg:$0x3] =	wrdreg s2  }
0xb2: {  	[dreg:$0x4] =	wrdreg s18  }
0xb3: {  	[dreg:$0x5] =	wrdreg s4  }
0xb4: {  	[dreg:$0x6] =	wrdreg $0x9  }
0xb5: {  	_ =	task.clear_ibuf [dreg:s9], $0x7FFFF;
	_ =	strace $0x90000046  }
0xb6: {  	s29 =	simm.s32 $0x9;
	_ =	strace $0x80000048  }
0xb7: {  	_ =	swait.ge [sflag:s29], $0x1  }
0xb8: {  	[sflag:s29] =	ssyncadd.s32 $0xFFFFFFFF  }
0xb9: {  	_ =	strace $0x90000048  }
0xba: {  	_ =	sfence  }
0xbb: {  	s30 =	sld [smem:$0x0];
	_ =	sdelay $0x2  }
0xbc: {  	s31 =	sshll.u32 s1, $0xD;
	s1 =	sshrl.u32 s1, $0x2  }
0xbd: {  	s3 =	sand.u32 $0x4000, s31;
	s1 =	sadd.s32 s1, s30  }
0xbe: {  	s0 =	sor.u32 s3, s0;
	s1 =	sshll.u32 s1, $0x11  }
0xbf: {  	s0 =	sor.u32 s1, s0  }
0xc0: {  	s0 =	sadd.s32 $0x8F2B, s0  }
0xc1: {  	[sflag:s0] =	ssyncadd.remote.s32 $0x1  }
0xc2: {  	_ =	sfence.sel $0xFFFF  }
0xc3: {  	[dreg:$0x0] =	wrdreg $0xFFFFFFFF;
	(pc) =	sbr.abs _section_cstart, $3  }
0xc4: {  	[dreg:$0x1] =	wrdreg $0xFFFFFFFF  }
0xc5: {  	_ =	task.clear_ibuf [dreg:s9], $0x2FFFF;
	_ =	strace $0x9FFFFFFF  }
0xc6: {  	(tm) =	ssettm $0x7FFFFFFF  }
0xc7: {  	_ =	shalt  }
tec
execute0_lowered:
.L_overlay_start_1:
0x0: {  	(tag) =	ssettag $0x1  }
0x1: {  	s0 =	rddreg [dreg:$0x0]  }
0x2: {  	s4 =	rddreg [dreg:$0x1];
	s1 =	srdreg.scid  }
0x3: {  	s5 =	rddreg [dreg:$0x2];
	s2 =	stileid.u32;
	s1 =	sand.u32 $0x1, s1  }
0x4: {  	s6 =	simm.s32 $0x0;
	s2 =	sshll.u32 s2, $0x9;
	s3 =	sshll.u32 s1, $0x8  }
0x5: {  	[smem:$0x7FF] =	sst s6;
	s26 =	sadd.s32 $0x100, s4;
	s2 =	sor.u32 s3, s2  }
0x6: {  	s28 =	sadd.s32 $0x200, s4;
	s29 =	sadd.s32 $0x100, s5;
	[dreg:$0x8] =	wrdreg s2  }
0x7: {  	s1 =	ssub.s32 $0x2, s1;
	_ =	strace $0x80000047;
	[dreg:$0xb] =	wrdreg s26  }
0x8: {  	s30 =	sadd.s32 $0x200, s5;
	s25 =	sshrl.u32 s1, $0x1;
	[dreg:$0xc] =	wrdreg s28  }
0x9: {  	s2 =	sshrl.u32 s2, $0x3;
	s1 =	ssub.s32 s1, s25;
	[dreg:$0xd] =	wrdreg s29  }
0xa: {  	s0 =	sadd.s32 s2, s0;
	[dreg:$0xe] =	wrdreg s30;
	s31 =	smax.u32 s1, $0x1  }
0xb: {  	v2 =	vlaneseq.u32;
	s2 =	sadd.s32 $0x1000, s0;
	[dreg:$0xf] =	wrdreg s31  }
0xc: {  	vm0 =	vmmov $0xffff;
	v1 =	vshrl.u32 v2, $0x3;
	s0 =	sadd.s32 $0x1400, s0;
	[dreg:$0x9] =	wrdreg s2  }
0xd: {  	v0 =	vand.u32 $0x7, v2;
	v2 =	vor.u32 $0x8, v2;
	v1 =	vmul.u32 $0x8, v1;
	[dreg:$0xa] =	wrdreg s0;
	s2 =	simm.s32 $0x0  }
.LBB2_1:
0xe: {  	[dreg:$0x10] =	wrdreg s2  }
0xf: {  	s0 =	rddreg [dreg:$0x9];
	s1 =	simm.s32 $0x7  }
0x10: {  	[tilespmem:s6], [sflag:$0x7] =	stream.linear.gather [hbm4b:s0+s6], $0x100, $0x38;
	[tilespmem:$0x1E200] =	vst v63  }
0x11: {  	_ =	swait.ge [sflag:s1], $0x100  }
0x12: {  	[sflag:s1] =	ssyncset.done $0x0  }
0x13: {  	s28 =	simm.s32 $0x100;
	s26 =	rddreg [dreg:$0xa];
	[sflag:s1] =	ssyncadd.s32 $0xFFFFFF00  }
0x14: {  	[tilespmem:s28], [sflag:$0x7] =	stream.linear.gather [hbm4b:s26+s6], $0x100, $0x38;
	[tilespmem:$0x1E200] =	vst v63  }
0x15: {  	_ =	swait.ge [sflag:s1], $0x100  }
0x16: {  	[sflag:s1] =	ssyncset.done $0x0  }
0x17: {  	[sflag:s1] =	ssyncadd.s32 $0xFFFFFF00  }
0x18: {  	v3 =	vld [tilespmem:$0x0];
	_ =	sdelay $0x4  }
0x19: {  	v4 =	vshrl.u32 v3, $0x3  }
0x1a: {  	v4 =	vmul.u32 $0x30, v4  }
0x1b: {  	v3 =	vand.u32 $0x7, v3  }
0x1c: {  	v3 =	vor.u32 v3, v4  }
0x1d: {  	v4 =	vperm.xlane v3, v0;
	_ =	sdelay $0x1  }
0x1e: {  	v4 =	vadd.s32 v1, v4;
	_ =	sdelay $0x3  }
0x1f: {  	s30 =	simm.s32 $0x200;
	s29 =	rddreg [dreg:$0x1];
	v3 =	vperm.xlane v3, v2  }
0x20: {  	[tilespmem:s30], [sflag:$0x1] =	stream.indirect_vreg.gather [hbm4b:s29+s6], $0x80, v4, vm0, $0xb8;
	[tilespmem:$0x1E200] =	vst v63  }
0x21: {  	s4 =	simm.s32 $0xA00;
	s31 =	rddreg [dreg:$0xb];
	v3 =	vadd.s32 v1, v3  }
0x22: {  	[tilespmem:s4], [sflag:$0x1] =	stream.indirect_vreg.gather [hbm4b:s31+s6], $0x80, v4, vm0, $0xb8;
	[tilespmem:$0x1E200] =	vst v63  }
0x23: {  	s3 =	simm.s32 $0x1200;
	s5 =	rddreg [dreg:$0xc]  }
0x24: {  	[tilespmem:s3], [sflag:$0x1] =	stream.indirect_vreg.gather [hbm4b:s5+s6], $0x80, v4, vm0, $0xb8;
	[tilespmem:$0x1E200] =	vst v63  }
0x25: {  	s7 =	simm.s32 $0x1A00  }
0x26: {  	[tilespmem:s7], [sflag:$0x1] =	stream.indirect_vreg.gather [hbm4b:s29+s6], $0x80, v3, vm0, $0xb8;
	[tilespmem:$0x1E200] =	vst v63  }
0x27: {  	s8 =	simm.s32 $0x2200  }
0x28: {  	[tilespmem:s8], [sflag:$0x1] =	stream.indirect_vreg.gather [hbm4b:s31+s6], $0x80, v3, vm0, $0xb8;
	[tilespmem:$0x1E200] =	vst v63  }
0x29: {  	s9 =	simm.s32 $0x2A00  }
0x2a: {  	[tilespmem:s9], [sflag:$0x1] =	stream.indirect_vreg.gather [hbm4b:s5+s6], $0x80, v3, vm0, $0xb8;
	[tilespmem:$0x1E200] =	vst v63  }
0x2b: {  	v3 =	vld [tilespmem:$0x10];
	_ =	sdelay $0x4  }
0x2c: {  	v61 =	vshrl.u32 v3, $0x3  }
0x2d: {  	v4 =	vmul.u32 $0x30, v61  }
0x2e: {  	v3 =	vand.u32 $0x7, v3  }
0x2f: {  	v3 =	vor.u32 v3, v4  }
0x30: {  	v4 =	vperm.xlane v3, v0;
	_ =	sdelay $0x1  }
0x31: {  	v4 =	vadd.s32 v1, v4;
	_ =	sdelay $0x3  }
0x32: {  	s10 =	simm.s32 $0x3200;
	v3 =	vperm.xlane v3, v2  }
0x33: {  	[tilespmem:s10], [sflag:$0x1] =	stream.indirect_vreg.gather [hbm4b:s29+s6], $0x80, v4, vm0, $0xb8;
	[tilespmem:$0x1E200] =	vst v63  }
0x34: {  	s11 =	simm.s32 $0x3A00;
	v3 =	vadd.s32 v1, v3  }
0x35: {  	[tilespmem:s11], [sflag:$0x1] =	stream.indirect_vreg.gather [hbm4b:s31+s6], $0x80, v4, vm0, $0xb8;
	[tilespmem:$0x1E200] =	vst v63  }
0x36: {  	s12 =	simm.s32 $0x4200  }
0x37: {  	[tilespmem:s12], [sflag:$0x1] =	stream.indirect_vreg.gather [hbm4b:s5+s6], $0x80, v4, vm0, $0xb8;
	[tilespmem:$0x1E200] =	vst v63  }
0x38: {  	s13 =	simm.s32 $0x4A00  }
0x39: {  	[tilespmem:s13], [sflag:$0x1] =	stream.indirect_vreg.gather [hbm4b:s29+s6], $0x80, v3, vm0, $0xb8;
	[tilespmem:$0x1E200] =	vst v63  }
0x3a: {  	s14 =	simm.s32 $0x5200  }
0x3b: {  	[tilespmem:s14], [sflag:$0x1] =	stream.indirect_vreg.gather [hbm4b:s31+s6], $0x80, v3, vm0, $0xb8;
	[tilespmem:$0x1E200] =	vst v63  }
0x3c: {  	s15 =	simm.s32 $0x5A00  }
0x3d: {  	[tilespmem:s15], [sflag:$0x1] =	stream.indirect_vreg.gather [hbm4b:s5+s6], $0x80, v3, vm0, $0xb8;
	[tilespmem:$0x1E200] =	vst v63  }
0x3e: {  	v3 =	vld [tilespmem:$0x100];
	_ =	sdelay $0x4  }
0x3f: {  	v62 =	vshrl.u32 v3, $0x3  }
0x40: {  	v4 =	vmul.u32 $0x30, v62  }
0x41: {  	v3 =	vand.u32 $0x7, v3  }
0x42: {  	v3 =	vor.u32 v3, v4  }
0x43: {  	v4 =	vperm.xlane v3, v0;
	_ =	sdelay $0x1  }
0x44: {  	v4 =	vadd.s32 v1, v4;
	_ =	sdelay $0x3  }
0x45: {  	s17 =	simm.s32 $0xC200;
	s16 =	rddreg [dreg:$0x2];
	v3 =	vperm.xlane v3, v2  }
0x46: {  	[tilespmem:s17], [sflag:$0x3] =	stream.indirect_vreg.gather [hbm4b:s16+s6], $0x80, v4, vm0, $0xb8;
	[tilespmem:$0x1E200] =	vst v63  }
0x47: {  	s19 =	simm.s32 $0xCA00;
	s18 =	rddreg [dreg:$0xd];
	v3 =	vadd.s32 v1, v3  }
0x48: {  	[tilespmem:s19], [sflag:$0x3] =	stream.indirect_vreg.gather [hbm4b:s18+s6], $0x80, v4, vm0, $0xb8;
	[tilespmem:$0x1E200] =	vst v63  }
0x49: {  	s21 =	simm.s32 $0xD200;
	s20 =	rddreg [dreg:$0xe]  }
0x4a: {  	[tilespmem:s21], [sflag:$0x3] =	stream.indirect_vreg.gather [hbm4b:s20+s6], $0x80, v4, vm0, $0xb8;
	[tilespmem:$0x1E200] =	vst v63  }
0x4b: {  	s22 =	simm.s32 $0xDA00  }
0x4c: {  	[tilespmem:s22], [sflag:$0x3] =	stream.indirect_vreg.gather [hbm4b:s16+s6], $0x80, v3, vm0, $0xb8;
	[tilespmem:$0x1E200] =	vst v63  }
0x4d: {  	s23 =	simm.s32 $0xE200  }
0x4e: {  	[tilespmem:s23], [sflag:$0x3] =	stream.indirect_vreg.gather [hbm4b:s18+s6], $0x80, v3, vm0, $0xb8;
	[tilespmem:$0x1E200] =	vst v63  }
0x4f: {  	s24 =	simm.s32 $0xEA00  }
0x50: {  	[tilespmem:s24], [sflag:$0x3] =	stream.indirect_vreg.gather [hbm4b:s20+s6], $0x80, v3, vm0, $0xb8;
	[tilespmem:$0x1E200] =	vst v63  }
0x51: {  	v3 =	vld [tilespmem:$0x110];
	_ =	sdelay $0x4  }
0x52: {  	v63 =	vshrl.u32 v3, $0x3  }
0x53: {  	v4 =	vmul.u32 $0x30, v63  }
0x54: {  	v3 =	vand.u32 $0x7, v3  }
0x55: {  	v3 =	vor.u32 v3, v4  }
0x56: {  	v4 =	vperm.xlane v3, v0;
	_ =	sdelay $0x1  }
0x57: {  	v4 =	vadd.s32 v1, v4;
	_ =	sdelay $0x3  }
0x58: {  	s25 =	simm.s32 $0xF200;
	v3 =	vperm.xlane v3, v2  }
0x59: {  	[tilespmem:s25], [sflag:$0x3] =	stream.indirect_vreg.gather [hbm4b:s16+s6], $0x80, v4, vm0, $0xb8;
	[tilespmem:$0x1E200] =	vst v63  }
0x5a: {  	s26 =	simm.s32 $0xFA00;
	v3 =	vadd.s32 v1, v3  }
0x5b: {  	[tilespmem:s26], [sflag:$0x3] =	stream.indirect_vreg.gather [hbm4b:s18+s6], $0x80, v4, vm0, $0xb8;
	[tilespmem:$0x1E200] =	vst v63  }
0x5c: {  	s28 =	simm.s32 $0x10200  }
0x5d: {  	[tilespmem:s28], [sflag:$0x3] =	stream.indirect_vreg.gather [hbm4b:s20+s6], $0x80, v4, vm0, $0xb8;
	[tilespmem:$0x1E200] =	vst v63  }
0x5e: {  	s29 =	simm.s32 $0x10A00  }
0x5f: {  	[tilespmem:s29], [sflag:$0x3] =	stream.indirect_vreg.gather [hbm4b:s16+s6], $0x80, v3, vm0, $0xb8;
	[tilespmem:$0x1E200] =	vst v63  }
0x60: {  	s30 =	simm.s32 $0x11200  }
0x61: {  	[tilespmem:s30], [sflag:$0x3] =	stream.indirect_vreg.gather [hbm4b:s18+s6], $0x80, v3, vm0, $0xb8;
	[tilespmem:$0x1E200] =	vst v63  }
0x62: {  	s4 =	simm.s32 $0x0;
	s31 =	simm.s32 $0x11A00  }
0x63: {  	[tilespmem:s31], [sflag:$0x3] =	stream.indirect_vreg.gather [hbm4b:s20+s6], $0x80, v3, vm0, $0xb8;
	[tilespmem:$0x1E200] =	vst v63  }
.LBB2_2:
0x64: {  	s26 =	sshll.u32 s4, $0x6  }
0x65: {  	v3 =	vld [tilespmem:s26+$0x20];
	_ =	sdelay $0x4  }
0x66: {  	v4 =	vshrl.u32 v3, $0x3  }
0x67: {  	v4 =	vmul.u32 $0x30, v4  }
0x68: {  	v3 =	vand.u32 $0x7, v3  }
0x69: {  	v3 =	vor.u32 v3, v4  }
0x6a: {  	v4 =	vperm.xlane v3, v0;
	_ =	sdelay $0x1  }
0x6b: {  	v4 =	vadd.s32 v1, v4;
	_ =	sdelay $0x3  }
0x6c: {  	s0 =	rddreg [dreg:$0x1];
	s1 =	simm.s32 $0x6200;
	v3 =	vperm.xlane v3, v2  }
0x6d: {  	[tilespmem:s1], [sflag:$0x2] =	stream.indirect_vreg.gather [hbm4b:s0+s6], $0x80, v4, vm0, $0xb8;
	[tilespmem:$0x1E200] =	vst v63  }
0x6e: {  	s25 =	rddreg [dreg:$0xb];
	s2 =	simm.s32 $0x6A00;
	v3 =	vadd.s32 v1, v3  }
0x6f: {  	[tilespmem:s2], [sflag:$0x2] =	stream.indirect_vreg.gather [hbm4b:s25+s6], $0x80, v4, vm0, $0xb8;
	[tilespmem:$0x1E200] =	vst v63  }
0x70: {  	s28 =	rddreg [dreg:$0xc];
	s3 =	simm.s32 $0x7200  }
0x71: {  	[tilespmem:s3], [sflag:$0x2] =	stream.indirect_vreg.gather [hbm4b:s28+s6], $0x80, v4, vm0, $0xb8;
	[tilespmem:$0x1E200] =	vst v63  }
0x72: {  	s31 =	simm.s32 $0x7A00  }
0x73: {  	[tilespmem:s31], [sflag:$0x2] =	stream.indirect_vreg.gather [hbm4b:s0+s6], $0x80, v3, vm0, $0xb8;
	[tilespmem:$0x1E200] =	vst v63  }
0x74: {  	s5 =	simm.s32 $0x8200  }
0x75: {  	[tilespmem:s5], [sflag:$0x2] =	stream.indirect_vreg.gather [hbm4b:s25+s6], $0x80, v3, vm0, $0xb8;
	[tilespmem:$0x1E200] =	vst v63  }
0x76: {  	s7 =	simm.s32 $0x8A00  }
0x77: {  	[tilespmem:s7], [sflag:$0x2] =	stream.indirect_vreg.gather [hbm4b:s28+s6], $0x80, v3, vm0, $0xb8;
	[tilespmem:$0x1E200] =	vst v63  }
0x78: {  	v3 =	vld [tilespmem:s26+$0x30];
	_ =	sdelay $0x4  }
0x79: {  	v4 =	vshrl.u32 v3, $0x3  }
0x7a: {  	v4 =	vmul.u32 $0x30, v4  }
0x7b: {  	v3 =	vand.u32 $0x7, v3  }
0x7c: {  	v3 =	vor.u32 v3, v4  }
0x7d: {  	v4 =	vperm.xlane v3, v0;
	_ =	sdelay $0x1  }
0x7e: {  	v4 =	vadd.s32 v1, v4;
	_ =	sdelay $0x3  }
0x7f: {  	s8 =	simm.s32 $0x9200;
	v3 =	vperm.xlane v3, v2  }
0x80: {  	[tilespmem:s8], [sflag:$0x2] =	stream.indirect_vreg.gather [hbm4b:s0+s6], $0x80, v4, vm0, $0xb8;
	[tilespmem:$0x1E200] =	vst v63  }
0x81: {  	s9 =	simm.s32 $0x9A00;
	v3 =	vadd.s32 v1, v3  }
0x82: {  	[tilespmem:s9], [sflag:$0x2] =	stream.indirect_vreg.gather [hbm4b:s25+s6], $0x80, v4, vm0, $0xb8;
	[tilespmem:$0x1E200] =	vst v63  }
0x83: {  	s10 =	simm.s32 $0xA200  }
0x84: {  	[tilespmem:s10], [sflag:$0x2] =	stream.indirect_vreg.gather [hbm4b:s28+s6], $0x80, v4, vm0, $0xb8;
	[tilespmem:$0x1E200] =	vst v63  }
0x85: {  	s11 =	simm.s32 $0xAA00  }
0x86: {  	[tilespmem:s11], [sflag:$0x2] =	stream.indirect_vreg.gather [hbm4b:s0+s6], $0x80, v3, vm0, $0xb8;
	[tilespmem:$0x1E200] =	vst v63  }
0x87: {  	s12 =	simm.s32 $0xB200  }
0x88: {  	[tilespmem:s12], [sflag:$0x2] =	stream.indirect_vreg.gather [hbm4b:s25+s6], $0x80, v3, vm0, $0xb8;
	[tilespmem:$0x1E200] =	vst v63  }
0x89: {  	s13 =	simm.s32 $0xBA00  }
0x8a: {  	[tilespmem:s13], [sflag:$0x2] =	stream.indirect_vreg.gather [hbm4b:s28+s6], $0x80, v3, vm0, $0xb8;
	[tilespmem:$0x1E200] =	vst v63  }
0x8b: {  	v3 =	vld [tilespmem:s26+$0x120];
	_ =	sdelay $0x4  }
0x8c: {  	v4 =	vshrl.u32 v3, $0x3  }
0x8d: {  	v4 =	vmul.u32 $0x30, v4  }
0x8e: {  	v3 =	vand.u32 $0x7, v3  }
0x8f: {  	v3 =	vor.u32 v3, v4  }
0x90: {  	v4 =	vperm.xlane v3, v0;
	_ =	sdelay $0x1  }
0x91: {  	v4 =	vadd.s32 v1, v4;
	_ =	sdelay $0x3  }
0x92: {  	s14 =	rddreg [dreg:$0x2];
	s15 =	simm.s32 $0x12200;
	v3 =	vperm.xlane v3, v2  }
0x93: {  	[tilespmem:s15], [sflag:$0x4] =	stream.indirect_vreg.gather [hbm4b:s14+s6], $0x80, v4, vm0, $0xb8;
	[tilespmem:$0x1E200] =	vst v63  }
0x94: {  	s16 =	rddreg [dreg:$0xd];
	s17 =	simm.s32 $0x12A00;
	v3 =	vadd.s32 v1, v3  }
0x95: {  	[tilespmem:s17], [sflag:$0x4] =	stream.indirect_vreg.gather [hbm4b:s16+s6], $0x80, v4, vm0, $0xb8;
	[tilespmem:$0x1E200] =	vst v63  }
0x96: {  	s18 =	rddreg [dreg:$0xe];
	s19 =	simm.s32 $0x13200  }
0x97: {  	[tilespmem:s19], [sflag:$0x4] =	stream.indirect_vreg.gather [hbm4b:s18+s6], $0x80, v4, vm0, $0xb8;
	[tilespmem:$0x1E200] =	vst v63  }
0x98: {  	s20 =	simm.s32 $0x13A00  }
0x99: {  	[tilespmem:s20], [sflag:$0x4] =	stream.indirect_vreg.gather [hbm4b:s14+s6], $0x80, v3, vm0, $0xb8;
	[tilespmem:$0x1E200] =	vst v63  }
0x9a: {  	s21 =	simm.s32 $0x14200  }
0x9b: {  	[tilespmem:s21], [sflag:$0x4] =	stream.indirect_vreg.gather [hbm4b:s16+s6], $0x80, v3, vm0, $0xb8;
	[tilespmem:$0x1E200] =	vst v63  }
0x9c: {  	s22 =	simm.s32 $0x14A00  }
0x9d: {  	[tilespmem:s22], [sflag:$0x4] =	stream.indirect_vreg.gather [hbm4b:s18+s6], $0x80, v3, vm0, $0xb8;
	[tilespmem:$0x1E200] =	vst v63  }
0x9e: {  	v3 =	vld [tilespmem:s26+$0x130];
	_ =	sdelay $0x4  }
0x9f: {  	v4 =	vshrl.u32 v3, $0x3  }
0xa0: {  	v4 =	vmul.u32 $0x30, v4  }
0xa1: {  	v3 =	vand.u32 $0x7, v3  }
0xa2: {  	v3 =	vor.u32 v3, v4  }
0xa3: {  	v4 =	vperm.xlane v3, v0;
	_ =	sdelay $0x1  }
0xa4: {  	v4 =	vadd.s32 v1, v4;
	_ =	sdelay $0x3  }
0xa5: {  	s23 =	simm.s32 $0x15200;
	v3 =	vperm.xlane v3, v2  }
0xa6: {  	[tilespmem:s23], [sflag:$0x4] =	stream.indirect_vreg.gather [hbm4b:s14+s6], $0x80, v4, vm0, $0xb8;
	[tilespmem:$0x1E200] =	vst v63  }
0xa7: {  	s24 =	simm.s32 $0x15A00;
	v3 =	vadd.s32 v1, v3  }
0xa8: {  	[tilespmem:s24], [sflag:$0x4] =	stream.indirect_vreg.gather [hbm4b:s16+s6], $0x80, v4, vm0, $0xb8;
	[tilespmem:$0x1E200] =	vst v63  }
0xa9: {  	s25 =	simm.s32 $0x16200  }
0xaa: {  	[tilespmem:s25], [sflag:$0x4] =	stream.indirect_vreg.gather [hbm4b:s18+s6], $0x80, v4, vm0, $0xb8;
	[tilespmem:$0x1E200] =	vst v63  }
0xab: {  	s28 =	simm.s32 $0x16A00  }
0xac: {  	[tilespmem:s28], [sflag:$0x4] =	stream.indirect_vreg.gather [hbm4b:s14+s6], $0x80, v3, vm0, $0xb8;
	[tilespmem:$0x1E200] =	vst v63  }
0xad: {  	s31 =	simm.s32 $0x17200  }
0xae: {  	[tilespmem:s31], [sflag:$0x4] =	stream.indirect_vreg.gather [hbm4b:s16+s6], $0x80, v3, vm0, $0xb8;
	[tilespmem:$0x1E200] =	vst v63  }
0xaf: {  	s1 =	simm.s32 $0x17A00;
	s2 =	simm.s32 $0x1  }
0xb0: {  	[tilespmem:s1], [sflag:$0x4] =	stream.indirect_vreg.gather [hbm4b:s18+s6], $0x80, v3, vm0, $0xb8;
	[tilespmem:$0x1E200] =	vst v63  }
0xb1: {  	_ =	swait.ge [sflag:s2], $0x6000  }
0xb2: {  	[sflag:s2] =	ssyncset.done $0x0  }
0xb3: {  	s3 =	simm.s32 $0x3;
	[sflag:s2] =	ssyncadd.s32 $0xFFFFA000  }
0xb4: {  	p0 =	seq.s32 s4, $0x0;
	_ =	swait.ge [sflag:s3], $0x6000  }
0xb5: {  	s5 =	simm.s32 $0x0;
	s0 =	simm.s32 @!p0 $0x5;
	[sflag:s3] =	ssyncset.done $0x0  }
0xb6: {  	[dreg:$0x11] =	wrdreg s4;
	s4 =	simm.s32 $0x0;
	[sflag:s3] =	ssyncadd.s32 $0xFFFFA000  }
0xb7: {  	s16 =	smul.u32 $0x1800, s5;
	s7 =	sand.u32 $0x300, s4;
	_ =	swait.ge @!p0 [sflag:s0], $0x3000  }
0xb8: {  	s15 =	sor.u32 $0x80, s7;
	[sflag:s0] =	ssyncset.done @!p0 $0x0  }
0xb9: {  	s6 =	sor.u32 s16, s15;
	[sflag:s0] =	ssyncadd.s32 @!p0 $0xFFFFD000  }
0xba: {  	s24 =	sadd.s32 $0xC00, s16;
	v3 =	vld [tilespmem:s6+$0x200]  }
0xbb: {  	s25 =	sor.u32 s15, s24;
	v4 =	vld [tilespmem:s6+$0xC200]  }
0xbc: {  	v5 =	vld [tilespmem:s25+$0x200]  }
0xbd: {  	v6 =	vld [tilespmem:s25+$0xC200];
	_ =	sdelay $0x1  }
0xbe: {  	s0 =	sor.u32 s7, s24  }
0xbf: {  	v7 =	vld [tilespmem:s0+$0x200]  }
0xc0: {  	s2 =	smul.u32 $0x3000, s5;
	s28 =	sor.u32 s7, s16;
	v8 =	vld [tilespmem:s0+$0xC200]  }
0xc1: {  	v9 =	vld [tilespmem:s28+$0x200];
	v3 =	vadd.f32 v4, v3;
	v4 =	vadd.f32 v6, v5  }
0xc2: {  	s2 =	sshra.s32 s2, $0x2;
	v5 =	vld [tilespmem:s28+$0xC200]  }
0xc3: {  	s18 =	sadd.s32 $0x18200, s2;
	v3 =	vshrl.u32 v3, $0x10;
	v4 =	vand.u32 $0xFFFF0000, v4  }
0xc4: {  	s5 =	sadd.s32 s15, s18;
	v3 =	vor.u32 v3, v4  }
0xc5: {  	[tilespmem:s5+$0x0] =	vst v3  }
0xc6: {  	v3 =	vld [tilespmem:s6+$0x210]  }
0xc7: {  	v4 =	vadd.f32 v8, v7;
	v5 =	vadd.f32 v5, v9;
	v6 =	vld [tilespmem:s6+$0xC210]  }
0xc8: {  	v7 =	vld [tilespmem:s25+$0x210]  }
0xc9: {  	v4 =	vand.u32 $0xFFFF0000, v4;
	v8 =	vld [tilespmem:s25+$0xC210];
	v5 =	vshrl.u32 v5, $0x10  }
0xca: {  	s4 =	sadd.s32 s7, s18;
	v4 =	vor.u32 v5, v4  }
0xcb: {  	[tilespmem:s4+$0x0] =	vst v4  }
0xcc: {  	v4 =	vld [tilespmem:s28+$0x210]  }
0xcd: {  	v5 =	vld [tilespmem:s28+$0xC210]  }
0xce: {  	v9 =	vld [tilespmem:s0+$0x210];
	v3 =	vadd.f32 v6, v3;
	v6 =	vadd.f32 v8, v7  }
0xcf: {  	v7 =	vld [tilespmem:s0+$0xC210]  }
0xd0: {  	v3 =	vshrl.u32 v3, $0x10;
	v6 =	vand.u32 $0xFFFF0000, v6  }
0xd1: {  	v3 =	vor.u32 v3, v6  }
0xd2: {  	[tilespmem:s5+$0x10] =	vst v3  }
0xd3: {  	v3 =	vld [tilespmem:s6+$0x220]  }
0xd4: {  	v4 =	vadd.f32 v5, v4;
	v5 =	vadd.f32 v7, v9;
	v6 =	vld [tilespmem:s6+$0xC220]  }
0xd5: {  	v7 =	vld [tilespmem:s25+$0x220]  }
0xd6: {  	v8 =	vld [tilespmem:s25+$0xC220];
	v4 =	vshrl.u32 v4, $0x10;
	v5 =	vand.u32 $0xFFFF0000, v5  }
0xd7: {  	v4 =	vor.u32 v4, v5  }
0xd8: {  	[tilespmem:s4+$0x10] =	vst v4  }
0xd9: {  	v4 =	vld [tilespmem:s28+$0x220]  }
0xda: {  	v5 =	vld [tilespmem:s28+$0xC220]  }
0xdb: {  	v9 =	vld [tilespmem:s0+$0x220];
	v3 =	vadd.f32 v6, v3;
	v6 =	vadd.f32 v8, v7  }
0xdc: {  	v7 =	vld [tilespmem:s0+$0xC220]  }
0xdd: {  	v3 =	vshrl.u32 v3, $0x10;
	v6 =	vand.u32 $0xFFFF0000, v6  }
0xde: {  	v3 =	vor.u32 v3, v6  }
0xdf: {  	[tilespmem:s5+$0x20] =	vst v3  }
0xe0: {  	v3 =	vld [tilespmem:s6+$0x230]  }
0xe1: {  	v4 =	vadd.f32 v5, v4;
	v5 =	vadd.f32 v7, v9;
	v6 =	vld [tilespmem:s6+$0xC230]  }
0xe2: {  	v7 =	vld [tilespmem:s25+$0x230]  }
0xe3: {  	v8 =	vld [tilespmem:s25+$0xC230];
	v4 =	vshrl.u32 v4, $0x10;
	v5 =	vand.u32 $0xFFFF0000, v5  }
0xe4: {  	v4 =	vor.u32 v4, v5  }
0xe5: {  	[tilespmem:s4+$0x20] =	vst v4  }
0xe6: {  	v4 =	vld [tilespmem:s28+$0x230]  }
0xe7: {  	v5 =	vld [tilespmem:s28+$0xC230]  }
0xe8: {  	v9 =	vld [tilespmem:s0+$0x230];
	v3 =	vadd.f32 v6, v3;
	v6 =	vadd.f32 v8, v7  }
0xe9: {  	v7 =	vld [tilespmem:s0+$0xC230]  }
0xea: {  	v3 =	vshrl.u32 v3, $0x10;
	v6 =	vand.u32 $0xFFFF0000, v6  }
0xeb: {  	v3 =	vor.u32 v3, v6  }
0xec: {  	[tilespmem:s5+$0x30] =	vst v3  }
0xed: {  	v3 =	vld [tilespmem:s6+$0x240]  }
0xee: {  	v4 =	vadd.f32 v5, v4;
	v5 =	vadd.f32 v7, v9;
	v6 =	vld [tilespmem:s6+$0xC240]  }
0xef: {  	v7 =	vld [tilespmem:s25+$0x240]  }
0xf0: {  	v8 =	vld [tilespmem:s25+$0xC240];
	v4 =	vshrl.u32 v4, $0x10;
	v5 =	vand.u32 $0xFFFF0000, v5  }
0xf1: {  	v4 =	vor.u32 v4, v5  }
0xf2: {  	[tilespmem:s4+$0x30] =	vst v4  }
0xf3: {  	v4 =	vld [tilespmem:s28+$0x240]  }
0xf4: {  	v5 =	vld [tilespmem:s28+$0xC240]  }
0xf5: {  	v9 =	vld [tilespmem:s0+$0x240];
	v3 =	vadd.f32 v6, v3;
	v6 =	vadd.f32 v8, v7  }
0xf6: {  	v7 =	vld [tilespmem:s0+$0xC240]  }
0xf7: {  	v3 =	vshrl.u32 v3, $0x10;
	v6 =	vand.u32 $0xFFFF0000, v6  }
0xf8: {  	v3 =	vor.u32 v3, v6  }
0xf9: {  	[tilespmem:s5+$0x40] =	vst v3  }
0xfa: {  	v3 =	vld [tilespmem:s6+$0x250]  }
0xfb: {  	v4 =	vadd.f32 v5, v4;
	v5 =	vadd.f32 v7, v9;
	v6 =	vld [tilespmem:s6+$0xC250]  }
0xfc: {  	v7 =	vld [tilespmem:s25+$0x250]  }
0xfd: {  	v8 =	vld [tilespmem:s25+$0xC250];
	v4 =	vshrl.u32 v4, $0x10;
	v5 =	vand.u32 $0xFFFF0000, v5  }
0xfe: {  	v4 =	vor.u32 v4, v5  }
0xff: {  	[tilespmem:s4+$0x40] =	vst v4  }
0x100: {  	v4 =	vld [tilespmem:s28+$0x250]  }
0x101: {  	v5 =	vld [tilespmem:s28+$0xC250]  }
0x102: {  	v9 =	vld [tilespmem:s0+$0x250];
	v3 =	vadd.f32 v6, v3;
	v6 =	vadd.f32 v8, v7  }
0x103: {  	v7 =	vld [tilespmem:s0+$0xC250]  }
0x104: {  	v3 =	vshrl.u32 v3, $0x10;
	v6 =	vand.u32 $0xFFFF0000, v6  }
0x105: {  	v3 =	vor.u32 v3, v6  }
0x106: {  	[tilespmem:s5+$0x50] =	vst v3  }
0x107: {  	v3 =	vld [tilespmem:s6+$0x260]  }
0x108: {  	v4 =	vadd.f32 v5, v4;
	v5 =	vadd.f32 v7, v9;
	v6 =	vld [tilespmem:s6+$0xC260]  }
0x109: {  	v7 =	vld [tilespmem:s25+$0x260]  }
0x10a: {  	v8 =	vld [tilespmem:s25+$0xC260];
	v4 =	vshrl.u32 v4, $0x10;
	v5 =	vand.u32 $0xFFFF0000, v5  }
0x10b: {  	v4 =	vor.u32 v4, v5  }
0x10c: {  	[tilespmem:s4+$0x50] =	vst v4  }
0x10d: {  	v4 =	vld [tilespmem:s28+$0x260]  }
0x10e: {  	v5 =	vld [tilespmem:s28+$0xC260]  }
0x10f: {  	v9 =	vld [tilespmem:s0+$0x260];
	v3 =	vadd.f32 v6, v3;
	v6 =	vadd.f32 v8, v7  }
0x110: {  	v7 =	vld [tilespmem:s0+$0xC260]  }
0x111: {  	v3 =	vshrl.u32 v3, $0x10;
	v6 =	vand.u32 $0xFFFF0000, v6  }
0x112: {  	v3 =	vor.u32 v3, v6  }
0x113: {  	[tilespmem:s5+$0x60] =	vst v3  }
0x114: {  	v3 =	vld [tilespmem:s6+$0x270]  }
0x115: {  	v4 =	vadd.f32 v5, v4;
	v5 =	vadd.f32 v7, v9;
	v6 =	vld [tilespmem:s6+$0xC270]  }
0x116: {  	v7 =	vld [tilespmem:s25+$0x270]  }
0x117: {  	v8 =	vld [tilespmem:s25+$0xC270];
	v4 =	vshrl.u32 v4, $0x10;
	v5 =	vand.u32 $0xFFFF0000, v5  }
0x118: {  	v4 =	vor.u32 v4, v5  }
0x119: {  	[tilespmem:s4+$0x60] =	vst v4  }
0x11a: {  	v4 =	vld [tilespmem:s28+$0x270]  }
0x11b: {  	v5 =	vld [tilespmem:s28+$0xC270]  }
0x11c: {  	v9 =	vld [tilespmem:s0+$0x270];
	v3 =	vadd.f32 v6, v3;
	v6 =	vadd.f32 v8, v7  }
0x11d: {  	v7 =	vld [tilespmem:s0+$0xC270]  }
0x11e: {  	v3 =	vshrl.u32 v3, $0x10;
	v6 =	vand.u32 $0xFFFF0000, v6  }
0x11f: {  	v3 =	vor.u32 v3, v6  }
0x120: {  	[tilespmem:s5+$0x70] =	vst v3  }
0x121: {  	s19 =	sadd.s32 $0x1000, s16;
	v3 =	vld [tilespmem:s6+$0x600]  }
0x122: {  	s10 =	sor.u32 s15, s19;
	v4 =	vadd.f32 v5, v4;
	v5 =	vadd.f32 v7, v9;
	v6 =	vld [tilespmem:s6+$0xC600]  }
0x123: {  	v7 =	vld [tilespmem:s10+$0x200]  }
0x124: {  	v8 =	vld [tilespmem:s10+$0xC200];
	v4 =	vshrl.u32 v4, $0x10;
	v5 =	vand.u32 $0xFFFF0000, v5  }
0x125: {  	v4 =	vor.u32 v4, v5  }
0x126: {  	[tilespmem:s4+$0x70] =	vst v4  }
0x127: {  	v4 =	vld [tilespmem:s28+$0x600]  }
0x128: {  	s18 =	sor.u32 s7, s19;
	v5 =	vld [tilespmem:s28+$0xC600]  }
0x129: {  	v9 =	vld [tilespmem:s18+$0x200];
	v3 =	vadd.f32 v6, v3;
	v6 =	vadd.f32 v8, v7  }
0x12a: {  	v7 =	vld [tilespmem:s18+$0xC200]  }
0x12b: {  	s20 =	sadd.s32 $0x18600, s2;
	v3 =	vshrl.u32 v3, $0x10;
	v6 =	vand.u32 $0xFFFF0000, v6  }
0x12c: {  	s9 =	sadd.s32 s15, s20;
	v3 =	vor.u32 v3, v6  }
0x12d: {  	[tilespmem:s9+$0x0] =	vst v3  }
0x12e: {  	v3 =	vadd.f32 v5, v4;
	v4 =	vld [tilespmem:s6+$0x610]  }
0x12f: {  	v5 =	vadd.f32 v7, v9;
	v6 =	vld [tilespmem:s6+$0xC610]  }
0x130: {  	v7 =	vld [tilespmem:s10+$0x210]  }
0x131: {  	v8 =	vld [tilespmem:s10+$0xC210];
	v3 =	vshrl.u32 v3, $0x10;
	v5 =	vand.u32 $0xFFFF0000, v5  }
0x132: {  	s17 =	sadd.s32 s7, s20;
	v3 =	vor.u32 v3, v5  }
0x133: {  	[tilespmem:s17+$0x0] =	vst v3  }
0x134: {  	v3 =	vld [tilespmem:s28+$0x610]  }
0x135: {  	v5 =	vld [tilespmem:s28+$0xC610]  }
0x136: {  	v9 =	vld [tilespmem:s18+$0x210];
	v4 =	vadd.f32 v6, v4;
	v6 =	vadd.f32 v8, v7  }
0x137: {  	v7 =	vld [tilespmem:s18+$0xC210]  }
0x138: {  	v4 =	vshrl.u32 v4, $0x10;
	v6 =	vand.u32 $0xFFFF0000, v6  }
0x139: {  	v4 =	vor.u32 v4, v6  }
0x13a: {  	[tilespmem:s9+$0x10] =	vst v4  }
0x13b: {  	v4 =	vld [tilespmem:s6+$0x620]  }
0x13c: {  	v3 =	vadd.f32 v5, v3;
	v5 =	vadd.f32 v7, v9;
	v6 =	vld [tilespmem:s6+$0xC620]  }
0x13d: {  	v7 =	vld [tilespmem:s10+$0x220]  }
0x13e: {  	v8 =	vld [tilespmem:s10+$0xC220];
	v3 =	vshrl.u32 v3, $0x10;
	v5 =	vand.u32 $0xFFFF0000, v5  }
0x13f: {  	v3 =	vor.u32 v3, v5  }
0x140: {  	[tilespmem:s17+$0x10] =	vst v3  }
0x141: {  	v3 =	vld [tilespmem:s28+$0x620]  }
0x142: {  	v5 =	vld [tilespmem:s28+$0xC620]  }
0x143: {  	v9 =	vld [tilespmem:s18+$0x220];
	v4 =	vadd.f32 v6, v4;
	v6 =	vadd.f32 v8, v7  }
0x144: {  	v7 =	vld [tilespmem:s18+$0xC220]  }
0x145: {  	v4 =	vshrl.u32 v4, $0x10;
	v6 =	vand.u32 $0xFFFF0000, v6  }
0x146: {  	v4 =	vor.u32 v4, v6  }
0x147: {  	[tilespmem:s9+$0x20] =	vst v4  }
0x148: {  	v4 =	vld [tilespmem:s6+$0x630]  }
0x149: {  	v3 =	vadd.f32 v5, v3;
	v5 =	vadd.f32 v7, v9;
	v6 =	vld [tilespmem:s6+$0xC630]  }
0x14a: {  	v7 =	vld [tilespmem:s10+$0x230]  }
0x14b: {  	v8 =	vld [tilespmem:s10+$0xC230];
	v3 =	vshrl.u32 v3, $0x10;
	v5 =	vand.u32 $0xFFFF0000, v5  }
0x14c: {  	v3 =	vor.u32 v3, v5  }
0x14d: {  	[tilespmem:s17+$0x20] =	vst v3  }
0x14e: {  	v3 =	vld [tilespmem:s28+$0x630]  }
0x14f: {  	v5 =	vld [tilespmem:s28+$0xC630]  }
0x150: {  	v9 =	vld [tilespmem:s18+$0x230];
	v4 =	vadd.f32 v6, v4;
	v6 =	vadd.f32 v8, v7  }
0x151: {  	v7 =	vld [tilespmem:s18+$0xC230]  }
0x152: {  	v4 =	vshrl.u32 v4, $0x10;
	v6 =	vand.u32 $0xFFFF0000, v6  }
0x153: {  	v4 =	vor.u32 v4, v6  }
0x154: {  	[tilespmem:s9+$0x30] =	vst v4  }
0x155: {  	v4 =	vld [tilespmem:s6+$0x640]  }
0x156: {  	v3 =	vadd.f32 v5, v3;
	v5 =	vadd.f32 v7, v9;
	v6 =	vld [tilespmem:s6+$0xC640]  }
0x157: {  	v7 =	vld [tilespmem:s10+$0x240]  }
0x158: {  	v8 =	vld [tilespmem:s10+$0xC240];
	v3 =	vshrl.u32 v3, $0x10;
	v5 =	vand.u32 $0xFFFF0000, v5  }
0x159: {  	v3 =	vor.u32 v3, v5  }
0x15a: {  	[tilespmem:s17+$0x30] =	vst v3  }
0x15b: {  	v3 =	vld [tilespmem:s28+$0x640]  }
0x15c: {  	v5 =	vld [tilespmem:s28+$0xC640]  }
0x15d: {  	v9 =	vld [tilespmem:s18+$0x240];
	v4 =	vadd.f32 v6, v4;
	v6 =	vadd.f32 v8, v7  }
0x15e: {  	v7 =	vld [tilespmem:s18+$0xC240]  }
0x15f: {  	v4 =	vshrl.u32 v4, $0x10;
	v6 =	vand.u32 $0xFFFF0000, v6  }
0x160: {  	v4 =	vor.u32 v4, v6  }
0x161: {  	[tilespmem:s9+$0x40] =	vst v4  }
0x162: {  	v4 =	vld [tilespmem:s6+$0x650]  }
0x163: {  	s21 =	simm.s32 $0x0;
	s22 =	simm.s32 $0x100;
	v3 =	vadd.f32 v5, v3;
	v5 =	vadd.f32 v7, v9;
	v6 =	vld [tilespmem:s6+$0xC650]  }
0x164: {  	s8 =	smul.u32 $0x1800, s21;
	s0 =	sand.u32 $0x300, s22;
	v7 =	vld [tilespmem:s10+$0x250]  }
0x165: {  	s4 =	sor.u32 $0x80, s0;
	v8 =	vld [tilespmem:s10+$0xC250];
	v3 =	vshrl.u32 v3, $0x10;
	v5 =	vand.u32 $0xFFFF0000, v5  }
0x166: {  	s14 =	sor.u32 s8, s4;
	v3 =	vor.u32 v3, v5  }
0x167: {  	v10 =	vld [tilespmem:s14+$0xC200];
	[tilespmem:s17+$0x40] =	vst v3  }
0x168: {  	v3 =	vld [tilespmem:s28+$0x650]  }
0x169: {  	v5 =	vld [tilespmem:s28+$0xC650]  }
0x16a: {  	v9 =	vld [tilespmem:s18+$0x250];
	v4 =	vadd.f32 v6, v4;
	v6 =	vadd.f32 v8, v7  }
0x16b: {  	s23 =	sadd.s32 $0xC00, s8;
	v7 =	vld [tilespmem:s18+$0xC250]  }
0x16c: {  	s12 =	sor.u32 s4, s23;
	v8 =	vld [tilespmem:s14+$0x200];
	v4 =	vshrl.u32 v4, $0x10;
	v6 =	vand.u32 $0xFFFF0000, v6  }
0x16d: {  	v4 =	vor.u32 v4, v6;
	v6 =	vld [tilespmem:s12+$0x200]  }
0x16e: {  	[tilespmem:s9+$0x50] =	vst v4;
	v4 =	vld [tilespmem:s12+$0xC200]  }
0x16f: {  	v11 =	vld [tilespmem:s6+$0x660]  }
0x170: {  	v12 =	vld [tilespmem:s6+$0xC660]  }
0x171: {  	v13 =	vld [tilespmem:s10+$0x260];
	v3 =	vadd.f32 v5, v3;
	v5 =	vadd.f32 v7, v9  }
0x172: {  	s11 =	smul.u32 $0x3000, s21;
	s5 =	sor.u32 s0, s23;
	v7 =	vld [tilespmem:s10+$0xC260];
	v8 =	vadd.f32 v10, v8  }
0x173: {  	s1 =	sor.u32 s0, s8;
	v9 =	vld [tilespmem:s5+$0x200];
	v3 =	vshrl.u32 v3, $0x10;
	v5 =	vand.u32 $0xFFFF0000, v5;
	v4 =	vadd.f32 v4, v6  }
0x174: {  	s13 =	sshra.s32 s11, $0x2;
	v3 =	vor.u32 v3, v5;
	v5 =	vld [tilespmem:s1+$0x200]  }
0x175: {  	s11 =	sadd.s32 $0x18200, s13;
	v8 =	vshrl.u32 v8, $0x10;
	v6 =	vld [tilespmem:s5+$0xC200];
	v4 =	vand.u32 $0xFFFF0000, v4  }
0x176: {  	s21 =	sadd.s32 s4, s11;
	[tilespmem:s17+$0x50] =	vst v3;
	v3 =	vld [tilespmem:s1+$0xC200];
	v4 =	vor.u32 v8, v4  }
0x177: {  	v10 =	vadd.f32 v12, v11;
	v7 =	vadd.f32 v7, v13;
	v8 =	vld [tilespmem:s28+$0x660];
	[tilespmem:s21+$0x0] =	vst v4  }
0x178: {  	v4 =	vld [tilespmem:s14+$0x210]  }
0x179: {  	v10 =	vshrl.u32 v10, $0x10;
	v7 =	vand.u32 $0xFFFF0000, v7;
	v11 =	vld [tilespmem:s14+$0xC210]  }
0x17a: {  	v7 =	vor.u32 v10, v7;
	v10 =	vld [tilespmem:s12+$0x210]  }
0x17b: {  	[tilespmem:s9+$0x60] =	vst v7;
	v6 =	vadd.f32 v6, v9;
	v3 =	vadd.f32 v3, v5;
	v5 =	vld [tilespmem:s12+$0xC210]  }
0x17c: {  	v7 =	vld [tilespmem:s6+$0x670]  }
0x17d: {  	v9 =	vld [tilespmem:s6+$0xC670];
	v6 =	vand.u32 $0xFFFF0000, v6;
	v3 =	vshrl.u32 v3, $0x10  }
0x17e: {  	s24 =	sadd.s32 s0, s11;
	v12 =	vld [tilespmem:s10+$0x270];
	v3 =	vor.u32 v3, v6  }
0x17f: {  	v6 =	vld [tilespmem:s10+$0xC270];
	[tilespmem:s24+$0x0] =	vst v3  }
0x180: {  	v3 =	vld [tilespmem:s1+$0x210];
	v4 =	vadd.f32 v11, v4;
	v5 =	vadd.f32 v5, v10  }
0x181: {  	v10 =	vld [tilespmem:s1+$0xC210]  }
0x182: {  	v11 =	vld [tilespmem:s5+$0x210];
	v4 =	vshrl.u32 v4, $0x10;
	v5 =	vand.u32 $0xFFFF0000, v5  }
0x183: {  	v13 =	vld [tilespmem:s5+$0xC210];
	v4 =	vor.u32 v4, v5  }
0x184: {  	v7 =	vadd.f32 v9, v7;
	v5 =	vld [tilespmem:s28+$0xC660];
	v6 =	vadd.f32 v6, v12;
	[tilespmem:s21+$0x10] =	vst v4  }
0x185: {  	v4 =	vld [tilespmem:s14+$0x220]  }
0x186: {  	v7 =	vshrl.u32 v7, $0x10;
	v6 =	vand.u32 $0xFFFF0000, v6;
	v9 =	vld [tilespmem:s14+$0xC220]  }
0x187: {  	s22 =	sadd.s32 $0x800, s16;
	v3 =	vadd.f32 v10, v3;
	v10 =	vld [tilespmem:s12+$0xC220];
	v6 =	vor.u32 v7, v6  }
0x188: {  	s25 =	sor.u32 s15, s22;
	v7 =	vld [tilespmem:s12+$0x220];
	[tilespmem:s9+$0x70] =	vst v6;
	v6 =	vadd.f32 v13, v11  }
0x189: {  	s20 =	sadd.s32 $0x1400, s16;
	v11 =	vld [tilespmem:s25+$0x200]  }
0x18a: {  	s31 =	sor.u32 s15, s20;
	v3 =	vshrl.u32 v3, $0x10;
	v12 =	vld [tilespmem:s25+$0xC200];
	v6 =	vand.u32 $0xFFFF0000, v6  }
0x18b: {  	v13 =	vld [tilespmem:s31+$0x200];
	v3 =	vor.u32 v3, v6  }
0x18c: {  	v6 =	vld [tilespmem:s31+$0xC200];
	[tilespmem:s24+$0x10] =	vst v3  }
0x18d: {  	v4 =	vadd.f32 v9, v4;
	v7 =	vadd.f32 v10, v7;
	v3 =	vld [tilespmem:s1+$0x220]  }
0x18e: {  	v9 =	vld [tilespmem:s1+$0xC220]  }
0x18f: {  	v10 =	vld [tilespmem:s5+$0x220];
	v4 =	vshrl.u32 v4, $0x10;
	v7 =	vand.u32 $0xFFFF0000, v7  }
0x190: {  	v14 =	vld [tilespmem:s5+$0xC220];
	v4 =	vor.u32 v4, v7  }
0x191: {  	v11 =	vadd.f32 v12, v11;
	v7 =	vld [tilespmem:s18+$0x260];
	v6 =	vadd.f32 v6, v13;
	[tilespmem:s21+$0x20] =	vst v4  }
0x192: {  	v4 =	vld [tilespmem:s14+$0x230]  }
0x193: {  	s19 =	sadd.s32 $0x18A00, s2;
	v11 =	vshrl.u32 v11, $0x10;
	v12 =	vld [tilespmem:s14+$0xC230];
	v6 =	vand.u32 $0xFFFF0000, v6  }
0x194: {  	s2 =	sadd.s32 s15, s19;
	v3 =	vadd.f32 v9, v3;
	v9 =	vld [tilespmem:s12+$0xC230];
	v6 =	vor.u32 v11, v6  }
0x195: {  	v11 =	vld [tilespmem:s12+$0x230];
	[tilespmem:s2+$0x0] =	vst v6;
	v6 =	vadd.f32 v14, v10  }
0x196: {  	v10 =	vld [tilespmem:s25+$0x210]  }
0x197: {  	v3 =	vshrl.u32 v3, $0x10;
	v13 =	vld [tilespmem:s25+$0xC210];
	v6 =	vand.u32 $0xFFFF0000, v6  }
0x198: {  	v14 =	vld [tilespmem:s31+$0x210];
	v3 =	vor.u32 v3, v6  }
0x199: {  	v6 =	vld [tilespmem:s31+$0xC210];
	[tilespmem:s24+$0x20] =	vst v3  }
0x19a: {  	v4 =	vadd.f32 v12, v4;
	v9 =	vadd.f32 v9, v11;
	v3 =	vld [tilespmem:s1+$0x230]  }
0x19b: {  	v11 =	vld [tilespmem:s1+$0xC230]  }
0x19c: {  	v4 =	vshrl.u32 v4, $0x10;
	v12 =	vld [tilespmem:s5+$0x230];
	v9 =	vand.u32 $0xFFFF0000, v9  }
0x19d: {  	v15 =	vld [tilespmem:s5+$0xC230];
	v4 =	vor.u32 v4, v9  }
0x19e: {  	v10 =	vadd.f32 v13, v10;
	v9 =	vld [tilespmem:s18+$0xC260];
	v6 =	vadd.f32 v6, v14;
	[tilespmem:s21+$0x30] =	vst v4  }
0x19f: {  	v4 =	vld [tilespmem:s14+$0x240]  }
0x1a0: {  	v10 =	vshrl.u32 v10, $0x10;
	v13 =	vld [tilespmem:s14+$0xC240];
	v6 =	vand.u32 $0xFFFF0000, v6  }
0x1a1: {  	v3 =	vadd.f32 v11, v3;
	v11 =	vld [tilespmem:s12+$0xC240];
	v6 =	vor.u32 v10, v6  }
0x1a2: {  	v10 =	vld [tilespmem:s12+$0x240];
	[tilespmem:s2+$0x10] =	vst v6;
	v6 =	vadd.f32 v15, v12  }
0x1a3: {  	v12 =	vld [tilespmem:s25+$0x220]  }
0x1a4: {  	v3 =	vshrl.u32 v3, $0x10;
	v14 =	vld [tilespmem:s25+$0xC220];
	v6 =	vand.u32 $0xFFFF0000, v6  }
0x1a5: {  	v15 =	vld [tilespmem:s31+$0x220];
	v3 =	vor.u32 v3, v6  }
0x1a6: {  	v5 =	vadd.f32 v5, v8;
	v6 =	vadd.f32 v9, v7;
	v7 =	vld [tilespmem:s31+$0xC220];
	[tilespmem:s24+$0x30] =	vst v3  }
0x1a7: {  	v4 =	vadd.f32 v13, v4;
	v8 =	vadd.f32 v11, v10;
	v3 =	vld [tilespmem:s1+$0x240]  }
0x1a8: {  	v5 =	vshrl.u32 v5, $0x10;
	v6 =	vand.u32 $0xFFFF0000, v6;
	v9 =	vld [tilespmem:s1+$0xC240]  }
0x1a9: {  	v4 =	vshrl.u32 v4, $0x10;
	v5 =	vor.u32 v5, v6;
	v6 =	vld [tilespmem:s5+$0x240];
	v8 =	vand.u32 $0xFFFF0000, v8  }
0x1aa: {  	[tilespmem:s17+$0x60] =	vst v5;
	v5 =	vld [tilespmem:s5+$0xC240];
	v4 =	vor.u32 v4, v8  }
0x1ab: {  	v10 =	vadd.f32 v14, v12;
	v8 =	vld [tilespmem:s28+$0x670];
	v7 =	vadd.f32 v7, v15;
	[tilespmem:s21+$0x40] =	vst v4  }
0x1ac: {  	v4 =	vld [tilespmem:s14+$0x250]  }
0x1ad: {  	v10 =	vshrl.u32 v10, $0x10;
	v11 =	vld [tilespmem:s14+$0xC250];
	v7 =	vand.u32 $0xFFFF0000, v7  }
0x1ae: {  	v7 =	vor.u32 v10, v7;
	v10 =	vld [tilespmem:s12+$0x250]  }
0x1af: {  	v3 =	vadd.f32 v9, v3;
	[tilespmem:s2+$0x20] =	vst v7;
	v5 =	vadd.f32 v5, v6;
	v6 =	vld [tilespmem:s12+$0xC250]  }
0x1b0: {  	v7 =	vld [tilespmem:s25+$0x230]  }
0x1b1: {  	v3 =	vshrl.u32 v3, $0x10;
	v9 =	vld [tilespmem:s25+$0xC230];
	v5 =	vand.u32 $0xFFFF0000, v5  }
0x1b2: {  	v12 =	vld [tilespmem:s31+$0x230];
	v3 =	vor.u32 v3, v5  }
0x1b3: {  	v5 =	vld [tilespmem:s31+$0xC230];
	[tilespmem:s24+$0x40] =	vst v3  }
0x1b4: {  	v4 =	vadd.f32 v11, v4;
	v3 =	vld [tilespmem:s1+$0x250];
	v6 =	vadd.f32 v6, v10  }
0x1b5: {  	v10 =	vld [tilespmem:s1+$0xC250]  }
0x1b6: {  	v4 =	vshrl.u32 v4, $0x10;
	v11 =	vld [tilespmem:s5+$0x250];
	v6 =	vand.u32 $0xFFFF0000, v6  }
0x1b7: {  	v13 =	vld [tilespmem:s5+$0xC250];
	v4 =	vor.u32 v4, v6  }
0x1b8: {  	v7 =	vadd.f32 v9, v7;
	v6 =	vld [tilespmem:s28+$0xC670];
	v5 =	vadd.f32 v5, v12;
	[tilespmem:s21+$0x50] =	vst v4  }
0x1b9: {  	v4 =	vld [tilespmem:s14+$0x260]  }
0x1ba: {  	v7 =	vshrl.u32 v7, $0x10;
	v5 =	vand.u32 $0xFFFF0000, v5;
	v9 =	vld [tilespmem:s14+$0xC260]  }
0x1bb: {  	v3 =	vadd.f32 v10, v3;
	v10 =	vld [tilespmem:s12+$0xC260];
	v5 =	vor.u32 v7, v5  }
0x1bc: {  	v7 =	vld [tilespmem:s12+$0x260];
	[tilespmem:s2+$0x30] =	vst v5;
	v5 =	vadd.f32 v13, v11  }
0x1bd: {  	v11 =	vld [tilespmem:s25+$0x240]  }
0x1be: {  	v3 =	vshrl.u32 v3, $0x10;
	v12 =	vld [tilespmem:s25+$0xC240];
	v5 =	vand.u32 $0xFFFF0000, v5  }
0x1bf: {  	v13 =	vld [tilespmem:s31+$0x240];
	v3 =	vor.u32 v3, v5  }
0x1c0: {  	v5 =	vld [tilespmem:s31+$0xC240];
	[tilespmem:s24+$0x50] =	vst v3  }
0x1c1: {  	v4 =	vadd.f32 v9, v4;
	v7 =	vadd.f32 v10, v7;
	v3 =	vld [tilespmem:s1+$0x260]  }
0x1c2: {  	v9 =	vld [tilespmem:s1+$0xC260]  }
0x1c3: {  	v10 =	vld [tilespmem:s5+$0x260];
	v4 =	vshrl.u32 v4, $0x10;
	v7 =	vand.u32 $0xFFFF0000, v7  }
0x1c4: {  	v14 =	vld [tilespmem:s5+$0xC260];
	v4 =	vor.u32 v4, v7  }
0x1c5: {  	v11 =	vadd.f32 v12, v11;
	v7 =	vld [tilespmem:s18+$0x270];
	v5 =	vadd.f32 v5, v13;
	[tilespmem:s21+$0x60] =	vst v4  }
0x1c6: {  	v4 =	vld [tilespmem:s14+$0x270]  }
0x1c7: {  	v11 =	vshrl.u32 v11, $0x10;
	v12 =	vld [tilespmem:s14+$0xC270];
	v5 =	vand.u32 $0xFFFF0000, v5  }
0x1c8: {  	v3 =	vadd.f32 v9, v3;
	v9 =	vld [tilespmem:s12+$0xC270];
	v5 =	vor.u32 v11, v5  }
0x1c9: {  	v11 =	vld [tilespmem:s12+$0x270];
	[tilespmem:s2+$0x40] =	vst v5;
	v5 =	vadd.f32 v14, v10  }
0x1ca: {  	v10 =	vld [tilespmem:s25+$0x250]  }
0x1cb: {  	v3 =	vshrl.u32 v3, $0x10;
	v13 =	vld [tilespmem:s25+$0xC250];
	v5 =	vand.u32 $0xFFFF0000, v5  }
0x1cc: {  	v14 =	vld [tilespmem:s31+$0x250];
	v3 =	vor.u32 v3, v5  }
0x1cd: {  	v5 =	vld [tilespmem:s31+$0xC250];
	[tilespmem:s24+$0x60] =	vst v3  }
0x1ce: {  	v4 =	vadd.f32 v12, v4;
	v9 =	vadd.f32 v9, v11;
	v3 =	vld [tilespmem:s1+$0x270]  }
0x1cf: {  	v11 =	vld [tilespmem:s1+$0xC270]  }
0x1d0: {  	v4 =	vshrl.u32 v4, $0x10;
	v12 =	vld [tilespmem:s5+$0x270];
	v9 =	vand.u32 $0xFFFF0000, v9  }
0x1d1: {  	v15 =	vld [tilespmem:s5+$0xC270];
	v4 =	vor.u32 v4, v9  }
0x1d2: {  	v10 =	vadd.f32 v13, v10;
	v9 =	vld [tilespmem:s18+$0xC270];
	v5 =	vadd.f32 v5, v14;
	[tilespmem:s21+$0x70] =	vst v4  }
0x1d3: {  	s21 =	sadd.s32 $0x1000, s8;
	v4 =	vld [tilespmem:s14+$0x600]  }
0x1d4: {  	v10 =	vshrl.u32 v10, $0x10;
	v13 =	vld [tilespmem:s14+$0xC600];
	s23 =	sor.u32 s4, s21;
	v5 =	vand.u32 $0xFFFF0000, v5  }
0x1d5: {  	v3 =	vadd.f32 v11, v3;
	v11 =	vld [tilespmem:s23+$0xC200];
	v5 =	vor.u32 v10, v5  }
0x1d6: {  	v10 =	vld [tilespmem:s23+$0x200];
	[tilespmem:s2+$0x50] =	vst v5;
	v5 =	vadd.f32 v15, v12  }
0x1d7: {  	v12 =	vld [tilespmem:s25+$0x260]  }
0x1d8: {  	v3 =	vshrl.u32 v3, $0x10;
	v14 =	vld [tilespmem:s25+$0xC260];
	v5 =	vand.u32 $0xFFFF0000, v5  }
0x1d9: {  	v15 =	vld [tilespmem:s31+$0x260];
	v3 =	vor.u32 v3, v5  }
0x1da: {  	v5 =	vadd.f32 v6, v8;
	v6 =	vadd.f32 v9, v7;
	v7 =	vld [tilespmem:s31+$0xC260];
	[tilespmem:s24+$0x70] =	vst v3  }
0x1db: {  	v4 =	vadd.f32 v13, v4;
	v8 =	vadd.f32 v11, v10;
	v3 =	vld [tilespmem:s1+$0x600]  }
0x1dc: {  	s16 =	sor.u32 s0, s21;
	v5 =	vshrl.u32 v5, $0x10;
	v6 =	vand.u32 $0xFFFF0000, v6;
	v9 =	vld [tilespmem:s1+$0xC600]  }
0x1dd: {  	s6 =	sadd.s32 $0x18600, s13;
	v4 =	vshrl.u32 v4, $0x10;
	v5 =	vor.u32 v5, v6;
	v6 =	vld [tilespmem:s16+$0x200];
	v8 =	vand.u32 $0xFFFF0000, v8  }
0x1de: {  	s28 =	sor.u32 s7, s22;
	s12 =	sadd.s32 s4, s6;
	[tilespmem:s17+$0x70] =	vst v5;
	v5 =	vld [tilespmem:s16+$0xC200];
	v4 =	vor.u32 v4, v8  }
0x1df: {  	v8 =	vld [tilespmem:s28+$0x200];
	[tilespmem:s12+$0x0] =	vst v4  }
0x1e0: {  	v10 =	vld [tilespmem:s14+$0x610]  }
0x1e1: {  	v4 =	vadd.f32 v14, v12;
	v7 =	vadd.f32 v7, v15;
	v11 =	vld [tilespmem:s14+$0xC610]  }
0x1e2: {  	s30 =	sor.u32 s7, s20;
	v12 =	vld [tilespmem:s23+$0x210]  }
0x1e3: {  	v4 =	vshrl.u32 v4, $0x10;
	v7 =	vand.u32 $0xFFFF0000, v7;
	v3 =	vadd.f32 v9, v3;
	v9 =	vld [tilespmem:s30+$0x200]  }
0x1e4: {  	v4 =	vor.u32 v4, v7;
	v5 =	vadd.f32 v5, v6;
	v6 =	vld [tilespmem:s23+$0xC210]  }
0x1e5: {  	v7 =	vld [tilespmem:s28+$0xC200];
	[tilespmem:s2+$0x60] =	vst v4  }
0x1e6: {  	v3 =	vshrl.u32 v3, $0x10;
	v4 =	vld [tilespmem:s25+$0x270];
	v5 =	vand.u32 $0xFFFF0000, v5  }
0x1e7: {  	s15 =	sadd.s32 s0, s6;
	v15 =	vld [tilespmem:s31+$0xC270];
	v3 =	vor.u32 v3, v5  }
0x1e8: {  	v5 =	vld [tilespmem:s30+$0xC200];
	[tilespmem:s15+$0x0] =	vst v3  }
0x1e9: {  	v10 =	vadd.f32 v11, v10;
	v3 =	vld [tilespmem:s1+$0x610];
	v6 =	vadd.f32 v6, v12  }
0x1ea: {  	v11 =	vld [tilespmem:s1+$0xC610]  }
0x1eb: {  	v10 =	vshrl.u32 v10, $0x10;
	v12 =	vld [tilespmem:s16+$0x210];
	v6 =	vand.u32 $0xFFFF0000, v6  }
0x1ec: {  	v13 =	vld [tilespmem:s16+$0xC210];
	v6 =	vor.u32 v10, v6  }
0x1ed: {  	v7 =	vadd.f32 v7, v8;
	v10 =	vld [tilespmem:s25+$0xC270];
	v5 =	vadd.f32 v5, v9;
	[tilespmem:s12+$0x10] =	vst v6  }
0x1ee: {  	v6 =	vld [tilespmem:s14+$0x620]  }
0x1ef: {  	v7 =	vshrl.u32 v7, $0x10;
	v5 =	vand.u32 $0xFFFF0000, v5;
	v8 =	vld [tilespmem:s14+$0xC620]  }
0x1f0: {  	s29 =	sadd.s32 s7, s19;
	v9 =	vld [tilespmem:s23+$0xC220];
	v5 =	vor.u32 v7, v5  }
0x1f1: {  	v3 =	vadd.f32 v11, v3;
	v7 =	vld [tilespmem:s23+$0x220];
	[tilespmem:s29+$0x0] =	vst v5;
	v5 =	vadd.f32 v13, v12  }
0x1f2: {  	v11 =	vld [tilespmem:s28+$0x210]  }
0x1f3: {  	v3 =	vshrl.u32 v3, $0x10;
	v12 =	vld [tilespmem:s28+$0xC210];
	v5 =	vand.u32 $0xFFFF0000, v5  }
0x1f4: {  	v13 =	vld [tilespmem:s30+$0x210];
	v3 =	vor.u32 v3, v5  }
0x1f5: {  	v5 =	vld [tilespmem:s30+$0xC210];
	[tilespmem:s15+$0x10] =	vst v3  }
0x1f6: {  	v6 =	vadd.f32 v8, v6;
	v7 =	vadd.f32 v9, v7;
	v3 =	vld [tilespmem:s1+$0x620]  }
0x1f7: {  	v8 =	vld [tilespmem:s1+$0xC620]  }
0x1f8: {  	v9 =	vld [tilespmem:s16+$0x220];
	v6 =	vshrl.u32 v6, $0x10;
	v7 =	vand.u32 $0xFFFF0000, v7  }
0x1f9: {  	v14 =	vld [tilespmem:s16+$0xC220];
	v6 =	vor.u32 v6, v7  }
0x1fa: {  	v7 =	vld [tilespmem:s31+$0x270];
	[tilespmem:s12+$0x20] =	vst v6;
	v6 =	vadd.f32 v12, v11;
	v5 =	vadd.f32 v5, v13  }
0x1fb: {  	v11 =	vld [tilespmem:s14+$0x630]  }
0x1fc: {  	v12 =	vld [tilespmem:s14+$0xC630];
	v6 =	vshrl.u32 v6, $0x10;
	v5 =	vand.u32 $0xFFFF0000, v5  }
0x1fd: {  	v13 =	vld [tilespmem:s23+$0x230];
	v3 =	vadd.f32 v8, v3;
	v5 =	vor.u32 v6, v5  }
0x1fe: {  	s19 =	simm.s32 $0x200;
	s18 =	simm.s32 $0x0;
	v6 =	vadd.f32 v14, v9;
	v14 =	vld [tilespmem:s23+$0xC230];
	[tilespmem:s29+$0x10] =	vst v5  }
0x1ff: {  	s22 =	sand.u32 $0x300, s19;
	s25 =	smul.u32 $0x1800, s18;
	v4 =	vadd.f32 v10, v4;
	v5 =	vshrl.u32 v3, $0x10;
	v7 =	vadd.f32 v15, v7;
	v3 =	vld [tilespmem:s28+$0x220]  }
0x200: {  	s19 =	sor.u32 $0x80, s22;
	v6 =	vand.u32 $0xFFFF0000, v6;
	v8 =	vld [tilespmem:s28+$0xC220]  }
0x201: {  	s17 =	sor.u32 s25, s19;
	v4 =	vshrl.u32 v4, $0x10;
	v9 =	vld [tilespmem:s30+$0x220];
	v5 =	vor.u32 v5, v6;
	v7 =	vand.u32 $0xFFFF0000, v7  }
0x202: {  	[tilespmem:s15+$0x20] =	vst v5;
	v4 =	vor.u32 v4, v7;
	v7 =	vld [tilespmem:s17+$0x200]  }
0x203: {  	v6 =	vadd.f32 v12, v11;
	v5 =	vld [tilespmem:s1+$0x630];
	v11 =	vadd.f32 v14, v13  }
0x204: {  	v12 =	vld [tilespmem:s1+$0xC630]  }
0x205: {  	v13 =	vld [tilespmem:s16+$0x230];
	v6 =	vshrl.u32 v6, $0x10;
	v10 =	vand.u32 $0xFFFF0000, v11  }
0x206: {  	v11 =	vld [tilespmem:s16+$0xC230];
	v6 =	vor.u32 v6, v10  }
0x207: {  	v10 =	vld [tilespmem:s30+$0xC220];
	[tilespmem:s12+$0x30] =	vst v6  }
0x208: {  	[tilespmem:s2+$0x70] =	vst v4;
	v4 =	vld [tilespmem:s14+$0x640]  }
0x209: {  	s20 =	sadd.s32 $0xC00, s25;
	v6 =	vld [tilespmem:s14+$0xC640]  }
0x20a: {  	s21 =	sor.u32 s19, s20;
	v14 =	vld [tilespmem:s17+$0xC200]  }
0x20b: {  	v15 =	vld [tilespmem:s21+$0x200]  }
0x20c: {  	v16 =	vld [tilespmem:s21+$0xC200]  }
0x20d: {  	s24 =	sor.u32 s22, s20  }
0x20e: {  	v17 =	vld [tilespmem:s24+$0x200]  }
0x20f: {  	s6 =	sor.u32 s22, s25;
	v18 =	vld [tilespmem:s24+$0xC200]  }
0x210: {  	s5 =	smul.u32 $0x3000, s18;
	v19 =	vld [tilespmem:s6+$0x200]  }
0x211: {  	v7 =	vadd.f32 v14, v7;
	v14 =	vadd.f32 v16, v15;
	v15 =	vld [tilespmem:s6+$0xC200]  }
0x212: {  	s20 =	sshra.s32 s5, $0x2  }
0x213: {  	s5 =	sadd.s32 $0x18200, s20;
	v7 =	vshrl.u32 v7, $0x10;
	v14 =	vand.u32 $0xFFFF0000, v14  }
0x214: {  	s31 =	sadd.s32 s19, s5;
	v7 =	vor.u32 v7, v14  }
0x215: {  	[tilespmem:s31+$0x0] =	vst v7  }
0x216: {  	v14 =	vadd.f32 v18, v17;
	v7 =	vld [tilespmem:s17+$0x210];
	v15 =	vadd.f32 v15, v19  }
0x217: {  	v52 =	vld [tilespmem:s17+$0xC210]  }
0x218: {  	v53 =	vld [tilespmem:s21+$0x210];
	v14 =	vand.u32 $0xFFFF0000, v14;
	v15 =	vshrl.u32 v15, $0x10  }
0x219: {  	s7 =	sadd.s32 s22, s5;
	v54 =	vld [tilespmem:s21+$0xC210];
	v14 =	vor.u32 v15, v14  }
0x21a: {  	[tilespmem:s7+$0x0] =	vst v14  }
0x21b: {  	v14 =	vld [tilespmem:s6+$0x210]  }
0x21c: {  	v15 =	vld [tilespmem:s6+$0xC210]  }
0x21d: {  	v55 =	vld [tilespmem:s24+$0x210]  }
0x21e: {  	v7 =	vadd.f32 v52, v7;
	v56 =	vadd.f32 v54, v53;
	v57 =	vld [tilespmem:s24+$0xC210];
	_ =	sdelay $0x1  }
0x21f: {  	v7 =	vshrl.u32 v7, $0x10;
	v16 =	vand.u32 $0xFFFF0000, v56  }
0x220: {  	v7 =	vor.u32 v7, v16  }
0x221: {  	v58 =	vld [tilespmem:s23+$0x240];
	[tilespmem:s31+$0x10] =	vst v7  }
0x222: {  	v7 =	vld [tilespmem:s17+$0x220];
	v14 =	vadd.f32 v15, v14;
	v15 =	vadd.f32 v57, v55  }
0x223: {  	v59 =	vld [tilespmem:s17+$0xC220]  }
0x224: {  	v60 =	vld [tilespmem:s21+$0x220];
	v14 =	vshrl.u32 v14, $0x10;
	v15 =	vand.u32 $0xFFFF0000, v15  }
0x225: {  	v61 =	vld [tilespmem:s21+$0xC220];
	v14 =	vor.u32 v14, v15  }
0x226: {  	v5 =	vadd.f32 v12, v5;
	v12 =	vld [tilespmem:s23+$0xC240];
	v11 =	vadd.f32 v11, v13;
	[tilespmem:s7+$0x10] =	vst v14  }
0x227: {  	v13 =	vld [tilespmem:s6+$0x220]  }
0x228: {  	v5 =	vshrl.u32 v5, $0x10;
	v11 =	vand.u32 $0xFFFF0000, v11;
	v14 =	vld [tilespmem:s6+$0xC220]  }
0x229: {  	v5 =	vor.u32 v5, v11;
	v11 =	vld [tilespmem:s24+$0x220]  }
0x22a: {  	[tilespmem:s15+$0x30] =	vst v5;
	v5 =	vadd.f32 v59, v7;
	v7 =	vadd.f32 v61, v60;
	v15 =	vld [tilespmem:s24+$0xC220]  }
0x22b: {  	v62 =	vld [tilespmem:s1+$0x640]  }
0x22c: {  	v63 =	vld [tilespmem:s1+$0xC640];
	v5 =	vshrl.u32 v5, $0x10;
	v7 =	vand.u32 $0xFFFF0000, v7  }
0x22d: {  	v21 =	vld [tilespmem:s16+$0x240];
	v5 =	vor.u32 v5, v7  }
0x22e: {  	v4 =	vadd.f32 v6, v4;
	v6 =	vadd.f32 v12, v58;
	v7 =	vld [tilespmem:s16+$0xC240];
	[tilespmem:s31+$0x20] =	vst v5  }
0x22f: {  	v5 =	vld [tilespmem:s17+$0x230];
	v12 =	vadd.f32 v14, v13;
	v11 =	vadd.f32 v15, v11  }
0x230: {  	v4 =	vshrl.u32 v4, $0x10;
	v6 =	vand.u32 $0xFFFF0000, v6;
	v13 =	vld [tilespmem:s17+$0xC230]  }
0x231: {  	v4 =	vor.u32 v4, v6;
	v6 =	vld [tilespmem:s21+$0x230];
	v12 =	vshrl.u32 v12, $0x10;
	v11 =	vand.u32 $0xFFFF0000, v11  }
0x232: {  	[tilespmem:s12+$0x40] =	vst v4;
	v4 =	vld [tilespmem:s21+$0xC230];
	v11 =	vor.u32 v12, v11  }
0x233: {  	v23 =	vld [tilespmem:s23+$0x250];
	[tilespmem:s7+$0x20] =	vst v11  }
0x234: {  	v11 =	vld [tilespmem:s6+$0x230]  }
0x235: {  	v14 =	vld [tilespmem:s6+$0xC230]  }
0x236: {  	v15 =	vadd.f32 v63, v62;
	v7 =	vadd.f32 v7, v21;
	v22 =	vld [tilespmem:s24+$0x230]  }
0x237: {  	v5 =	vadd.f32 v13, v5;
	v4 =	vadd.f32 v4, v6;
	v6 =	vld [tilespmem:s24+$0xC230]  }
0x238: {  	v15 =	vshrl.u32 v15, $0x10;
	v12 =	vld [tilespmem:s14+$0x650];
	v7 =	vand.u32 $0xFFFF0000, v7  }
0x239: {  	v13 =	vld [tilespmem:s14+$0xC650];
	v7 =	vor.u32 v15, v7;
	v5 =	vshrl.u32 v5, $0x10;
	v4 =	vand.u32 $0xFFFF0000, v4  }
0x23a: {  	v15 =	vld [tilespmem:s23+$0xC250];
	[tilespmem:s15+$0x40] =	vst v7;
	v4 =	vor.u32 v5, v4  }
0x23b: {  	v5 =	vld [tilespmem:s1+$0x650];
	[tilespmem:s31+$0x30] =	vst v4  }
0x23c: {  	v4 =	vld [tilespmem:s17+$0x240];
	v7 =	vadd.f32 v14, v11;
	v6 =	vadd.f32 v6, v22  }
0x23d: {  	v11 =	vld [tilespmem:s17+$0xC240]  }
0x23e: {  	v14 =	vld [tilespmem:s21+$0x240];
	v7 =	vshrl.u32 v7, $0x10;
	v6 =	vand.u32 $0xFFFF0000, v6  }
0x23f: {  	v24 =	vld [tilespmem:s21+$0xC240];
	v6 =	vor.u32 v7, v6  }
0x240: {  	v12 =	vadd.f32 v13, v12;
	v13 =	vadd.f32 v15, v23;
	v7 =	vld [tilespmem:s1+$0xC650];
	[tilespmem:s7+$0x30] =	vst v6  }
0x241: {  	v6 =	vld [tilespmem:s6+$0x240]  }
0x242: {  	v12 =	vshrl.u32 v12, $0x10;
	v13 =	vand.u32 $0xFFFF0000, v13;
	v15 =	vld [tilespmem:s6+$0xC240]  }
0x243: {  	v12 =	vor.u32 v12, v13;
	v13 =	vld [tilespmem:s24+$0x240]  }
0x244: {  	[tilespmem:s12+$0x50] =	vst v12;
	v4 =	vadd.f32 v11, v4;
	v11 =	vadd.f32 v24, v14;
	v12 =	vld [tilespmem:s24+$0xC240]  }
0x245: {  	v14 =	vld [tilespmem:s14+$0x660]  }
0x246: {  	v25 =	vld [tilespmem:s14+$0xC660];
	v4 =	vshrl.u32 v4, $0x10;
	v11 =	vand.u32 $0xFFFF0000, v11  }
0x247: {  	v26 =	vld [tilespmem:s23+$0x260];
	v4 =	vor.u32 v4, v11  }
0x248: {  	v11 =	vld [tilespmem:s23+$0xC260];
	[tilespmem:s31+$0x40] =	vst v4  }
0x249: {  	v4 =	vld [tilespmem:s17+$0x250];
	v6 =	vadd.f32 v15, v6;
	v12 =	vadd.f32 v12, v13  }
0x24a: {  	v13 =	vld [tilespmem:s17+$0xC250]  }
0x24b: {  	v15 =	vld [tilespmem:s21+$0x250];
	v6 =	vshrl.u32 v6, $0x10;
	v12 =	vand.u32 $0xFFFF0000, v12  }
0x24c: {  	v27 =	vld [tilespmem:s21+$0xC250];
	v6 =	vor.u32 v6, v12  }
0x24d: {  	v14 =	vadd.f32 v25, v14;
	v12 =	vld [tilespmem:s16+$0x250];
	v11 =	vadd.f32 v11, v26;
	[tilespmem:s7+$0x40] =	vst v6  }
0x24e: {  	v6 =	vld [tilespmem:s6+$0x250]  }
0x24f: {  	v14 =	vshrl.u32 v14, $0x10;
	v11 =	vand.u32 $0xFFFF0000, v11;
	v28 =	vld [tilespmem:s6+$0xC250]  }
0x250: {  	v4 =	vadd.f32 v13, v4;
	v13 =	vld [tilespmem:s24+$0xC250];
	v11 =	vor.u32 v14, v11  }
0x251: {  	v14 =	vld [tilespmem:s24+$0x250];
	[tilespmem:s12+$0x60] =	vst v11;
	v11 =	vadd.f32 v27, v15  }
0x252: {  	v15 =	vld [tilespmem:s14+$0x670]  }
0x253: {  	v4 =	vshrl.u32 v4, $0x10;
	v29 =	vld [tilespmem:s14+$0xC670];
	v11 =	vand.u32 $0xFFFF0000, v11  }
0x254: {  	v30 =	vld [tilespmem:s23+$0x270];
	v4 =	vor.u32 v4, v11  }
0x255: {  	v11 =	vld [tilespmem:s23+$0xC270];
	[tilespmem:s31+$0x50] =	vst v4  }
0x256: {  	v6 =	vadd.f32 v28, v6;
	v13 =	vadd.f32 v13, v14;
	v4 =	vld [tilespmem:s17+$0x260]  }
0x257: {  	v14 =	vld [tilespmem:s17+$0xC260]  }
0x258: {  	v31 =	vld [tilespmem:s21+$0x260];
	v6 =	vshrl.u32 v6, $0x10;
	v13 =	vand.u32 $0xFFFF0000, v13  }
0x259: {  	v32 =	vld [tilespmem:s21+$0xC260];
	v6 =	vor.u32 v6, v13  }
0x25a: {  	v15 =	vadd.f32 v29, v15;
	v13 =	vld [tilespmem:s16+$0xC250];
	v11 =	vadd.f32 v11, v30;
	[tilespmem:s7+$0x50] =	vst v6  }
0x25b: {  	v6 =	vld [tilespmem:s6+$0x260]  }
0x25c: {  	v15 =	vshrl.u32 v15, $0x10;
	v33 =	vld [tilespmem:s6+$0xC260];
	v11 =	vand.u32 $0xFFFF0000, v11  }
0x25d: {  	s2 =	sadd.s32 $0x800, s8;
	v4 =	vadd.f32 v14, v4;
	v14 =	vld [tilespmem:s24+$0xC260];
	v11 =	vor.u32 v15, v11  }
0x25e: {  	s14 =	sor.u32 s4, s2;
	v15 =	vld [tilespmem:s24+$0x260];
	[tilespmem:s12+$0x70] =	vst v11;
	v11 =	vadd.f32 v32, v31  }
0x25f: {  	s9 =	sadd.s32 $0x1400, s8;
	v34 =	vld [tilespmem:s14+$0x200]  }
0x260: {  	v5 =	vadd.f32 v7, v5;
	s23 =	sor.u32 s4, s9;
	v4 =	vshrl.u32 v4, $0x10;
	v35 =	vld [tilespmem:s14+$0xC200];
	v11 =	vand.u32 $0xFFFF0000, v11  }
0x261: {  	v7 =	vadd.f32 v13, v12;
	v36 =	vld [tilespmem:s23+$0x200];
	v4 =	vor.u32 v4, v11  }
0x262: {  	v5 =	vshrl.u32 v5, $0x10;
	v11 =	vld [tilespmem:s23+$0xC200];
	[tilespmem:s31+$0x60] =	vst v4  }
0x263: {  	v6 =	vadd.f32 v33, v6;
	v7 =	vand.u32 $0xFFFF0000, v7;
	v12 =	vadd.f32 v14, v15;
	v4 =	vld [tilespmem:s17+$0x270]  }
0x264: {  	v5 =	vor.u32 v5, v7;
	v7 =	vld [tilespmem:s21+$0x270]  }
0x265: {  	v6 =	vshrl.u32 v6, $0x10;
	[tilespmem:s15+$0x50] =	vst v5;
	v5 =	vld [tilespmem:s21+$0xC270];
	v12 =	vand.u32 $0xFFFF0000, v12  }
0x266: {  	v13 =	vld [tilespmem:s17+$0xC270];
	v6 =	vor.u32 v6, v12  }
0x267: {  	v14 =	vadd.f32 v35, v34;
	v12 =	vld [tilespmem:s1+$0x660];
	v11 =	vadd.f32 v11, v36;
	[tilespmem:s7+$0x60] =	vst v6  }
0x268: {  	v6 =	vld [tilespmem:s6+$0x270]  }
0x269: {  	s3 =	sadd.s32 $0x18A00, s13;
	v14 =	vshrl.u32 v14, $0x10;
	v15 =	vld [tilespmem:s6+$0xC270];
	v11 =	vand.u32 $0xFFFF0000, v11  }
0x26a: {  	s21 =	sadd.s32 s4, s3;
	v5 =	vadd.f32 v5, v7;
	v7 =	vld [tilespmem:s24+$0xC270];
	v11 =	vor.u32 v14, v11  }
0x26b: {  	v4 =	vadd.f32 v13, v4;
	v14 =	vld [tilespmem:s24+$0x270];
	[tilespmem:s21+$0x0] =	vst v11  }
0x26c: {  	v11 =	vld [tilespmem:s14+$0x210]  }
0x26d: {  	v4 =	vshrl.u32 v4, $0x10;
	v5 =	vand.u32 $0xFFFF0000, v5;
	v13 =	vld [tilespmem:s14+$0xC210]  }
0x26e: {  	v37 =	vld [tilespmem:s23+$0x210];
	v4 =	vor.u32 v4, v5  }
0x26f: {  	s24 =	sadd.s32 $0x1000, s25;
	v5 =	vld [tilespmem:s23+$0xC210];
	[tilespmem:s31+$0x70] =	vst v4  }
0x270: {  	v6 =	vadd.f32 v15, v6;
	s31 =	sor.u32 s19, s24;
	v4 =	vld [tilespmem:s17+$0x600];
	v7 =	vadd.f32 v7, v14  }
0x271: {  	v15 =	vld [tilespmem:s31+$0x200]  }
0x272: {  	v38 =	vld [tilespmem:s31+$0xC200];
	v6 =	vshrl.u32 v6, $0x10;
	v7 =	vand.u32 $0xFFFF0000, v7  }
0x273: {  	v14 =	vld [tilespmem:s17+$0xC600];
	v6 =	vor.u32 v6, v7  }
0x274: {  	v11 =	vadd.f32 v13, v11;
	v5 =	vadd.f32 v5, v37;
	v7 =	vld [tilespmem:s1+$0xC660];
	[tilespmem:s7+$0x70] =	vst v6  }
0x275: {  	v6 =	vld [tilespmem:s6+$0x600]  }
0x276: {  	s10 =	sor.u32 s22, s24;
	v11 =	vshrl.u32 v11, $0x10;
	v5 =	vand.u32 $0xFFFF0000, v5;
	v13 =	vld [tilespmem:s6+$0xC600]  }
0x277: {  	v5 =	vor.u32 v11, v5;
	v11 =	vld [tilespmem:s10+$0x200]  }
0x278: {  	v4 =	vadd.f32 v14, v4;
	v14 =	vld [tilespmem:s10+$0xC200];
	[tilespmem:s21+$0x10] =	vst v5;
	v5 =	vadd.f32 v38, v15  }
0x279: {  	v15 =	vld [tilespmem:s14+$0x220]  }
0x27a: {  	s18 =	sadd.s32 $0x18600, s20;
	v39 =	vld [tilespmem:s14+$0xC220];
	v4 =	vshrl.u32 v4, $0x10;
	v5 =	vand.u32 $0xFFFF0000, v5  }
0x27b: {  	s12 =	sadd.s32 s19, s18;
	v40 =	vld [tilespmem:s23+$0x220];
	v4 =	vor.u32 v4, v5  }
0x27c: {  	v5 =	vld [tilespmem:s23+$0xC220];
	[tilespmem:s12+$0x0] =	vst v4  }
0x27d: {  	v4 =	vadd.f32 v13, v6;
	v11 =	vadd.f32 v14, v11;
	v6 =	vld [tilespmem:s17+$0x610]  }
0x27e: {  	v13 =	vld [tilespmem:s17+$0xC610]  }
0x27f: {  	v14 =	vld [tilespmem:s31+$0x210];
	v4 =	vshrl.u32 v4, $0x10;
	v11 =	vand.u32 $0xFFFF0000, v11  }
0x280: {  	s4 =	sadd.s32 s22, s18;
	v41 =	vld [tilespmem:s31+$0xC210];
	v4 =	vor.u32 v4, v11  }
0x281: {  	v15 =	vadd.f32 v39, v15;
	v11 =	vld [tilespmem:s16+$0x260];
	v5 =	vadd.f32 v5, v40;
	[tilespmem:s4+$0x0] =	vst v4  }
0x282: {  	v4 =	vld [tilespmem:s6+$0x610]  }
0x283: {  	v15 =	vshrl.u32 v15, $0x10;
	v42 =	vld [tilespmem:s6+$0xC610];
	v5 =	vand.u32 $0xFFFF0000, v5  }
0x284: {  	v5 =	vor.u32 v15, v5;
	v15 =	vld [tilespmem:s10+$0x210]  }
0x285: {  	[tilespmem:s21+$0x20] =	vst v5;
	v5 =	vadd.f32 v13, v6;
	v6 =	vadd.f32 v41, v14;
	v13 =	vld [tilespmem:s10+$0xC210]  }
0x286: {  	v14 =	vld [tilespmem:s14+$0x230]  }
0x287: {  	v43 =	vld [tilespmem:s14+$0xC230];
	v5 =	vshrl.u32 v5, $0x10;
	v6 =	vand.u32 $0xFFFF0000, v6  }
0x288: {  	v44 =	vld [tilespmem:s23+$0x230];
	v5 =	vor.u32 v5, v6  }
0x289: {  	v6 =	vld [tilespmem:s23+$0xC230];
	[tilespmem:s12+$0x10] =	vst v5  }
0x28a: {  	v4 =	vadd.f32 v42, v4;
	v5 =	vld [tilespmem:s17+$0x620];
	v13 =	vadd.f32 v13, v15  }
0x28b: {  	v15 =	vld [tilespmem:s17+$0xC620]  }
0x28c: {  	v4 =	vshrl.u32 v4, $0x10;
	v45 =	vld [tilespmem:s31+$0x220];
	v13 =	vand.u32 $0xFFFF0000, v13  }
0x28d: {  	v46 =	vld [tilespmem:s31+$0xC220];
	v4 =	vor.u32 v4, v13  }
0x28e: {  	v14 =	vadd.f32 v43, v14;
	v13 =	vld [tilespmem:s16+$0xC260];
	v6 =	vadd.f32 v6, v44;
	[tilespmem:s4+$0x10] =	vst v4  }
0x28f: {  	v4 =	vld [tilespmem:s6+$0x620]  }
0x290: {  	v14 =	vshrl.u32 v14, $0x10;
	v6 =	vand.u32 $0xFFFF0000, v6;
	v47 =	vld [tilespmem:s6+$0xC620]  }
0x291: {  	v5 =	vadd.f32 v15, v5;
	v15 =	vld [tilespmem:s10+$0xC220];
	v6 =	vor.u32 v14, v6  }
0x292: {  	v14 =	vld [tilespmem:s10+$0x220];
	[tilespmem:s21+$0x30] =	vst v6;
	v6 =	vadd.f32 v46, v45  }
0x293: {  	v48 =	vld [tilespmem:s14+$0x240]  }
0x294: {  	v5 =	vshrl.u32 v5, $0x10;
	v49 =	vld [tilespmem:s14+$0xC240];
	v6 =	vand.u32 $0xFFFF0000, v6  }
0x295: {  	v50 =	vld [tilespmem:s23+$0x240];
	v5 =	vor.u32 v5, v6  }
0x296: {  	v6 =	vadd.f32 v7, v12;
	v7 =	vadd.f32 v13, v11;
	v12 =	vld [tilespmem:s23+$0xC240];
	[tilespmem:s12+$0x20] =	vst v5  }
0x297: {  	v4 =	vadd.f32 v47, v4;
	v11 =	vadd.f32 v15, v14;
	v5 =	vld [tilespmem:s17+$0x630]  }
0x298: {  	v6 =	vshrl.u32 v6, $0x10;
	v7 =	vand.u32 $0xFFFF0000, v7;
	v13 =	vld [tilespmem:s17+$0xC630]  }
0x299: {  	v4 =	vshrl.u32 v4, $0x10;
	v6 =	vor.u32 v6, v7;
	v7 =	vld [tilespmem:s31+$0x230];
	v11 =	vand.u32 $0xFFFF0000, v11  }
0x29a: {  	[tilespmem:s15+$0x60] =	vst v6;
	v6 =	vld [tilespmem:s31+$0xC230];
	v4 =	vor.u32 v4, v11  }
0x29b: {  	v14 =	vadd.f32 v49, v48;
	v11 =	vld [tilespmem:s1+$0x670];
	v12 =	vadd.f32 v12, v50;
	[tilespmem:s4+$0x20] =	vst v4  }
0x29c: {  	v4 =	vld [tilespmem:s6+$0x630]  }
0x29d: {  	v14 =	vshrl.u32 v14, $0x10;
	v15 =	vld [tilespmem:s6+$0xC630];
	v12 =	vand.u32 $0xFFFF0000, v12  }
0x29e: {  	v12 =	vor.u32 v14, v12;
	v14 =	vld [tilespmem:s10+$0x230]  }
0x29f: {  	v5 =	vadd.f32 v13, v5;
	[tilespmem:s21+$0x40] =	vst v12;
	v6 =	vadd.f32 v6, v7;
	v7 =	vld [tilespmem:s10+$0xC230]  }
0x2a0: {  	v12 =	vld [tilespmem:s14+$0x250]  }
0x2a1: {  	v5 =	vshrl.u32 v5, $0x10;
	v13 =	vld [tilespmem:s14+$0xC250];
	v6 =	vand.u32 $0xFFFF0000, v6  }
0x2a2: {  	v51 =	vld [tilespmem:s23+$0x250];
	v5 =	vor.u32 v5, v6  }
0x2a3: {  	v6 =	vld [tilespmem:s23+$0xC250];
	[tilespmem:s12+$0x30] =	vst v5  }
0x2a4: {  	v4 =	vadd.f32 v15, v4;
	v5 =	vld [tilespmem:s17+$0x640];
	v7 =	vadd.f32 v7, v14  }
0x2a5: {  	v14 =	vld [tilespmem:s17+$0xC640]  }
0x2a6: {  	v4 =	vshrl.u32 v4, $0x10;
	v15 =	vld [tilespmem:s31+$0x240];
	v7 =	vand.u32 $0xFFFF0000, v7  }
0x2a7: {  	v52 =	vld [tilespmem:s31+$0xC240];
	v4 =	vor.u32 v4, v7  }
0x2a8: {  	v53 =	vld [tilespmem:s1+$0xC670];
	v7 =	vadd.f32 v13, v12;
	v6 =	vadd.f32 v6, v51;
	[tilespmem:s4+$0x30] =	vst v4  }
0x2a9: {  	v4 =	vld [tilespmem:s6+$0x640]  }
0x2aa: {  	v7 =	vshrl.u32 v7, $0x10;
	v6 =	vand.u32 $0xFFFF0000, v6;
	v12 =	vld [tilespmem:s6+$0xC640]  }
0x2ab: {  	v13 =	vld [tilespmem:s10+$0xC240];
	v6 =	vor.u32 v7, v6  }
0x2ac: {  	v5 =	vadd.f32 v14, v5;
	v7 =	vld [tilespmem:s10+$0x240];
	[tilespmem:s21+$0x50] =	vst v6;
	v6 =	vadd.f32 v52, v15  }
0x2ad: {  	v14 =	vld [tilespmem:s14+$0x260]  }
0x2ae: {  	v5 =	vshrl.u32 v5, $0x10;
	v15 =	vld [tilespmem:s14+$0xC260];
	v6 =	vand.u32 $0xFFFF0000, v6  }
0x2af: {  	v54 =	vld [tilespmem:s23+$0x260];
	v5 =	vor.u32 v5, v6  }
0x2b0: {  	v6 =	vld [tilespmem:s23+$0xC260];
	[tilespmem:s12+$0x40] =	vst v5  }
0x2b1: {  	v4 =	vadd.f32 v12, v4;
	v7 =	vadd.f32 v13, v7;
	v5 =	vld [tilespmem:s17+$0x650]  }
0x2b2: {  	v12 =	vld [tilespmem:s17+$0xC650]  }
0x2b3: {  	v4 =	vshrl.u32 v4, $0x10;
	v13 =	vld [tilespmem:s31+$0x250];
	v7 =	vand.u32 $0xFFFF0000, v7  }
0x2b4: {  	v55 =	vld [tilespmem:s31+$0xC250];
	v4 =	vor.u32 v4, v7  }
0x2b5: {  	v56 =	vld [tilespmem:s16+$0x270];
	[tilespmem:s4+$0x40] =	vst v4  }
0x2b6: {  	v4 =	vadd.f32 v15, v14;
	v6 =	vadd.f32 v6, v54;
	v7 =	vld [tilespmem:s6+$0x650]  }
0x2b7: {  	v14 =	vld [tilespmem:s6+$0xC650]  }
0x2b8: {  	v15 =	vld [tilespmem:s10+$0x250];
	v4 =	vshrl.u32 v4, $0x10;
	v6 =	vand.u32 $0xFFFF0000, v6  }
0x2b9: {  	v5 =	vadd.f32 v12, v5;
	v12 =	vld [tilespmem:s10+$0xC250];
	v4 =	vor.u32 v4, v6;
	v6 =	vadd.f32 v55, v13  }
0x2ba: {  	v13 =	vld [tilespmem:s16+$0xC270];
	[tilespmem:s21+$0x60] =	vst v4  }
0x2bb: {  	v57 =	vshrl.u32 v5, $0x10;
	v4 =	vld [tilespmem:s14+$0x270];
	v6 =	vand.u32 $0xFFFF0000, v6  }
0x2bc: {  	v5 =	vld [tilespmem:s14+$0xC270];
	v16 =	vor.u32 v57, v6  }
0x2bd: {  	v6 =	vld [tilespmem:s23+$0x270];
	[tilespmem:s12+$0x50] =	vst v16  }
0x2be: {  	v7 =	vadd.f32 v14, v7;
	v12 =	vadd.f32 v12, v15;
	v14 =	vld [tilespmem:s17+$0x660]  }
0x2bf: {  	v15 =	vld [tilespmem:s17+$0xC660]  }
0x2c0: {  	v7 =	vshrl.u32 v7, $0x10;
	v16 =	vld [tilespmem:s31+$0x260];
	v12 =	vand.u32 $0xFFFF0000, v12  }
0x2c1: {  	v58 =	vld [tilespmem:s31+$0xC260];
	v12 =	vor.u32 v7, v12  }
0x2c2: {  	v7 =	vld [tilespmem:s23+$0xC270];
	[tilespmem:s4+$0x50] =	vst v12  }
0x2c3: {  	s16 =	simm.s32 $0x300;
	s23 =	simm.s32 $0x0;
	v12 =	vld [tilespmem:s6+$0x660]  }
0x2c4: {  	s7 =	sand.u32 $0x300, s16;
	s13 =	smul.u32 $0x1800, s23;
	v20 =	vld [tilespmem:s6+$0xC660]  }
0x2c5: {  	s8 =	sor.u32 $0x80, s7;
	v21 =	vld [tilespmem:s10+$0x260]  }
0x2c6: {  	v59 =	vld [tilespmem:s10+$0xC260];
	s14 =	sor.u32 s13, s8  }
0x2c7: {  	s24 =	sadd.s32 $0xC00, s13;
	v60 =	vld [tilespmem:s14+$0x200]  }
0x2c8: {  	v22 =	vld [tilespmem:s14+$0xC200];
	s5 =	sor.u32 s8, s24  }
0x2c9: {  	v3 =	vadd.f32 v8, v3;
	v8 =	vadd.f32 v10, v9;
	v23 =	vld [tilespmem:s5+$0x200]  }
0x2ca: {  	v14 =	vadd.f32 v15, v14;
	v15 =	vadd.f32 v58, v16;
	s18 =	sor.u32 s7, s13;
	v9 =	vld [tilespmem:s5+$0xC200]  }
0x2cb: {  	v3 =	vshrl.u32 v3, $0x10;
	v8 =	vand.u32 $0xFFFF0000, v8;
	s1 =	smul.u32 $0x3000, s23;
	s23 =	sor.u32 s7, s24;
	v25 =	vld [tilespmem:s18+$0x200]  }
0x2cc: {  	v3 =	vor.u32 v3, v8;
	v14 =	vshrl.u32 v14, $0x10;
	v15 =	vand.u32 $0xFFFF0000, v15;
	v36 =	vld [tilespmem:s23+$0x200]  }
0x2cd: {  	[tilespmem:s29+$0x20] =	vst v3;
	v37 =	vld [tilespmem:s23+$0xC200];
	v14 =	vor.u32 v14, v15  }
0x2ce: {  	v15 =	vld [tilespmem:s28+$0xC230];
	[tilespmem:s12+$0x60] =	vst v14;
	v10 =	vadd.f32 v20, v12  }
0x2cf: {  	v63 =	vld [tilespmem:s31+$0xC270];
	v14 =	vadd.f32 v22, v60;
	v9 =	vadd.f32 v9, v23  }
0x2d0: {  	v12 =	vadd.f32 v59, v21;
	v8 =	vshrl.u32 v10, $0x10;
	v10 =	vld [tilespmem:s31+$0x270];
	s31 =	sshra.s32 s1, $0x2  }
0x2d1: {  	v61 =	vld [tilespmem:s17+$0x670];
	s11 =	sadd.s32 $0x18200, s31;
	v14 =	vshrl.u32 v14, $0x10;
	v9 =	vand.u32 $0xFFFF0000, v9  }
0x2d2: {  	v62 =	vld [tilespmem:s17+$0xC670];
	v12 =	vand.u32 $0xFFFF0000, v12;
	s17 =	sadd.s32 s8, s11;
	v9 =	vor.u32 v14, v9  }
0x2d3: {  	v3 =	vor.u32 v8, v12;
	v12 =	vld [tilespmem:s28+$0x230];
	[tilespmem:s17+$0x0] =	vst v9  }
0x2d4: {  	v9 =	vadd.f32 v53, v11;
	v11 =	vadd.f32 v13, v56;
	v13 =	vld [tilespmem:s14+$0x210]  }
0x2d5: {  	v31 =	vld [tilespmem:s14+$0xC210]  }
0x2d6: {  	v32 =	vld [tilespmem:s5+$0x210];
	v9 =	vshrl.u32 v9, $0x10;
	v11 =	vand.u32 $0xFFFF0000, v11  }
0x2d7: {  	[tilespmem:s4+$0x60] =	vst v3;
	v9 =	vor.u32 v9, v11;
	v11 =	vld [tilespmem:s5+$0xC210]  }
0x2d8: {  	v3 =	vld [tilespmem:s6+$0x670]  }
0x2d9: {  	v8 =	vld [tilespmem:s6+$0xC670]  }
0x2da: {  	v14 =	vld [tilespmem:s30+$0x230]  }
0x2db: {  	[tilespmem:s15+$0x70] =	vst v9;
	v9 =	vld [tilespmem:s30+$0xC230];
	s15 =	sor.u32 s0, s2  }
0x2dc: {  	v33 =	vld [tilespmem:s15+$0x200];
	v13 =	vadd.f32 v31, v13;
	v11 =	vadd.f32 v11, v32  }
0x2dd: {  	s1 =	sor.u32 s0, s9;
	v34 =	vld [tilespmem:s15+$0xC200]  }
0x2de: {  	v35 =	vld [tilespmem:s1+$0x200];
	v13 =	vshrl.u32 v13, $0x10;
	v11 =	vand.u32 $0xFFFF0000, v11  }
0x2df: {  	v24 =	vld [tilespmem:s1+$0xC200];
	v11 =	vor.u32 v13, v11  }
0x2e0: {  	v12 =	vadd.f32 v15, v12;
	v9 =	vadd.f32 v9, v14;
	v13 =	vld [tilespmem:s18+$0xC200];
	[tilespmem:s17+$0x10] =	vst v11  }
0x2e1: {  	v26 =	vld [tilespmem:s14+$0x220]  }
0x2e2: {  	v9 =	vand.u32 $0xFFFF0000, v9;
	v11 =	vshrl.u32 v12, $0x10;
	v27 =	vld [tilespmem:s14+$0xC220]  }
0x2e3: {  	v9 =	vor.u32 v11, v9;
	v28 =	vld [tilespmem:s5+$0x220]  }
0x2e4: {  	v11 =	vadd.f32 v24, v35;
	v38 =	vld [tilespmem:s5+$0xC220];
	[tilespmem:s29+$0x30] =	vst v9;
	v9 =	vadd.f32 v34, v33  }
0x2e5: {  	v14 =	vadd.f32 v37, v36;
	v12 =	vld [tilespmem:s28+$0x240]  }
0x2e6: {  	v39 =	vand.u32 $0xFFFF0000, v11;
	v11 =	vld [tilespmem:s30+$0x240];
	v15 =	vadd.f32 v13, v25;
	v9 =	vshrl.u32 v9, $0x10  }
0x2e7: {  	s0 =	sadd.s32 s0, s3;
	v40 =	vand.u32 $0xFFFF0000, v14;
	v14 =	vld [tilespmem:s30+$0xC240];
	v9 =	vor.u32 v9, v39  }
0x2e8: {  	v13 =	vld [tilespmem:s28+$0xC240];
	v15 =	vshrl.u32 v15, $0x10;
	[tilespmem:s0+$0x0] =	vst v9  }
0x2e9: {  	s2 =	sadd.s32 s7, s11;
	v9 =	vor.u32 v15, v40;
	v15 =	vld [tilespmem:s15+$0x210]  }
0x2ea: {  	v41 =	vadd.f32 v38, v28;
	v28 =	vld [tilespmem:s15+$0xC210];
	[tilespmem:s2+$0x0] =	vst v9;
	v9 =	vadd.f32 v27, v26  }
0x2eb: {  	v42 =	vld [tilespmem:s18+$0x210]  }
0x2ec: {  	v17 =	vand.u32 $0xFFFF0000, v41;
	v43 =	vld [tilespmem:s18+$0xC210];
	v9 =	vshrl.u32 v9, $0x10  }
0x2ed: {  	v44 =	vld [tilespmem:s23+$0x210];
	v9 =	vor.u32 v9, v17  }
0x2ee: {  	v45 =	vld [tilespmem:s23+$0xC210];
	[tilespmem:s17+$0x20] =	vst v9  }
0x2ef: {  	v46 =	vld [tilespmem:s14+$0x230]  }
0x2f0: {  	v10 =	vadd.f32 v63, v10;
	v9 =	vadd.f32 v62, v61;
	v47 =	vld [tilespmem:s14+$0xC230]  }
0x2f1: {  	v48 =	vld [tilespmem:s5+$0x230]  }
0x2f2: {  	v10 =	vand.u32 $0xFFFF0000, v10;
	v49 =	vld [tilespmem:s5+$0xC230];
	v9 =	vshrl.u32 v9, $0x10  }
0x2f3: {  	s24 =	sadd.s32 $0x800, s25;
	v10 =	vor.u32 v9, v10;
	v9 =	vld [tilespmem:s10+$0x270]  }
0x2f4: {  	s9 =	sor.u32 s19, s24;
	[tilespmem:s12+$0x70] =	vst v10;
	v10 =	vld [tilespmem:s10+$0xC270]  }
0x2f5: {  	s25 =	sadd.s32 $0x1400, s25;
	v18 =	vadd.f32 v43, v42;
	v17 =	vadd.f32 v45, v44;
	v50 =	vld [tilespmem:s9+$0x200]  }
0x2f6: {  	s10 =	sor.u32 s19, s25;
	v51 =	vld [tilespmem:s9+$0xC200]  }
0x2f7: {  	v18 =	vshrl.u32 v18, $0x10;
	v17 =	vand.u32 $0xFFFF0000, v17;
	v52 =	vld [tilespmem:s10+$0x200]  }
0x2f8: {  	v17 =	vor.u32 v18, v17;
	v53 =	vld [tilespmem:s10+$0xC200]  }
0x2f9: {  	v44 =	vld [tilespmem:s1+$0x210];
	[tilespmem:s2+$0x10] =	vst v17;
	v16 =	vadd.f32 v47, v46;
	v54 =	vadd.f32 v49, v48  }
0x2fa: {  	v55 =	vld [tilespmem:s18+$0x220]  }
0x2fb: {  	v56 =	vld [tilespmem:s18+$0xC220];
	v16 =	vshrl.u32 v16, $0x10;
	v17 =	vand.u32 $0xFFFF0000, v54  }
0x2fc: {  	v57 =	vld [tilespmem:s23+$0x220];
	v16 =	vor.u32 v16, v17  }
0x2fd: {  	v58 =	vld [tilespmem:s23+$0xC220];
	[tilespmem:s17+$0x30] =	vst v16;
	v59 =	vadd.f32 v51, v50;
	v18 =	vadd.f32 v53, v52  }
0x2fe: {  	v60 =	vld [tilespmem:s14+$0x240]  }
0x2ff: {  	s3 =	sadd.s32 $0x18A00, s20;
	v61 =	vld [tilespmem:s14+$0xC240];
	v16 =	vshrl.u32 v59, $0x10;
	v18 =	vand.u32 $0xFFFF0000, v18  }
0x300: {  	s6 =	sadd.s32 s19, s3;
	v62 =	vld [tilespmem:s5+$0x240];
	v16 =	vor.u32 v16, v18  }
0x301: {  	v63 =	vld [tilespmem:s5+$0xC240];
	[tilespmem:s6+$0x0] =	vst v16  }
0x302: {  	v29 =	vadd.f32 v56, v55;
	v17 =	vadd.f32 v58, v57;
	v30 =	vld [tilespmem:s9+$0x210]  }
0x303: {  	v31 =	vld [tilespmem:s9+$0xC210]  }
0x304: {  	v16 =	vshrl.u32 v29, $0x10;
	v17 =	vand.u32 $0xFFFF0000, v17;
	v32 =	vld [tilespmem:s10+$0x210]  }
0x305: {  	v16 =	vor.u32 v16, v17;
	v33 =	vld [tilespmem:s10+$0xC210]  }
0x306: {  	[tilespmem:s2+$0x20] =	vst v16;
	v34 =	vadd.f32 v61, v60;
	v18 =	vadd.f32 v63, v62;
	v60 =	vld [tilespmem:s1+$0xC210]  }
0x307: {  	v35 =	vld [tilespmem:s18+$0x230]  }
0x308: {  	v36 =	vld [tilespmem:s18+$0xC230];
	v16 =	vshrl.u32 v34, $0x10;
	v18 =	vand.u32 $0xFFFF0000, v18  }
0x309: {  	v11 =	vadd.f32 v14, v11;
	v37 =	vld [tilespmem:s23+$0x230];
	v16 =	vor.u32 v16, v18  }
0x30a: {  	v12 =	vadd.f32 v13, v12;
	v38 =	vld [tilespmem:s23+$0xC230];
	[tilespmem:s17+$0x40] =	vst v16  }
0x30b: {  	v11 =	vand.u32 $0xFFFF0000, v11;
	v40 =	vld [tilespmem:s14+$0x250]  }
0x30c: {  	v12 =	vshrl.u32 v12, $0x10;
	v39 =	vadd.f32 v31, v30;
	v17 =	vadd.f32 v33, v32;
	v41 =	vld [tilespmem:s14+$0xC250]  }
0x30d: {  	v11 =	vor.u32 v12, v11;
	v42 =	vld [tilespmem:s5+$0x250]  }
0x30e: {  	[tilespmem:s29+$0x40] =	vst v11;
	v43 =	vld [tilespmem:s5+$0xC250];
	v16 =	vshrl.u32 v39, $0x10;
	v17 =	vand.u32 $0xFFFF0000, v17  }
0x30f: {  	v18 =	vadd.f32 v38, v37;
	v38 =	vld [tilespmem:s28+$0xC250];
	v16 =	vor.u32 v16, v17  }
0x310: {  	v45 =	vadd.f32 v36, v35;
	v39 =	vld [tilespmem:s30+$0x250];
	[tilespmem:s6+$0x10] =	vst v16  }
0x311: {  	v46 =	vld [tilespmem:s9+$0x220]  }
0x312: {  	v16 =	vshrl.u32 v45, $0x10;
	v18 =	vand.u32 $0xFFFF0000, v18;
	v47 =	vld [tilespmem:s9+$0xC220]  }
0x313: {  	v48 =	vld [tilespmem:s10+$0x220];
	v16 =	vor.u32 v16, v18  }
0x314: {  	v49 =	vld [tilespmem:s10+$0xC220];
	[tilespmem:s2+$0x30] =	vst v16;
	v50 =	vadd.f32 v41, v40;
	v17 =	vadd.f32 v43, v42  }
0x315: {  	v51 =	vld [tilespmem:s18+$0x240]  }
0x316: {  	v52 =	vld [tilespmem:s18+$0xC240];
	v16 =	vshrl.u32 v50, $0x10;
	v17 =	vand.u32 $0xFFFF0000, v17  }
0x317: {  	v3 =	vadd.f32 v8, v3;
	v53 =	vld [tilespmem:s23+$0x240];
	v16 =	vor.u32 v16, v17  }
0x318: {  	v8 =	vadd.f32 v10, v9;
	v54 =	vld [tilespmem:s23+$0xC240];
	[tilespmem:s17+$0x50] =	vst v16  }
0x319: {  	v3 =	vshrl.u32 v3, $0x10;
	v56 =	vld [tilespmem:s14+$0x260]  }
0x31a: {  	v8 =	vand.u32 $0xFFFF0000, v8;
	v55 =	vadd.f32 v47, v46;
	v18 =	vadd.f32 v49, v48;
	v57 =	vld [tilespmem:s14+$0xC260]  }
0x31b: {  	v3 =	vor.u32 v3, v8;
	v58 =	vld [tilespmem:s5+$0x260]  }
0x31c: {  	s19 =	sor.u32 s22, s24;
	[tilespmem:s4+$0x70] =	vst v3;
	v59 =	vld [tilespmem:s5+$0xC260];
	v16 =	vshrl.u32 v55, $0x10;
	v18 =	vand.u32 $0xFFFF0000, v18  }
0x31d: {  	v17 =	vadd.f32 v54, v53;
	v53 =	vld [tilespmem:s19+$0x200];
	v16 =	vor.u32 v16, v18  }
0x31e: {  	v20 =	vadd.f32 v52, v51;
	v54 =	vld [tilespmem:s19+$0xC200];
	[tilespmem:s6+$0x20] =	vst v16  }
0x31f: {  	v61 =	vld [tilespmem:s9+$0x230]  }
0x320: {  	v20 =	vshrl.u32 v20, $0x10;
	v17 =	vand.u32 $0xFFFF0000, v17;
	v62 =	vld [tilespmem:s9+$0xC230]  }
0x321: {  	v13 =	vld [tilespmem:s10+$0x230];
	v17 =	vor.u32 v20, v17  }
0x322: {  	v63 =	vld [tilespmem:s10+$0xC230];
	[tilespmem:s2+$0x40] =	vst v17  }
0x323: {  	v15 =	vadd.f32 v28, v15;
	v16 =	vadd.f32 v60, v44;
	v14 =	vld [tilespmem:s18+$0x250]  }
0x324: {  	v25 =	vld [tilespmem:s18+$0xC250]  }
0x325: {  	v12 =	vshrl.u32 v15, $0x10;
	v16 =	vand.u32 $0xFFFF0000, v16;
	v26 =	vld [tilespmem:s23+$0x250]  }
0x326: {  	v22 =	vadd.f32 v57, v56;
	v18 =	vadd.f32 v59, v58;
	v15 =	vld [tilespmem:s23+$0xC250];
	v11 =	vor.u32 v12, v16  }
0x327: {  	v12 =	vld [tilespmem:s28+$0x250];
	[tilespmem:s0+$0x10] =	vst v11;
	v27 =	vadd.f32 v62, v61;
	v13 =	vadd.f32 v63, v13  }
0x328: {  	v17 =	vshrl.u32 v22, $0x10;
	v18 =	vand.u32 $0xFFFF0000, v18;
	v30 =	vld [tilespmem:s15+$0x220]  }
0x329: {  	v17 =	vor.u32 v17, v18;
	v36 =	vld [tilespmem:s1+$0x220];
	v11 =	vshrl.u32 v27, $0x10;
	v13 =	vand.u32 $0xFFFF0000, v13  }
0x32a: {  	v37 =	vld [tilespmem:s1+$0xC220];
	[tilespmem:s17+$0x60] =	vst v17;
	v11 =	vor.u32 v11, v13  }
0x32b: {  	v28 =	vld [tilespmem:s5+$0x270];
	[tilespmem:s6+$0x30] =	vst v11;
	v11 =	vadd.f32 v25, v14;
	v14 =	vadd.f32 v15, v26  }
0x32c: {  	v15 =	vld [tilespmem:s9+$0x240]  }
0x32d: {  	v31 =	vld [tilespmem:s9+$0xC240];
	v11 =	vshrl.u32 v11, $0x10;
	v14 =	vand.u32 $0xFFFF0000, v14  }
0x32e: {  	v32 =	vld [tilespmem:s10+$0x240];
	v11 =	vor.u32 v11, v14  }
0x32f: {  	v14 =	vld [tilespmem:s10+$0xC240];
	[tilespmem:s2+$0x50] =	vst v11  }
0x330: {  	v11 =	vld [tilespmem:s18+$0x260]  }
0x331: {  	v33 =	vld [tilespmem:s18+$0xC260]  }
0x332: {  	v34 =	vld [tilespmem:s23+$0x260]  }
0x333: {  	v35 =	vld [tilespmem:s23+$0xC260]  }
0x334: {  	v29 =	vld [tilespmem:s5+$0xC270];
	v15 =	vadd.f32 v31, v15;
	v14 =	vadd.f32 v14, v32  }
0x335: {  	v13 =	vld [tilespmem:s15+$0xC220]  }
0x336: {  	v46 =	vld [tilespmem:s14+$0x270];
	v15 =	vshrl.u32 v15, $0x10;
	v14 =	vand.u32 $0xFFFF0000, v14  }
0x337: {  	v47 =	vld [tilespmem:s14+$0xC270];
	v14 =	vor.u32 v15, v14  }
0x338: {  	v11 =	vadd.f32 v33, v11;
	v15 =	vld [tilespmem:s30+$0xC250];
	[tilespmem:s6+$0x40] =	vst v14;
	v14 =	vadd.f32 v35, v34  }
0x339: {  	v17 =	vadd.f32 v37, v36;
	v40 =	vld [tilespmem:s9+$0x250]  }
0x33a: {  	v13 =	vadd.f32 v13, v30;
	v11 =	vshrl.u32 v11, $0x10;
	v41 =	vld [tilespmem:s9+$0xC250];
	v14 =	vand.u32 $0xFFFF0000, v14  }
0x33b: {  	v42 =	vld [tilespmem:s10+$0x250];
	v11 =	vor.u32 v11, v14  }
0x33c: {  	v13 =	vshrl.u32 v13, $0x10;
	v43 =	vld [tilespmem:s10+$0xC250];
	v14 =	vand.u32 $0xFFFF0000, v17;
	[tilespmem:s2+$0x60] =	vst v11  }
0x33d: {  	v9 =	vadd.f32 v47, v46;
	v11 =	vor.u32 v13, v14;
	v13 =	vld [tilespmem:s23+$0x270]  }
0x33e: {  	v12 =	vadd.f32 v38, v12;
	v14 =	vld [tilespmem:s23+$0xC270]  }
0x33f: {  	v8 =	vshrl.u32 v9, $0x10;
	v15 =	vadd.f32 v15, v39;
	[tilespmem:s0+$0x20] =	vst v11;
	v9 =	vld [tilespmem:s18+$0x270]  }
0x340: {  	v12 =	vshrl.u32 v12, $0x10;
	v11 =	vld [tilespmem:s15+$0x230]  }
0x341: {  	v15 =	vand.u32 $0xFFFF0000, v15;
	v44 =	vld [tilespmem:s15+$0xC230];
	v16 =	vadd.f32 v41, v40;
	v17 =	vadd.f32 v43, v42  }
0x342: {  	v12 =	vor.u32 v12, v15;
	v15 =	vld [tilespmem:s1+$0x230]  }
0x343: {  	[tilespmem:s29+$0x50] =	vst v12;
	v12 =	vld [tilespmem:s1+$0xC230];
	v16 =	vshrl.u32 v16, $0x10;
	v17 =	vand.u32 $0xFFFF0000, v17  }
0x344: {  	v3 =	vld [tilespmem:s18+$0xC270];
	v16 =	vor.u32 v16, v17  }
0x345: {  	v45 =	vld [tilespmem:s28+$0x260];
	[tilespmem:s6+$0x50] =	vst v16  }
0x346: {  	v16 =	vld [tilespmem:s9+$0x260]  }
0x347: {  	v48 =	vld [tilespmem:s10+$0x260]  }
0x348: {  	v11 =	vadd.f32 v44, v11;
	v12 =	vadd.f32 v12, v15;
	v15 =	vld [tilespmem:s9+$0xC260]  }
0x349: {  	v49 =	vld [tilespmem:s10+$0xC260]  }
0x34a: {  	v10 =	vadd.f32 v29, v28;
	v50 =	vld [tilespmem:s28+$0xC260];
	v11 =	vshrl.u32 v11, $0x10;
	v12 =	vand.u32 $0xFFFF0000, v12  }
0x34b: {  	v29 =	vld [tilespmem:s30+$0xC260];
	v11 =	vor.u32 v11, v12  }
0x34c: {  	v10 =	vand.u32 $0xFFFF0000, v10;
	v12 =	vld [tilespmem:s30+$0x260];
	[tilespmem:s0+$0x30] =	vst v11  }
0x34d: {  	v8 =	vor.u32 v8, v10;
	v51 =	vld [tilespmem:s15+$0x240];
	v11 =	vadd.f32 v15, v16  }
0x34e: {  	[tilespmem:s17+$0x70] =	vst v8;
	v52 =	vld [tilespmem:s15+$0xC240];
	v15 =	vadd.f32 v49, v48  }
0x34f: {  	s17 =	sadd.s32 $0x1000, s13;
	v8 =	vshrl.u32 v11, $0x10;
	v11 =	vld [tilespmem:s14+$0x600]  }
0x350: {  	s23 =	sor.u32 s8, s17;
	v10 =	vand.u32 $0xFFFF0000, v15;
	v15 =	vld [tilespmem:s14+$0xC600]  }
0x351: {  	v3 =	vadd.f32 v3, v9;
	v8 =	vor.u32 v8, v10;
	v10 =	vadd.f32 v14, v13;
	v13 =	vld [tilespmem:s23+$0x200]  }
0x352: {  	v14 =	vld [tilespmem:s23+$0xC200]  }
0x353: {  	v3 =	vshrl.u32 v3, $0x10;
	v61 =	vld [tilespmem:s1+$0x240];
	v10 =	vand.u32 $0xFFFF0000, v10  }
0x354: {  	v62 =	vld [tilespmem:s1+$0xC240];
	[tilespmem:s6+$0x60] =	vst v8;
	v3 =	vor.u32 v3, v10  }
0x355: {  	v8 =	vld [tilespmem:s9+$0x270];
	[tilespmem:s2+$0x70] =	vst v3  }
0x356: {  	v3 =	vld [tilespmem:s18+$0x600]  }
0x357: {  	s4 =	sor.u32 s7, s17;
	v15 =	vadd.f32 v15, v11;
	v55 =	vld [tilespmem:s18+$0xC600];
	v13 =	vadd.f32 v14, v13  }
0x358: {  	v14 =	vld [tilespmem:s4+$0x200]  }
0x359: {  	s20 =	sadd.s32 $0x18600, s31;
	s25 =	sor.u32 s22, s25;
	v56 =	vld [tilespmem:s4+$0xC200];
	v15 =	vshrl.u32 v15, $0x10;
	v13 =	vand.u32 $0xFFFF0000, v13  }
0x35a: {  	s24 =	sadd.s32 s8, s20;
	v13 =	vor.u32 v15, v13;
	v15 =	vld [tilespmem:s25+$0x200]  }
0x35b: {  	[tilespmem:s24+$0x0] =	vst v13;
	v13 =	vld [tilespmem:s25+$0xC200]  }
0x35c: {  	v57 =	vld [tilespmem:s14+$0x610]  }
0x35d: {  	v58 =	vld [tilespmem:s14+$0xC610]  }
0x35e: {  	v3 =	vadd.f32 v55, v3;
	v14 =	vadd.f32 v56, v14;
	v59 =	vld [tilespmem:s23+$0x210]  }
0x35f: {  	v17 =	vadd.f32 v52, v51;
	v60 =	vld [tilespmem:s23+$0xC210]  }
0x360: {  	v9 =	vld [tilespmem:s9+$0xC270];
	v16 =	vadd.f32 v62, v61;
	v3 =	vshrl.u32 v3, $0x10;
	v14 =	vand.u32 $0xFFFF0000, v14  }
0x361: {  	s20 =	sadd.s32 s7, s20;
	v10 =	vld [tilespmem:s10+$0x270];
	v3 =	vor.u32 v3, v14;
	v14 =	vadd.f32 v54, v53  }
0x362: {  	v11 =	vld [tilespmem:s10+$0xC270];
	v17 =	vshrl.u32 v17, $0x10;
	v16 =	vand.u32 $0xFFFF0000, v16;
	[tilespmem:s20+$0x0] =	vst v3;
	v3 =	vadd.f32 v13, v15  }
0x363: {  	v16 =	vor.u32 v17, v16;
	v13 =	vld [tilespmem:s18+$0x610];
	v14 =	vshrl.u32 v14, $0x10  }
0x364: {  	v15 =	vld [tilespmem:s18+$0xC610];
	v63 =	vadd.f32 v58, v57;
	v27 =	vadd.f32 v60, v59;
	v3 =	vand.u32 $0xFFFF0000, v3  }
0x365: {  	s22 =	sadd.s32 s22, s3;
	[tilespmem:s0+$0x40] =	vst v16;
	v28 =	vld [tilespmem:s4+$0x210];
	v3 =	vor.u32 v14, v3  }
0x366: {  	v14 =	vld [tilespmem:s4+$0xC210];
	v30 =	vand.u32 $0xFFFF0000, v27;
	[tilespmem:s22+$0x0] =	vst v3;
	v3 =	vshrl.u32 v63, $0x10  }
0x367: {  	v43 =	vld [tilespmem:s15+$0xC250];
	v3 =	vor.u32 v3, v30  }
0x368: {  	v31 =	vld [tilespmem:s19+$0x210];
	[tilespmem:s24+$0x10] =	vst v3  }
0x369: {  	v32 =	vld [tilespmem:s14+$0x620]  }
0x36a: {  	v13 =	vadd.f32 v15, v13;
	v15 =	vld [tilespmem:s14+$0xC620]  }
0x36b: {  	v33 =	vld [tilespmem:s23+$0x220];
	v14 =	vadd.f32 v14, v28  }
0x36c: {  	v34 =	vld [tilespmem:s23+$0xC220]  }
0x36d: {  	v35 =	vld [tilespmem:s25+$0xC210];
	v13 =	vshrl.u32 v13, $0x10;
	v14 =	vand.u32 $0xFFFF0000, v14  }
0x36e: {  	v21 =	vadd.f32 v50, v45;
	v12 =	vadd.f32 v29, v12;
	v3 =	vld [tilespmem:s19+$0xC210];
	v13 =	vor.u32 v13, v14  }
0x36f: {  	v14 =	vld [tilespmem:s25+$0x210];
	[tilespmem:s20+$0x10] =	vst v13  }
0x370: {  	v12 =	vand.u32 $0xFFFF0000, v12;
	v13 =	vshrl.u32 v21, $0x10;
	v36 =	vld [tilespmem:s18+$0x620]  }
0x371: {  	v37 =	vld [tilespmem:s18+$0xC620];
	v12 =	vor.u32 v13, v12;
	v13 =	vadd.f32 v15, v32;
	v15 =	vadd.f32 v34, v33  }
0x372: {  	v38 =	vld [tilespmem:s4+$0x220]  }
0x373: {  	[tilespmem:s29+$0x60] =	vst v12;
	v12 =	vld [tilespmem:s4+$0xC220];
	v13 =	vshrl.u32 v13, $0x10;
	v15 =	vand.u32 $0xFFFF0000, v15  }
0x374: {  	v52 =	vld [tilespmem:s1+$0x250];
	v13 =	vor.u32 v13, v15  }
0x375: {  	v53 =	vld [tilespmem:s1+$0xC250];
	v3 =	vadd.f32 v3, v31;
	[tilespmem:s24+$0x20] =	vst v13  }
0x376: {  	v13 =	vadd.f32 v35, v14;
	v14 =	vld [tilespmem:s14+$0x630]  }
0x377: {  	v3 =	vshrl.u32 v3, $0x10;
	v41 =	vld [tilespmem:s14+$0xC630]  }
0x378: {  	v18 =	vadd.f32 v37, v36;
	v42 =	vld [tilespmem:s23+$0x230];
	v13 =	vand.u32 $0xFFFF0000, v13;
	v12 =	vadd.f32 v12, v38  }
0x379: {  	v3 =	vor.u32 v3, v13;
	v13 =	vld [tilespmem:s23+$0xC230]  }
0x37a: {  	v15 =	vld [tilespmem:s15+$0x250];
	[tilespmem:s22+$0x10] =	vst v3;
	v3 =	vshrl.u32 v18, $0x10;
	v12 =	vand.u32 $0xFFFF0000, v12  }
0x37b: {  	v44 =	vld [tilespmem:s19+$0x220];
	v3 =	vor.u32 v3, v12  }
0x37c: {  	v12 =	vld [tilespmem:s19+$0xC220];
	[tilespmem:s20+$0x20] =	vst v3  }
0x37d: {  	v3 =	vld [tilespmem:s18+$0x630]  }
0x37e: {  	v14 =	vadd.f32 v41, v14;
	v45 =	vld [tilespmem:s18+$0xC630];
	v13 =	vadd.f32 v13, v42  }
0x37f: {  	v46 =	vld [tilespmem:s4+$0x230]  }
0x380: {  	v47 =	vld [tilespmem:s4+$0xC230];
	v14 =	vshrl.u32 v14, $0x10;
	v13 =	vand.u32 $0xFFFF0000, v13  }
0x381: {  	v48 =	vld [tilespmem:s25+$0x220];
	v13 =	vor.u32 v14, v13  }
0x382: {  	v14 =	vld [tilespmem:s25+$0xC220];
	[tilespmem:s24+$0x30] =	vst v13  }
0x383: {  	v13 =	vld [tilespmem:s14+$0x640]  }
0x384: {  	v49 =	vld [tilespmem:s14+$0xC640]  }
0x385: {  	v3 =	vadd.f32 v45, v3;
	v16 =	vadd.f32 v47, v46;
	v50 =	vld [tilespmem:s23+$0x240]  }
0x386: {  	v15 =	vadd.f32 v43, v15;
	v51 =	vld [tilespmem:s23+$0xC240]  }
0x387: {  	v39 =	vld [tilespmem:s28+$0x270];
	v12 =	vadd.f32 v12, v44;
	v3 =	vshrl.u32 v3, $0x10;
	v16 =	vand.u32 $0xFFFF0000, v16  }
0x388: {  	v40 =	vld [tilespmem:s28+$0xC270];
	v3 =	vor.u32 v3, v16;
	v16 =	vadd.f32 v53, v52;
	v14 =	vadd.f32 v14, v48  }
0x389: {  	v15 =	vshrl.u32 v15, $0x10;
	[tilespmem:s20+$0x30] =	vst v3;
	v3 =	vld [tilespmem:s30+$0x270]  }
0x38a: {  	v12 =	vshrl.u32 v12, $0x10;
	v54 =	vld [tilespmem:s18+$0x640];
	v16 =	vand.u32 $0xFFFF0000, v16;
	v14 =	vand.u32 $0xFFFF0000, v14  }
0x38b: {  	v55 =	vld [tilespmem:s18+$0xC640];
	v13 =	vadd.f32 v49, v13;
	v19 =	vadd.f32 v51, v50;
	v15 =	vor.u32 v15, v16  }
0x38c: {  	v12 =	vor.u32 v12, v14;
	v14 =	vld [tilespmem:s4+$0x240];
	[tilespmem:s0+$0x50] =	vst v15  }
0x38d: {  	[tilespmem:s22+$0x20] =	vst v12;
	v12 =	vld [tilespmem:s4+$0xC240];
	v13 =	vshrl.u32 v13, $0x10;
	v19 =	vand.u32 $0xFFFF0000, v19  }
0x38e: {  	v62 =	vld [tilespmem:s15+$0x260];
	v13 =	vor.u32 v13, v19  }
0x38f: {  	v63 =	vld [tilespmem:s15+$0xC260];
	[tilespmem:s24+$0x40] =	vst v13  }
0x390: {  	v57 =	vld [tilespmem:s14+$0x650]  }
0x391: {  	v58 =	vld [tilespmem:s14+$0xC650]  }
0x392: {  	v59 =	vld [tilespmem:s23+$0xC250]  }
0x393: {  	v18 =	vadd.f32 v55, v54;
	v12 =	vadd.f32 v12, v14;
	v14 =	vld [tilespmem:s23+$0x250]  }
0x394: {  	v56 =	vld [tilespmem:s19+$0x230]  }
0x395: {  	v61 =	vld [tilespmem:s25+$0x230];
	v60 =	vshrl.u32 v18, $0x10;
	v12 =	vand.u32 $0xFFFF0000, v12  }
0x396: {  	v4 =	vadd.f32 v5, v4;
	v13 =	vld [tilespmem:s19+$0xC230];
	v12 =	vor.u32 v60, v12  }
0x397: {  	v5 =	vadd.f32 v7, v6;
	v8 =	vadd.f32 v9, v8;
	v15 =	vld [tilespmem:s25+$0xC230];
	[tilespmem:s20+$0x40] =	vst v12  }
0x398: {  	v7 =	vadd.f32 v58, v57;
	v6 =	vld [tilespmem:s18+$0x650];
	v12 =	vadd.f32 v59, v14  }
0x399: {  	v4 =	vshrl.u32 v4, $0x10;
	v9 =	vadd.f32 v11, v10;
	v14 =	vld [tilespmem:s18+$0xC650]  }
0x39a: {  	v8 =	vshrl.u32 v8, $0x10;
	v11 =	vld [tilespmem:s4+$0x250];
	v7 =	vshrl.u32 v7, $0x10;
	v12 =	vand.u32 $0xFFFF0000, v12  }
0x39b: {  	v10 =	vadd.f32 v13, v56;
	v13 =	vld [tilespmem:s4+$0xC250];
	v7 =	vor.u32 v7, v12;
	v12 =	vand.u32 $0xFFFF0000, v5  }
0x39c: {  	v9 =	vand.u32 $0xFFFF0000, v9;
	v15 =	vadd.f32 v15, v61;
	v5 =	vld [tilespmem:s1+$0x260];
	[tilespmem:s24+$0x50] =	vst v7;
	v4 =	vor.u32 v4, v12  }
0x39d: {  	v7 =	vor.u32 v8, v9;
	v8 =	vld [tilespmem:s14+$0x660];
	[tilespmem:s21+$0x70] =	vst v4  }
0x39e: {  	v15 =	vand.u32 $0xFFFF0000, v15;
	v10 =	vshrl.u32 v10, $0x10;
	v12 =	vadd.f32 v40, v39;
	v9 =	vld [tilespmem:s14+$0xC660];
	[tilespmem:s6+$0x70] =	vst v7  }
0x39f: {  	s17 =	smov.u32 s31;
	s31 =	sor.u32 $0x20, s26;
	v6 =	vadd.f32 v14, v6;
	v7 =	vor.u32 v10, v15;
	v10 =	vld [tilespmem:s23+$0x260];
	[dreg:$0x13] =	wrdreg s26  }
0x3a0: {  	v4 =	vshrl.u32 v12, $0x10;
	[dreg:$0x12] =	wrdreg s31;
	v12 =	vadd.f32 v13, v11  }
0x3a1: {  	s21 =	simm.s32 $0x6;
	[tilespmem:s22+$0x30] =	vst v7;
	v7 =	vshrl.u32 v6, $0x10;
	v11 =	vld [tilespmem:s23+$0xC260];
	v6 =	vadd.f32 v63, v62  }
.LBB2_3:
0x3a2: {  	v12 =	vand.u32 $0xFFFF0000, v12  }
0x3a3: {  	s21 =	sadd.s32 $0x2, s21;
	v13 =	vld [tilespmem:s19+$0x240];
	v7 =	vor.u32 v7, v12  }
0x3a4: {  	s16 =	sadd.s32 $0x100, s16;
	s6 =	sshrl.u32 s21, $0x3;
	v12 =	vld [tilespmem:s19+$0xC240];
	[tilespmem:s20+$0x50] =	vst v7  }
0x3a5: {  	[dreg:$0x7] =	wrdreg s30;
	s30 =	sand.u32 $0x300, s16;
	s2 =	smul.u32 $0x1800, s6;
	v7 =	vld [tilespmem:s25+$0x240]  }
0x3a6: {  	[dreg:$0x6] =	wrdreg s29;
	s29 =	sor.u32 $0x80, s30;
	v14 =	vld [tilespmem:s18+$0x660]  }
0x3a7: {  	s9 =	sor.u32 s2, s29;
	v15 =	vld [tilespmem:s18+$0xC660];
	v8 =	vadd.f32 v9, v8;
	v9 =	vadd.f32 v11, v10  }
0x3a8: {  	s10 =	sadd.s32 $0xC00, s2;
	v10 =	vld [tilespmem:s9+$0x200]  }
0x3a9: {  	s3 =	sor.u32 s30, s10;
	v11 =	vld [tilespmem:s9+$0xC200];
	s10 =	sor.u32 s29, s10;
	v8 =	vshrl.u32 v8, $0x10;
	v9 =	vand.u32 $0xFFFF0000, v9  }
0x3aa: {  	v12 =	vadd.f32 v12, v13;
	v13 =	vld [tilespmem:s10+$0x200];
	v8 =	vor.u32 v8, v9  }
0x3ab: {  	v9 =	vld [tilespmem:s10+$0xC200];
	[tilespmem:s24+$0x60] =	vst v8  }
0x3ac: {  	v8 =	vshrl.u32 v12, $0x10;
	v12 =	vadd.f32 v15, v14;
	v14 =	vld [tilespmem:s14+$0x670]  }
0x3ad: {  	v15 =	vld [tilespmem:s14+$0xC670]  }
0x3ae: {  	v16 =	vld [tilespmem:s23+$0x270]  }
0x3af: {  	s6 =	smul.u32 $0x3000, s6;
	s5 =	sor.u32 s30, s2;
	v17 =	vld [tilespmem:s23+$0xC270]  }
0x3b0: {  	v19 =	vld [tilespmem:s5+$0xC200];
	v10 =	vadd.f32 v11, v10;
	v9 =	vadd.f32 v9, v13  }
0x3b1: {  	s26 =	sshra.s32 s6, $0x2;
	v18 =	vld [tilespmem:s3+$0x200]  }
0x3b2: {  	s6 =	sadd.s32 $0x18200, s26;
	v11 =	vld [tilespmem:s3+$0xC200];
	v10 =	vshrl.u32 v10, $0x10;
	v9 =	vand.u32 $0xFFFF0000, v9  }
0x3b3: {  	s23 =	sadd.s32 s29, s6;
	v13 =	vld [tilespmem:s5+$0x200];
	v9 =	vor.u32 v10, v9  }
0x3b4: {  	s14 =	smov.u32 s9;
	v10 =	vadd.f32 v15, v14;
	v14 =	vadd.f32 v17, v16;
	[tilespmem:s23+$0x0] =	vst v9;
	v9 =	vld [tilespmem:s4+$0x260]  }
0x3b5: {  	v15 =	vld [tilespmem:s14+$0x210]  }
0x3b6: {  	v56 =	vld [tilespmem:s14+$0xC210];
	v10 =	vshrl.u32 v10, $0x10;
	v14 =	vand.u32 $0xFFFF0000, v14  }
0x3b7: {  	s11 =	sadd.s32 $0x800, s13;
	v57 =	vld [tilespmem:s10+$0x210];
	v10 =	vor.u32 v10, v14  }
0x3b8: {  	s9 =	sadd.s32 s30, s6;
	s6 =	sor.u32 s7, s11;
	s11 =	sor.u32 s8, s11;
	v11 =	vadd.f32 v11, v18;
	v13 =	vadd.f32 v19, v13;
	v14 =	vld [tilespmem:s10+$0xC210];
	[tilespmem:s24+$0x70] =	vst v10  }
0x3b9: {  	s12 =	sadd.s32 $0x1400, s13;
	v10 =	vld [tilespmem:s11+$0x200]  }
0x3ba: {  	s13 =	smov.u32 s2;
	s2 =	sor.u32 s7, s12;
	s12 =	sor.u32 s8, s12;
	v11 =	vand.u32 $0xFFFF0000, v11;
	v13 =	vshrl.u32 v13, $0x10;
	v58 =	vld [tilespmem:s11+$0xC200]  }
0x3bb: {  	v11 =	vor.u32 v13, v11;
	v13 =	vld [tilespmem:s12+$0x200]  }
0x3bc: {  	[tilespmem:s9+$0x0] =	vst v11;
	v11 =	vld [tilespmem:s12+$0xC200]  }
0x3bd: {  	v59 =	vld [tilespmem:s5+$0x210];
	v15 =	vadd.f32 v56, v15;
	v14 =	vadd.f32 v14, v57  }
0x3be: {  	v60 =	vld [tilespmem:s5+$0xC210]  }
0x3bf: {  	v61 =	vld [tilespmem:s3+$0x210];
	v15 =	vshrl.u32 v15, $0x10;
	v14 =	vand.u32 $0xFFFF0000, v14  }
0x3c0: {  	v20 =	vld [tilespmem:s3+$0xC210];
	v14 =	vor.u32 v15, v14  }
0x3c1: {  	v10 =	vadd.f32 v58, v10;
	v11 =	vadd.f32 v11, v13;
	[tilespmem:s23+$0x10] =	vst v14;
	v14 =	vld [tilespmem:s4+$0xC260]  }
0x3c2: {  	v13 =	vld [tilespmem:s14+$0x220]  }
0x3c3: {  	s17 =	sadd.s32 $0x18A00, s17;
	v10 =	vshrl.u32 v10, $0x10;
	v62 =	vld [tilespmem:s14+$0xC220];
	v11 =	vand.u32 $0xFFFF0000, v11  }
0x3c4: {  	s31 =	smov.u32 s26;
	s26 =	sadd.s32 s8, s17;
	v63 =	vld [tilespmem:s10+$0x220];
	v10 =	vor.u32 v10, v11  }
0x3c5: {  	v15 =	vadd.f32 v60, v59;
	v21 =	vld [tilespmem:s10+$0xC220];
	v11 =	vadd.f32 v20, v61;
	[tilespmem:s26+$0x0] =	vst v10  }
0x3c6: {  	v10 =	vld [tilespmem:s11+$0x210];
	v9 =	vadd.f32 v14, v9  }
0x3c7: {  	v15 =	vshrl.u32 v15, $0x10;
	v11 =	vand.u32 $0xFFFF0000, v11;
	v14 =	vld [tilespmem:s11+$0xC210]  }
0x3c8: {  	v12 =	vshrl.u32 v12, $0x10;
	v11 =	vor.u32 v15, v11;
	v15 =	vld [tilespmem:s12+$0x210];
	v9 =	vand.u32 $0xFFFF0000, v9  }
0x3c9: {  	[tilespmem:s9+$0x10] =	vst v11;
	v11 =	vld [tilespmem:s12+$0xC210];
	v9 =	vor.u32 v12, v9  }
0x3ca: {  	v13 =	vadd.f32 v62, v13;
	v22 =	vadd.f32 v21, v63;
	v12 =	vld [tilespmem:s5+$0x220];
	[tilespmem:s20+$0x60] =	vst v9  }
0x3cb: {  	v9 =	vld [tilespmem:s5+$0xC220]  }
0x3cc: {  	v13 =	vshrl.u32 v13, $0x10;
	v16 =	vand.u32 $0xFFFF0000, v22;
	v23 =	vld [tilespmem:s3+$0x220]  }
0x3cd: {  	v13 =	vor.u32 v13, v16;
	v24 =	vld [tilespmem:s3+$0xC220]  }
0x3ce: {  	[tilespmem:s23+$0x20] =	vst v13;
	v13 =	vld [tilespmem:s18+$0x670];
	v10 =	vadd.f32 v14, v10;
	v11 =	vadd.f32 v11, v15  }
0x3cf: {  	v14 =	vld [tilespmem:s14+$0x230]  }
0x3d0: {  	v15 =	vld [tilespmem:s10+$0x230];
	v10 =	vshrl.u32 v10, $0x10;
	v11 =	vand.u32 $0xFFFF0000, v11  }
0x3d1: {  	v25 =	vld [tilespmem:s10+$0xC230];
	v10 =	vor.u32 v10, v11  }
0x3d2: {  	v9 =	vadd.f32 v9, v12;
	v12 =	vld [tilespmem:s14+$0xC230];
	v11 =	vadd.f32 v24, v23;
	[tilespmem:s26+$0x10] =	vst v10  }
0x3d3: {  	v10 =	vld [tilespmem:s11+$0x220]  }
0x3d4: {  	v26 =	vld [tilespmem:s11+$0xC220];
	v9 =	vshrl.u32 v9, $0x10;
	v11 =	vand.u32 $0xFFFF0000, v11  }
0x3d5: {  	v9 =	vor.u32 v9, v11;
	v11 =	vld [tilespmem:s12+$0x220]  }
0x3d6: {  	[tilespmem:s9+$0x20] =	vst v9;
	v9 =	vld [tilespmem:s12+$0xC220]  }
0x3d7: {  	v27 =	vld [tilespmem:s5+$0x230];
	v12 =	vadd.f32 v12, v14;
	v14 =	vadd.f32 v25, v15  }
0x3d8: {  	v15 =	vld [tilespmem:s5+$0xC230]  }
0x3d9: {  	v28 =	vld [tilespmem:s3+$0x230];
	v12 =	vshrl.u32 v12, $0x10;
	v14 =	vand.u32 $0xFFFF0000, v14  }
0x3da: {  	v29 =	vld [tilespmem:s3+$0xC230];
	v12 =	vor.u32 v12, v14  }
0x3db: {  	v10 =	vadd.f32 v26, v10;
	[tilespmem:s23+$0x30] =	vst v12;
	v12 =	vld [tilespmem:s18+$0xC670];
	v9 =	vadd.f32 v9, v11  }
0x3dc: {  	v11 =	vld [tilespmem:s14+$0x240]  }
0x3dd: {  	v10 =	vshrl.u32 v10, $0x10;
	v14 =	vadd.f32 v15, v27;
	v15 =	vld [tilespmem:s14+$0xC240];
	v9 =	vand.u32 $0xFFFF0000, v9  }
0x3de: {  	v30 =	vld [tilespmem:s10+$0x240];
	v9 =	vor.u32 v10, v9  }
0x3df: {  	v31 =	vld [tilespmem:s10+$0xC240];
	v10 =	vadd.f32 v29, v28;
	[tilespmem:s26+$0x20] =	vst v9  }
0x3e0: {  	v9 =	vadd.f32 v12, v13;
	v12 =	vld [tilespmem:s11+$0x230]  }
0x3e1: {  	v14 =	vshrl.u32 v14, $0x10;
	v10 =	vand.u32 $0xFFFF0000, v10;
	v13 =	vld [tilespmem:s11+$0xC230]  }
0x3e2: {  	v10 =	vor.u32 v14, v10;
	v14 =	vld [tilespmem:s12+$0x230]  }
0x3e3: {  	s18 =	smov.u32 s5;
	[tilespmem:s9+$0x30] =	vst v10;
	v10 =	vld [tilespmem:s12+$0xC230]  }
0x3e4: {  	v11 =	vadd.f32 v15, v11;
	v15 =	vadd.f32 v31, v30;
	v32 =	vld [tilespmem:s18+$0x240]  }
0x3e5: {  	v33 =	vld [tilespmem:s18+$0xC240]  }
0x3e6: {  	v34 =	vld [tilespmem:s3+$0x240];
	v11 =	vshrl.u32 v11, $0x10;
	v15 =	vand.u32 $0xFFFF0000, v15  }
0x3e7: {  	v35 =	vld [tilespmem:s3+$0xC240];
	v11 =	vor.u32 v11, v15  }
0x3e8: {  	[tilespmem:s23+$0x40] =	vst v11;
	v11 =	vld [tilespmem:s4+$0x270];
	v12 =	vadd.f32 v13, v12;
	v10 =	vadd.f32 v10, v14  }
0x3e9: {  	v13 =	vld [tilespmem:s14+$0x250]  }
0x3ea: {  	v15 =	vld [tilespmem:s14+$0xC250];
	v12 =	vshrl.u32 v12, $0x10;
	v10 =	vand.u32 $0xFFFF0000, v10  }
0x3eb: {  	v36 =	vld [tilespmem:s10+$0x250];
	v10 =	vor.u32 v12, v10  }
0x3ec: {  	v37 =	vld [tilespmem:s10+$0xC250];
	v14 =	vadd.f32 v33, v32;
	v12 =	vadd.f32 v35, v34;
	[tilespmem:s26+$0x30] =	vst v10  }
0x3ed: {  	v10 =	vld [tilespmem:s11+$0x240]  }
0x3ee: {  	v14 =	vshrl.u32 v14, $0x10;
	v12 =	vand.u32 $0xFFFF0000, v12;
	v38 =	vld [tilespmem:s11+$0xC240]  }
0x3ef: {  	v12 =	vor.u32 v14, v12;
	v14 =	vld [tilespmem:s12+$0x240]  }
0x3f0: {  	[tilespmem:s9+$0x40] =	vst v12;
	v12 =	vld [tilespmem:s12+$0xC240]  }
0x3f1: {  	v13 =	vadd.f32 v15, v13;
	v15 =	vadd.f32 v37, v36;
	v39 =	vld [tilespmem:s18+$0x250]  }
0x3f2: {  	v40 =	vld [tilespmem:s18+$0xC250]  }
0x3f3: {  	v13 =	vshrl.u32 v13, $0x10;
	v15 =	vand.u32 $0xFFFF0000, v15;
	v41 =	vld [tilespmem:s3+$0x250]  }
0x3f4: {  	v13 =	vor.u32 v13, v15;
	v42 =	vld [tilespmem:s3+$0xC250]  }
0x3f5: {  	[tilespmem:s23+$0x50] =	vst v13;
	v13 =	vld [tilespmem:s4+$0xC270];
	v10 =	vadd.f32 v38, v10;
	v12 =	vadd.f32 v12, v14  }
0x3f6: {  	v43 =	vld [tilespmem:s14+$0xC260]  }
0x3f7: {  	v44 =	vld [tilespmem:s10+$0x260];
	v10 =	vshrl.u32 v10, $0x10;
	v12 =	vand.u32 $0xFFFF0000, v12  }
0x3f8: {  	v45 =	vld [tilespmem:s10+$0xC260];
	v10 =	vor.u32 v10, v12  }
0x3f9: {  	v14 =	vld [tilespmem:s14+$0x260];
	v15 =	vadd.f32 v40, v39;
	v12 =	vadd.f32 v42, v41;
	[tilespmem:s26+$0x40] =	vst v10  }
0x3fa: {  	v10 =	vadd.f32 v13, v11;
	v11 =	vld [tilespmem:s11+$0x250]  }
0x3fb: {  	v15 =	vshrl.u32 v15, $0x10;
	v12 =	vand.u32 $0xFFFF0000, v12;
	v13 =	vld [tilespmem:s11+$0xC250]  }
0x3fc: {  	v9 =	vshrl.u32 v9, $0x10;
	v12 =	vor.u32 v15, v12;
	v10 =	vand.u32 $0xFFFF0000, v10;
	v15 =	vld [tilespmem:s12+$0x250]  }
0x3fd: {  	[tilespmem:s9+$0x50] =	vst v12;
	v9 =	vor.u32 v9, v10;
	v10 =	vld [tilespmem:s12+$0xC250]  }
0x3fe: {  	v46 =	vadd.f32 v45, v44;
	v14 =	vadd.f32 v43, v14;
	v12 =	vld [tilespmem:s18+$0x260];
	[tilespmem:s20+$0x70] =	vst v9  }
0x3ff: {  	v9 =	vld [tilespmem:s18+$0xC260]  }
0x400: {  	v16 =	vand.u32 $0xFFFF0000, v46;
	v14 =	vshrl.u32 v14, $0x10;
	v47 =	vld [tilespmem:s3+$0x260]  }
0x401: {  	v14 =	vor.u32 v14, v16;
	v48 =	vld [tilespmem:s3+$0xC260]  }
0x402: {  	[tilespmem:s23+$0x60] =	vst v14;
	v14 =	vld [tilespmem:s6+$0x200];
	v11 =	vadd.f32 v13, v11;
	v10 =	vadd.f32 v10, v15  }
0x403: {  	v13 =	vld [tilespmem:s14+$0x270]  }
0x404: {  	v49 =	vld [tilespmem:s10+$0xC270];
	v11 =	vshrl.u32 v11, $0x10;
	v10 =	vand.u32 $0xFFFF0000, v10  }
0x405: {  	v15 =	vld [tilespmem:s10+$0x270];
	v10 =	vor.u32 v11, v10  }
0x406: {  	v9 =	vadd.f32 v9, v12;
	v12 =	vld [tilespmem:s14+$0xC270];
	v11 =	vadd.f32 v48, v47;
	[tilespmem:s26+$0x50] =	vst v10  }
0x407: {  	v10 =	vld [tilespmem:s11+$0x260]  }
0x408: {  	v9 =	vshrl.u32 v9, $0x10;
	v11 =	vand.u32 $0xFFFF0000, v11;
	v50 =	vld [tilespmem:s11+$0xC260]  }
0x409: {  	v9 =	vor.u32 v9, v11;
	v11 =	vld [tilespmem:s12+$0x260]  }
0x40a: {  	[tilespmem:s9+$0x60] =	vst v9;
	v9 =	vld [tilespmem:s12+$0xC260]  }
0x40b: {  	v12 =	vadd.f32 v12, v13;
	v13 =	vadd.f32 v49, v15;
	v51 =	vld [tilespmem:s18+$0x270]  }
0x40c: {  	v15 =	vld [tilespmem:s18+$0xC270]  }
0x40d: {  	v52 =	vld [tilespmem:s3+$0x270];
	v12 =	vshrl.u32 v12, $0x10;
	v13 =	vand.u32 $0xFFFF0000, v13  }
0x40e: {  	v53 =	vld [tilespmem:s3+$0xC270];
	v12 =	vor.u32 v12, v13  }
0x40f: {  	s28 =	sadd.s32 s7, s17;
	v10 =	vadd.f32 v50, v10;
	[tilespmem:s23+$0x70] =	vst v12;
	v12 =	vld [tilespmem:s6+$0xC200];
	v9 =	vadd.f32 v9, v11  }
0x410: {  	s7 =	smov.u32 s30;
	s8 =	smov.u32 s29;
	s23 =	sadd.s32 $0x1000, s13;
	v11 =	vld [tilespmem:s14+$0x600]  }
0x411: {  	s4 =	sor.u32 s7, s23;
	s23 =	sor.u32 s8, s23;
	v10 =	vshrl.u32 v10, $0x10;
	v13 =	vadd.f32 v15, v51;
	v15 =	vld [tilespmem:s14+$0xC600];
	v9 =	vand.u32 $0xFFFF0000, v9  }
0x412: {  	v54 =	vld [tilespmem:s23+$0x200];
	v9 =	vor.u32 v10, v9  }
0x413: {  	v55 =	vld [tilespmem:s23+$0xC200];
	v10 =	vadd.f32 v53, v52;
	[tilespmem:s26+$0x60] =	vst v9  }
0x414: {  	v9 =	vadd.f32 v12, v14;
	v12 =	vld [tilespmem:s11+$0x270]  }
0x415: {  	v13 =	vshrl.u32 v13, $0x10;
	v10 =	vand.u32 $0xFFFF0000, v10;
	v14 =	vld [tilespmem:s11+$0xC270]  }
0x416: {  	v10 =	vor.u32 v13, v10;
	v13 =	vld [tilespmem:s12+$0x270]  }
0x417: {  	[tilespmem:s9+$0x70] =	vst v10;
	v10 =	vld [tilespmem:s12+$0xC270]  }
0x418: {  	v56 =	vld [tilespmem:s18+$0x600]  }
0x419: {  	v11 =	vadd.f32 v15, v11;
	v15 =	vadd.f32 v55, v54;
	v57 =	vld [tilespmem:s18+$0xC600]  }
0x41a: {  	v58 =	vld [tilespmem:s4+$0x200]  }
0x41b: {  	s24 =	sadd.s32 $0x18600, s31;
	v59 =	vld [tilespmem:s4+$0xC200];
	v11 =	vshrl.u32 v11, $0x10;
	v15 =	vand.u32 $0xFFFF0000, v15  }
0x41c: {  	s20 =	sadd.s32 s7, s24;
	s24 =	sadd.s32 s8, s24;
	v11 =	vor.u32 v11, v15;
	v15 =	vld [tilespmem:s2+$0x200]  }
0x41d: {  	v12 =	vadd.f32 v14, v12;
	[tilespmem:s24+$0x0] =	vst v11;
	v11 =	vld [tilespmem:s2+$0xC200];
	v10 =	vadd.f32 v10, v13;
	_ =	sdelay $0x1  }
0x41e: {  	v14 =	vld [tilespmem:s14+$0x610];
	v12 =	vshrl.u32 v12, $0x10;
	v10 =	vand.u32 $0xFFFF0000, v10  }
0x41f: {  	v60 =	vld [tilespmem:s14+$0xC610];
	v13 =	vadd.f32 v57, v56;
	v10 =	vor.u32 v12, v10;
	v12 =	vadd.f32 v59, v58  }
0x420: {  	v61 =	vld [tilespmem:s23+$0x210]  }
0x421: {  	v13 =	vshrl.u32 v13, $0x10;
	v11 =	vadd.f32 v11, v15;
	v15 =	vld [tilespmem:s25+$0xC240];
	[tilespmem:s26+$0x70] =	vst v10;
	v12 =	vand.u32 $0xFFFF0000, v12  }
0x422: {  	v10 =	vld [tilespmem:s23+$0xC210];
	v12 =	vor.u32 v13, v12  }
0x423: {  	s26 =	rddreg [dreg:$0x7];
	v13 =	vld [tilespmem:s1+$0xC260];
	[tilespmem:s20+$0x0] =	vst v12  }
0x424: {  	v9 =	vshrl.u32 v9, $0x10;
	v11 =	vand.u32 $0xFFFF0000, v11;
	v12 =	vld [tilespmem:s26+$0xC270]  }
0x425: {  	v9 =	vor.u32 v9, v11;
	v62 =	vld [tilespmem:s18+$0x610]  }
0x426: {  	v14 =	vadd.f32 v60, v14;
	v11 =	vld [tilespmem:s18+$0xC610];
	[tilespmem:s28+$0x0] =	vst v9  }
0x427: {  	v7 =	vadd.f32 v15, v7;
	v9 =	vld [tilespmem:s4+$0x210];
	v10 =	vadd.f32 v10, v61  }
0x428: {  	v15 =	vld [tilespmem:s4+$0xC210]  }
0x429: {  	v14 =	vshrl.u32 v14, $0x10;
	v7 =	vand.u32 $0xFFFF0000, v7;
	v10 =	vand.u32 $0xFFFF0000, v10  }
0x42a: {  	v5 =	vadd.f32 v13, v5;
	v13 =	vld [tilespmem:s6+$0x210];
	v10 =	vor.u32 v14, v10;
	v3 =	vadd.f32 v12, v3  }
0x42b: {  	v6 =	vshrl.u32 v6, $0x10;
	v7 =	vor.u32 v8, v7;
	[tilespmem:s24+$0x10] =	vst v10;
	v10 =	vld [tilespmem:s6+$0xC210]  }
0x42c: {  	v5 =	vand.u32 $0xFFFF0000, v5;
	v8 =	vadd.f32 v11, v62;
	v11 =	vld [tilespmem:s14+$0x620];
	v3 =	vand.u32 $0xFFFF0000, v3  }
0x42d: {  	[tilespmem:s22+$0x40] =	vst v7;
	v5 =	vor.u32 v6, v5;
	v6 =	vld [tilespmem:s14+$0xC620];
	v3 =	vor.u32 v4, v3;
	v4 =	vadd.f32 v15, v9  }
0x42e: {  	s17 =	smov.u32 s31;
	s31 =	rddreg [dreg:$0x6];
	[tilespmem:s0+$0x60] =	vst v5;
	v7 =	vld [tilespmem:s23+$0x220]  }
0x42f: {  	s30 =	smov.u32 s1;
	s1 =	smov.u32 s25;
	s25 =	smov.u32 s2;
	v5 =	vshrl.u32 v8, $0x10;
	[tilespmem:s31+$0x70] =	vst v3;
	v3 =	vld [tilespmem:s23+$0xC220];
	v4 =	vand.u32 $0xFFFF0000, v4  }
0x430: {  	v9 =	vld [tilespmem:s25+$0x210];
	v4 =	vor.u32 v5, v4  }
0x431: {  	v5 =	vld [tilespmem:s25+$0xC210];
	[tilespmem:s20+$0x10] =	vst v4  }
0x432: {  	v8 =	vadd.f32 v10, v13;
	v10 =	vld [tilespmem:s18+$0x620]  }
0x433: {  	v12 =	vld [tilespmem:s18+$0xC620]  }
0x434: {  	v6 =	vadd.f32 v6, v11;
	v11 =	vld [tilespmem:s4+$0xC220];
	v3 =	vadd.f32 v3, v7  }
0x435: {  	v4 =	vshrl.u32 v8, $0x10;
	v7 =	vld [tilespmem:s4+$0x220]  }
0x436: {  	v8 =	vld [tilespmem:s19+$0x250];
	v6 =	vshrl.u32 v6, $0x10;
	v3 =	vand.u32 $0xFFFF0000, v3;
	v5 =	vadd.f32 v5, v9  }
0x437: {  	v3 =	vor.u32 v6, v3;
	v6 =	vld [tilespmem:s19+$0xC250]  }
0x438: {  	[tilespmem:s24+$0x20] =	vst v3;
	v3 =	vand.u32 $0xFFFF0000, v5;
	v5 =	vld [tilespmem:s1+$0x250]  }
0x439: {  	s29 =	smov.u32 s0;
	s0 =	smov.u32 s22;
	s22 =	smov.u32 s28;
	v9 =	vadd.f32 v12, v10;
	v10 =	vld [tilespmem:s14+$0x630];
	v3 =	vor.u32 v4, v3  }
0x43a: {  	v4 =	vld [tilespmem:s14+$0xC630];
	[tilespmem:s22+$0x10] =	vst v3;
	v3 =	vadd.f32 v11, v7  }
0x43b: {  	v7 =	vshrl.u32 v9, $0x10;
	v9 =	vld [tilespmem:s23+$0x230]  }
0x43c: {  	v11 =	vld [tilespmem:s23+$0xC230];
	v3 =	vand.u32 $0xFFFF0000, v3  }
0x43d: {  	v6 =	vadd.f32 v6, v8;
	v8 =	vld [tilespmem:s6+$0x220];
	v3 =	vor.u32 v7, v3  }
0x43e: {  	v7 =	vld [tilespmem:s6+$0xC220];
	[tilespmem:s20+$0x20] =	vst v3  }
0x43f: {  	v12 =	vld [tilespmem:s18+$0x630]  }
0x440: {  	v13 =	vld [tilespmem:s18+$0xC630]  }
0x441: {  	v4 =	vadd.f32 v4, v10;
	v9 =	vadd.f32 v11, v9;
	v10 =	vld [tilespmem:s4+$0x230]  }
0x442: {  	v11 =	vld [tilespmem:s4+$0xC230]  }
0x443: {  	v3 =	vld [tilespmem:s25+$0x220];
	v4 =	vshrl.u32 v4, $0x10;
	v9 =	vand.u32 $0xFFFF0000, v9;
	v7 =	vadd.f32 v7, v8  }
0x444: {  	v4 =	vor.u32 v4, v9;
	v8 =	vld [tilespmem:s25+$0xC220]  }
0x445: {  	[tilespmem:s24+$0x30] =	vst v4;
	v4 =	vshrl.u32 v7, $0x10;
	v7 =	vld [tilespmem:s1+$0xC250]  }
0x446: {  	v9 =	vadd.f32 v13, v12;
	v12 =	vld [tilespmem:s14+$0x640]  }
0x447: {  	v13 =	vld [tilespmem:s14+$0xC640];
	v10 =	vadd.f32 v11, v10  }
0x448: {  	v11 =	vld [tilespmem:s23+$0x240]  }
0x449: {  	v14 =	vld [tilespmem:s23+$0xC240];
	v9 =	vshrl.u32 v9, $0x10;
	v3 =	vadd.f32 v8, v3;
	v8 =	vand.u32 $0xFFFF0000, v10  }
0x44a: {  	v8 =	vor.u32 v9, v8;
	v9 =	vld [tilespmem:s15+$0xC270];
	v5 =	vadd.f32 v7, v5  }
0x44b: {  	v7 =	vld [tilespmem:s15+$0x270];
	v3 =	vand.u32 $0xFFFF0000, v3;
	[tilespmem:s20+$0x30] =	vst v8  }
0x44c: {  	v6 =	vshrl.u32 v6, $0x10;
	v4 =	vor.u32 v4, v3;
	v3 =	vld [tilespmem:s30+$0x270];
	v5 =	vand.u32 $0xFFFF0000, v5  }
0x44d: {  	v8 =	vld [tilespmem:s18+$0x640];
	[tilespmem:s22+$0x20] =	vst v4;
	v4 =	vor.u32 v6, v5  }
0x44e: {  	v5 =	vld [tilespmem:s18+$0xC640];
	[tilespmem:s0+$0x50] =	vst v4  }
0x44f: {  	v10 =	vadd.f32 v14, v11;
	v6 =	vadd.f32 v13, v12;
	v11 =	vld [tilespmem:s4+$0x240]  }
0x450: {  	v12 =	vld [tilespmem:s4+$0xC240]  }
0x451: {  	s15 =	smov.u32 s19;
	s19 =	smov.u32 s6;
	v4 =	vshrl.u32 v6, $0x10;
	v6 =	vand.u32 $0xFFFF0000, v10  }
0x452: {  	v7 =	vadd.f32 v9, v7;
	v9 =	vld [tilespmem:s19+$0xC230];
	v4 =	vor.u32 v4, v6  }
0x453: {  	v6 =	vld [tilespmem:s19+$0x230];
	[tilespmem:s24+$0x40] =	vst v4  }
0x454: {  	v4 =	vshrl.u32 v7, $0x10;
	v7 =	vld [tilespmem:s14+$0x650]  }
0x455: {  	v5 =	vadd.f32 v5, v8;
	v8 =	vld [tilespmem:s14+$0xC650];
	v10 =	vadd.f32 v12, v11  }
0x456: {  	v11 =	vld [tilespmem:s23+$0x250]  }
0x457: {  	v5 =	vshrl.u32 v5, $0x10;
	v12 =	vld [tilespmem:s23+$0xC250];
	v10 =	vand.u32 $0xFFFF0000, v10  }
0x458: {  	v6 =	vadd.f32 v9, v6;
	v9 =	vld [tilespmem:s25+$0x230];
	v5 =	vor.u32 v5, v10  }
0x459: {  	v10 =	vld [tilespmem:s25+$0xC230];
	[tilespmem:s20+$0x40] =	vst v5  }
0x45a: {  	v13 =	vld [tilespmem:s15+$0x260]  }
0x45b: {  	v14 =	vld [tilespmem:s18+$0x650]  }
0x45c: {  	v5 =	vadd.f32 v8, v7;
	v15 =	vld [tilespmem:s18+$0xC650];
	v7 =	vadd.f32 v12, v11  }
0x45d: {  	v11 =	vld [tilespmem:s4+$0x250]  }
0x45e: {  	v12 =	vld [tilespmem:s4+$0xC250];
	v5 =	vshrl.u32 v5, $0x10;
	v7 =	vand.u32 $0xFFFF0000, v7  }
0x45f: {  	p1 =	slt.u32 s21, $0x1E;
	v63 =	vld [tilespmem:s15+$0xC260];
	v8 =	vadd.f32 v10, v9;
	v5 =	vor.u32 v5, v7  }
.Ltmp0:
0x460: {  	[tilespmem:s24+$0x50] =	vst v5;
	v5 =	vld [tilespmem:s1+$0x260];
	(pc) =	sbr.rel @p1 .LBB2_3-.Ltmp0, $4  }
0x461: {  	v7 =	vand.u32 $0xFFFF0000, v8;
	v8 =	vld [tilespmem:s14+$0x660]  }
0x462: {  	v6 =	vshrl.u32 v6, $0x10;
	v10 =	vadd.f32 v15, v14;
	v9 =	vld [tilespmem:s14+$0xC660]  }
0x463: {  	v12 =	vadd.f32 v12, v11;
	v11 =	vld [tilespmem:s23+$0xC260];
	v6 =	vor.u32 v6, v7  }
0x464: {  	[tilespmem:s22+$0x30] =	vst v6;
	v7 =	vshrl.u32 v10, $0x10;
	v10 =	vld [tilespmem:s23+$0x260];
	v6 =	vadd.f32 v63, v13  }
0x465: {  	_ =	sdelay $0x3  }
0x466: {  	v8 =	vadd.f32 v9, v8;
	v50 =	vadd.f32 v11, v10;
	_ =	sdelay $0x1  }
0x467: {  	v8 =	vshrl.u32 v8, $0x10;
	v9 =	vand.u32 $0xFFFF0000, v50  }
0x468: {  	v8 =	vor.u32 v8, v9  }
0x469: {  	[tilespmem:s24+$0x60] =	vst v8  }
0x46a: {  	v8 =	vld [tilespmem:s14+$0x670]  }
0x46b: {  	v12 =	vand.u32 $0xFFFF0000, v12;
	v51 =	vld [tilespmem:s14+$0xC670]  }
0x46c: {  	v7 =	vor.u32 v7, v12;
	v52 =	vld [tilespmem:s23+$0x270]  }
0x46d: {  	[tilespmem:s20+$0x50] =	vst v7;
	v53 =	vld [tilespmem:s23+$0xC270]  }
0x46e: {  	v56 =	vld [tilespmem:s18+$0x660]  }
0x46f: {  	v57 =	vld [tilespmem:s18+$0xC660]  }
0x470: {  	v58 =	vld [tilespmem:s4+$0x260]  }
0x471: {  	v59 =	vld [tilespmem:s4+$0xC260]  }
0x472: {  	v54 =	vadd.f32 v51, v8;
	v55 =	vadd.f32 v53, v52;
	_ =	sdelay $0x1  }
0x473: {  	v7 =	vshrl.u32 v54, $0x10;
	v8 =	vand.u32 $0xFFFF0000, v55  }
0x474: {  	s3 =	sadd.s32 $0x800, s13;
	v7 =	vor.u32 v7, v8  }
0x475: {  	s6 =	sor.u32 s8, s3;
	v9 =	vadd.f32 v57, v56;
	[tilespmem:s24+$0x70] =	vst v7;
	v7 =	vadd.f32 v59, v58  }
0x476: {  	s5 =	sadd.s32 $0x1400, s13;
	v60 =	vld [tilespmem:s6+$0x200]  }
0x477: {  	s9 =	sor.u32 s8, s5;
	v9 =	vshrl.u32 v9, $0x10;
	v61 =	vld [tilespmem:s6+$0xC200];
	v7 =	vand.u32 $0xFFFF0000, v7  }
0x478: {  	v13 =	vld [tilespmem:s9+$0x200];
	v7 =	vor.u32 v9, v7  }
0x479: {  	v14 =	vld [tilespmem:s9+$0xC200];
	[tilespmem:s20+$0x60] =	vst v7  }
0x47a: {  	v7 =	vld [tilespmem:s18+$0x670]  }
0x47b: {  	v63 =	vld [tilespmem:s18+$0xC670]  }
0x47c: {  	v16 =	vld [tilespmem:s4+$0x270]  }
0x47d: {  	v17 =	vld [tilespmem:s4+$0xC270]  }
0x47e: {  	v8 =	vadd.f32 v61, v60;
	v62 =	vadd.f32 v14, v13;
	_ =	sdelay $0x1  }
0x47f: {  	s10 =	sadd.s32 $0x18A00, s17;
	v8 =	vshrl.u32 v8, $0x10;
	v9 =	vand.u32 $0xFFFF0000, v62  }
0x480: {  	s2 =	sadd.s32 s8, s10;
	v8 =	vor.u32 v8, v9  }
0x481: {  	[tilespmem:s2+$0x0] =	vst v8;
	v7 =	vadd.f32 v63, v7;
	v8 =	vadd.f32 v17, v16  }
0x482: {  	v18 =	vld [tilespmem:s6+$0x210]  }
0x483: {  	v19 =	vld [tilespmem:s6+$0xC210];
	v7 =	vshrl.u32 v7, $0x10;
	v8 =	vand.u32 $0xFFFF0000, v8  }
0x484: {  	v20 =	vld [tilespmem:s9+$0x210];
	v7 =	vor.u32 v7, v8  }
0x485: {  	s23 =	sor.u32 s7, s3;
	v21 =	vld [tilespmem:s9+$0xC210];
	[tilespmem:s20+$0x70] =	vst v7  }
0x486: {  	v7 =	vld [tilespmem:s23+$0x200]  }
0x487: {  	s5 =	sor.u32 s7, s5;
	v24 =	vld [tilespmem:s23+$0xC200]  }
0x488: {  	v25 =	vld [tilespmem:s5+$0x200]  }
0x489: {  	v26 =	vld [tilespmem:s5+$0xC200]  }
0x48a: {  	v22 =	vadd.f32 v19, v18;
	v23 =	vadd.f32 v21, v20;
	_ =	sdelay $0x1  }
0x48b: {  	v8 =	vshrl.u32 v22, $0x10;
	v9 =	vand.u32 $0xFFFF0000, v23  }
0x48c: {  	v8 =	vor.u32 v8, v9  }
0x48d: {  	[tilespmem:s2+$0x10] =	vst v8;
	v7 =	vadd.f32 v24, v7;
	v8 =	vadd.f32 v26, v25  }
0x48e: {  	v27 =	vld [tilespmem:s6+$0x220]  }
0x48f: {  	v28 =	vld [tilespmem:s6+$0xC220];
	v7 =	vshrl.u32 v7, $0x10;
	v8 =	vand.u32 $0xFFFF0000, v8  }
0x490: {  	s24 =	sadd.s32 s7, s10;
	v29 =	vld [tilespmem:s9+$0x220];
	v7 =	vor.u32 v7, v8  }
0x491: {  	v30 =	vld [tilespmem:s9+$0xC220];
	[tilespmem:s24+$0x0] =	vst v7  }
0x492: {  	v7 =	vld [tilespmem:s23+$0x210]  }
0x493: {  	v33 =	vld [tilespmem:s23+$0xC210]  }
0x494: {  	v34 =	vld [tilespmem:s5+$0x210]  }
0x495: {  	v35 =	vld [tilespmem:s5+$0xC210]  }
0x496: {  	v31 =	vadd.f32 v28, v27;
	v32 =	vadd.f32 v30, v29;
	_ =	sdelay $0x1  }
0x497: {  	v8 =	vshrl.u32 v31, $0x10;
	v9 =	vand.u32 $0xFFFF0000, v32  }
0x498: {  	v8 =	vor.u32 v8, v9  }
0x499: {  	[tilespmem:s2+$0x20] =	vst v8;
	v7 =	vadd.f32 v33, v7;
	v8 =	vadd.f32 v35, v34  }
0x49a: {  	v36 =	vld [tilespmem:s6+$0x230]  }
0x49b: {  	v37 =	vld [tilespmem:s6+$0xC230];
	v7 =	vshrl.u32 v7, $0x10;
	v8 =	vand.u32 $0xFFFF0000, v8  }
0x49c: {  	v38 =	vld [tilespmem:s9+$0x230];
	v7 =	vor.u32 v7, v8  }
0x49d: {  	v39 =	vld [tilespmem:s9+$0xC230];
	[tilespmem:s24+$0x10] =	vst v7  }
0x49e: {  	v7 =	vld [tilespmem:s23+$0x220]  }
0x49f: {  	v42 =	vld [tilespmem:s23+$0xC220]  }
0x4a0: {  	v43 =	vld [tilespmem:s5+$0x220]  }
0x4a1: {  	v44 =	vld [tilespmem:s5+$0xC220]  }
0x4a2: {  	v40 =	vadd.f32 v37, v36;
	v41 =	vadd.f32 v39, v38;
	_ =	sdelay $0x1  }
0x4a3: {  	v8 =	vshrl.u32 v40, $0x10;
	v9 =	vand.u32 $0xFFFF0000, v41  }
0x4a4: {  	v8 =	vor.u32 v8, v9  }
0x4a5: {  	[tilespmem:s2+$0x30] =	vst v8;
	v7 =	vadd.f32 v42, v7;
	v8 =	vadd.f32 v44, v43  }
0x4a6: {  	v45 =	vld [tilespmem:s6+$0x240]  }
0x4a7: {  	v46 =	vld [tilespmem:s6+$0xC240];
	v7 =	vshrl.u32 v7, $0x10;
	v8 =	vand.u32 $0xFFFF0000, v8  }
0x4a8: {  	v47 =	vld [tilespmem:s9+$0x240];
	v7 =	vor.u32 v7, v8  }
0x4a9: {  	v48 =	vld [tilespmem:s9+$0xC240];
	[tilespmem:s24+$0x20] =	vst v7  }
0x4aa: {  	v7 =	vld [tilespmem:s23+$0x230]  }
0x4ab: {  	v51 =	vld [tilespmem:s23+$0xC230]  }
0x4ac: {  	v52 =	vld [tilespmem:s5+$0x230]  }
0x4ad: {  	v53 =	vld [tilespmem:s5+$0xC230]  }
0x4ae: {  	v49 =	vadd.f32 v46, v45;
	v50 =	vadd.f32 v48, v47  }
0x4af: {  	v15 =	vld [tilespmem:s25+$0x240]  }
0x4b0: {  	v58 =	vld [tilespmem:s19+$0x240];
	v8 =	vshrl.u32 v49, $0x10;
	v9 =	vand.u32 $0xFFFF0000, v50  }
0x4b1: {  	v59 =	vld [tilespmem:s19+$0xC240];
	v8 =	vor.u32 v8, v9  }
0x4b2: {  	v62 =	vld [tilespmem:s25+$0xC240];
	[tilespmem:s2+$0x40] =	vst v8;
	v7 =	vadd.f32 v51, v7;
	v8 =	vadd.f32 v53, v52  }
0x4b3: {  	v54 =	vld [tilespmem:s6+$0x250]  }
0x4b4: {  	v55 =	vld [tilespmem:s6+$0xC250];
	v7 =	vshrl.u32 v7, $0x10;
	v8 =	vand.u32 $0xFFFF0000, v8  }
0x4b5: {  	v56 =	vld [tilespmem:s9+$0x250];
	v7 =	vor.u32 v7, v8  }
0x4b6: {  	v57 =	vld [tilespmem:s9+$0xC250];
	[tilespmem:s24+$0x30] =	vst v7  }
0x4b7: {  	v12 =	vadd.f32 v62, v15;
	v9 =	vadd.f32 v59, v58;
	v7 =	vld [tilespmem:s23+$0x240]  }
0x4b8: {  	v63 =	vld [tilespmem:s23+$0xC240]  }
0x4b9: {  	v12 =	vand.u32 $0xFFFF0000, v12;
	v9 =	vshrl.u32 v9, $0x10;
	v20 =	vld [tilespmem:s5+$0x240]  }
0x4ba: {  	v9 =	vor.u32 v9, v12;
	v21 =	vld [tilespmem:s5+$0xC240]  }
0x4bb: {  	v38 =	vld [tilespmem:s1+$0xC260];
	[tilespmem:s22+$0x40] =	vst v9;
	v60 =	vadd.f32 v55, v54;
	v61 =	vadd.f32 v57, v56  }
0x4bc: {  	v9 =	vld [tilespmem:s19+$0x250]  }
0x4bd: {  	v25 =	vld [tilespmem:s19+$0xC250];
	v8 =	vshrl.u32 v60, $0x10;
	v11 =	vand.u32 $0xFFFF0000, v61  }
0x4be: {  	v26 =	vld [tilespmem:s25+$0x250];
	v8 =	vor.u32 v8, v11  }
0x4bf: {  	v29 =	vld [tilespmem:s25+$0xC250];
	[tilespmem:s2+$0x50] =	vst v8;
	v7 =	vadd.f32 v63, v7;
	v8 =	vadd.f32 v21, v20  }
0x4c0: {  	v22 =	vld [tilespmem:s6+$0x260]  }
0x4c1: {  	v23 =	vld [tilespmem:s6+$0xC260];
	v7 =	vshrl.u32 v7, $0x10;
	v8 =	vand.u32 $0xFFFF0000, v8  }
0x4c2: {  	v24 =	vld [tilespmem:s9+$0x260];
	v7 =	vor.u32 v7, v8  }
0x4c3: {  	v16 =	vld [tilespmem:s9+$0xC260];
	[tilespmem:s24+$0x40] =	vst v7  }
0x4c4: {  	v7 =	vld [tilespmem:s23+$0x250]  }
0x4c5: {  	v5 =	vadd.f32 v38, v5;
	v30 =	vld [tilespmem:s23+$0xC250]  }
0x4c6: {  	v6 =	vshrl.u32 v6, $0x10;
	v31 =	vld [tilespmem:s5+$0x250]  }
0x4c7: {  	v5 =	vand.u32 $0xFFFF0000, v5;
	v9 =	vadd.f32 v25, v9;
	v34 =	vadd.f32 v29, v26;
	v32 =	vld [tilespmem:s5+$0xC250]  }
0x4c8: {  	v5 =	vor.u32 v6, v5;
	v27 =	vadd.f32 v23, v22;
	v28 =	vadd.f32 v16, v24  }
0x4c9: {  	v18 =	vld [tilespmem:s30+$0xC270];
	[tilespmem:s0+$0x60] =	vst v5;
	v9 =	vshrl.u32 v9, $0x10;
	v11 =	vand.u32 $0xFFFF0000, v34  }
0x4ca: {  	v45 =	vld [tilespmem:s15+$0x270];
	v9 =	vor.u32 v9, v11;
	v8 =	vshrl.u32 v27, $0x10;
	v10 =	vand.u32 $0xFFFF0000, v28  }
0x4cb: {  	v46 =	vld [tilespmem:s15+$0xC270];
	[tilespmem:s22+$0x50] =	vst v9;
	v8 =	vor.u32 v8, v10  }
0x4cc: {  	v47 =	vld [tilespmem:s1+$0x270];
	[tilespmem:s2+$0x60] =	vst v8;
	v7 =	vadd.f32 v30, v7;
	v8 =	vadd.f32 v32, v31  }
0x4cd: {  	v9 =	vld [tilespmem:s19+$0x260]  }
0x4ce: {  	v39 =	vld [tilespmem:s19+$0xC260];
	v7 =	vshrl.u32 v7, $0x10;
	v8 =	vand.u32 $0xFFFF0000, v8  }
0x4cf: {  	v40 =	vld [tilespmem:s25+$0x260];
	v7 =	vor.u32 v7, v8  }
0x4d0: {  	v41 =	vld [tilespmem:s25+$0xC260];
	[tilespmem:s24+$0x50] =	vst v7  }
0x4d1: {  	v7 =	vld [tilespmem:s23+$0x260]  }
0x4d2: {  	v42 =	vld [tilespmem:s23+$0xC260]  }
0x4d3: {  	v17 =	vld [tilespmem:s5+$0x260]  }
0x4d4: {  	v43 =	vld [tilespmem:s5+$0xC260]  }
0x4d5: {  	v48 =	vld [tilespmem:s1+$0xC270];
	v44 =	vadd.f32 v39, v9;
	v8 =	vadd.f32 v41, v40  }
0x4d6: {  	v33 =	vld [tilespmem:s6+$0x270]  }
0x4d7: {  	v35 =	vld [tilespmem:s6+$0xC270];
	v5 =	vshrl.u32 v44, $0x10;
	v8 =	vand.u32 $0xFFFF0000, v8  }
0x4d8: {  	v36 =	vld [tilespmem:s9+$0x270];
	v5 =	vor.u32 v5, v8  }
0x4d9: {  	v37 =	vld [tilespmem:s9+$0xC270];
	[tilespmem:s22+$0x60] =	vst v5;
	v49 =	vadd.f32 v42, v7;
	v6 =	vadd.f32 v43, v17  }
0x4da: {  	v50 =	vld [tilespmem:s19+$0x270]  }
0x4db: {  	v51 =	vld [tilespmem:s19+$0xC270];
	v5 =	vshrl.u32 v49, $0x10;
	v6 =	vand.u32 $0xFFFF0000, v6  }
0x4dc: {  	v52 =	vld [tilespmem:s25+$0x270];
	v5 =	vor.u32 v5, v6  }
0x4dd: {  	v53 =	vld [tilespmem:s25+$0xC270];
	[tilespmem:s24+$0x60] =	vst v5  }
0x4de: {  	v5 =	vld [tilespmem:s23+$0x270]  }
0x4df: {  	v19 =	vld [tilespmem:s23+$0xC270]  }
0x4e0: {  	v3 =	vadd.f32 v18, v3;
	v54 =	vld [tilespmem:s5+$0x270]  }
0x4e1: {  	v12 =	vadd.f32 v35, v33;
	v13 =	vadd.f32 v37, v36;
	v55 =	vld [tilespmem:s5+$0xC270]  }
0x4e2: {  	v3 =	vand.u32 $0xFFFF0000, v3  }
0x4e3: {  	v58 =	vadd.f32 v48, v47;
	v56 =	vshrl.u32 v12, $0x10;
	v57 =	vand.u32 $0xFFFF0000, v13  }
0x4e4: {  	v3 =	vor.u32 v4, v3;
	v9 =	vadd.f32 v46, v45;
	v10 =	vor.u32 v56, v57  }
0x4e5: {  	v4 =	vand.u32 $0xFFFF0000, v58;
	[tilespmem:s2+$0x70] =	vst v10;
	v7 =	vadd.f32 v51, v50;
	v6 =	vadd.f32 v53, v52  }
0x4e6: {  	v59 =	vshrl.u32 v9, $0x10;
	s26 =	rddreg [dreg:$0x8];
	v5 =	vadd.f32 v19, v5;
	v60 =	vadd.f32 v55, v54  }
0x4e7: {  	s5 =	rddreg [dreg:$0x13];
	[tilespmem:s29+$0x70] =	vst v3;
	v3 =	vor.u32 v59, v4;
	v61 =	vshrl.u32 v7, $0x10;
	v6 =	vand.u32 $0xFFFF0000, v6  }
0x4e8: {  	[tilespmem:s0+$0x70] =	vst v3;
	v3 =	vor.u32 v61, v6;
	v62 =	vshrl.u32 v5, $0x10;
	v63 =	vand.u32 $0xFFFF0000, v60  }
0x4e9: {  	[tilespmem:s22+$0x70] =	vst v3;
	v3 =	vor.u32 v62, v63  }
0x4ea: {  	[tilespmem:s24+$0x70] =	vst v3  }
0x4eb: {  	s31 =	rddreg [dreg:$0x11]  }
0x4ec: {  	s1 =	sor.u32 s26, s5;
	p1 =	seq.s32 s31, $0x3  }
.Ltmp1:
0x4ed: {  	s1 =	sshrl.u32 s1, $0x3;
	(pc) =	sbr.rel @p1 .LBB2_6-.Ltmp1, $4  }
0x4ee: {  	s28 =	smul.u32 $0x180, s1  }
0x4ef: {  	s29 =	rddreg [dreg:$0x3]  }
0x4f0: {  	s30 =	simm.s32 $0x18200;
	s1 =	simm.s32 $0x0;
	s0 =	sadd.s32 s29, s28  }
0x4f1: {  	[hbm4b:s0+s1] =	stream.linear.scatter [tilespmem:s30], [sflag:$0x5], $0x3000, $0x38;
	[tilespmem:$0x1E200] =	vst v63  }
0x4f2: {  	v3 =	vld [tilespmem:s5+$0x40];
	_ =	sdelay $0x4  }
0x4f3: {  	v4 =	vshrl.u32 v3, $0x3  }
0x4f4: {  	v4 =	vmul.u32 $0x30, v4  }
0x4f5: {  	v3 =	vand.u32 $0x7, v3  }
0x4f6: {  	v3 =	vor.u32 v3, v4  }
0x4f7: {  	v4 =	vperm.xlane v3, v0;
	_ =	sdelay $0x1  }
0x4f8: {  	v4 =	vadd.s32 v1, v4;
	_ =	sdelay $0x3  }
0x4f9: {  	s0 =	rddreg [dreg:$0x1];
	s2 =	simm.s32 $0x200;
	v3 =	vperm.xlane v3, v2  }
0x4fa: {  	[tilespmem:s2], [sflag:$0x1] =	stream.indirect_vreg.gather [hbm4b:s0+s1], $0x80, v4, vm0, $0xb8;
	[tilespmem:$0x1E200] =	vst v63  }
0x4fb: {  	s31 =	rddreg [dreg:$0xb];
	s3 =	simm.s32 $0xA00;
	v3 =	vadd.s32 v1, v3  }
0x4fc: {  	[tilespmem:s3], [sflag:$0x1] =	stream.indirect_vreg.gather [hbm4b:s31+s1], $0x80, v4, vm0, $0xb8;
	[tilespmem:$0x1E200] =	vst v63  }
0x4fd: {  	s6 =	rddreg [dreg:$0xc];
	s4 =	simm.s32 $0x1200  }
0x4fe: {  	[tilespmem:s4], [sflag:$0x1] =	stream.indirect_vreg.gather [hbm4b:s6+s1], $0x80, v4, vm0, $0xb8;
	[tilespmem:$0x1E200] =	vst v63  }
0x4ff: {  	s7 =	simm.s32 $0x1A00  }
0x500: {  	[tilespmem:s7], [sflag:$0x1] =	stream.indirect_vreg.gather [hbm4b:s0+s1], $0x80, v3, vm0, $0xb8;
	[tilespmem:$0x1E200] =	vst v63  }
0x501: {  	s8 =	simm.s32 $0x2200  }
0x502: {  	[tilespmem:s8], [sflag:$0x1] =	stream.indirect_vreg.gather [hbm4b:s31+s1], $0x80, v3, vm0, $0xb8;
	[tilespmem:$0x1E200] =	vst v63  }
0x503: {  	s9 =	simm.s32 $0x2A00  }
0x504: {  	[tilespmem:s9], [sflag:$0x1] =	stream.indirect_vreg.gather [hbm4b:s6+s1], $0x80, v3, vm0, $0xb8;
	[tilespmem:$0x1E200] =	vst v63  }
0x505: {  	v3 =	vld [tilespmem:s5+$0x50];
	_ =	sdelay $0x4  }
0x506: {  	v61 =	vshrl.u32 v3, $0x3  }
0x507: {  	v4 =	vmul.u32 $0x30, v61  }
0x508: {  	v3 =	vand.u32 $0x7, v3  }
0x509: {  	v3 =	vor.u32 v3, v4  }
0x50a: {  	v4 =	vperm.xlane v3, v0;
	_ =	sdelay $0x1  }
0x50b: {  	v4 =	vadd.s32 v1, v4;
	_ =	sdelay $0x3  }
0x50c: {  	s10 =	simm.s32 $0x3200;
	v3 =	vperm.xlane v3, v2  }
0x50d: {  	[tilespmem:s10], [sflag:$0x1] =	stream.indirect_vreg.gather [hbm4b:s0+s1], $0x80, v4, vm0, $0xb8;
	[tilespmem:$0x1E200] =	vst v63  }
0x50e: {  	s11 =	simm.s32 $0x3A00;
	v3 =	vadd.s32 v1, v3  }
0x50f: {  	[tilespmem:s11], [sflag:$0x1] =	stream.indirect_vreg.gather [hbm4b:s31+s1], $0x80, v4, vm0, $0xb8;
	[tilespmem:$0x1E200] =	vst v63  }
0x510: {  	s12 =	simm.s32 $0x4200  }
0x511: {  	[tilespmem:s12], [sflag:$0x1] =	stream.indirect_vreg.gather [hbm4b:s6+s1], $0x80, v4, vm0, $0xb8;
	[tilespmem:$0x1E200] =	vst v63  }
0x512: {  	s13 =	simm.s32 $0x4A00  }
0x513: {  	[tilespmem:s13], [sflag:$0x1] =	stream.indirect_vreg.gather [hbm4b:s0+s1], $0x80, v3, vm0, $0xb8;
	[tilespmem:$0x1E200] =	vst v63  }
0x514: {  	s14 =	simm.s32 $0x5200  }
0x515: {  	[tilespmem:s14], [sflag:$0x1] =	stream.indirect_vreg.gather [hbm4b:s31+s1], $0x80, v3, vm0, $0xb8;
	[tilespmem:$0x1E200] =	vst v63  }
0x516: {  	s15 =	simm.s32 $0x5A00  }
0x517: {  	[tilespmem:s15], [sflag:$0x1] =	stream.indirect_vreg.gather [hbm4b:s6+s1], $0x80, v3, vm0, $0xb8;
	[tilespmem:$0x1E200] =	vst v63  }
0x518: {  	v3 =	vld [tilespmem:s5+$0x140];
	_ =	sdelay $0x4  }
0x519: {  	v62 =	vshrl.u32 v3, $0x3  }
0x51a: {  	v4 =	vmul.u32 $0x30, v62  }
0x51b: {  	v3 =	vand.u32 $0x7, v3  }
0x51c: {  	v3 =	vor.u32 v3, v4  }
0x51d: {  	v4 =	vperm.xlane v3, v0;
	_ =	sdelay $0x1  }
0x51e: {  	v4 =	vadd.s32 v1, v4;
	_ =	sdelay $0x3  }
0x51f: {  	s16 =	rddreg [dreg:$0x2];
	s17 =	simm.s32 $0xC200;
	v3 =	vperm.xlane v3, v2  }
0x520: {  	[tilespmem:s17], [sflag:$0x3] =	stream.indirect_vreg.gather [hbm4b:s16+s1], $0x80, v4, vm0, $0xb8;
	[tilespmem:$0x1E200] =	vst v63  }
0x521: {  	s18 =	rddreg [dreg:$0xd];
	s19 =	simm.s32 $0xCA00;
	v3 =	vadd.s32 v1, v3  }
0x522: {  	[tilespmem:s19], [sflag:$0x3] =	stream.indirect_vreg.gather [hbm4b:s18+s1], $0x80, v4, vm0, $0xb8;
	[tilespmem:$0x1E200] =	vst v63  }
0x523: {  	s20 =	rddreg [dreg:$0xe];
	s21 =	simm.s32 $0xD200  }
0x524: {  	[tilespmem:s21], [sflag:$0x3] =	stream.indirect_vreg.gather [hbm4b:s20+s1], $0x80, v4, vm0, $0xb8;
	[tilespmem:$0x1E200] =	vst v63  }
0x525: {  	s22 =	simm.s32 $0xDA00  }
0x526: {  	[tilespmem:s22], [sflag:$0x3] =	stream.indirect_vreg.gather [hbm4b:s16+s1], $0x80, v3, vm0, $0xb8;
	[tilespmem:$0x1E200] =	vst v63  }
0x527: {  	s23 =	simm.s32 $0xE200  }
0x528: {  	[tilespmem:s23], [sflag:$0x3] =	stream.indirect_vreg.gather [hbm4b:s18+s1], $0x80, v3, vm0, $0xb8;
	[tilespmem:$0x1E200] =	vst v63  }
0x529: {  	s24 =	simm.s32 $0xEA00  }
0x52a: {  	[tilespmem:s24], [sflag:$0x3] =	stream.indirect_vreg.gather [hbm4b:s20+s1], $0x80, v3, vm0, $0xb8;
	[tilespmem:$0x1E200] =	vst v63  }
0x52b: {  	v3 =	vld [tilespmem:s5+$0x150];
	_ =	sdelay $0x4  }
0x52c: {  	v63 =	vshrl.u32 v3, $0x3  }
0x52d: {  	v4 =	vmul.u32 $0x30, v63  }
0x52e: {  	v3 =	vand.u32 $0x7, v3  }
0x52f: {  	v3 =	vor.u32 v3, v4  }
0x530: {  	v4 =	vperm.xlane v3, v0;
	_ =	sdelay $0x1  }
0x531: {  	v4 =	vadd.s32 v1, v4;
	_ =	sdelay $0x3  }
0x532: {  	s25 =	simm.s32 $0xF200;
	v3 =	vperm.xlane v3, v2  }
0x533: {  	[tilespmem:s25], [sflag:$0x3] =	stream.indirect_vreg.gather [hbm4b:s16+s1], $0x80, v4, vm0, $0xb8;
	[tilespmem:$0x1E200] =	vst v63  }
0x534: {  	s26 =	simm.s32 $0xFA00;
	v3 =	vadd.s32 v1, v3  }
0x535: {  	[tilespmem:s26], [sflag:$0x3] =	stream.indirect_vreg.gather [hbm4b:s18+s1], $0x80, v4, vm0, $0xb8;
	[tilespmem:$0x1E200] =	vst v63  }
0x536: {  	s28 =	simm.s32 $0x10200  }
0x537: {  	[tilespmem:s28], [sflag:$0x3] =	stream.indirect_vreg.gather [hbm4b:s20+s1], $0x80, v4, vm0, $0xb8;
	[tilespmem:$0x1E200] =	vst v63  }
0x538: {  	s29 =	simm.s32 $0x10A00  }
0x539: {  	[tilespmem:s29], [sflag:$0x3] =	stream.indirect_vreg.gather [hbm4b:s16+s1], $0x80, v3, vm0, $0xb8;
	[tilespmem:$0x1E200] =	vst v63  }
0x53a: {  	s30 =	simm.s32 $0x11200  }
0x53b: {  	[tilespmem:s30], [sflag:$0x3] =	stream.indirect_vreg.gather [hbm4b:s18+s1], $0x80, v3, vm0, $0xb8;
	[tilespmem:$0x1E200] =	vst v63  }
0x53c: {  	s31 =	simm.s32 $0x11A00  }
0x53d: {  	[tilespmem:s31], [sflag:$0x3] =	stream.indirect_vreg.gather [hbm4b:s20+s1], $0x80, v3, vm0, $0xb8;
	[tilespmem:$0x1E200] =	vst v63  }
.LBB2_6:
0x53e: {  	s0 =	simm.s32 $0x2  }
0x53f: {  	_ =	swait.ge [sflag:s0], $0x6000  }
0x540: {  	[sflag:s0] =	ssyncset.done $0x0  }
0x541: {  	s22 =	simm.s32 $0x4;
	[sflag:s0] =	ssyncadd.s32 $0xFFFFA000  }
0x542: {  	_ =	swait.ge [sflag:s22], $0x6000  }
0x543: {  	s2 =	simm.s32 $0x0;
	s1 =	simm.s32 @!p0 $0x6;
	[sflag:s22] =	ssyncset.done $0x0  }
0x544: {  	s23 =	simm.s32 $0x0;
	s6 =	smul.u32 $0x1800, s2;
	[sflag:s22] =	ssyncadd.s32 $0xFFFFA000  }
0x545: {  	s0 =	sand.u32 $0x300, s23;
	_ =	swait.ge @!p0 [sflag:s1], $0x3000  }
0x546: {  	s3 =	sadd.s32 $0x6000, s6;
	s4 =	sor.u32 $0x80, s0;
	[sflag:s1] =	ssyncset.done @!p0 $0x0  }
0x547: {  	s7 =	sor.u32 s4, s3;
	[sflag:s1] =	ssyncadd.s32 @!p0 $0xFFFFD000  }
0x548: {  	s5 =	sadd.s32 $0x6C00, s6;
	v3 =	vld [tilespmem:s7+$0x200]  }
0x549: {  	s8 =	sor.u32 s4, s5;
	v4 =	vld [tilespmem:s7+$0xC200]  }
0x54a: {  	v5 =	vld [tilespmem:s8+$0x200]  }
0x54b: {  	v6 =	vld [tilespmem:s8+$0xC200];
	_ =	sdelay $0x1  }
0x54c: {  	s24 =	sor.u32 s0, s3  }
0x54d: {  	s25 =	sor.u32 s0, s5;
	v7 =	vld [tilespmem:s24+$0x200]  }
0x54e: {  	s2 =	smul.u32 $0x3000, s2;
	v8 =	vld [tilespmem:s25+$0xC200]  }
0x54f: {  	v3 =	vadd.f32 v4, v3;
	v4 =	vadd.f32 v6, v5;
	v5 =	vld [tilespmem:s24+$0xC200]  }
0x550: {  	s2 =	sshra.s32 s2, $0x2;
	v6 =	vld [tilespmem:s25+$0x200]  }
0x551: {  	s26 =	sadd.s32 $0x1B200, s2;
	v3 =	vshrl.u32 v3, $0x10;
	v4 =	vand.u32 $0xFFFF0000, v4  }
0x552: {  	s9 =	sadd.s32 s4, s26;
	v3 =	vor.u32 v3, v4  }
0x553: {  	[tilespmem:s9+$0x0] =	vst v3  }
0x554: {  	v3 =	vld [tilespmem:s7+$0x210]  }
0x555: {  	v4 =	vld [tilespmem:s7+$0xC210];
	v5 =	vadd.f32 v5, v7;
	v6 =	vadd.f32 v8, v6  }
0x556: {  	v9 =	vld [tilespmem:s8+$0x210]  }
0x557: {  	v7 =	vld [tilespmem:s8+$0xC210];
	v5 =	vshrl.u32 v5, $0x10;
	v6 =	vand.u32 $0xFFFF0000, v6  }
0x558: {  	s5 =	sadd.s32 s0, s26;
	v5 =	vor.u32 v5, v6  }
0x559: {  	[tilespmem:s5+$0x0] =	vst v5  }
0x55a: {  	v5 =	vld [tilespmem:s24+$0x210]  }
0x55b: {  	v6 =	vld [tilespmem:s24+$0xC210]  }
0x55c: {  	v3 =	vadd.f32 v4, v3;
	v4 =	vadd.f32 v7, v9;
	v7 =	vld [tilespmem:s25+$0x210]  }
0x55d: {  	v8 =	vld [tilespmem:s25+$0xC210]  }
0x55e: {  	v3 =	vshrl.u32 v3, $0x10;
	v4 =	vand.u32 $0xFFFF0000, v4  }
0x55f: {  	v3 =	vor.u32 v3, v4  }
0x560: {  	[tilespmem:s9+$0x10] =	vst v3  }
0x561: {  	v3 =	vld [tilespmem:s7+$0x220]  }
0x562: {  	v4 =	vld [tilespmem:s7+$0xC220];
	v5 =	vadd.f32 v6, v5;
	v6 =	vadd.f32 v8, v7  }
0x563: {  	v9 =	vld [tilespmem:s8+$0x220]  }
0x564: {  	v7 =	vld [tilespmem:s8+$0xC220];
	v5 =	vshrl.u32 v5, $0x10;
	v6 =	vand.u32 $0xFFFF0000, v6  }
0x565: {  	v5 =	vor.u32 v5, v6  }
0x566: {  	[tilespmem:s5+$0x10] =	vst v5  }
0x567: {  	v5 =	vld [tilespmem:s24+$0x220]  }
0x568: {  	v6 =	vld [tilespmem:s24+$0xC220]  }
0x569: {  	v3 =	vadd.f32 v4, v3;
	v4 =	vadd.f32 v7, v9;
	v7 =	vld [tilespmem:s25+$0x220]  }
0x56a: {  	v8 =	vld [tilespmem:s25+$0xC220]  }
0x56b: {  	v3 =	vshrl.u32 v3, $0x10;
	v4 =	vand.u32 $0xFFFF0000, v4  }
0x56c: {  	v3 =	vor.u32 v3, v4  }
0x56d: {  	[tilespmem:s9+$0x20] =	vst v3  }
0x56e: {  	v3 =	vld [tilespmem:s7+$0x230]  }
0x56f: {  	v4 =	vld [tilespmem:s7+$0xC230];
	v5 =	vadd.f32 v6, v5;
	v6 =	vadd.f32 v8, v7  }
0x570: {  	v9 =	vld [tilespmem:s8+$0x230]  }
0x571: {  	v7 =	vld [tilespmem:s8+$0xC230];
	v5 =	vshrl.u32 v5, $0x10;
	v6 =	vand.u32 $0xFFFF0000, v6  }
0x572: {  	v5 =	vor.u32 v5, v6  }
0x573: {  	[tilespmem:s5+$0x20] =	vst v5  }
0x574: {  	v5 =	vld [tilespmem:s24+$0x230]  }
0x575: {  	v6 =	vld [tilespmem:s24+$0xC230]  }
0x576: {  	v3 =	vadd.f32 v4, v3;
	v4 =	vadd.f32 v7, v9;
	v7 =	vld [tilespmem:s25+$0x230]  }
0x577: {  	v8 =	vld [tilespmem:s25+$0xC230]  }
0x578: {  	v3 =	vshrl.u32 v3, $0x10;
	v4 =	vand.u32 $0xFFFF0000, v4  }
0x579: {  	v3 =	vor.u32 v3, v4  }
0x57a: {  	[tilespmem:s9+$0x30] =	vst v3  }
0x57b: {  	v3 =	vld [tilespmem:s7+$0x240]  }
0x57c: {  	v4 =	vld [tilespmem:s7+$0xC240];
	v5 =	vadd.f32 v6, v5;
	v6 =	vadd.f32 v8, v7  }
0x57d: {  	v9 =	vld [tilespmem:s8+$0x240]  }
0x57e: {  	v7 =	vld [tilespmem:s8+$0xC240];
	v5 =	vshrl.u32 v5, $0x10;
	v6 =	vand.u32 $0xFFFF0000, v6  }
0x57f: {  	v5 =	vor.u32 v5, v6  }
0x580: {  	[tilespmem:s5+$0x30] =	vst v5  }
0x581: {  	v5 =	vld [tilespmem:s24+$0x240]  }
0x582: {  	v6 =	vld [tilespmem:s24+$0xC240]  }
0x583: {  	v3 =	vadd.f32 v4, v3;
	v4 =	vadd.f32 v7, v9;
	v7 =	vld [tilespmem:s25+$0x240]  }
0x584: {  	v8 =	vld [tilespmem:s25+$0xC240]  }
0x585: {  	v3 =	vshrl.u32 v3, $0x10;
	v4 =	vand.u32 $0xFFFF0000, v4  }
0x586: {  	v3 =	vor.u32 v3, v4  }
0x587: {  	[tilespmem:s9+$0x40] =	vst v3  }
0x588: {  	v3 =	vld [tilespmem:s7+$0x250]  }
0x589: {  	v4 =	vld [tilespmem:s7+$0xC250];
	v5 =	vadd.f32 v6, v5;
	v6 =	vadd.f32 v8, v7  }
0x58a: {  	v9 =	vld [tilespmem:s8+$0x250]  }
0x58b: {  	v7 =	vld [tilespmem:s8+$0xC250];
	v5 =	vshrl.u32 v5, $0x10;
	v6 =	vand.u32 $0xFFFF0000, v6  }
0x58c: {  	v5 =	vor.u32 v5, v6  }
0x58d: {  	[tilespmem:s5+$0x40] =	vst v5  }
0x58e: {  	v5 =	vld [tilespmem:s24+$0x250]  }
0x58f: {  	v6 =	vld [tilespmem:s24+$0xC250]  }
0x590: {  	v3 =	vadd.f32 v4, v3;
	v4 =	vadd.f32 v7, v9;
	v7 =	vld [tilespmem:s25+$0x250]  }
0x591: {  	v8 =	vld [tilespmem:s25+$0xC250]  }
0x592: {  	v3 =	vshrl.u32 v3, $0x10;
	v4 =	vand.u32 $0xFFFF0000, v4  }
0x593: {  	v3 =	vor.u32 v3, v4  }
0x594: {  	[tilespmem:s9+$0x50] =	vst v3  }
0x595: {  	v3 =	vld [tilespmem:s7+$0x260]  }
0x596: {  	v4 =	vld [tilespmem:s7+$0xC260];
	v5 =	vadd.f32 v6, v5;
	v6 =	vadd.f32 v8, v7  }
0x597: {  	v9 =	vld [tilespmem:s8+$0x260]  }
0x598: {  	v7 =	vld [tilespmem:s8+$0xC260];
	v5 =	vshrl.u32 v5, $0x10;
	v6 =	vand.u32 $0xFFFF0000, v6  }
0x599: {  	v5 =	vor.u32 v5, v6  }
0x59a: {  	[tilespmem:s5+$0x50] =	vst v5  }
0x59b: {  	v5 =	vld [tilespmem:s24+$0x260]  }
0x59c: {  	v6 =	vld [tilespmem:s24+$0xC260]  }
0x59d: {  	v3 =	vadd.f32 v4, v3;
	v4 =	vadd.f32 v7, v9;
	v7 =	vld [tilespmem:s25+$0x260]  }
0x59e: {  	v8 =	vld [tilespmem:s25+$0xC260]  }
0x59f: {  	v3 =	vshrl.u32 v3, $0x10;
	v4 =	vand.u32 $0xFFFF0000, v4  }
0x5a0: {  	v3 =	vor.u32 v3, v4  }
0x5a1: {  	[tilespmem:s9+$0x60] =	vst v3  }
0x5a2: {  	v3 =	vld [tilespmem:s7+$0x270]  }
0x5a3: {  	v4 =	vld [tilespmem:s7+$0xC270];
	v5 =	vadd.f32 v6, v5;
	v6 =	vadd.f32 v8, v7  }
0x5a4: {  	v9 =	vld [tilespmem:s8+$0x270]  }
0x5a5: {  	v7 =	vld [tilespmem:s8+$0xC270];
	v5 =	vshrl.u32 v5, $0x10;
	v6 =	vand.u32 $0xFFFF0000, v6  }
0x5a6: {  	v5 =	vor.u32 v5, v6  }
0x5a7: {  	[tilespmem:s5+$0x60] =	vst v5  }
0x5a8: {  	v5 =	vld [tilespmem:s24+$0x270]  }
0x5a9: {  	v6 =	vld [tilespmem:s24+$0xC270]  }
0x5aa: {  	v3 =	vadd.f32 v4, v3;
	v4 =	vadd.f32 v7, v9;
	v7 =	vld [tilespmem:s25+$0x270]  }
0x5ab: {  	v8 =	vld [tilespmem:s25+$0xC270]  }
0x5ac: {  	v3 =	vshrl.u32 v3, $0x10;
	v4 =	vand.u32 $0xFFFF0000, v4  }
0x5ad: {  	s28 =	sadd.s32 $0x6400, s6;
	v3 =	vor.u32 v3, v4  }
0x5ae: {  	s13 =	sor.u32 s4, s28;
	[tilespmem:s9+$0x70] =	vst v3  }
0x5af: {  	s31 =	sadd.s32 $0x7000, s6;
	v3 =	vld [tilespmem:s13+$0x200]  }
0x5b0: {  	s12 =	sor.u32 s4, s31;
	v4 =	vld [tilespmem:s13+$0xC200];
	v5 =	vadd.f32 v6, v5;
	v6 =	vadd.f32 v8, v7  }
0x5b1: {  	v9 =	vld [tilespmem:s12+$0x200]  }
0x5b2: {  	v7 =	vld [tilespmem:s12+$0xC200];
	v5 =	vshrl.u32 v5, $0x10;
	v6 =	vand.u32 $0xFFFF0000, v6  }
0x5b3: {  	v5 =	vor.u32 v5, v6  }
0x5b4: {  	s10 =	sor.u32 s0, s28;
	[tilespmem:s5+$0x70] =	vst v5  }
0x5b5: {  	v5 =	vld [tilespmem:s10+$0x200]  }
0x5b6: {  	s3 =	sor.u32 s0, s31;
	v6 =	vld [tilespmem:s10+$0xC200]  }
0x5b7: {  	v3 =	vadd.f32 v4, v3;
	v4 =	vadd.f32 v7, v9;
	v7 =	vld [tilespmem:s3+$0x200]  }
0x5b8: {  	v8 =	vld [tilespmem:s3+$0xC200]  }
0x5b9: {  	s15 =	sadd.s32 $0x1B600, s2;
	v3 =	vshrl.u32 v3, $0x10;
	v4 =	vand.u32 $0xFFFF0000, v4  }
0x5ba: {  	s16 =	sadd.s32 s4, s15;
	v3 =	vor.u32 v3, v4  }
0x5bb: {  	[tilespmem:s16+$0x0] =	vst v3  }
0x5bc: {  	v3 =	vld [tilespmem:s13+$0x210]  }
0x5bd: {  	v4 =	vld [tilespmem:s13+$0xC210];
	v5 =	vadd.f32 v6, v5;
	v6 =	vadd.f32 v8, v7  }
0x5be: {  	v9 =	vld [tilespmem:s12+$0x210]  }
0x5bf: {  	v7 =	vld [tilespmem:s12+$0xC210];
	v5 =	vshrl.u32 v5, $0x10;
	v6 =	vand.u32 $0xFFFF0000, v6  }
0x5c0: {  	s22 =	sadd.s32 s0, s15;
	v5 =	vor.u32 v5, v6  }
0x5c1: {  	[tilespmem:s22+$0x0] =	vst v5  }
0x5c2: {  	v5 =	vld [tilespmem:s10+$0x210]  }
0x5c3: {  	v6 =	vld [tilespmem:s10+$0xC210]  }
0x5c4: {  	v3 =	vadd.f32 v4, v3;
	v4 =	vadd.f32 v7, v9;
	v7 =	vld [tilespmem:s3+$0x210]  }
0x5c5: {  	v8 =	vld [tilespmem:s3+$0xC210]  }
0x5c6: {  	v3 =	vshrl.u32 v3, $0x10;
	v4 =	vand.u32 $0xFFFF0000, v4  }
0x5c7: {  	v3 =	vor.u32 v3, v4  }
0x5c8: {  	[tilespmem:s16+$0x10] =	vst v3  }
0x5c9: {  	v3 =	vld [tilespmem:s13+$0x220]  }
0x5ca: {  	v4 =	vld [tilespmem:s13+$0xC220];
	v5 =	vadd.f32 v6, v5;
	v6 =	vadd.f32 v8, v7  }
0x5cb: {  	v9 =	vld [tilespmem:s12+$0x220]  }
0x5cc: {  	v7 =	vld [tilespmem:s12+$0xC220];
	v5 =	vshrl.u32 v5, $0x10;
	v6 =	vand.u32 $0xFFFF0000, v6  }
0x5cd: {  	v5 =	vor.u32 v5, v6  }
0x5ce: {  	[tilespmem:s22+$0x10] =	vst v5  }
0x5cf: {  	v5 =	vld [tilespmem:s10+$0x220]  }
0x5d0: {  	v6 =	vld [tilespmem:s10+$0xC220]  }
0x5d1: {  	v3 =	vadd.f32 v4, v3;
	v4 =	vadd.f32 v7, v9;
	v7 =	vld [tilespmem:s3+$0x220]  }
0x5d2: {  	v8 =	vld [tilespmem:s3+$0xC220]  }
0x5d3: {  	v3 =	vshrl.u32 v3, $0x10;
	v4 =	vand.u32 $0xFFFF0000, v4  }
0x5d4: {  	v3 =	vor.u32 v3, v4  }
0x5d5: {  	[tilespmem:s16+$0x20] =	vst v3  }
0x5d6: {  	v3 =	vld [tilespmem:s13+$0x230]  }
0x5d7: {  	v4 =	vld [tilespmem:s13+$0xC230];
	v5 =	vadd.f32 v6, v5;
	v6 =	vadd.f32 v8, v7  }
0x5d8: {  	v9 =	vld [tilespmem:s12+$0x230]  }
0x5d9: {  	v7 =	vld [tilespmem:s12+$0xC230];
	v5 =	vshrl.u32 v5, $0x10;
	v6 =	vand.u32 $0xFFFF0000, v6  }
0x5da: {  	v5 =	vor.u32 v5, v6  }
0x5db: {  	[tilespmem:s22+$0x20] =	vst v5  }
0x5dc: {  	v5 =	vld [tilespmem:s10+$0x230]  }
0x5dd: {  	v6 =	vld [tilespmem:s10+$0xC230]  }
0x5de: {  	v3 =	vadd.f32 v4, v3;
	v4 =	vadd.f32 v7, v9;
	v7 =	vld [tilespmem:s3+$0x230]  }
0x5df: {  	v8 =	vld [tilespmem:s3+$0xC230]  }
0x5e0: {  	v3 =	vshrl.u32 v3, $0x10;
	v4 =	vand.u32 $0xFFFF0000, v4  }
0x5e1: {  	v3 =	vor.u32 v3, v4  }
0x5e2: {  	[tilespmem:s16+$0x30] =	vst v3  }
0x5e3: {  	v3 =	vld [tilespmem:s13+$0x240]  }
0x5e4: {  	v4 =	vld [tilespmem:s13+$0xC240];
	v5 =	vadd.f32 v6, v5;
	v6 =	vadd.f32 v8, v7  }
0x5e5: {  	v9 =	vld [tilespmem:s12+$0x240]  }
0x5e6: {  	v7 =	vld [tilespmem:s12+$0xC240];
	v5 =	vshrl.u32 v5, $0x10;
	v6 =	vand.u32 $0xFFFF0000, v6  }
0x5e7: {  	v5 =	vor.u32 v5, v6  }
0x5e8: {  	[tilespmem:s22+$0x30] =	vst v5  }
0x5e9: {  	v5 =	vld [tilespmem:s10+$0x240]  }
0x5ea: {  	v6 =	vld [tilespmem:s10+$0xC240]  }
0x5eb: {  	v3 =	vadd.f32 v4, v3;
	v4 =	vadd.f32 v7, v9;
	v7 =	vld [tilespmem:s3+$0x240]  }
0x5ec: {  	v8 =	vld [tilespmem:s3+$0xC240]  }
0x5ed: {  	v3 =	vshrl.u32 v3, $0x10;
	v4 =	vand.u32 $0xFFFF0000, v4  }
0x5ee: {  	v3 =	vor.u32 v3, v4  }
0x5ef: {  	[tilespmem:s16+$0x40] =	vst v3  }
0x5f0: {  	v3 =	vld [tilespmem:s13+$0x250]  }
0x5f1: {  	v4 =	vld [tilespmem:s13+$0xC250];
	v5 =	vadd.f32 v6, v5;
	v6 =	vadd.f32 v8, v7  }
0x5f2: {  	v9 =	vld [tilespmem:s12+$0x250]  }
0x5f3: {  	v7 =	vld [tilespmem:s12+$0xC250];
	v5 =	vshrl.u32 v5, $0x10;
	v6 =	vand.u32 $0xFFFF0000, v6  }
0x5f4: {  	v5 =	vor.u32 v5, v6  }
0x5f5: {  	[tilespmem:s22+$0x40] =	vst v5  }
0x5f6: {  	s23 =	simm.s32 $0x0;
	v5 =	vld [tilespmem:s10+$0x250]  }
0x5f7: {  	s7 =	smul.u32 $0x1800, s23;
	v6 =	vld [tilespmem:s10+$0xC250]  }
0x5f8: {  	s24 =	simm.s32 $0x100;
	v3 =	vadd.f32 v4, v3;
	v4 =	vadd.f32 v7, v9;
	v7 =	vld [tilespmem:s3+$0x250]  }
0x5f9: {  	s11 =	sadd.s32 $0x6000, s7;
	s21 =	sand.u32 $0x300, s24;
	v8 =	vld [tilespmem:s3+$0xC250]  }
0x5fa: {  	s1 =	sor.u32 $0x80, s21;
	s15 =	sor.u32 s21, s11  }
0x5fb: {  	s19 =	sor.u32 s1, s11;
	v12 =	vld [tilespmem:s15+$0x200]  }
0x5fc: {  	s14 =	sadd.s32 $0x6C00, s7;
	v9 =	vld [tilespmem:s19+$0xC200];
	v3 =	vshrl.u32 v3, $0x10;
	v4 =	vand.u32 $0xFFFF0000, v4  }
0x5fd: {  	s18 =	sor.u32 s1, s14;
	v3 =	vor.u32 v3, v4;
	v4 =	vld [tilespmem:s19+$0x200]  }
0x5fe: {  	v5 =	vadd.f32 v6, v5;
	v6 =	vadd.f32 v8, v7;
	v7 =	vld [tilespmem:s18+$0x200]  }
0x5ff: {  	[tilespmem:s16+$0x50] =	vst v3;
	v8 =	vld [tilespmem:s18+$0xC200]  }
0x600: {  	v3 =	vld [tilespmem:s13+$0x260]  }
0x601: {  	v10 =	vld [tilespmem:s13+$0xC260]  }
0x602: {  	v11 =	vld [tilespmem:s12+$0x260];
	v5 =	vshrl.u32 v5, $0x10;
	v6 =	vand.u32 $0xFFFF0000, v6  }
0x603: {  	s8 =	smul.u32 $0x3000, s23;
	s25 =	sor.u32 s21, s14;
	v5 =	vor.u32 v5, v6;
	v6 =	vld [tilespmem:s12+$0xC260]  }
0x604: {  	v13 =	vld [tilespmem:s25+$0xC200];
	v4 =	vadd.f32 v9, v4;
	v7 =	vadd.f32 v8, v7  }
0x605: {  	s14 =	sshra.s32 s8, $0x2;
	v9 =	vld [tilespmem:s25+$0x200];
	[tilespmem:s22+$0x50] =	vst v5  }
0x606: {  	s8 =	sadd.s32 $0x1B200, s14;
	v5 =	vld [tilespmem:s10+$0x260];
	v4 =	vshrl.u32 v4, $0x10;
	v7 =	vand.u32 $0xFFFF0000, v7  }
0x607: {  	s17 =	sadd.s32 s1, s8;
	v8 =	vld [tilespmem:s15+$0xC200];
	v4 =	vor.u32 v4, v7  }
0x608: {  	v3 =	vadd.f32 v10, v3;
	v7 =	vld [tilespmem:s10+$0xC260];
	v6 =	vadd.f32 v6, v11;
	[tilespmem:s17+$0x0] =	vst v4  }
0x609: {  	v4 =	vld [tilespmem:s19+$0x210]  }
0x60a: {  	v3 =	vshrl.u32 v3, $0x10;
	v6 =	vand.u32 $0xFFFF0000, v6;
	v10 =	vld [tilespmem:s19+$0xC210]  }
0x60b: {  	v3 =	vor.u32 v3, v6;
	v6 =	vld [tilespmem:s18+$0x210]  }
0x60c: {  	[tilespmem:s16+$0x60] =	vst v3;
	v3 =	vadd.f32 v8, v12;
	v8 =	vadd.f32 v13, v9;
	v9 =	vld [tilespmem:s18+$0xC210]  }
0x60d: {  	v11 =	vld [tilespmem:s13+$0x270]  }
0x60e: {  	v12 =	vld [tilespmem:s13+$0xC270];
	v3 =	vshrl.u32 v3, $0x10;
	v8 =	vand.u32 $0xFFFF0000, v8  }
0x60f: {  	s26 =	sadd.s32 s21, s8;
	v13 =	vld [tilespmem:s12+$0x270];
	v3 =	vor.u32 v3, v8  }
0x610: {  	v8 =	vld [tilespmem:s12+$0xC270];
	[tilespmem:s26+$0x0] =	vst v3  }
0x611: {  	v4 =	vadd.f32 v10, v4;
	v3 =	vld [tilespmem:s15+$0x210];
	v6 =	vadd.f32 v9, v6  }
0x612: {  	v9 =	vld [tilespmem:s15+$0xC210]  }
0x613: {  	v10 =	vld [tilespmem:s25+$0x210];
	v4 =	vshrl.u32 v4, $0x10;
	v6 =	vand.u32 $0xFFFF0000, v6  }
0x614: {  	v14 =	vld [tilespmem:s25+$0xC210];
	v4 =	vor.u32 v4, v6  }
0x615: {  	v11 =	vadd.f32 v12, v11;
	v6 =	vld [tilespmem:s3+$0x260];
	v8 =	vadd.f32 v8, v13;
	[tilespmem:s17+$0x10] =	vst v4  }
0x616: {  	v4 =	vld [tilespmem:s19+$0x220]  }
0x617: {  	v11 =	vshrl.u32 v11, $0x10;
	v8 =	vand.u32 $0xFFFF0000, v8;
	v12 =	vld [tilespmem:s19+$0xC220]  }
0x618: {  	s20 =	sadd.s32 $0x6800, s6;
	v3 =	vadd.f32 v9, v3;
	v9 =	vld [tilespmem:s18+$0xC220];
	v8 =	vor.u32 v11, v8  }
0x619: {  	s28 =	sor.u32 s4, s20;
	v11 =	vld [tilespmem:s18+$0x220];
	[tilespmem:s16+$0x70] =	vst v8;
	v8 =	vadd.f32 v14, v10  }
0x61a: {  	s16 =	sadd.s32 $0x7400, s6;
	v10 =	vld [tilespmem:s28+$0x200]  }
0x61b: {  	v3 =	vshrl.u32 v3, $0x10;
	v13 =	vld [tilespmem:s28+$0xC200];
	s6 =	sor.u32 s4, s16;
	v8 =	vand.u32 $0xFFFF0000, v8  }
0x61c: {  	v14 =	vld [tilespmem:s6+$0x200];
	v3 =	vor.u32 v3, v8  }
0x61d: {  	v8 =	vld [tilespmem:s6+$0xC200];
	[tilespmem:s26+$0x10] =	vst v3  }
0x61e: {  	v4 =	vadd.f32 v12, v4;
	v9 =	vadd.f32 v9, v11;
	v3 =	vld [tilespmem:s15+$0x220]  }
0x61f: {  	v11 =	vld [tilespmem:s15+$0xC220]  }
0x620: {  	v12 =	vld [tilespmem:s25+$0x220];
	v4 =	vshrl.u32 v4, $0x10;
	v9 =	vand.u32 $0xFFFF0000, v9  }
0x621: {  	v15 =	vld [tilespmem:s25+$0xC220];
	v4 =	vor.u32 v4, v9  }
0x622: {  	v10 =	vadd.f32 v13, v10;
	v9 =	vld [tilespmem:s3+$0xC260];
	v8 =	vadd.f32 v8, v14;
	[tilespmem:s17+$0x20] =	vst v4  }
0x623: {  	v4 =	vld [tilespmem:s19+$0x230]  }
0x624: {  	s31 =	sadd.s32 $0x1BA00, s2;
	v10 =	vshrl.u32 v10, $0x10;
	v13 =	vld [tilespmem:s19+$0xC230];
	v8 =	vand.u32 $0xFFFF0000, v8  }
0x625: {  	s2 =	sadd.s32 s4, s31;
	v3 =	vadd.f32 v11, v3;
	v11 =	vld [tilespmem:s18+$0xC230];
	v8 =	vor.u32 v10, v8  }
0x626: {  	v10 =	vld [tilespmem:s18+$0x230];
	[tilespmem:s2+$0x0] =	vst v8;
	v8 =	vadd.f32 v15, v12  }
0x627: {  	v12 =	vld [tilespmem:s28+$0x210]  }
0x628: {  	v3 =	vshrl.u32 v3, $0x10;
	v14 =	vld [tilespmem:s28+$0xC210];
	v8 =	vand.u32 $0xFFFF0000, v8  }
0x629: {  	v15 =	vld [tilespmem:s6+$0x210];
	v3 =	vor.u32 v3, v8  }
0x62a: {  	v5 =	vadd.f32 v7, v5;
	v6 =	vadd.f32 v9, v6;
	v7 =	vld [tilespmem:s6+$0xC210];
	[tilespmem:s26+$0x20] =	vst v3  }
0x62b: {  	v4 =	vadd.f32 v13, v4;
	v8 =	vadd.f32 v11, v10;
	v3 =	vld [tilespmem:s15+$0x230]  }
0x62c: {  	v5 =	vshrl.u32 v5, $0x10;
	v6 =	vand.u32 $0xFFFF0000, v6;
	v9 =	vld [tilespmem:s15+$0xC230]  }
0x62d: {  	v5 =	vor.u32 v5, v6;
	v4 =	vshrl.u32 v4, $0x10;
	v6 =	vld [tilespmem:s25+$0x230];
	v8 =	vand.u32 $0xFFFF0000, v8  }
0x62e: {  	[tilespmem:s22+$0x60] =	vst v5;
	v5 =	vld [tilespmem:s25+$0xC230];
	v4 =	vor.u32 v4, v8  }
0x62f: {  	v10 =	vadd.f32 v14, v12;
	v7 =	vadd.f32 v7, v15;
	v8 =	vld [tilespmem:s10+$0x270];
	[tilespmem:s17+$0x30] =	vst v4  }
0x630: {  	v4 =	vld [tilespmem:s19+$0x240]  }
0x631: {  	v10 =	vshrl.u32 v10, $0x10;
	v7 =	vand.u32 $0xFFFF0000, v7;
	v11 =	vld [tilespmem:s19+$0xC240]  }
0x632: {  	v7 =	vor.u32 v10, v7;
	v10 =	vld [tilespmem:s18+$0x240]  }
0x633: {  	[tilespmem:s2+$0x10] =	vst v7;
	v3 =	vadd.f32 v9, v3;
	v5 =	vadd.f32 v5, v6;
	v6 =	vld [tilespmem:s18+$0xC240]  }
0x634: {  	v7 =	vld [tilespmem:s28+$0x220]  }
0x635: {  	v9 =	vld [tilespmem:s28+$0xC220];
	v3 =	vshrl.u32 v3, $0x10;
	v5 =	vand.u32 $0xFFFF0000, v5  }
0x636: {  	v12 =	vld [tilespmem:s6+$0x220];
	v3 =	vor.u32 v3, v5  }
0x637: {  	v5 =	vld [tilespmem:s6+$0xC220];
	[tilespmem:s26+$0x30] =	vst v3  }
0x638: {  	v4 =	vadd.f32 v11, v4;
	v3 =	vld [tilespmem:s15+$0x240];
	v6 =	vadd.f32 v6, v10  }
0x639: {  	v10 =	vld [tilespmem:s15+$0xC240]  }
0x63a: {  	v11 =	vld [tilespmem:s25+$0x240];
	v4 =	vshrl.u32 v4, $0x10;
	v6 =	vand.u32 $0xFFFF0000, v6  }
0x63b: {  	v13 =	vld [tilespmem:s25+$0xC240];
	v4 =	vor.u32 v4, v6  }
0x63c: {  	v7 =	vadd.f32 v9, v7;
	v6 =	vld [tilespmem:s10+$0xC270];
	v5 =	vadd.f32 v5, v12;
	[tilespmem:s17+$0x40] =	vst v4  }
0x63d: {  	v4 =	vld [tilespmem:s19+$0x250]  }
0x63e: {  	v7 =	vshrl.u32 v7, $0x10;
	v5 =	vand.u32 $0xFFFF0000, v5;
	v9 =	vld [tilespmem:s19+$0xC250]  }
0x63f: {  	v3 =	vadd.f32 v10, v3;
	v10 =	vld [tilespmem:s18+$0xC250];
	v5 =	vor.u32 v7, v5  }
0x640: {  	v7 =	vld [tilespmem:s18+$0x250];
	[tilespmem:s2+$0x20] =	vst v5;
	v5 =	vadd.f32 v13, v11  }
0x641: {  	v11 =	vld [tilespmem:s28+$0x230]  }
0x642: {  	v3 =	vshrl.u32 v3, $0x10;
	v12 =	vld [tilespmem:s28+$0xC230];
	v5 =	vand.u32 $0xFFFF0000, v5  }
0x643: {  	v13 =	vld [tilespmem:s6+$0x230];
	v3 =	vor.u32 v3, v5  }
0x644: {  	v5 =	vld [tilespmem:s6+$0xC230];
	[tilespmem:s26+$0x40] =	vst v3  }
0x645: {  	v4 =	vadd.f32 v9, v4;
	v7 =	vadd.f32 v10, v7;
	v3 =	vld [tilespmem:s15+$0x250]  }
0x646: {  	v9 =	vld [tilespmem:s15+$0xC250]  }
0x647: {  	v10 =	vld [tilespmem:s25+$0x250];
	v4 =	vshrl.u32 v4, $0x10;
	v7 =	vand.u32 $0xFFFF0000, v7  }
0x648: {  	v14 =	vld [tilespmem:s25+$0xC250];
	v4 =	vor.u32 v4, v7  }
0x649: {  	v11 =	vadd.f32 v12, v11;
	v7 =	vld [tilespmem:s3+$0x270];
	v5 =	vadd.f32 v5, v13;
	[tilespmem:s17+$0x50] =	vst v4  }
0x64a: {  	v4 =	vld [tilespmem:s19+$0x260]  }
0x64b: {  	v11 =	vshrl.u32 v11, $0x10;
	v12 =	vld [tilespmem:s19+$0xC260];
	v5 =	vand.u32 $0xFFFF0000, v5  }
0x64c: {  	v3 =	vadd.f32 v9, v3;
	v9 =	vld [tilespmem:s18+$0xC260];
	v5 =	vor.u32 v11, v5  }
0x64d: {  	v11 =	vld [tilespmem:s18+$0x260];
	[tilespmem:s2+$0x30] =	vst v5;
	v5 =	vadd.f32 v14, v10  }
0x64e: {  	v10 =	vld [tilespmem:s28+$0x240]  }
0x64f: {  	v3 =	vshrl.u32 v3, $0x10;
	v13 =	vld [tilespmem:s28+$0xC240];
	v5 =	vand.u32 $0xFFFF0000, v5  }
0x650: {  	v14 =	vld [tilespmem:s6+$0x240];
	v3 =	vor.u32 v3, v5  }
0x651: {  	v5 =	vld [tilespmem:s6+$0xC240];
	[tilespmem:s26+$0x50] =	vst v3  }
0x652: {  	v4 =	vadd.f32 v12, v4;
	v9 =	vadd.f32 v9, v11;
	v3 =	vld [tilespmem:s15+$0x260]  }
0x653: {  	v11 =	vld [tilespmem:s15+$0xC260]  }
0x654: {  	v4 =	vshrl.u32 v4, $0x10;
	v12 =	vld [tilespmem:s25+$0x260];
	v9 =	vand.u32 $0xFFFF0000, v9  }
0x655: {  	v15 =	vld [tilespmem:s25+$0xC260];
	v4 =	vor.u32 v4, v9  }
0x656: {  	v10 =	vadd.f32 v13, v10;
	v9 =	vld [tilespmem:s3+$0xC270];
	v5 =	vadd.f32 v5, v14;
	[tilespmem:s17+$0x60] =	vst v4  }
0x657: {  	v4 =	vld [tilespmem:s19+$0x270]  }
0x658: {  	v10 =	vshrl.u32 v10, $0x10;
	v13 =	vld [tilespmem:s19+$0xC270];
	v5 =	vand.u32 $0xFFFF0000, v5  }
0x659: {  	v3 =	vadd.f32 v11, v3;
	v11 =	vld [tilespmem:s18+$0xC270];
	v5 =	vor.u32 v10, v5  }
0x65a: {  	v10 =	vld [tilespmem:s18+$0x270];
	[tilespmem:s2+$0x40] =	vst v5;
	v5 =	vadd.f32 v15, v12  }
0x65b: {  	v12 =	vld [tilespmem:s28+$0x250]  }
0x65c: {  	v3 =	vshrl.u32 v3, $0x10;
	v14 =	vld [tilespmem:s28+$0xC250];
	v5 =	vand.u32 $0xFFFF0000, v5  }
0x65d: {  	v15 =	vld [tilespmem:s6+$0x250];
	v3 =	vor.u32 v3, v5  }
0x65e: {  	v5 =	vadd.f32 v6, v8;
	v6 =	vadd.f32 v9, v7;
	v7 =	vld [tilespmem:s6+$0xC250];
	[tilespmem:s26+$0x60] =	vst v3  }
0x65f: {  	v4 =	vadd.f32 v13, v4;
	v8 =	vadd.f32 v11, v10;
	v3 =	vld [tilespmem:s15+$0x270]  }
0x660: {  	v5 =	vshrl.u32 v5, $0x10;
	v6 =	vand.u32 $0xFFFF0000, v6;
	v9 =	vld [tilespmem:s15+$0xC270]  }
0x661: {  	v4 =	vshrl.u32 v4, $0x10;
	v5 =	vor.u32 v5, v6;
	v6 =	vld [tilespmem:s25+$0x270];
	v8 =	vand.u32 $0xFFFF0000, v8  }
0x662: {  	s8 =	sadd.s32 $0x6400, s7;
	[tilespmem:s22+$0x70] =	vst v5;
	v5 =	vld [tilespmem:s25+$0xC270];
	v4 =	vor.u32 v4, v8  }
0x663: {  	s3 =	sor.u32 s1, s8;
	v10 =	vadd.f32 v14, v12;
	v7 =	vadd.f32 v7, v15;
	[tilespmem:s17+$0x70] =	vst v4  }
0x664: {  	s9 =	sadd.s32 $0x7000, s7;
	v4 =	vld [tilespmem:s3+$0x200]  }
0x665: {  	s10 =	sor.u32 s1, s9;
	v10 =	vshrl.u32 v10, $0x10;
	v11 =	vld [tilespmem:s3+$0xC200];
	v7 =	vand.u32 $0xFFFF0000, v7  }
0x666: {  	v7 =	vor.u32 v10, v7;
	v10 =	vld [tilespmem:s10+$0x200]  }
0x667: {  	v3 =	vadd.f32 v9, v3;
	[tilespmem:s2+$0x50] =	vst v7;
	v5 =	vadd.f32 v5, v6;
	v6 =	vld [tilespmem:s10+$0xC200]  }
0x668: {  	v7 =	vld [tilespmem:s28+$0x260]  }
0x669: {  	v3 =	vshrl.u32 v3, $0x10;
	v9 =	vld [tilespmem:s28+$0xC260];
	v5 =	vand.u32 $0xFFFF0000, v5  }
0x66a: {  	v12 =	vld [tilespmem:s6+$0x260];
	v3 =	vor.u32 v3, v5  }
0x66b: {  	s24 =	sor.u32 s21, s8;
	v5 =	vld [tilespmem:s6+$0xC260];
	[tilespmem:s26+$0x70] =	vst v3  }
0x66c: {  	v4 =	vadd.f32 v11, v4;
	v3 =	vld [tilespmem:s24+$0x200];
	v6 =	vadd.f32 v6, v10  }
0x66d: {  	s15 =	sor.u32 s21, s9;
	v10 =	vld [tilespmem:s24+$0xC200]  }
0x66e: {  	s19 =	sor.u32 s0, s20;
	s20 =	sadd.s32 $0x1B600, s14;
	v4 =	vshrl.u32 v4, $0x10;
	v11 =	vld [tilespmem:s15+$0x200];
	v6 =	vand.u32 $0xFFFF0000, v6  }
0x66f: {  	s22 =	sadd.s32 s1, s20;
	v13 =	vld [tilespmem:s15+$0xC200];
	v4 =	vor.u32 v4, v6  }
0x670: {  	v8 =	vld [tilespmem:s19+$0x200];
	v7 =	vadd.f32 v9, v7;
	v5 =	vadd.f32 v5, v12;
	[tilespmem:s22+$0x0] =	vst v4  }
0x671: {  	v4 =	vld [tilespmem:s3+$0x210]  }
0x672: {  	v7 =	vshrl.u32 v7, $0x10;
	v5 =	vand.u32 $0xFFFF0000, v5;
	v9 =	vld [tilespmem:s3+$0xC210]  }
0x673: {  	v3 =	vadd.f32 v10, v3;
	v10 =	vld [tilespmem:s10+$0xC210];
	v5 =	vor.u32 v7, v5  }
0x674: {  	v7 =	vld [tilespmem:s10+$0x210];
	[tilespmem:s2+$0x60] =	vst v5;
	v5 =	vadd.f32 v13, v11  }
0x675: {  	s30 =	sor.u32 s0, s16;
	v6 =	vld [tilespmem:s19+$0xC200]  }
0x676: {  	v3 =	vshrl.u32 v3, $0x10;
	v13 =	vld [tilespmem:s30+$0x200];
	v5 =	vand.u32 $0xFFFF0000, v5  }
0x677: {  	s8 =	sadd.s32 s21, s20;
	v11 =	vld [tilespmem:s28+$0x270];
	v3 =	vor.u32 v3, v5  }
0x678: {  	v5 =	vld [tilespmem:s30+$0xC200];
	[tilespmem:s8+$0x0] =	vst v3  }
0x679: {  	v4 =	vadd.f32 v9, v4;
	v7 =	vadd.f32 v10, v7;
	v3 =	vld [tilespmem:s24+$0x210]  }
0x67a: {  	v9 =	vld [tilespmem:s24+$0xC210]  }
0x67b: {  	v10 =	vld [tilespmem:s15+$0x210];
	v4 =	vshrl.u32 v4, $0x10;
	v7 =	vand.u32 $0xFFFF0000, v7  }
0x67c: {  	v14 =	vld [tilespmem:s15+$0xC210];
	v4 =	vor.u32 v4, v7  }
0x67d: {  	v12 =	vld [tilespmem:s28+$0xC270];
	v6 =	vadd.f32 v6, v8;
	v5 =	vadd.f32 v5, v13;
	[tilespmem:s22+$0x10] =	vst v4  }
0x67e: {  	v4 =	vld [tilespmem:s3+$0x220]  }
0x67f: {  	v6 =	vshrl.u32 v6, $0x10;
	v8 =	vld [tilespmem:s3+$0xC220];
	v5 =	vand.u32 $0xFFFF0000, v5  }
0x680: {  	s29 =	sadd.s32 s0, s31;
	v3 =	vadd.f32 v9, v3;
	v9 =	vld [tilespmem:s10+$0xC220];
	v5 =	vor.u32 v6, v5  }
0x681: {  	v6 =	vld [tilespmem:s10+$0x220];
	[tilespmem:s29+$0x0] =	vst v5;
	v5 =	vadd.f32 v14, v10  }
0x682: {  	v10 =	vld [tilespmem:s19+$0x210]  }
0x683: {  	v3 =	vshrl.u32 v3, $0x10;
	v13 =	vld [tilespmem:s19+$0xC210];
	v5 =	vand.u32 $0xFFFF0000, v5  }
0x684: {  	v14 =	vld [tilespmem:s30+$0x210];
	v3 =	vor.u32 v3, v5  }
0x685: {  	v5 =	vld [tilespmem:s30+$0xC210];
	[tilespmem:s8+$0x10] =	vst v3  }
0x686: {  	v3 =	vld [tilespmem:s24+$0x220]  }
0x687: {  	v4 =	vadd.f32 v8, v4;
	v6 =	vadd.f32 v9, v6;
	v8 =	vld [tilespmem:s24+$0xC220]  }
0x688: {  	v9 =	vld [tilespmem:s15+$0x220]  }
0x689: {  	v4 =	vshrl.u32 v4, $0x10;
	v15 =	vld [tilespmem:s15+$0xC220];
	v6 =	vand.u32 $0xFFFF0000, v6  }
0x68a: {  	v7 =	vld [tilespmem:s6+$0x270];
	v4 =	vor.u32 v4, v6  }
0x68b: {  	v6 =	vld [tilespmem:s6+$0xC270];
	[tilespmem:s22+$0x20] =	vst v4;
	v4 =	vadd.f32 v13, v10;
	v5 =	vadd.f32 v5, v14  }
0x68c: {  	v10 =	vld [tilespmem:s3+$0x230]  }
0x68d: {  	s6 =	simm.s32 $0x0;
	v13 =	vld [tilespmem:s3+$0xC230];
	v4 =	vshrl.u32 v4, $0x10;
	v5 =	vand.u32 $0xFFFF0000, v5  }
0x68e: {  	s11 =	simm.s32 $0x200;
	s18 =	smul.u32 $0x1800, s6;
	v14 =	vld [tilespmem:s10+$0x230];
	v3 =	vadd.f32 v8, v3;
	v4 =	vor.u32 v4, v5;
	v5 =	vadd.f32 v15, v9  }
0x68f: {  	s17 =	sand.u32 $0x300, s11;
	v8 =	vld [tilespmem:s10+$0xC230];
	[tilespmem:s29+$0x10] =	vst v4  }
0x690: {  	s13 =	sor.u32 $0x80, s17;
	s12 =	sadd.s32 $0x6000, s18;
	v4 =	vshrl.u32 v3, $0x10;
	v5 =	vand.u32 $0xFFFF0000, v5;
	v3 =	vld [tilespmem:s19+$0x220]  }
0x691: {  	s16 =	sor.u32 s13, s12;
	v5 =	vor.u32 v4, v5;
	v4 =	vld [tilespmem:s19+$0xC220]  }
0x692: {  	v10 =	vadd.f32 v13, v10;
	v13 =	vld [tilespmem:s16+$0x200]  }
0x693: {  	v9 =	vadd.f32 v12, v11;
	[tilespmem:s8+$0x20] =	vst v5;
	v5 =	vld [tilespmem:s30+$0x220]  }
0x694: {  	v6 =	vadd.f32 v6, v7;
	v8 =	vadd.f32 v8, v14;
	v14 =	vld [tilespmem:s16+$0xC200]  }
0x695: {  	v7 =	vld [tilespmem:s24+$0x230]  }
0x696: {  	v9 =	vshrl.u32 v9, $0x10;
	v6 =	vand.u32 $0xFFFF0000, v6;
	v11 =	vld [tilespmem:s24+$0xC230]  }
0x697: {  	v6 =	vor.u32 v9, v6;
	v9 =	vld [tilespmem:s15+$0x230];
	v10 =	vshrl.u32 v10, $0x10;
	v8 =	vand.u32 $0xFFFF0000, v8  }
0x698: {  	[tilespmem:s2+$0x70] =	vst v6;
	v12 =	vld [tilespmem:s15+$0xC230];
	v8 =	vor.u32 v10, v8  }
0x699: {  	v6 =	vld [tilespmem:s30+$0xC220];
	[tilespmem:s22+$0x30] =	vst v8  }
0x69a: {  	s25 =	sadd.s32 $0x6C00, s18;
	v8 =	vld [tilespmem:s3+$0x240]  }
0x69b: {  	s26 =	sor.u32 s13, s25;
	v10 =	vld [tilespmem:s3+$0xC240]  }
0x69c: {  	v15 =	vld [tilespmem:s26+$0x200]  }
0x69d: {  	s0 =	sor.u32 s17, s12;
	v16 =	vld [tilespmem:s26+$0xC200]  }
0x69e: {  	s2 =	sor.u32 s17, s25;
	v17 =	vld [tilespmem:s0+$0x200]  }
0x69f: {  	v18 =	vld [tilespmem:s2+$0xC200];
	v7 =	vadd.f32 v11, v7;
	v9 =	vadd.f32 v12, v9  }
0x6a0: {  	v11 =	vld [tilespmem:s0+$0xC200]  }
0x6a1: {  	s4 =	smul.u32 $0x3000, s6;
	v12 =	vld [tilespmem:s2+$0x200];
	v7 =	vshrl.u32 v7, $0x10;
	v9 =	vand.u32 $0xFFFF0000, v9  }
0x6a2: {  	v19 =	vld [tilespmem:s10+$0x240];
	v7 =	vor.u32 v7, v9;
	v9 =	vadd.f32 v14, v13;
	v13 =	vadd.f32 v16, v15  }
0x6a3: {  	s28 =	sshra.s32 s4, $0x2;
	v14 =	vld [tilespmem:s10+$0xC240];
	[tilespmem:s8+$0x30] =	vst v7  }
0x6a4: {  	s4 =	sadd.s32 $0x1B200, s28;
	v7 =	vld [tilespmem:s24+$0x240];
	v9 =	vshrl.u32 v9, $0x10;
	v13 =	vand.u32 $0xFFFF0000, v13  }
0x6a5: {  	s31 =	sadd.s32 s13, s4;
	v15 =	vld [tilespmem:s24+$0xC240];
	v9 =	vor.u32 v9, v13  }
0x6a6: {  	v53 =	vld [tilespmem:s15+$0xC240];
	[tilespmem:s31+$0x0] =	vst v9;
	v9 =	vadd.f32 v11, v17;
	v11 =	vadd.f32 v18, v12  }
0x6a7: {  	v12 =	vld [tilespmem:s16+$0x210]  }
0x6a8: {  	v50 =	vld [tilespmem:s16+$0xC210];
	v9 =	vshrl.u32 v9, $0x10;
	v11 =	vand.u32 $0xFFFF0000, v11  }
0x6a9: {  	s23 =	sadd.s32 s17, s4;
	v51 =	vld [tilespmem:s26+$0x210];
	v9 =	vor.u32 v9, v11  }
0x6aa: {  	v11 =	vld [tilespmem:s26+$0xC210];
	[tilespmem:s23+$0x0] =	vst v9  }
0x6ab: {  	v8 =	vadd.f32 v10, v8;
	v9 =	vadd.f32 v14, v19;
	v10 =	vld [tilespmem:s0+$0x210]  }
0x6ac: {  	v14 =	vld [tilespmem:s0+$0xC210]  }
0x6ad: {  	v8 =	vshrl.u32 v8, $0x10;
	v52 =	vld [tilespmem:s2+$0x210];
	v9 =	vand.u32 $0xFFFF0000, v9  }
0x6ae: {  	v8 =	vor.u32 v8, v9;
	v9 =	vld [tilespmem:s2+$0xC210]  }
0x6af: {  	v13 =	vld [tilespmem:s15+$0x240];
	[tilespmem:s22+$0x40] =	vst v8;
	v8 =	vadd.f32 v50, v12;
	v11 =	vadd.f32 v11, v51  }
0x6b0: {  	v12 =	vld [tilespmem:s3+$0x250]  }
0x6b1: {  	v54 =	vld [tilespmem:s3+$0xC250];
	v8 =	vshrl.u32 v8, $0x10;
	v11 =	vand.u32 $0xFFFF0000, v11  }
0x6b2: {  	v55 =	vld [tilespmem:s10+$0x250];
	v8 =	vor.u32 v8, v11  }
0x6b3: {  	v11 =	vld [tilespmem:s10+$0xC250];
	[tilespmem:s31+$0x10] =	vst v8;
	v8 =	vadd.f32 v14, v10;
	v9 =	vadd.f32 v9, v52  }
0x6b4: {  	v10 =	vld [tilespmem:s16+$0x220]  }
0x6b5: {  	v14 =	vld [tilespmem:s16+$0xC220];
	v8 =	vshrl.u32 v8, $0x10;
	v9 =	vand.u32 $0xFFFF0000, v9  }
0x6b6: {  	v56 =	vld [tilespmem:s26+$0x220];
	v8 =	vor.u32 v8, v9  }
0x6b7: {  	v7 =	vadd.f32 v15, v7;
	v9 =	vadd.f32 v53, v13;
	v13 =	vld [tilespmem:s26+$0xC220];
	[tilespmem:s23+$0x10] =	vst v8  }
0x6b8: {  	v8 =	vadd.f32 v54, v12;
	v11 =	vadd.f32 v11, v55;
	v12 =	vld [tilespmem:s0+$0x220]  }
0x6b9: {  	v7 =	vshrl.u32 v7, $0x10;
	v9 =	vand.u32 $0xFFFF0000, v9;
	v15 =	vld [tilespmem:s0+$0xC220]  }
0x6ba: {  	v7 =	vor.u32 v7, v9;
	v8 =	vshrl.u32 v8, $0x10;
	v9 =	vand.u32 $0xFFFF0000, v11;
	v11 =	vld [tilespmem:s2+$0x220]  }
0x6bb: {  	[tilespmem:s8+$0x40] =	vst v7;
	v7 =	vor.u32 v8, v9;
	v8 =	vld [tilespmem:s2+$0xC220]  }
0x6bc: {  	v9 =	vld [tilespmem:s24+$0x250];
	[tilespmem:s22+$0x50] =	vst v7;
	v7 =	vadd.f32 v14, v10;
	v10 =	vadd.f32 v13, v56  }
0x6bd: {  	v13 =	vld [tilespmem:s3+$0x260]  }
0x6be: {  	v14 =	vld [tilespmem:s3+$0xC260];
	v7 =	vshrl.u32 v7, $0x10;
	v10 =	vand.u32 $0xFFFF0000, v10  }
0x6bf: {  	v57 =	vld [tilespmem:s10+$0x260];
	v7 =	vor.u32 v7, v10  }
0x6c0: {  	v10 =	vld [tilespmem:s10+$0xC260];
	[tilespmem:s31+$0x20] =	vst v7;
	v7 =	vadd.f32 v15, v12;
	v8 =	vadd.f32 v8, v11  }
0x6c1: {  	v11 =	vld [tilespmem:s16+$0x230]  }
0x6c2: {  	v12 =	vld [tilespmem:s16+$0xC230];
	v7 =	vshrl.u32 v7, $0x10;
	v8 =	vand.u32 $0xFFFF0000, v8  }
0x6c3: {  	v15 =	vld [tilespmem:s26+$0x230];
	v7 =	vor.u32 v7, v8  }
0x6c4: {  	v8 =	vld [tilespmem:s26+$0xC230];
	[tilespmem:s23+$0x20] =	vst v7  }
0x6c5: {  	v7 =	vadd.f32 v14, v13;
	v10 =	vadd.f32 v10, v57;
	v13 =	vld [tilespmem:s0+$0x230]  }
0x6c6: {  	v14 =	vld [tilespmem:s0+$0xC230]  }
0x6c7: {  	v58 =	vld [tilespmem:s2+$0x230];
	v7 =	vshrl.u32 v7, $0x10;
	v10 =	vand.u32 $0xFFFF0000, v10  }
0x6c8: {  	v7 =	vor.u32 v7, v10;
	v10 =	vld [tilespmem:s2+$0xC230]  }
0x6c9: {  	v59 =	vld [tilespmem:s24+$0xC250];
	[tilespmem:s22+$0x60] =	vst v7;
	v7 =	vadd.f32 v12, v11;
	v8 =	vadd.f32 v8, v15  }
0x6ca: {  	v11 =	vld [tilespmem:s3+$0x270]  }
0x6cb: {  	v12 =	vld [tilespmem:s3+$0xC270];
	v7 =	vshrl.u32 v7, $0x10;
	v8 =	vand.u32 $0xFFFF0000, v8  }
0x6cc: {  	v15 =	vld [tilespmem:s10+$0x270];
	v7 =	vor.u32 v7, v8  }
0x6cd: {  	v8 =	vld [tilespmem:s10+$0xC270];
	[tilespmem:s31+$0x30] =	vst v7;
	v7 =	vadd.f32 v14, v13;
	v10 =	vadd.f32 v10, v58  }
0x6ce: {  	v13 =	vld [tilespmem:s16+$0x240]  }
0x6cf: {  	v14 =	vld [tilespmem:s16+$0xC240];
	v7 =	vshrl.u32 v7, $0x10;
	v10 =	vand.u32 $0xFFFF0000, v10  }
0x6d0: {  	v60 =	vld [tilespmem:s26+$0x240];
	v7 =	vor.u32 v7, v10  }
0x6d1: {  	v10 =	vld [tilespmem:s26+$0xC240];
	[tilespmem:s23+$0x30] =	vst v7  }
0x6d2: {  	v7 =	vadd.f32 v12, v11;
	v8 =	vadd.f32 v8, v15;
	v11 =	vld [tilespmem:s0+$0x240]  }
0x6d3: {  	s9 =	sadd.s32 $0x6800, s7;
	v12 =	vld [tilespmem:s0+$0xC240]  }
0x6d4: {  	v15 =	vld [tilespmem:s2+$0x240];
	[dreg:$0x14] =	wrdreg s9;
	v7 =	vshrl.u32 v7, $0x10;
	v8 =	vand.u32 $0xFFFF0000, v8  }
0x6d5: {  	v7 =	vor.u32 v7, v8;
	v8 =	vld [tilespmem:s2+$0xC240]  }
0x6d6: {  	s3 =	sor.u32 s1, s9;
	v61 =	vld [tilespmem:s15+$0x250];
	[tilespmem:s22+$0x70] =	vst v7;
	v7 =	vadd.f32 v14, v13;
	v10 =	vadd.f32 v10, v60  }
0x6d7: {  	s6 =	sadd.s32 $0x7400, s7;
	v13 =	vld [tilespmem:s3+$0x200]  }
0x6d8: {  	s9 =	sor.u32 s1, s6;
	v14 =	vld [tilespmem:s3+$0xC200];
	v7 =	vshrl.u32 v7, $0x10;
	v10 =	vand.u32 $0xFFFF0000, v10  }
0x6d9: {  	v62 =	vld [tilespmem:s9+$0x200];
	v7 =	vor.u32 v7, v10  }
0x6da: {  	v10 =	vld [tilespmem:s9+$0xC200];
	[tilespmem:s31+$0x40] =	vst v7;
	v7 =	vadd.f32 v12, v11;
	v8 =	vadd.f32 v8, v15  }
0x6db: {  	v11 =	vld [tilespmem:s16+$0x250]  }
0x6dc: {  	v12 =	vld [tilespmem:s16+$0xC250];
	v7 =	vshrl.u32 v7, $0x10;
	v8 =	vand.u32 $0xFFFF0000, v8  }
0x6dd: {  	v15 =	vld [tilespmem:s26+$0x250];
	v7 =	vor.u32 v7, v8  }
0x6de: {  	v8 =	vld [tilespmem:s26+$0xC250];
	[tilespmem:s23+$0x40] =	vst v7  }
0x6df: {  	v7 =	vadd.f32 v14, v13;
	v10 =	vadd.f32 v10, v62;
	v13 =	vld [tilespmem:s0+$0x250]  }
0x6e0: {  	v14 =	vld [tilespmem:s0+$0xC250]  }
0x6e1: {  	s20 =	sadd.s32 $0x1BA00, s14;
	v63 =	vld [tilespmem:s2+$0x250];
	v7 =	vshrl.u32 v7, $0x10;
	v10 =	vand.u32 $0xFFFF0000, v10  }
0x6e2: {  	s22 =	sadd.s32 s1, s20;
	v7 =	vor.u32 v7, v10;
	v10 =	vld [tilespmem:s2+$0xC250]  }
0x6e3: {  	v21 =	vld [tilespmem:s15+$0xC250];
	[tilespmem:s22+$0x0] =	vst v7;
	v7 =	vadd.f32 v12, v11;
	v8 =	vadd.f32 v8, v15  }
0x6e4: {  	v11 =	vld [tilespmem:s3+$0x210]  }
0x6e5: {  	v12 =	vld [tilespmem:s3+$0xC210];
	v7 =	vshrl.u32 v7, $0x10;
	v8 =	vand.u32 $0xFFFF0000, v8  }
0x6e6: {  	v15 =	vld [tilespmem:s9+$0x210];
	v7 =	vor.u32 v7, v8  }
0x6e7: {  	v8 =	vld [tilespmem:s9+$0xC210];
	[tilespmem:s31+$0x50] =	vst v7;
	v7 =	vadd.f32 v14, v13;
	v10 =	vadd.f32 v10, v63  }
0x6e8: {  	v13 =	vld [tilespmem:s16+$0x260]  }
0x6e9: {  	v14 =	vld [tilespmem:s16+$0xC260];
	v7 =	vshrl.u32 v7, $0x10;
	v10 =	vand.u32 $0xFFFF0000, v10  }
0x6ea: {  	v22 =	vld [tilespmem:s26+$0x260];
	v7 =	vor.u32 v7, v10  }
0x6eb: {  	v9 =	vadd.f32 v59, v9;
	v23 =	vld [tilespmem:s26+$0xC260];
	v10 =	vadd.f32 v21, v61;
	[tilespmem:s23+$0x50] =	vst v7  }
0x6ec: {  	v7 =	vadd.f32 v12, v11;
	v8 =	vadd.f32 v8, v15;
	v11 =	vld [tilespmem:s0+$0x260]  }
0x6ed: {  	v9 =	vshrl.u32 v9, $0x10;
	v10 =	vand.u32 $0xFFFF0000, v10;
	v12 =	vld [tilespmem:s0+$0xC260]  }
0x6ee: {  	v9 =	vor.u32 v9, v10;
	v7 =	vshrl.u32 v7, $0x10;
	v8 =	vand.u32 $0xFFFF0000, v8;
	v10 =	vld [tilespmem:s2+$0x260]  }
0x6ef: {  	[tilespmem:s8+$0x50] =	vst v9;
	v7 =	vor.u32 v7, v8;
	v8 =	vld [tilespmem:s2+$0xC260]  }
0x6f0: {  	v9 =	vld [tilespmem:s24+$0x260];
	[tilespmem:s22+$0x10] =	vst v7;
	v7 =	vadd.f32 v14, v13;
	v13 =	vadd.f32 v23, v22  }
0x6f1: {  	v14 =	vld [tilespmem:s3+$0x220]  }
0x6f2: {  	v15 =	vld [tilespmem:s3+$0xC220];
	v7 =	vshrl.u32 v7, $0x10;
	v13 =	vand.u32 $0xFFFF0000, v13  }
0x6f3: {  	v24 =	vld [tilespmem:s9+$0x220];
	v7 =	vor.u32 v7, v13  }
0x6f4: {  	v13 =	vld [tilespmem:s9+$0xC220];
	[tilespmem:s31+$0x60] =	vst v7;
	v7 =	vadd.f32 v12, v11;
	v8 =	vadd.f32 v8, v10  }
0x6f5: {  	v10 =	vld [tilespmem:s16+$0x270]  }
0x6f6: {  	v11 =	vld [tilespmem:s16+$0xC270];
	v7 =	vshrl.u32 v7, $0x10;
	v8 =	vand.u32 $0xFFFF0000, v8  }
0x6f7: {  	v12 =	vld [tilespmem:s26+$0x270];
	v7 =	vor.u32 v7, v8  }
0x6f8: {  	v8 =	vld [tilespmem:s26+$0xC270];
	[tilespmem:s23+$0x60] =	vst v7  }
0x6f9: {  	v7 =	vadd.f32 v15, v14;
	v13 =	vadd.f32 v13, v24;
	v14 =	vld [tilespmem:s0+$0x270]  }
0x6fa: {  	v15 =	vld [tilespmem:s0+$0xC270]  }
0x6fb: {  	v25 =	vld [tilespmem:s2+$0x270];
	v7 =	vshrl.u32 v7, $0x10;
	v13 =	vand.u32 $0xFFFF0000, v13  }
0x6fc: {  	v7 =	vor.u32 v7, v13;
	v13 =	vld [tilespmem:s2+$0xC270]  }
0x6fd: {  	v26 =	vld [tilespmem:s24+$0xC260];
	[tilespmem:s22+$0x20] =	vst v7;
	v7 =	vadd.f32 v11, v10;
	v8 =	vadd.f32 v8, v12  }
0x6fe: {  	v10 =	vld [tilespmem:s3+$0x230]  }
0x6ff: {  	v11 =	vld [tilespmem:s3+$0xC230];
	v7 =	vshrl.u32 v7, $0x10;
	v8 =	vand.u32 $0xFFFF0000, v8  }
0x700: {  	s16 =	sadd.s32 $0x6400, s18;
	v12 =	vld [tilespmem:s9+$0x230];
	v7 =	vor.u32 v7, v8  }
0x701: {  	s12 =	sor.u32 s13, s16;
	v8 =	vld [tilespmem:s9+$0xC230];
	[tilespmem:s31+$0x70] =	vst v7;
	v7 =	vadd.f32 v15, v14;
	v13 =	vadd.f32 v13, v25  }
0x702: {  	s25 =	sadd.s32 $0x7000, s18;
	v14 =	vld [tilespmem:s12+$0x200]  }
0x703: {  	s5 =	sor.u32 s13, s25;
	v15 =	vld [tilespmem:s12+$0xC200];
	v7 =	vshrl.u32 v7, $0x10;
	v13 =	vand.u32 $0xFFFF0000, v13  }
0x704: {  	v27 =	vld [tilespmem:s5+$0x200];
	v7 =	vor.u32 v7, v13  }
0x705: {  	s11 =	sor.u32 s17, s16;
	v13 =	vld [tilespmem:s5+$0xC200];
	[tilespmem:s23+$0x70] =	vst v7  }
0x706: {  	v7 =	vadd.f32 v11, v10;
	v8 =	vadd.f32 v8, v12;
	v10 =	vld [tilespmem:s11+$0x200]  }
0x707: {  	s10 =	sor.u32 s17, s25;
	v11 =	vld [tilespmem:s11+$0xC200]  }
0x708: {  	v12 =	vld [tilespmem:s10+$0x200];
	v7 =	vshrl.u32 v7, $0x10;
	v8 =	vand.u32 $0xFFFF0000, v8  }
0x709: {  	v7 =	vor.u32 v7, v8;
	v8 =	vld [tilespmem:s10+$0xC200]  }
0x70a: {  	v28 =	vld [tilespmem:s15+$0x260];
	[tilespmem:s22+$0x30] =	vst v7;
	v7 =	vadd.f32 v15, v14;
	v13 =	vadd.f32 v13, v27  }
0x70b: {  	v14 =	vld [tilespmem:s3+$0x240]  }
0x70c: {  	s26 =	sadd.s32 $0x1B600, s28;
	v15 =	vld [tilespmem:s3+$0xC240];
	v7 =	vshrl.u32 v7, $0x10;
	v13 =	vand.u32 $0xFFFF0000, v13  }
0x70d: {  	s14 =	sadd.s32 s13, s26;
	v29 =	vld [tilespmem:s9+$0x240];
	v7 =	vor.u32 v7, v13  }
0x70e: {  	v13 =	vld [tilespmem:s9+$0xC240];
	[tilespmem:s14+$0x0] =	vst v7;
	v7 =	vadd.f32 v11, v10;
	v8 =	vadd.f32 v8, v12  }
0x70f: {  	v10 =	vld [tilespmem:s12+$0x210]  }
0x710: {  	v11 =	vld [tilespmem:s12+$0xC210];
	v7 =	vshrl.u32 v7, $0x10;
	v8 =	vand.u32 $0xFFFF0000, v8  }
0x711: {  	s23 =	sadd.s32 s17, s26;
	v12 =	vld [tilespmem:s5+$0x210];
	v7 =	vor.u32 v7, v8  }
0x712: {  	v8 =	vld [tilespmem:s5+$0xC210];
	[tilespmem:s23+$0x0] =	vst v7  }
0x713: {  	v7 =	vadd.f32 v15, v14;
	v13 =	vadd.f32 v13, v29;
	v14 =	vld [tilespmem:s11+$0x210]  }
0x714: {  	v15 =	vld [tilespmem:s11+$0xC210]  }
0x715: {  	v30 =	vld [tilespmem:s10+$0x210];
	v7 =	vshrl.u32 v7, $0x10;
	v13 =	vand.u32 $0xFFFF0000, v13  }
0x716: {  	v7 =	vor.u32 v7, v13;
	v13 =	vld [tilespmem:s10+$0xC210]  }
0x717: {  	v31 =	vld [tilespmem:s15+$0xC260];
	[tilespmem:s22+$0x40] =	vst v7;
	v7 =	vadd.f32 v11, v10;
	v8 =	vadd.f32 v8, v12  }
0x718: {  	v10 =	vld [tilespmem:s3+$0x250]  }
0x719: {  	v11 =	vld [tilespmem:s3+$0xC250];
	v7 =	vshrl.u32 v7, $0x10;
	v8 =	vand.u32 $0xFFFF0000, v8  }
0x71a: {  	v12 =	vld [tilespmem:s9+$0x250];
	v7 =	vor.u32 v7, v8  }
0x71b: {  	v8 =	vld [tilespmem:s9+$0xC250];
	[tilespmem:s14+$0x10] =	vst v7;
	v7 =	vadd.f32 v15, v14;
	v13 =	vadd.f32 v13, v30  }
0x71c: {  	v14 =	vld [tilespmem:s12+$0x220]  }
0x71d: {  	v15 =	vld [tilespmem:s12+$0xC220];
	v7 =	vshrl.u32 v7, $0x10;
	v13 =	vand.u32 $0xFFFF0000, v13  }
0x71e: {  	v32 =	vld [tilespmem:s5+$0x220];
	v7 =	vor.u32 v7, v13  }
0x71f: {  	v9 =	vadd.f32 v26, v9;
	v33 =	vld [tilespmem:s5+$0xC220];
	v13 =	vadd.f32 v31, v28;
	[tilespmem:s23+$0x10] =	vst v7  }
0x720: {  	v7 =	vld [tilespmem:s11+$0x220]  }
0x721: {  	v9 =	vshrl.u32 v9, $0x10;
	v13 =	vand.u32 $0xFFFF0000, v13;
	v34 =	vld [tilespmem:s11+$0xC220]  }
0x722: {  	v35 =	vld [tilespmem:s10+$0x220];
	v9 =	vor.u32 v9, v13  }
0x723: {  	v8 =	vadd.f32 v8, v12;
	[tilespmem:s8+$0x60] =	vst v9;
	v9 =	vadd.f32 v11, v10;
	v10 =	vld [tilespmem:s10+$0xC220]  }
0x724: {  	v14 =	vadd.f32 v15, v14;
	v11 =	vld [tilespmem:s24+$0x270]  }
0x725: {  	v15 =	vadd.f32 v33, v32;
	v8 =	vand.u32 $0xFFFF0000, v8;
	v12 =	vld [tilespmem:s24+$0xC270];
	v9 =	vshrl.u32 v9, $0x10  }
0x726: {  	v13 =	vld [tilespmem:s15+$0x270];
	v8 =	vor.u32 v9, v8  }
0x727: {  	v15 =	vand.u32 $0xFFFF0000, v15;
	v9 =	vshrl.u32 v14, $0x10;
	v14 =	vld [tilespmem:s15+$0xC270];
	[tilespmem:s22+$0x50] =	vst v8  }
0x728: {  	v8 =	vor.u32 v9, v15;
	v9 =	vld [tilespmem:s3+$0x260]  }
0x729: {  	v21 =	vld [tilespmem:s3+$0xC260]  }
0x72a: {  	v7 =	vadd.f32 v34, v7;
	[tilespmem:s14+$0x20] =	vst v8;
	v8 =	vadd.f32 v10, v35;
	v22 =	vld [tilespmem:s9+$0x260]  }
0x72b: {  	v10 =	vld [tilespmem:s12+$0x230]  }
0x72c: {  	v7 =	vshrl.u32 v7, $0x10;
	v15 =	vld [tilespmem:s12+$0xC230];
	v8 =	vand.u32 $0xFFFF0000, v8  }
0x72d: {  	v36 =	vld [tilespmem:s5+$0x230];
	v7 =	vor.u32 v7, v8  }
0x72e: {  	s31 =	simm.s32 $0x0;
	v8 =	vld [tilespmem:s5+$0xC230];
	[tilespmem:s23+$0x20] =	vst v7  }
0x72f: {  	s7 =	simm.s32 $0x300;
	s15 =	smul.u32 $0x1800, s31;
	v7 =	vld [tilespmem:s11+$0x230]  }
0x730: {  	s0 =	sand.u32 $0x300, s7;
	v37 =	vld [tilespmem:s11+$0xC230]  }
0x731: {  	s1 =	sor.u32 $0x80, s0;
	s25 =	sadd.s32 $0x6000, s15;
	v38 =	vld [tilespmem:s10+$0x230]  }
0x732: {  	s26 =	sadd.s32 $0x6C00, s15;
	s16 =	sor.u32 s1, s25;
	v39 =	vld [tilespmem:s10+$0xC230]  }
0x733: {  	s2 =	sor.u32 s1, s26;
	v40 =	vld [tilespmem:s16+$0xC200];
	v10 =	vadd.f32 v15, v10;
	v8 =	vadd.f32 v8, v36  }
0x734: {  	v20 =	vld [tilespmem:s2+$0x200]  }
0x735: {  	v15 =	vld [tilespmem:s16+$0x200];
	v10 =	vshrl.u32 v10, $0x10;
	v8 =	vand.u32 $0xFFFF0000, v8  }
0x736: {  	v8 =	vor.u32 v10, v8;
	v10 =	vld [tilespmem:s2+$0xC200]  }
0x737: {  	v23 =	vld [tilespmem:s9+$0xC260];
	v7 =	vadd.f32 v37, v7;
	[tilespmem:s14+$0x30] =	vst v8;
	v8 =	vadd.f32 v39, v38  }
0x738: {  	v41 =	vld [tilespmem:s12+$0x240]  }
0x739: {  	v7 =	vshrl.u32 v7, $0x10;
	v42 =	vld [tilespmem:s12+$0xC240];
	v8 =	vand.u32 $0xFFFF0000, v8  }
0x73a: {  	s4 =	smul.u32 $0x3000, s31;
	v43 =	vld [tilespmem:s5+$0x240];
	v7 =	vor.u32 v7, v8  }
0x73b: {  	v8 =	vld [tilespmem:s5+$0xC240];
	[tilespmem:s23+$0x30] =	vst v7;
	v7 =	vadd.f32 v40, v15;
	v10 =	vadd.f32 v10, v20  }
0x73c: {  	s31 =	sshra.s32 s4, $0x2;
	v15 =	vld [tilespmem:s11+$0x240]  }
0x73d: {  	s4 =	sadd.s32 $0x1B200, s31;
	v44 =	vld [tilespmem:s11+$0xC240];
	v7 =	vshrl.u32 v7, $0x10;
	v10 =	vand.u32 $0xFFFF0000, v10  }
0x73e: {  	s24 =	sadd.s32 s1, s4;
	v45 =	vld [tilespmem:s10+$0x240];
	v7 =	vor.u32 v7, v10  }
0x73f: {  	v3 =	vadd.f32 v4, v3;
	v4 =	vadd.f32 v6, v5;
	v10 =	vld [tilespmem:s10+$0xC240];
	[tilespmem:s24+$0x0] =	vst v7  }
0x740: {  	v7 =	vadd.f32 v42, v41;
	v8 =	vadd.f32 v8, v43;
	v46 =	vld [tilespmem:s16+$0x210]  }
0x741: {  	v3 =	vshrl.u32 v3, $0x10;
	v4 =	vand.u32 $0xFFFF0000, v4;
	v47 =	vld [tilespmem:s16+$0xC210]  }
0x742: {  	v3 =	vor.u32 v3, v4;
	v48 =	vld [tilespmem:s2+$0x210];
	v7 =	vshrl.u32 v7, $0x10;
	v8 =	vand.u32 $0xFFFF0000, v8  }
0x743: {  	[tilespmem:s29+$0x20] =	vst v3;
	v7 =	vor.u32 v7, v8;
	v8 =	vld [tilespmem:s2+$0xC210]  }
0x744: {  	[tilespmem:s14+$0x40] =	vst v7;
	v7 =	vadd.f32 v44, v15;
	v44 =	vld [tilespmem:s19+$0x230]  }
0x745: {  	v10 =	vadd.f32 v10, v45;
	v45 =	vld [tilespmem:s19+$0xC230]  }
0x746: {  	v15 =	vld [tilespmem:s12+$0x250]  }
0x747: {  	v49 =	vld [tilespmem:s12+$0xC250]  }
0x748: {  	v50 =	vld [tilespmem:s5+$0x250];
	v7 =	vshrl.u32 v7, $0x10;
	v10 =	vand.u32 $0xFFFF0000, v10  }
0x749: {  	v7 =	vor.u32 v7, v10;
	v10 =	vld [tilespmem:s5+$0xC250]  }
0x74a: {  	[tilespmem:s23+$0x40] =	vst v7;
	v7 =	vadd.f32 v47, v46;
	v8 =	vadd.f32 v8, v48;
	v46 =	vld [tilespmem:s30+$0x230]  }
0x74b: {  	v51 =	vld [tilespmem:s11+$0x250]  }
0x74c: {  	v52 =	vld [tilespmem:s11+$0xC250];
	v7 =	vshrl.u32 v7, $0x10;
	v8 =	vand.u32 $0xFFFF0000, v8  }
0x74d: {  	v53 =	vld [tilespmem:s10+$0x250];
	v7 =	vor.u32 v7, v8  }
0x74e: {  	v8 =	vld [tilespmem:s10+$0xC250];
	[tilespmem:s24+$0x10] =	vst v7  }
0x74f: {  	v7 =	vadd.f32 v49, v15;
	v10 =	vadd.f32 v10, v50;
	v15 =	vld [tilespmem:s16+$0x220]  }
0x750: {  	v54 =	vld [tilespmem:s16+$0xC220]  }
0x751: {  	v55 =	vld [tilespmem:s2+$0x220];
	v7 =	vshrl.u32 v7, $0x10;
	v10 =	vand.u32 $0xFFFF0000, v10  }
0x752: {  	v7 =	vor.u32 v7, v10;
	v10 =	vld [tilespmem:s2+$0xC220]  }
0x753: {  	[tilespmem:s14+$0x50] =	vst v7;
	v7 =	vadd.f32 v52, v51;
	v8 =	vadd.f32 v8, v53;
	v51 =	vld [tilespmem:s30+$0xC230]  }
0x754: {  	v56 =	vld [tilespmem:s12+$0x260]  }
0x755: {  	v57 =	vld [tilespmem:s12+$0xC260];
	v7 =	vshrl.u32 v7, $0x10;
	v8 =	vand.u32 $0xFFFF0000, v8  }
0x756: {  	v58 =	vld [tilespmem:s5+$0x260];
	v7 =	vor.u32 v7, v8  }
0x757: {  	v8 =	vld [tilespmem:s5+$0xC260];
	[tilespmem:s23+$0x50] =	vst v7;
	v7 =	vadd.f32 v54, v15;
	v10 =	vadd.f32 v10, v55  }
0x758: {  	v15 =	vld [tilespmem:s11+$0x260]  }
0x759: {  	v59 =	vld [tilespmem:s11+$0xC260];
	v7 =	vshrl.u32 v7, $0x10;
	v10 =	vand.u32 $0xFFFF0000, v10  }
0x75a: {  	v60 =	vld [tilespmem:s10+$0x260];
	v7 =	vor.u32 v7, v10  }
0x75b: {  	v9 =	vadd.f32 v21, v9;
	v61 =	vld [tilespmem:s10+$0xC260];
	v10 =	vadd.f32 v23, v22;
	[tilespmem:s24+$0x20] =	vst v7  }
0x75c: {  	v62 =	vld [tilespmem:s16+$0x230]  }
0x75d: {  	v7 =	vshrl.u32 v9, $0x10;
	v9 =	vand.u32 $0xFFFF0000, v10;
	v63 =	vld [tilespmem:s16+$0xC230]  }
0x75e: {  	v24 =	vld [tilespmem:s2+$0x230];
	v7 =	vor.u32 v7, v9  }
0x75f: {  	v10 =	vadd.f32 v8, v58;
	v25 =	vld [tilespmem:s2+$0xC230];
	v9 =	vadd.f32 v57, v56;
	[tilespmem:s22+$0x60] =	vst v7  }
0x760: {  	v7 =	vld [tilespmem:s3+$0x270]  }
0x761: {  	v10 =	vand.u32 $0xFFFF0000, v10;
	v8 =	vld [tilespmem:s3+$0xC270];
	v18 =	vshrl.u32 v9, $0x10  }
0x762: {  	v15 =	vadd.f32 v59, v15;
	v9 =	vld [tilespmem:s9+$0x270];
	v18 =	vor.u32 v18, v10  }
0x763: {  	v26 =	vadd.f32 v61, v60;
	v10 =	vld [tilespmem:s9+$0xC270];
	[tilespmem:s14+$0x60] =	vst v18  }
0x764: {  	v15 =	vshrl.u32 v15, $0x10;
	v18 =	vld [tilespmem:s12+$0x270]  }
0x765: {  	v16 =	vand.u32 $0xFFFF0000, v26;
	v27 =	vadd.f32 v63, v62;
	v17 =	vadd.f32 v25, v24;
	v28 =	vld [tilespmem:s12+$0xC270]  }
0x766: {  	v15 =	vor.u32 v15, v16;
	v29 =	vld [tilespmem:s5+$0x270]  }
0x767: {  	[tilespmem:s23+$0x60] =	vst v15;
	v31 =	vld [tilespmem:s5+$0xC270];
	v30 =	vshrl.u32 v27, $0x10;
	v17 =	vand.u32 $0xFFFF0000, v17  }
0x768: {  	v15 =	vld [tilespmem:s11+$0x270];
	s5 =	sor.u32 s0, s25;
	v16 =	vor.u32 v30, v17  }
0x769: {  	v36 =	vld [tilespmem:s5+$0x200];
	[tilespmem:s24+$0x30] =	vst v16  }
0x76a: {  	v32 =	vld [tilespmem:s16+$0x240]  }
0x76b: {  	v33 =	vld [tilespmem:s16+$0xC240]  }
0x76c: {  	v34 =	vld [tilespmem:s2+$0x240]  }
0x76d: {  	v35 =	vld [tilespmem:s2+$0xC240];
	v18 =	vadd.f32 v28, v18;
	v19 =	vadd.f32 v31, v29  }
0x76e: {  	s25 =	sor.u32 s0, s26;
	v37 =	vld [tilespmem:s5+$0xC200]  }
0x76f: {  	v25 =	vld [tilespmem:s25+$0x200];
	v18 =	vshrl.u32 v18, $0x10;
	v19 =	vand.u32 $0xFFFF0000, v19  }
0x770: {  	s26 =	sadd.s32 $0x6800, s18;
	v38 =	vld [tilespmem:s25+$0xC200];
	v18 =	vor.u32 v18, v19  }
0x771: {  	v11 =	vadd.f32 v12, v11;
	v12 =	vadd.f32 v14, v13;
	s12 =	sor.u32 s13, s26;
	v16 =	vld [tilespmem:s11+$0xC270];
	[tilespmem:s14+$0x70] =	vst v18  }
0x772: {  	s3 =	sadd.s32 $0x7400, s18;
	v17 =	vadd.f32 v33, v32;
	v39 =	vadd.f32 v35, v34;
	v40 =	vld [tilespmem:s12+$0x200]  }
0x773: {  	v11 =	vshrl.u32 v11, $0x10;
	v12 =	vand.u32 $0xFFFF0000, v12;
	s9 =	sor.u32 s13, s3;
	v41 =	vld [tilespmem:s12+$0xC200]  }
0x774: {  	v11 =	vor.u32 v11, v12;
	s11 =	sadd.s32 $0x1BA00, s28;
	v42 =	vld [tilespmem:s9+$0x200];
	v17 =	vshrl.u32 v17, $0x10;
	v19 =	vand.u32 $0xFFFF0000, v39  }
0x775: {  	[tilespmem:s8+$0x70] =	vst v11;
	s28 =	sadd.s32 s13, s11;
	s13 =	sor.u32 s21, s6;
	v5 =	vld [tilespmem:s9+$0xC200];
	v17 =	vor.u32 v17, v19  }
0x776: {  	v4 =	vadd.f32 v37, v36;
	v36 =	vld [tilespmem:s13+$0xC200];
	v18 =	vadd.f32 v38, v25;
	[tilespmem:s24+$0x40] =	vst v17  }
0x777: {  	v6 =	vld [tilespmem:s16+$0x250]  }
0x778: {  	v4 =	vshrl.u32 v4, $0x10;
	v18 =	vand.u32 $0xFFFF0000, v18;
	v17 =	vld [tilespmem:s16+$0xC250]  }
0x779: {  	s18 =	sadd.s32 s0, s4;
	v4 =	vor.u32 v4, v18;
	v43 =	vld [tilespmem:s2+$0x250]  }
0x77a: {  	[tilespmem:s18+$0x0] =	vst v4;
	v3 =	vld [tilespmem:s2+$0xC250];
	v22 =	vadd.f32 v41, v40;
	v5 =	vadd.f32 v5, v42  }
0x77b: {  	v4 =	vld [tilespmem:s5+$0x210]  }
0x77c: {  	v47 =	vld [tilespmem:s5+$0xC210];
	v49 =	vshrl.u32 v22, $0x10;
	v5 =	vand.u32 $0xFFFF0000, v5  }
0x77d: {  	v48 =	vld [tilespmem:s25+$0x210];
	v5 =	vor.u32 v49, v5  }
0x77e: {  	v50 =	vld [tilespmem:s25+$0xC210];
	[tilespmem:s28+$0x0] =	vst v5  }
0x77f: {  	v6 =	vadd.f32 v17, v6;
	v3 =	vadd.f32 v3, v43;
	v5 =	vld [tilespmem:s12+$0x210]  }
0x780: {  	v54 =	vld [tilespmem:s12+$0xC210]  }
0x781: {  	v55 =	vld [tilespmem:s9+$0x210];
	v6 =	vshrl.u32 v6, $0x10;
	v3 =	vand.u32 $0xFFFF0000, v3  }
0x782: {  	v56 =	vld [tilespmem:s9+$0xC210];
	v3 =	vor.u32 v6, v3  }
0x783: {  	v35 =	vld [tilespmem:s13+$0x200];
	v4 =	vadd.f32 v47, v4;
	v17 =	vadd.f32 v50, v48;
	[tilespmem:s24+$0x50] =	vst v3  }
0x784: {  	v3 =	vld [tilespmem:s16+$0x260]  }
0x785: {  	v4 =	vshrl.u32 v4, $0x10;
	v17 =	vand.u32 $0xFFFF0000, v17;
	v6 =	vld [tilespmem:s16+$0xC260]  }
0x786: {  	v4 =	vor.u32 v4, v17;
	v52 =	vld [tilespmem:s2+$0x260]  }
0x787: {  	[tilespmem:s18+$0x10] =	vst v4;
	v53 =	vld [tilespmem:s2+$0xC260];
	v60 =	vadd.f32 v54, v5;
	v17 =	vadd.f32 v56, v55  }
0x788: {  	v26 =	vld [tilespmem:s5+$0x220]  }
0x789: {  	v27 =	vld [tilespmem:s5+$0xC220];
	v61 =	vshrl.u32 v60, $0x10;
	v17 =	vand.u32 $0xFFFF0000, v17  }
0x78a: {  	v57 =	vld [tilespmem:s25+$0x220];
	v17 =	vor.u32 v61, v17  }
0x78b: {  	v58 =	vld [tilespmem:s25+$0xC220];
	[tilespmem:s28+$0x10] =	vst v17  }
0x78c: {  	v17 =	vld [tilespmem:s12+$0x220]  }
0x78d: {  	v3 =	vadd.f32 v6, v3;
	v4 =	vadd.f32 v53, v52;
	v29 =	vld [tilespmem:s12+$0xC220]  }
0x78e: {  	v18 =	vadd.f32 v51, v46;
	v30 =	vld [tilespmem:s9+$0x220]  }
0x78f: {  	v6 =	vadd.f32 v45, v44;
	v31 =	vld [tilespmem:s9+$0xC220];
	v59 =	vshrl.u32 v3, $0x10;
	v4 =	vand.u32 $0xFFFF0000, v4  }
0x790: {  	v18 =	vand.u32 $0xFFFF0000, v18;
	v3 =	vld [tilespmem:s10+$0x270];
	v21 =	vor.u32 v59, v4  }
0x791: {  	v27 =	vadd.f32 v27, v26;
	v19 =	vadd.f32 v58, v57;
	v6 =	vshrl.u32 v6, $0x10;
	v4 =	vld [tilespmem:s10+$0xC270];
	[tilespmem:s24+$0x60] =	vst v21  }
0x792: {  	v18 =	vor.u32 v6, v18;
	v5 =	vld [tilespmem:s16+$0x270]  }
0x793: {  	v28 =	vshrl.u32 v27, $0x10;
	v19 =	vand.u32 $0xFFFF0000, v19;
	[tilespmem:s29+$0x30] =	vst v18;
	v6 =	vld [tilespmem:s16+$0xC270]  }
0x794: {  	v19 =	vor.u32 v28, v19;
	v62 =	vld [tilespmem:s19+$0x240]  }
0x795: {  	[tilespmem:s18+$0x20] =	vst v19;
	v63 =	vld [tilespmem:s19+$0xC240]  }
0x796: {  	v13 =	vld [tilespmem:s5+$0x230]  }
0x797: {  	v14 =	vld [tilespmem:s5+$0xC230]  }
0x798: {  	v32 =	vld [tilespmem:s25+$0x230]  }
0x799: {  	v12 =	vld [tilespmem:s25+$0xC230]  }
0x79a: {  	s10 =	smov.u32 s30;
	v11 =	vld [tilespmem:s30+$0x240];
	s16 =	rddreg [dreg:$0x14];
	v17 =	vadd.f32 v29, v17;
	v19 =	vadd.f32 v31, v30  }
0x79b: {  	v41 =	vld [tilespmem:s10+$0xC240];
	s14 =	sor.u32 s21, s16  }
0x79c: {  	v33 =	vld [tilespmem:s14+$0x200];
	v17 =	vshrl.u32 v17, $0x10;
	v19 =	vand.u32 $0xFFFF0000, v19  }
0x79d: {  	v34 =	vld [tilespmem:s14+$0xC200];
	v17 =	vor.u32 v17, v19;
	v13 =	vadd.f32 v14, v13  }
0x79e: {  	v12 =	vadd.f32 v12, v32;
	[tilespmem:s28+$0x20] =	vst v17;
	v18 =	vadd.f32 v63, v62;
	v62 =	vld [tilespmem:s2+$0x270]  }
0x79f: {  	v14 =	vld [tilespmem:s12+$0x230]  }
0x7a0: {  	v17 =	vld [tilespmem:s12+$0xC230];
	v13 =	vshrl.u32 v13, $0x10;
	v12 =	vand.u32 $0xFFFF0000, v12  }
0x7a1: {  	v12 =	vor.u32 v13, v12;
	v13 =	vld [tilespmem:s9+$0x230]  }
0x7a2: {  	[tilespmem:s18+$0x30] =	vst v12;
	v12 =	vld [tilespmem:s9+$0xC230]  }
0x7a3: {  	v11 =	vadd.f32 v41, v11;
	v37 =	vld [tilespmem:s5+$0x240]  }
0x7a4: {  	v19 =	vadd.f32 v36, v35;
	v38 =	vld [tilespmem:s5+$0xC240]  }
0x7a5: {  	v20 =	vadd.f32 v34, v33;
	v18 =	vshrl.u32 v18, $0x10;
	v11 =	vand.u32 $0xFFFF0000, v11;
	v39 =	vld [tilespmem:s25+$0x240]  }
0x7a6: {  	v11 =	vor.u32 v18, v11;
	v40 =	vld [tilespmem:s25+$0xC240]  }
0x7a7: {  	v63 =	vld [tilespmem:s2+$0xC270];
	v19 =	vand.u32 $0xFFFF0000, v19;
	v20 =	vshrl.u32 v20, $0x10;
	[tilespmem:s29+$0x40] =	vst v11  }
0x7a8: {  	s30 =	sadd.s32 s21, s20;
	v19 =	vor.u32 v20, v19;
	v49 =	vld [tilespmem:s19+$0x250];
	v14 =	vadd.f32 v17, v14  }
0x7a9: {  	v50 =	vld [tilespmem:s19+$0xC250];
	[tilespmem:s30+$0x0] =	vst v19;
	v12 =	vadd.f32 v12, v13  }
0x7aa: {  	v42 =	vld [tilespmem:s14+$0xC210];
	v14 =	vshrl.u32 v14, $0x10  }
0x7ab: {  	v19 =	vld [tilespmem:s13+$0x210];
	v22 =	vadd.f32 v38, v37;
	v20 =	vadd.f32 v40, v39;
	v12 =	vand.u32 $0xFFFF0000, v12  }
0x7ac: {  	v13 =	vld [tilespmem:s14+$0x210];
	v12 =	vor.u32 v14, v12  }
0x7ad: {  	v14 =	vld [tilespmem:s13+$0xC210];
	v22 =	vshrl.u32 v22, $0x10;
	v20 =	vand.u32 $0xFFFF0000, v20;
	[tilespmem:s28+$0x30] =	vst v12  }
0x7ae: {  	v20 =	vor.u32 v22, v20;
	v12 =	vld [tilespmem:s12+$0x240]  }
0x7af: {  	v43 =	vld [tilespmem:s12+$0xC240];
	[tilespmem:s18+$0x40] =	vst v20  }
0x7b0: {  	v15 =	vadd.f32 v16, v15;
	v3 =	vadd.f32 v4, v3;
	v46 =	vld [tilespmem:s5+$0x250]  }
0x7b1: {  	v47 =	vld [tilespmem:s5+$0xC250]  }
0x7b2: {  	v4 =	vadd.f32 v6, v5;
	v5 =	vshrl.u32 v15, $0x10;
	v3 =	vand.u32 $0xFFFF0000, v3;
	v48 =	vld [tilespmem:s25+$0x250]  }
0x7b3: {  	v3 =	vor.u32 v5, v3;
	v11 =	vld [tilespmem:s25+$0xC250]  }
0x7b4: {  	s16 =	sor.u32 s17, s26;
	[tilespmem:s23+$0x70] =	vst v3;
	v55 =	vld [tilespmem:s10+$0xC250];
	v13 =	vadd.f32 v42, v13;
	v14 =	vadd.f32 v14, v19  }
0x7b5: {  	v40 =	vld [tilespmem:s16+$0x200]  }
0x7b6: {  	v44 =	vld [tilespmem:s9+$0x240];
	v13 =	vshrl.u32 v13, $0x10;
	v14 =	vand.u32 $0xFFFF0000, v14  }
0x7b7: {  	v45 =	vld [tilespmem:s9+$0xC240];
	v12 =	vadd.f32 v43, v12;
	v13 =	vor.u32 v13, v14  }
0x7b8: {  	v43 =	vld [tilespmem:s16+$0xC200];
	v21 =	vadd.f32 v47, v46;
	v11 =	vadd.f32 v11, v48;
	[tilespmem:s30+$0x10] =	vst v13  }
0x7b9: {  	v13 =	vld [tilespmem:s14+$0x220]  }
0x7ba: {  	v51 =	vld [tilespmem:s14+$0xC220];
	v54 =	vshrl.u32 v21, $0x10;
	v11 =	vand.u32 $0xFFFF0000, v11  }
0x7bb: {  	v52 =	vld [tilespmem:s13+$0x220];
	v11 =	vor.u32 v54, v11  }
0x7bc: {  	v53 =	vld [tilespmem:s13+$0xC220];
	[tilespmem:s18+$0x50] =	vst v11  }
0x7bd: {  	v20 =	vadd.f32 v45, v44;
	v11 =	vld [tilespmem:s5+$0x260]  }
0x7be: {  	v56 =	vld [tilespmem:s5+$0xC260]  }
0x7bf: {  	v12 =	vshrl.u32 v12, $0x10;
	v20 =	vand.u32 $0xFFFF0000, v20;
	v57 =	vld [tilespmem:s25+$0x260]  }
0x7c0: {  	v12 =	vor.u32 v12, v20;
	v58 =	vld [tilespmem:s25+$0xC260]  }
0x7c1: {  	v14 =	vld [tilespmem:s10+$0x250];
	[tilespmem:s28+$0x40] =	vst v12;
	v13 =	vadd.f32 v51, v13;
	v17 =	vadd.f32 v53, v52  }
0x7c2: {  	v12 =	vld [tilespmem:s12+$0x250]  }
0x7c3: {  	v59 =	vld [tilespmem:s12+$0xC250];
	v13 =	vshrl.u32 v13, $0x10;
	v17 =	vand.u32 $0xFFFF0000, v17  }
0x7c4: {  	v60 =	vld [tilespmem:s9+$0x250];
	v13 =	vor.u32 v13, v17  }
0x7c5: {  	v61 =	vld [tilespmem:s9+$0xC250];
	v11 =	vadd.f32 v56, v11;
	[tilespmem:s30+$0x20] =	vst v13;
	v13 =	vadd.f32 v58, v57  }
0x7c6: {  	v18 =	vadd.f32 v50, v49;
	v28 =	vld [tilespmem:s14+$0x230]  }
0x7c7: {  	v14 =	vadd.f32 v55, v14;
	v29 =	vld [tilespmem:s14+$0xC230];
	v11 =	vshrl.u32 v11, $0x10;
	v13 =	vand.u32 $0xFFFF0000, v13  }
0x7c8: {  	v30 =	vld [tilespmem:s13+$0x230];
	v11 =	vor.u32 v11, v13  }
0x7c9: {  	v14 =	vand.u32 $0xFFFF0000, v14;
	v32 =	vld [tilespmem:s13+$0xC230];
	v13 =	vshrl.u32 v18, $0x10;
	[tilespmem:s18+$0x60] =	vst v11  }
0x7ca: {  	v12 =	vadd.f32 v59, v12;
	v31 =	vadd.f32 v61, v60;
	v11 =	vor.u32 v13, v14;
	v14 =	vld [tilespmem:s5+$0x270]  }
0x7cb: {  	v33 =	vld [tilespmem:s5+$0xC270]  }
0x7cc: {  	v12 =	vshrl.u32 v12, $0x10;
	v13 =	vand.u32 $0xFFFF0000, v31;
	v39 =	vld [tilespmem:s25+$0x270]  }
0x7cd: {  	[tilespmem:s29+$0x50] =	vst v11;
	v11 =	vor.u32 v12, v13;
	v3 =	vld [tilespmem:s25+$0xC270]  }
0x7ce: {  	v13 =	vld [tilespmem:s19+$0x260];
	[tilespmem:s28+$0x50] =	vst v11;
	v12 =	vadd.f32 v29, v28;
	v18 =	vadd.f32 v32, v30  }
0x7cf: {  	v35 =	vld [tilespmem:s9+$0x260]  }
0x7d0: {  	v36 =	vld [tilespmem:s9+$0xC260];
	v12 =	vshrl.u32 v12, $0x10;
	v18 =	vand.u32 $0xFFFF0000, v18  }
0x7d1: {  	v11 =	vld [tilespmem:s12+$0x260];
	v12 =	vor.u32 v12, v18  }
0x7d2: {  	v34 =	vld [tilespmem:s12+$0xC260];
	[tilespmem:s30+$0x30] =	vst v12;
	v12 =	vadd.f32 v63, v62  }
0x7d3: {  	v37 =	vld [tilespmem:s19+$0xC260]  }
0x7d4: {  	v4 =	vshrl.u32 v4, $0x10;
	v38 =	vld [tilespmem:s10+$0x260];
	v5 =	vand.u32 $0xFFFF0000, v12  }
0x7d5: {  	s21 =	sadd.s32 $0x6400, s15;
	v60 =	vld [tilespmem:s10+$0xC260];
	v12 =	vadd.f32 v36, v35;
	v4 =	vor.u32 v4, v5  }
0x7d6: {  	s25 =	sor.u32 s1, s21;
	v6 =	vld [tilespmem:s14+$0x240];
	[tilespmem:s24+$0x70] =	vst v4  }
0x7d7: {  	v11 =	vadd.f32 v34, v11;
	v5 =	vand.u32 $0xFFFF0000, v12;
	s24 =	sadd.s32 $0x7000, s15;
	v12 =	vld [tilespmem:s25+$0x200]  }
0x7d8: {  	v41 =	vld [tilespmem:s25+$0xC200];
	s23 =	sor.u32 s1, s24  }
0x7d9: {  	v3 =	vadd.f32 v3, v39;
	v4 =	vshrl.u32 v11, $0x10;
	v11 =	vadd.f32 v33, v14;
	v14 =	vld [tilespmem:s23+$0x200]  }
0x7da: {  	v42 =	vld [tilespmem:s23+$0xC200]  }
0x7db: {  	v15 =	vld [tilespmem:s14+$0xC240];
	v3 =	vand.u32 $0xFFFF0000, v3;
	v11 =	vshrl.u32 v11, $0x10  }
0x7dc: {  	v52 =	vld [tilespmem:s13+$0x240];
	v3 =	vor.u32 v11, v3  }
0x7dd: {  	s21 =	sor.u32 s0, s21;
	v54 =	vld [tilespmem:s13+$0xC240];
	[tilespmem:s18+$0x70] =	vst v3  }
0x7de: {  	v3 =	vld [tilespmem:s21+$0x200]  }
0x7df: {  	s4 =	sor.u32 s0, s24;
	v44 =	vld [tilespmem:s21+$0xC200];
	v19 =	vadd.f32 v41, v12;
	v14 =	vadd.f32 v42, v14  }
0x7e0: {  	v45 =	vld [tilespmem:s4+$0x200]  }
0x7e1: {  	s26 =	sadd.s32 $0x1B600, s31;
	s18 =	sor.u32 s17, s3;
	v46 =	vld [tilespmem:s4+$0xC200];
	v19 =	vshrl.u32 v19, $0x10;
	v14 =	vand.u32 $0xFFFF0000, v14  }
0x7e2: {  	s24 =	sadd.s32 s1, s26;
	v47 =	vld [tilespmem:s18+$0x200];
	v14 =	vor.u32 v19, v14  }
0x7e3: {  	v13 =	vadd.f32 v37, v13;
	v16 =	vadd.f32 v60, v38;
	[tilespmem:s24+$0x0] =	vst v14;
	v14 =	vld [tilespmem:s18+$0xC200]  }
0x7e4: {  	v48 =	vld [tilespmem:s25+$0x210]  }
0x7e5: {  	v13 =	vshrl.u32 v13, $0x10;
	v16 =	vand.u32 $0xFFFF0000, v16;
	v49 =	vld [tilespmem:s25+$0xC210]  }
0x7e6: {  	v13 =	vor.u32 v13, v16;
	v3 =	vadd.f32 v44, v3;
	v17 =	vadd.f32 v46, v45;
	v50 =	vld [tilespmem:s23+$0x210]  }
0x7e7: {  	[tilespmem:s29+$0x60] =	vst v13;
	v51 =	vld [tilespmem:s23+$0xC210]  }
0x7e8: {  	v4 =	vor.u32 v4, v5;
	v38 =	vld [tilespmem:s19+$0x270];
	v3 =	vshrl.u32 v3, $0x10;
	v17 =	vand.u32 $0xFFFF0000, v17  }
0x7e9: {  	s20 =	sadd.s32 s0, s26;
	v53 =	vadd.f32 v43, v40;
	[tilespmem:s28+$0x60] =	vst v4;
	v39 =	vld [tilespmem:s19+$0xC270];
	v3 =	vor.u32 v3, v17  }
0x7ea: {  	v4 =	vld [tilespmem:s12+$0x270];
	[tilespmem:s20+$0x0] =	vst v3;
	v3 =	vadd.f32 v14, v47  }
0x7eb: {  	v5 =	vld [tilespmem:s12+$0xC270];
	v17 =	vshrl.u32 v53, $0x10  }
0x7ec: {  	v55 =	vld [tilespmem:s21+$0xC210];
	v56 =	vadd.f32 v49, v48;
	v57 =	vadd.f32 v51, v50;
	v3 =	vand.u32 $0xFFFF0000, v3  }
0x7ed: {  	s17 =	sadd.s32 s17, s11;
	v58 =	vld [tilespmem:s4+$0x210];
	v3 =	vor.u32 v17, v3  }
0x7ee: {  	v59 =	vld [tilespmem:s4+$0xC210];
	v61 =	vand.u32 $0xFFFF0000, v57;
	[tilespmem:s17+$0x0] =	vst v3;
	v3 =	vshrl.u32 v56, $0x10  }
0x7ef: {  	v14 =	vld [tilespmem:s21+$0x210];
	v3 =	vor.u32 v3, v61  }
0x7f0: {  	v11 =	vld [tilespmem:s9+$0x270];
	[tilespmem:s24+$0x10] =	vst v3  }
0x7f1: {  	v63 =	vld [tilespmem:s25+$0x220]  }
0x7f2: {  	v28 =	vld [tilespmem:s25+$0xC220]  }
0x7f3: {  	v29 =	vld [tilespmem:s23+$0x220]  }
0x7f4: {  	v17 =	vadd.f32 v59, v58;
	v14 =	vadd.f32 v55, v14;
	v30 =	vld [tilespmem:s23+$0xC220]  }
0x7f5: {  	v62 =	vld [tilespmem:s16+$0x210]  }
0x7f6: {  	v31 =	vld [tilespmem:s18+$0x210];
	v17 =	vand.u32 $0xFFFF0000, v17;
	v14 =	vshrl.u32 v14, $0x10  }
0x7f7: {  	v32 =	vld [tilespmem:s18+$0xC210];
	v14 =	vor.u32 v14, v17  }
0x7f8: {  	v6 =	vadd.f32 v15, v6;
	v15 =	vadd.f32 v54, v52;
	v3 =	vld [tilespmem:s16+$0xC210];
	[tilespmem:s20+$0x10] =	vst v14  }
0x7f9: {  	v14 =	vld [tilespmem:s21+$0x220];
	v34 =	vadd.f32 v28, v63;
	v35 =	vadd.f32 v30, v29  }
0x7fa: {  	v6 =	vshrl.u32 v6, $0x10;
	v15 =	vand.u32 $0xFFFF0000, v15;
	v33 =	vld [tilespmem:s21+$0xC220]  }
0x7fb: {  	v6 =	vor.u32 v6, v15;
	v36 =	vld [tilespmem:s4+$0x220];
	v15 =	vshrl.u32 v34, $0x10;
	v37 =	vand.u32 $0xFFFF0000, v35  }
0x7fc: {  	[tilespmem:s30+$0x40] =	vst v6;
	v13 =	vld [tilespmem:s4+$0xC220];
	v6 =	vor.u32 v15, v37  }
0x7fd: {  	v12 =	vld [tilespmem:s9+$0xC270];
	[tilespmem:s24+$0x20] =	vst v6  }
0x7fe: {  	v3 =	vadd.f32 v3, v62;
	v6 =	vadd.f32 v32, v31;
	v40 =	vld [tilespmem:s25+$0x230]  }
0x7ff: {  	v41 =	vld [tilespmem:s25+$0xC230]  }
0x800: {  	v3 =	vshrl.u32 v3, $0x10;
	v42 =	vld [tilespmem:s23+$0x230];
	v6 =	vand.u32 $0xFFFF0000, v6  }
0x801: {  	v14 =	vadd.f32 v33, v14;
	v13 =	vadd.f32 v13, v36;
	v3 =	vor.u32 v3, v6;
	v6 =	vld [tilespmem:s23+$0xC230]  }
0x802: {  	v43 =	vld [tilespmem:s14+$0xC250];
	[tilespmem:s17+$0x10] =	vst v3  }
0x803: {  	v13 =	vand.u32 $0xFFFF0000, v13;
	v3 =	vshrl.u32 v14, $0x10;
	v14 =	vld [tilespmem:s16+$0x220]  }
0x804: {  	v3 =	vor.u32 v3, v13;
	v13 =	vld [tilespmem:s16+$0xC220]  }
0x805: {  	v47 =	vld [tilespmem:s18+$0x220];
	[tilespmem:s20+$0x20] =	vst v3  }
0x806: {  	v16 =	vadd.f32 v41, v40;
	v3 =	vld [tilespmem:s21+$0x230];
	v6 =	vadd.f32 v6, v42  }
0x807: {  	v44 =	vld [tilespmem:s21+$0xC230]  }
0x808: {  	v45 =	vld [tilespmem:s4+$0x230];
	v16 =	vshrl.u32 v16, $0x10;
	v6 =	vand.u32 $0xFFFF0000, v6  }
0x809: {  	v46 =	vld [tilespmem:s4+$0xC230];
	v6 =	vor.u32 v16, v6  }
0x80a: {  	v48 =	vld [tilespmem:s18+$0xC220];
	[tilespmem:s24+$0x30] =	vst v6  }
0x80b: {  	v6 =	vld [tilespmem:s25+$0x240]  }
0x80c: {  	v49 =	vld [tilespmem:s25+$0xC240]  }
0x80d: {  	v50 =	vld [tilespmem:s23+$0x240]  }
0x80e: {  	v3 =	vadd.f32 v44, v3;
	v17 =	vadd.f32 v46, v45;
	v51 =	vld [tilespmem:s23+$0xC240]  }
0x80f: {  	v52 =	vld [tilespmem:s13+$0x250]  }
0x810: {  	v15 =	vld [tilespmem:s14+$0x250];
	v3 =	vshrl.u32 v3, $0x10;
	v17 =	vand.u32 $0xFFFF0000, v17  }
0x811: {  	v13 =	vadd.f32 v13, v14;
	v14 =	vld [tilespmem:s13+$0xC250];
	v3 =	vor.u32 v3, v17  }
0x812: {  	v16 =	vadd.f32 v48, v47;
	[tilespmem:s20+$0x30] =	vst v3;
	v3 =	vld [tilespmem:s10+$0x270]  }
0x813: {  	v53 =	vld [tilespmem:s21+$0x240];
	v6 =	vadd.f32 v49, v6;
	v18 =	vadd.f32 v51, v50  }
0x814: {  	v13 =	vshrl.u32 v13, $0x10;
	v16 =	vand.u32 $0xFFFF0000, v16;
	v54 =	vld [tilespmem:s21+$0xC240]  }
0x815: {  	v13 =	vor.u32 v13, v16;
	v55 =	vld [tilespmem:s4+$0x240];
	v6 =	vshrl.u32 v6, $0x10;
	v18 =	vand.u32 $0xFFFF0000, v18  }
0x816: {  	[tilespmem:s17+$0x20] =	vst v13;
	v13 =	vld [tilespmem:s4+$0xC240];
	v6 =	vor.u32 v6, v18  }
0x817: {  	v56 =	vld [tilespmem:s16+$0x230];
	[tilespmem:s24+$0x40] =	vst v6  }
0x818: {  	v58 =	vld [tilespmem:s25+$0x250]  }
0x819: {  	v6 =	vadd.f32 v43, v15;
	v15 =	vld [tilespmem:s25+$0xC250]  }
0x81a: {  	v14 =	vadd.f32 v14, v52;
	v59 =	vld [tilespmem:s23+$0x250]  }
0x81b: {  	v17 =	vadd.f32 v54, v53;
	v13 =	vadd.f32 v13, v55;
	v60 =	vld [tilespmem:s23+$0xC250]  }
0x81c: {  	v4 =	vadd.f32 v5, v4;
	v57 =	vld [tilespmem:s16+$0xC230];
	v14 =	vand.u32 $0xFFFF0000, v14;
	v6 =	vshrl.u32 v6, $0x10  }
0x81d: {  	v61 =	vld [tilespmem:s18+$0x230];
	v13 =	vand.u32 $0xFFFF0000, v13;
	v6 =	vor.u32 v6, v14;
	v14 =	vshrl.u32 v17, $0x10  }
0x81e: {  	v5 =	vadd.f32 v12, v11;
	[tilespmem:s30+$0x50] =	vst v6;
	v6 =	vor.u32 v14, v13;
	v13 =	vld [tilespmem:s18+$0xC230]  }
0x81f: {  	v7 =	vadd.f32 v8, v7;
	v8 =	vadd.f32 v10, v9;
	v4 =	vshrl.u32 v4, $0x10;
	[tilespmem:s20+$0x40] =	vst v6;
	v6 =	vld [tilespmem:s14+$0x260]  }
0x820: {  	v5 =	vand.u32 $0xFFFF0000, v5;
	v9 =	vld [tilespmem:s21+$0x250];
	v10 =	vadd.f32 v15, v58;
	v11 =	vadd.f32 v60, v59  }
0x821: {  	v8 =	vand.u32 $0xFFFF0000, v8;
	v4 =	vor.u32 v4, v5;
	v14 =	vshrl.u32 v7, $0x10;
	v12 =	vld [tilespmem:s21+$0xC250]  }
0x822: {  	[tilespmem:s28+$0x70] =	vst v4;
	v8 =	vor.u32 v14, v8;
	v62 =	vld [tilespmem:s4+$0x250];
	v7 =	vshrl.u32 v10, $0x10;
	v10 =	vand.u32 $0xFFFF0000, v11  }
0x823: {  	v63 =	vld [tilespmem:s4+$0xC250];
	[tilespmem:s22+$0x70] =	vst v8;
	v10 =	vor.u32 v7, v10  }
0x824: {  	v5 =	vld [tilespmem:s13+$0x260];
	v15 =	vadd.f32 v57, v56;
	v13 =	vadd.f32 v13, v61;
	[tilespmem:s24+$0x50] =	vst v10  }
0x825: {  	s8 =	smov.u32 s31;
	v11 =	vadd.f32 v39, v38;
	v7 =	vld [tilespmem:s14+$0xC260];
	s31 =	rddreg [dreg:$0x11]  }
0x826: {  	v10 =	vshrl.u32 v15, $0x10;
	v13 =	vand.u32 $0xFFFF0000, v13;
	v14 =	vadd.f32 v12, v9;
	v8 =	vld [tilespmem:s25+$0x260];
	s2 =	sadd.s32 $0x1, s31  }
0x827: {  	v9 =	vld [tilespmem:s25+$0xC260];
	v10 =	vor.u32 v10, v13;
	[dreg:$0x11] =	wrdreg s2  }
0x828: {  	s19 =	simm.s32 $0x6;
	v4 =	vshrl.u32 v11, $0x10;
	v12 =	vadd.f32 v63, v62;
	v11 =	vshrl.u32 v14, $0x10;
	[tilespmem:s17+$0x30] =	vst v10;
	v10 =	vld [tilespmem:s23+$0x260]  }
.LBB2_7:
0x829: {  	s19 =	sadd.s32 $0x2, s19  }
0x82a: {  	v13 =	vld [tilespmem:s23+$0xC260];
	s3 =	sshrl.u32 s19, $0x3  }
0x82b: {  	s7 =	sadd.s32 $0x100, s7;
	s6 =	smul.u32 $0x1800, s3  }
0x82c: {  	[dreg:$0x5] =	wrdreg s29;
	s29 =	sand.u32 $0x300, s7  }
0x82d: {  	s5 =	sor.u32 $0x80, s29;
	v6 =	vadd.f32 v7, v6;
	v7 =	vand.u32 $0xFFFF0000, v12;
	v12 =	vld [tilespmem:s16+$0x240];
	s9 =	sadd.s32 $0x6000, s6  }
0x82e: {  	s31 =	smov.u32 s10;
	v7 =	vor.u32 v11, v7;
	v11 =	vld [tilespmem:s16+$0xC240];
	s10 =	sor.u32 s5, s9  }
0x82f: {  	v8 =	vadd.f32 v9, v8;
	v9 =	vadd.f32 v13, v10;
	v10 =	vld [tilespmem:s10+$0x200]  }
0x830: {  	[tilespmem:s20+$0x50] =	vst v7;
	v13 =	vld [tilespmem:s10+$0xC200]  }
0x831: {  	v7 =	vld [tilespmem:s18+$0x240]  }
0x832: {  	s11 =	sadd.s32 $0x6C00, s6;
	v14 =	vld [tilespmem:s21+$0x260]  }
0x833: {  	s2 =	sor.u32 s29, s9;
	s9 =	sor.u32 s29, s11;
	s11 =	sor.u32 s5, s11;
	v8 =	vshrl.u32 v8, $0x10;
	v15 =	vld [tilespmem:s21+$0xC260];
	v9 =	vand.u32 $0xFFFF0000, v9  }
0x834: {  	v8 =	vor.u32 v8, v9;
	v9 =	vld [tilespmem:s11+$0xC200]  }
0x835: {  	v11 =	vadd.f32 v11, v12;
	v12 =	vld [tilespmem:s11+$0x200];
	[tilespmem:s24+$0x60] =	vst v8  }
0x836: {  	v16 =	vld [tilespmem:s23+$0x270]  }
0x837: {  	v17 =	vld [tilespmem:s23+$0xC270]  }
0x838: {  	v8 =	vshrl.u32 v11, $0x10;
	v11 =	vadd.f32 v15, v14;
	v14 =	vld [tilespmem:s25+$0x270]  }
0x839: {  	s3 =	smul.u32 $0x3000, s3;
	v15 =	vld [tilespmem:s25+$0xC270]  }
0x83a: {  	v18 =	vld [tilespmem:s2+$0x200];
	v10 =	vadd.f32 v13, v10;
	v9 =	vadd.f32 v9, v12  }
0x83b: {  	v19 =	vld [tilespmem:s9+$0xC200];
	s25 =	sshra.s32 s3, $0x2  }
0x83c: {  	v13 =	vld [tilespmem:s9+$0x200];
	s12 =	sadd.s32 $0x1B200, s25;
	v10 =	vshrl.u32 v10, $0x10;
	v9 =	vand.u32 $0xFFFF0000, v9  }
0x83d: {  	s23 =	sadd.s32 s5, s12;
	v12 =	vld [tilespmem:s2+$0xC200];
	v9 =	vor.u32 v10, v9  }
0x83e: {  	v10 =	vadd.f32 v15, v14;
	v14 =	vadd.f32 v17, v16;
	[tilespmem:s23+$0x0] =	vst v9;
	v9 =	vld [tilespmem:s4+$0x260]  }
0x83f: {  	v15 =	vld [tilespmem:s10+$0x210]  }
0x840: {  	v57 =	vld [tilespmem:s10+$0xC210];
	v10 =	vshrl.u32 v10, $0x10;
	v14 =	vand.u32 $0xFFFF0000, v14  }
0x841: {  	s28 =	sadd.s32 $0x6800, s15;
	v58 =	vld [tilespmem:s11+$0x210];
	v10 =	vor.u32 v10, v14  }
0x842: {  	v13 =	vadd.f32 v19, v13;
	v12 =	vadd.f32 v12, v18;
	v14 =	vld [tilespmem:s11+$0xC210];
	[tilespmem:s24+$0x70] =	vst v10;
	s24 =	sor.u32 s1, s28  }
0x843: {  	s26 =	sadd.s32 $0x7400, s15;
	v10 =	vld [tilespmem:s24+$0x200]  }
0x844: {  	s3 =	sadd.s32 s29, s12;
	s12 =	sor.u32 s1, s26;
	v13 =	vand.u32 $0xFFFF0000, v13;
	v12 =	vshrl.u32 v12, $0x10;
	v59 =	vld [tilespmem:s24+$0xC200]  }
0x845: {  	v12 =	vor.u32 v12, v13;
	v13 =	vld [tilespmem:s12+$0x200]  }
0x846: {  	[tilespmem:s3+$0x0] =	vst v12;
	v12 =	vld [tilespmem:s12+$0xC200]  }
0x847: {  	v60 =	vld [tilespmem:s2+$0x210];
	v15 =	vadd.f32 v57, v15;
	v14 =	vadd.f32 v14, v58  }
0x848: {  	v61 =	vld [tilespmem:s2+$0xC210]  }
0x849: {  	v62 =	vld [tilespmem:s9+$0x210];
	v15 =	vshrl.u32 v15, $0x10;
	v14 =	vand.u32 $0xFFFF0000, v14  }
0x84a: {  	v20 =	vld [tilespmem:s9+$0xC210];
	v14 =	vor.u32 v15, v14  }
0x84b: {  	v10 =	vadd.f32 v59, v10;
	v12 =	vadd.f32 v12, v13;
	[tilespmem:s23+$0x10] =	vst v14;
	v14 =	vld [tilespmem:s4+$0xC260]  }
0x84c: {  	v13 =	vld [tilespmem:s10+$0x220]  }
0x84d: {  	s22 =	sor.u32 s0, s28;
	s28 =	sor.u32 s0, s26;
	s26 =	sadd.s32 $0x1BA00, s8;
	v10 =	vshrl.u32 v10, $0x10;
	v63 =	vld [tilespmem:s10+$0xC220];
	v12 =	vand.u32 $0xFFFF0000, v12  }
0x84e: {  	s15 =	smov.u32 s6;
	s6 =	sadd.s32 s0, s26;
	s26 =	sadd.s32 s1, s26;
	v21 =	vld [tilespmem:s11+$0x220];
	v10 =	vor.u32 v10, v12  }
0x84f: {  	v15 =	vadd.f32 v61, v60;
	v22 =	vld [tilespmem:s11+$0xC220];
	v12 =	vadd.f32 v20, v62;
	[tilespmem:s26+$0x0] =	vst v10  }
0x850: {  	v10 =	vld [tilespmem:s24+$0x210];
	v9 =	vadd.f32 v14, v9  }
0x851: {  	v15 =	vshrl.u32 v15, $0x10;
	v12 =	vand.u32 $0xFFFF0000, v12;
	v14 =	vld [tilespmem:s24+$0xC210]  }
0x852: {  	v11 =	vshrl.u32 v11, $0x10;
	v12 =	vor.u32 v15, v12;
	v15 =	vld [tilespmem:s12+$0x210];
	v9 =	vand.u32 $0xFFFF0000, v9  }
0x853: {  	[tilespmem:s3+$0x10] =	vst v12;
	v9 =	vor.u32 v11, v9;
	v11 =	vld [tilespmem:s12+$0xC210]  }
0x854: {  	v13 =	vadd.f32 v63, v13;
	v23 =	vadd.f32 v22, v21;
	v12 =	vld [tilespmem:s2+$0x220];
	[tilespmem:s20+$0x60] =	vst v9  }
0x855: {  	v9 =	vld [tilespmem:s2+$0xC220]  }
0x856: {  	v13 =	vshrl.u32 v13, $0x10;
	v16 =	vand.u32 $0xFFFF0000, v23;
	v24 =	vld [tilespmem:s9+$0x220]  }
0x857: {  	v13 =	vor.u32 v13, v16;
	v25 =	vld [tilespmem:s9+$0xC220]  }
0x858: {  	[tilespmem:s23+$0x20] =	vst v13;
	v13 =	vld [tilespmem:s21+$0x270];
	v10 =	vadd.f32 v14, v10;
	v11 =	vadd.f32 v11, v15  }
0x859: {  	v14 =	vld [tilespmem:s10+$0x230]  }
0x85a: {  	v26 =	vld [tilespmem:s11+$0xC230];
	v10 =	vshrl.u32 v10, $0x10;
	v11 =	vand.u32 $0xFFFF0000, v11  }
0x85b: {  	v15 =	vld [tilespmem:s11+$0x230];
	v10 =	vor.u32 v10, v11  }
0x85c: {  	v9 =	vadd.f32 v9, v12;
	v12 =	vld [tilespmem:s10+$0xC230];
	v11 =	vadd.f32 v25, v24;
	[tilespmem:s26+$0x10] =	vst v10  }
0x85d: {  	v10 =	vld [tilespmem:s24+$0x220]  }
0x85e: {  	v9 =	vshrl.u32 v9, $0x10;
	v11 =	vand.u32 $0xFFFF0000, v11;
	v27 =	vld [tilespmem:s24+$0xC220]  }
0x85f: {  	v9 =	vor.u32 v9, v11;
	v11 =	vld [tilespmem:s12+$0x220]  }
0x860: {  	[tilespmem:s3+$0x20] =	vst v9;
	v9 =	vld [tilespmem:s12+$0xC220]  }
0x861: {  	v12 =	vadd.f32 v12, v14;
	v14 =	vadd.f32 v26, v15;
	v28 =	vld [tilespmem:s2+$0x230]  }
0x862: {  	v15 =	vld [tilespmem:s2+$0xC230]  }
0x863: {  	v29 =	vld [tilespmem:s9+$0x230];
	v12 =	vshrl.u32 v12, $0x10;
	v14 =	vand.u32 $0xFFFF0000, v14  }
0x864: {  	v30 =	vld [tilespmem:s9+$0xC230];
	v12 =	vor.u32 v12, v14  }
0x865: {  	v10 =	vadd.f32 v27, v10;
	[tilespmem:s23+$0x30] =	vst v12;
	v12 =	vld [tilespmem:s21+$0xC270];
	v9 =	vadd.f32 v9, v11  }
0x866: {  	v11 =	vld [tilespmem:s10+$0x240]  }
0x867: {  	v10 =	vshrl.u32 v10, $0x10;
	v31 =	vld [tilespmem:s11+$0x240];
	v9 =	vand.u32 $0xFFFF0000, v9  }
0x868: {  	v32 =	vld [tilespmem:s11+$0xC240];
	v9 =	vor.u32 v10, v9  }
0x869: {  	v14 =	vadd.f32 v15, v28;
	v15 =	vld [tilespmem:s10+$0xC240];
	v10 =	vadd.f32 v30, v29;
	[tilespmem:s26+$0x20] =	vst v9  }
0x86a: {  	v9 =	vadd.f32 v12, v13;
	v12 =	vld [tilespmem:s24+$0x230]  }
0x86b: {  	v14 =	vshrl.u32 v14, $0x10;
	v10 =	vand.u32 $0xFFFF0000, v10;
	v13 =	vld [tilespmem:s24+$0xC230]  }
0x86c: {  	v10 =	vor.u32 v14, v10;
	v14 =	vld [tilespmem:s12+$0x230]  }
0x86d: {  	[tilespmem:s3+$0x30] =	vst v10;
	v10 =	vld [tilespmem:s12+$0xC230]  }
0x86e: {  	v11 =	vadd.f32 v15, v11;
	v15 =	vadd.f32 v32, v31;
	v33 =	vld [tilespmem:s2+$0x240]  }
0x86f: {  	v34 =	vld [tilespmem:s2+$0xC240]  }
0x870: {  	v35 =	vld [tilespmem:s9+$0x240];
	v11 =	vshrl.u32 v11, $0x10;
	v15 =	vand.u32 $0xFFFF0000, v15  }
0x871: {  	v36 =	vld [tilespmem:s9+$0xC240];
	v11 =	vor.u32 v11, v15  }
0x872: {  	[tilespmem:s23+$0x40] =	vst v11;
	v11 =	vld [tilespmem:s4+$0x270];
	v12 =	vadd.f32 v13, v12;
	v10 =	vadd.f32 v10, v14  }
0x873: {  	v13 =	vld [tilespmem:s10+$0x250]  }
0x874: {  	v15 =	vld [tilespmem:s10+$0xC250];
	v12 =	vshrl.u32 v12, $0x10;
	v10 =	vand.u32 $0xFFFF0000, v10  }
0x875: {  	v37 =	vld [tilespmem:s11+$0x250];
	v10 =	vor.u32 v12, v10  }
0x876: {  	v38 =	vld [tilespmem:s11+$0xC250];
	v14 =	vadd.f32 v34, v33;
	v12 =	vadd.f32 v36, v35;
	[tilespmem:s26+$0x30] =	vst v10  }
0x877: {  	v10 =	vld [tilespmem:s24+$0x240]  }
0x878: {  	v14 =	vshrl.u32 v14, $0x10;
	v12 =	vand.u32 $0xFFFF0000, v12;
	v39 =	vld [tilespmem:s24+$0xC240]  }
0x879: {  	v12 =	vor.u32 v14, v12;
	v14 =	vld [tilespmem:s12+$0x240]  }
0x87a: {  	[tilespmem:s3+$0x40] =	vst v12;
	v12 =	vld [tilespmem:s12+$0xC240]  }
0x87b: {  	v13 =	vadd.f32 v15, v13;
	v15 =	vadd.f32 v38, v37;
	v40 =	vld [tilespmem:s2+$0x250]  }
0x87c: {  	v41 =	vld [tilespmem:s2+$0xC250]  }
0x87d: {  	v13 =	vshrl.u32 v13, $0x10;
	v15 =	vand.u32 $0xFFFF0000, v15;
	v42 =	vld [tilespmem:s9+$0x250]  }
0x87e: {  	v13 =	vor.u32 v13, v15;
	v43 =	vld [tilespmem:s9+$0xC250]  }
0x87f: {  	[tilespmem:s23+$0x50] =	vst v13;
	v13 =	vld [tilespmem:s4+$0xC270];
	v10 =	vadd.f32 v39, v10;
	v12 =	vadd.f32 v12, v14  }
0x880: {  	v44 =	vld [tilespmem:s10+$0xC260]  }
0x881: {  	v45 =	vld [tilespmem:s11+$0x260];
	v10 =	vshrl.u32 v10, $0x10;
	v12 =	vand.u32 $0xFFFF0000, v12  }
0x882: {  	v46 =	vld [tilespmem:s11+$0xC260];
	v10 =	vor.u32 v10, v12  }
0x883: {  	v14 =	vld [tilespmem:s10+$0x260];
	v15 =	vadd.f32 v41, v40;
	v12 =	vadd.f32 v43, v42;
	[tilespmem:s26+$0x40] =	vst v10  }
0x884: {  	v10 =	vadd.f32 v13, v11;
	v11 =	vld [tilespmem:s24+$0x250]  }
0x885: {  	v15 =	vshrl.u32 v15, $0x10;
	v12 =	vand.u32 $0xFFFF0000, v12;
	v13 =	vld [tilespmem:s24+$0xC250]  }
0x886: {  	v9 =	vshrl.u32 v9, $0x10;
	v12 =	vor.u32 v15, v12;
	v10 =	vand.u32 $0xFFFF0000, v10;
	v15 =	vld [tilespmem:s12+$0x250]  }
0x887: {  	[tilespmem:s3+$0x50] =	vst v12;
	v9 =	vor.u32 v9, v10;
	v10 =	vld [tilespmem:s12+$0xC250]  }
0x888: {  	v47 =	vadd.f32 v46, v45;
	v14 =	vadd.f32 v44, v14;
	v12 =	vld [tilespmem:s2+$0x260];
	[tilespmem:s20+$0x70] =	vst v9  }
0x889: {  	v9 =	vld [tilespmem:s2+$0xC260]  }
0x88a: {  	v16 =	vand.u32 $0xFFFF0000, v47;
	v14 =	vshrl.u32 v14, $0x10;
	v48 =	vld [tilespmem:s9+$0x260]  }
0x88b: {  	v14 =	vor.u32 v14, v16;
	v49 =	vld [tilespmem:s9+$0xC260]  }
0x88c: {  	[tilespmem:s23+$0x60] =	vst v14;
	v14 =	vld [tilespmem:s22+$0x200];
	v11 =	vadd.f32 v13, v11;
	v10 =	vadd.f32 v10, v15  }
0x88d: {  	v13 =	vld [tilespmem:s10+$0x270]  }
0x88e: {  	v50 =	vld [tilespmem:s11+$0xC270];
	v11 =	vshrl.u32 v11, $0x10;
	v10 =	vand.u32 $0xFFFF0000, v10  }
0x88f: {  	v15 =	vld [tilespmem:s11+$0x270];
	v10 =	vor.u32 v11, v10  }
0x890: {  	v9 =	vadd.f32 v9, v12;
	v12 =	vld [tilespmem:s10+$0xC270];
	v11 =	vadd.f32 v49, v48;
	[tilespmem:s26+$0x50] =	vst v10  }
0x891: {  	v10 =	vld [tilespmem:s24+$0x260]  }
0x892: {  	v9 =	vshrl.u32 v9, $0x10;
	v11 =	vand.u32 $0xFFFF0000, v11;
	v51 =	vld [tilespmem:s24+$0xC260]  }
0x893: {  	v9 =	vor.u32 v9, v11;
	v11 =	vld [tilespmem:s12+$0x260]  }
0x894: {  	[tilespmem:s3+$0x60] =	vst v9;
	v9 =	vld [tilespmem:s12+$0xC260]  }
0x895: {  	v12 =	vadd.f32 v12, v13;
	v13 =	vadd.f32 v50, v15;
	v52 =	vld [tilespmem:s2+$0x270]  }
0x896: {  	v15 =	vld [tilespmem:s2+$0xC270]  }
0x897: {  	v53 =	vld [tilespmem:s9+$0x270];
	v12 =	vshrl.u32 v12, $0x10;
	v13 =	vand.u32 $0xFFFF0000, v13  }
0x898: {  	s1 =	smov.u32 s5;
	s20 =	sadd.s32 $0x6400, s15;
	v54 =	vld [tilespmem:s9+$0xC270];
	v12 =	vor.u32 v12, v13  }
0x899: {  	s8 =	smov.u32 s25;
	s25 =	sor.u32 s1, s20;
	v10 =	vadd.f32 v51, v10;
	[tilespmem:s23+$0x70] =	vst v12;
	v12 =	vld [tilespmem:s22+$0xC200];
	v9 =	vadd.f32 v9, v11  }
0x89a: {  	s0 =	smov.u32 s29;
	s23 =	sadd.s32 $0x7000, s15;
	v11 =	vld [tilespmem:s25+$0x200]  }
0x89b: {  	s4 =	sor.u32 s0, s23;
	s23 =	sor.u32 s1, s23;
	v10 =	vshrl.u32 v10, $0x10;
	v13 =	vadd.f32 v15, v52;
	v15 =	vld [tilespmem:s25+$0xC200];
	v9 =	vand.u32 $0xFFFF0000, v9  }
0x89c: {  	v55 =	vld [tilespmem:s23+$0x200];
	v9 =	vor.u32 v10, v9  }
0x89d: {  	v56 =	vld [tilespmem:s23+$0xC200];
	v10 =	vadd.f32 v54, v53;
	[tilespmem:s26+$0x60] =	vst v9  }
0x89e: {  	v9 =	vadd.f32 v12, v14;
	v12 =	vld [tilespmem:s24+$0x270]  }
0x89f: {  	v13 =	vshrl.u32 v13, $0x10;
	v10 =	vand.u32 $0xFFFF0000, v10;
	v14 =	vld [tilespmem:s24+$0xC270]  }
0x8a0: {  	v10 =	vor.u32 v13, v10;
	v13 =	vld [tilespmem:s12+$0x270]  }
0x8a1: {  	s21 =	sor.u32 s0, s20;
	[tilespmem:s3+$0x70] =	vst v10;
	v10 =	vld [tilespmem:s12+$0xC270]  }
0x8a2: {  	v57 =	vld [tilespmem:s21+$0x200]  }
0x8a3: {  	v11 =	vadd.f32 v15, v11;
	v15 =	vadd.f32 v56, v55;
	v58 =	vld [tilespmem:s21+$0xC200]  }
0x8a4: {  	v59 =	vld [tilespmem:s4+$0x200]  }
0x8a5: {  	s24 =	sadd.s32 $0x1B600, s8;
	v60 =	vld [tilespmem:s4+$0xC200];
	v11 =	vshrl.u32 v11, $0x10;
	v15 =	vand.u32 $0xFFFF0000, v15  }
0x8a6: {  	s20 =	sadd.s32 s0, s24;
	s24 =	sadd.s32 s1, s24;
	v11 =	vor.u32 v11, v15;
	v15 =	vld [tilespmem:s28+$0x200]  }
0x8a7: {  	v12 =	vadd.f32 v14, v12;
	[tilespmem:s24+$0x0] =	vst v11;
	v11 =	vld [tilespmem:s28+$0xC200];
	v10 =	vadd.f32 v10, v13;
	_ =	sdelay $0x1  }
0x8a8: {  	v14 =	vld [tilespmem:s25+$0x210];
	v12 =	vshrl.u32 v12, $0x10;
	v10 =	vand.u32 $0xFFFF0000, v10  }
0x8a9: {  	v61 =	vld [tilespmem:s25+$0xC210];
	v13 =	vadd.f32 v58, v57;
	v10 =	vor.u32 v12, v10;
	v12 =	vadd.f32 v60, v59  }
0x8aa: {  	v62 =	vld [tilespmem:s23+$0x210]  }
0x8ab: {  	v13 =	vshrl.u32 v13, $0x10;
	v11 =	vadd.f32 v11, v15;
	v15 =	vld [tilespmem:s18+$0xC240];
	[tilespmem:s26+$0x70] =	vst v10;
	v12 =	vand.u32 $0xFFFF0000, v12  }
0x8ac: {  	v10 =	vld [tilespmem:s23+$0xC210];
	v12 =	vor.u32 v13, v12  }
0x8ad: {  	v13 =	vld [tilespmem:s13+$0xC260];
	[tilespmem:s20+$0x0] =	vst v12  }
0x8ae: {  	v9 =	vshrl.u32 v9, $0x10;
	v11 =	vand.u32 $0xFFFF0000, v11;
	v12 =	vld [tilespmem:s31+$0xC270]  }
0x8af: {  	v9 =	vor.u32 v9, v11;
	v63 =	vld [tilespmem:s21+$0x210]  }
0x8b0: {  	v14 =	vadd.f32 v61, v14;
	v11 =	vld [tilespmem:s21+$0xC210];
	[tilespmem:s6+$0x0] =	vst v9  }
0x8b1: {  	v7 =	vadd.f32 v15, v7;
	v9 =	vld [tilespmem:s4+$0x210];
	v10 =	vadd.f32 v10, v62  }
0x8b2: {  	v15 =	vld [tilespmem:s4+$0xC210]  }
0x8b3: {  	v14 =	vshrl.u32 v14, $0x10;
	v7 =	vand.u32 $0xFFFF0000, v7;
	v10 =	vand.u32 $0xFFFF0000, v10  }
0x8b4: {  	v5 =	vadd.f32 v13, v5;
	v13 =	vld [tilespmem:s22+$0x210];
	v10 =	vor.u32 v14, v10;
	v3 =	vadd.f32 v12, v3  }
0x8b5: {  	v6 =	vshrl.u32 v6, $0x10;
	v7 =	vor.u32 v8, v7;
	[tilespmem:s24+$0x10] =	vst v10;
	v10 =	vld [tilespmem:s22+$0xC210]  }
0x8b6: {  	v5 =	vand.u32 $0xFFFF0000, v5;
	v8 =	vadd.f32 v11, v63;
	v11 =	vld [tilespmem:s25+$0x220];
	v3 =	vand.u32 $0xFFFF0000, v3  }
0x8b7: {  	[tilespmem:s17+$0x40] =	vst v7;
	v5 =	vor.u32 v6, v5;
	v6 =	vld [tilespmem:s25+$0xC220];
	v3 =	vor.u32 v4, v3;
	v4 =	vadd.f32 v15, v9  }
0x8b8: {  	s31 =	rddreg [dreg:$0x5];
	[tilespmem:s30+$0x60] =	vst v5;
	v7 =	vld [tilespmem:s23+$0x220]  }
0x8b9: {  	s10 =	smov.u32 s13;
	s13 =	smov.u32 s18;
	s18 =	smov.u32 s28;
	v5 =	vshrl.u32 v8, $0x10;
	[tilespmem:s31+$0x70] =	vst v3;
	v3 =	vld [tilespmem:s23+$0xC220];
	v4 =	vand.u32 $0xFFFF0000, v4  }
0x8ba: {  	v9 =	vld [tilespmem:s18+$0x210];
	v4 =	vor.u32 v5, v4  }
0x8bb: {  	v5 =	vld [tilespmem:s18+$0xC210];
	[tilespmem:s20+$0x10] =	vst v4  }
0x8bc: {  	v8 =	vadd.f32 v10, v13;
	v10 =	vld [tilespmem:s21+$0x220]  }
0x8bd: {  	v12 =	vld [tilespmem:s21+$0xC220]  }
0x8be: {  	v6 =	vadd.f32 v6, v11;
	v11 =	vld [tilespmem:s4+$0xC220];
	v3 =	vadd.f32 v3, v7  }
0x8bf: {  	v4 =	vshrl.u32 v8, $0x10;
	v7 =	vld [tilespmem:s4+$0x220]  }
0x8c0: {  	v8 =	vld [tilespmem:s16+$0x250];
	v6 =	vshrl.u32 v6, $0x10;
	v3 =	vand.u32 $0xFFFF0000, v3;
	v5 =	vadd.f32 v5, v9  }
0x8c1: {  	v3 =	vor.u32 v6, v3;
	v6 =	vld [tilespmem:s16+$0xC250]  }
0x8c2: {  	[tilespmem:s24+$0x20] =	vst v3;
	v3 =	vand.u32 $0xFFFF0000, v5;
	v5 =	vld [tilespmem:s13+$0x250]  }
0x8c3: {  	s29 =	smov.u32 s30;
	s30 =	smov.u32 s17;
	s17 =	smov.u32 s6;
	v9 =	vadd.f32 v12, v10;
	v10 =	vld [tilespmem:s25+$0x230];
	v3 =	vor.u32 v4, v3  }
0x8c4: {  	v4 =	vld [tilespmem:s25+$0xC230];
	[tilespmem:s17+$0x10] =	vst v3;
	v3 =	vadd.f32 v11, v7  }
0x8c5: {  	v7 =	vshrl.u32 v9, $0x10;
	v9 =	vld [tilespmem:s23+$0x230]  }
0x8c6: {  	v11 =	vld [tilespmem:s23+$0xC230];
	v3 =	vand.u32 $0xFFFF0000, v3  }
0x8c7: {  	v6 =	vadd.f32 v6, v8;
	v8 =	vld [tilespmem:s22+$0x220];
	v3 =	vor.u32 v7, v3  }
0x8c8: {  	v7 =	vld [tilespmem:s22+$0xC220];
	[tilespmem:s20+$0x20] =	vst v3  }
0x8c9: {  	v12 =	vld [tilespmem:s21+$0x230]  }
0x8ca: {  	v13 =	vld [tilespmem:s21+$0xC230]  }
0x8cb: {  	v4 =	vadd.f32 v4, v10;
	v9 =	vadd.f32 v11, v9;
	v10 =	vld [tilespmem:s4+$0x230]  }
0x8cc: {  	v11 =	vld [tilespmem:s4+$0xC230]  }
0x8cd: {  	v3 =	vld [tilespmem:s18+$0x220];
	v4 =	vshrl.u32 v4, $0x10;
	v9 =	vand.u32 $0xFFFF0000, v9;
	v7 =	vadd.f32 v7, v8  }
0x8ce: {  	v4 =	vor.u32 v4, v9;
	v8 =	vld [tilespmem:s18+$0xC220]  }
0x8cf: {  	[tilespmem:s24+$0x30] =	vst v4;
	v4 =	vshrl.u32 v7, $0x10;
	v7 =	vld [tilespmem:s13+$0xC250]  }
0x8d0: {  	v9 =	vadd.f32 v13, v12;
	v12 =	vld [tilespmem:s25+$0x240]  }
0x8d1: {  	v13 =	vld [tilespmem:s25+$0xC240];
	v10 =	vadd.f32 v11, v10  }
0x8d2: {  	v11 =	vld [tilespmem:s23+$0x240]  }
0x8d3: {  	v14 =	vld [tilespmem:s23+$0xC240];
	v9 =	vshrl.u32 v9, $0x10;
	v3 =	vadd.f32 v8, v3;
	v8 =	vand.u32 $0xFFFF0000, v10  }
0x8d4: {  	v8 =	vor.u32 v9, v8;
	v9 =	vld [tilespmem:s14+$0xC270];
	v5 =	vadd.f32 v7, v5  }
0x8d5: {  	v7 =	vld [tilespmem:s14+$0x270];
	v3 =	vand.u32 $0xFFFF0000, v3;
	[tilespmem:s20+$0x30] =	vst v8  }
0x8d6: {  	v6 =	vshrl.u32 v6, $0x10;
	v4 =	vor.u32 v4, v3;
	v3 =	vld [tilespmem:s10+$0x270];
	v5 =	vand.u32 $0xFFFF0000, v5  }
0x8d7: {  	v8 =	vld [tilespmem:s21+$0x240];
	[tilespmem:s17+$0x20] =	vst v4;
	v4 =	vor.u32 v6, v5  }
0x8d8: {  	v5 =	vld [tilespmem:s21+$0xC240];
	[tilespmem:s30+$0x50] =	vst v4  }
0x8d9: {  	v10 =	vadd.f32 v14, v11;
	v6 =	vadd.f32 v13, v12;
	v11 =	vld [tilespmem:s4+$0x240]  }
0x8da: {  	v12 =	vld [tilespmem:s4+$0xC240]  }
0x8db: {  	s14 =	smov.u32 s16;
	s16 =	smov.u32 s22;
	v4 =	vshrl.u32 v6, $0x10;
	v6 =	vand.u32 $0xFFFF0000, v10  }
0x8dc: {  	v7 =	vadd.f32 v9, v7;
	v9 =	vld [tilespmem:s16+$0xC230];
	v4 =	vor.u32 v4, v6  }
0x8dd: {  	v6 =	vld [tilespmem:s16+$0x230];
	[tilespmem:s24+$0x40] =	vst v4  }
0x8de: {  	v4 =	vshrl.u32 v7, $0x10;
	v7 =	vld [tilespmem:s25+$0x250]  }
0x8df: {  	v5 =	vadd.f32 v5, v8;
	v8 =	vld [tilespmem:s25+$0xC250];
	v10 =	vadd.f32 v12, v11  }
0x8e0: {  	v11 =	vld [tilespmem:s23+$0x250]  }
0x8e1: {  	v5 =	vshrl.u32 v5, $0x10;
	v12 =	vld [tilespmem:s23+$0xC250];
	v10 =	vand.u32 $0xFFFF0000, v10  }
0x8e2: {  	v6 =	vadd.f32 v9, v6;
	v9 =	vld [tilespmem:s18+$0x230];
	v5 =	vor.u32 v5, v10  }
0x8e3: {  	v10 =	vld [tilespmem:s18+$0xC230];
	[tilespmem:s20+$0x40] =	vst v5  }
0x8e4: {  	v13 =	vshrl.u32 v6, $0x10;
	v6 =	vld [tilespmem:s14+$0x260]  }
0x8e5: {  	v14 =	vld [tilespmem:s21+$0x250]  }
0x8e6: {  	v5 =	vadd.f32 v8, v7;
	v15 =	vld [tilespmem:s21+$0xC250];
	v7 =	vadd.f32 v12, v11  }
0x8e7: {  	v11 =	vld [tilespmem:s4+$0x250]  }
0x8e8: {  	p0 =	slt.u32 s19, $0x1E;
	v12 =	vld [tilespmem:s4+$0xC250];
	v5 =	vshrl.u32 v5, $0x10;
	v7 =	vand.u32 $0xFFFF0000, v7  }
.Ltmp2:
0x8e9: {  	v8 =	vadd.f32 v10, v9;
	v5 =	vor.u32 v5, v7;
	v7 =	vld [tilespmem:s14+$0xC260];
	(pc) =	sbr.rel @p0 .LBB2_7-.Ltmp2, $4  }
0x8ea: {  	[tilespmem:s24+$0x50] =	vst v5;
	v5 =	vld [tilespmem:s13+$0x260]  }
0x8eb: {  	v9 =	vand.u32 $0xFFFF0000, v8;
	v10 =	vadd.f32 v15, v14;
	v8 =	vld [tilespmem:s25+$0x260]  }
0x8ec: {  	v13 =	vor.u32 v13, v9;
	v9 =	vld [tilespmem:s25+$0xC260]  }
0x8ed: {  	v12 =	vadd.f32 v12, v11;
	[tilespmem:s17+$0x30] =	vst v13;
	v11 =	vshrl.u32 v10, $0x10;
	v10 =	vld [tilespmem:s23+$0x260]  }
0x8ee: {  	v13 =	vld [tilespmem:s23+$0xC260];
	_ =	sdelay $0x4  }
0x8ef: {  	v8 =	vadd.f32 v9, v8;
	v49 =	vadd.f32 v13, v10;
	_ =	sdelay $0x1  }
0x8f0: {  	v8 =	vshrl.u32 v8, $0x10;
	v9 =	vand.u32 $0xFFFF0000, v49  }
0x8f1: {  	v8 =	vor.u32 v8, v9  }
0x8f2: {  	[tilespmem:s24+$0x60] =	vst v8  }
0x8f3: {  	v8 =	vld [tilespmem:s25+$0x270]  }
0x8f4: {  	v12 =	vand.u32 $0xFFFF0000, v12;
	v50 =	vld [tilespmem:s25+$0xC270]  }
0x8f5: {  	v11 =	vor.u32 v11, v12;
	v51 =	vld [tilespmem:s23+$0x270]  }
0x8f6: {  	[tilespmem:s20+$0x50] =	vst v11;
	v52 =	vld [tilespmem:s23+$0xC270]  }
0x8f7: {  	v54 =	vld [tilespmem:s21+$0x260]  }
0x8f8: {  	v11 =	vld [tilespmem:s21+$0xC260]  }
0x8f9: {  	v55 =	vld [tilespmem:s4+$0x260]  }
0x8fa: {  	v56 =	vld [tilespmem:s4+$0xC260]  }
0x8fb: {  	v8 =	vadd.f32 v50, v8;
	v53 =	vadd.f32 v52, v51;
	_ =	sdelay $0x1  }
0x8fc: {  	v8 =	vshrl.u32 v8, $0x10;
	v9 =	vand.u32 $0xFFFF0000, v53  }
0x8fd: {  	s2 =	sadd.s32 $0x6800, s15;
	v8 =	vor.u32 v8, v9  }
0x8fe: {  	s5 =	sor.u32 s1, s2;
	v10 =	vadd.f32 v11, v54;
	[tilespmem:s24+$0x70] =	vst v8;
	v8 =	vadd.f32 v56, v55  }
0x8ff: {  	s3 =	sadd.s32 $0x7400, s15;
	v57 =	vld [tilespmem:s5+$0x200]  }
0x900: {  	s6 =	sor.u32 s1, s3;
	v10 =	vshrl.u32 v10, $0x10;
	v58 =	vld [tilespmem:s5+$0xC200];
	v8 =	vand.u32 $0xFFFF0000, v8  }
0x901: {  	v14 =	vld [tilespmem:s6+$0x200];
	v8 =	vor.u32 v10, v8  }
0x902: {  	v15 =	vld [tilespmem:s6+$0xC200];
	[tilespmem:s20+$0x60] =	vst v8  }
0x903: {  	v8 =	vld [tilespmem:s21+$0x270]  }
0x904: {  	v60 =	vld [tilespmem:s21+$0xC270]  }
0x905: {  	v61 =	vld [tilespmem:s4+$0x270]  }
0x906: {  	v62 =	vld [tilespmem:s4+$0xC270]  }
0x907: {  	v9 =	vadd.f32 v58, v57;
	v59 =	vadd.f32 v15, v14;
	_ =	sdelay $0x1  }
0x908: {  	s7 =	sadd.s32 $0x1BA00, s8;
	v9 =	vshrl.u32 v9, $0x10;
	v10 =	vand.u32 $0xFFFF0000, v59  }
0x909: {  	s25 =	sadd.s32 s1, s7;
	v9 =	vor.u32 v9, v10  }
0x90a: {  	[tilespmem:s25+$0x0] =	vst v9;
	v8 =	vadd.f32 v60, v8;
	v9 =	vadd.f32 v62, v61  }
0x90b: {  	v63 =	vld [tilespmem:s5+$0x210]  }
0x90c: {  	v18 =	vld [tilespmem:s5+$0xC210];
	v8 =	vshrl.u32 v8, $0x10;
	v9 =	vand.u32 $0xFFFF0000, v9  }
0x90d: {  	v19 =	vld [tilespmem:s6+$0x210];
	v8 =	vor.u32 v8, v9  }
0x90e: {  	s2 =	sor.u32 s0, s2;
	v20 =	vld [tilespmem:s6+$0xC210];
	[tilespmem:s20+$0x70] =	vst v8  }
0x90f: {  	v8 =	vld [tilespmem:s2+$0x200]  }
0x910: {  	s3 =	sor.u32 s0, s3;
	v23 =	vld [tilespmem:s2+$0xC200]  }
0x911: {  	v24 =	vld [tilespmem:s3+$0x200]  }
0x912: {  	v25 =	vld [tilespmem:s3+$0xC200]  }
0x913: {  	v21 =	vadd.f32 v18, v63;
	v22 =	vadd.f32 v20, v19;
	_ =	sdelay $0x1  }
0x914: {  	v9 =	vshrl.u32 v21, $0x10;
	v10 =	vand.u32 $0xFFFF0000, v22  }
0x915: {  	v9 =	vor.u32 v9, v10  }
0x916: {  	[tilespmem:s25+$0x10] =	vst v9;
	v8 =	vadd.f32 v23, v8;
	v9 =	vadd.f32 v25, v24  }
0x917: {  	v26 =	vld [tilespmem:s5+$0x220]  }
0x918: {  	v27 =	vld [tilespmem:s5+$0xC220];
	v8 =	vshrl.u32 v8, $0x10;
	v9 =	vand.u32 $0xFFFF0000, v9  }
0x919: {  	s26 =	sadd.s32 s0, s7;
	v28 =	vld [tilespmem:s6+$0x220];
	v8 =	vor.u32 v8, v9  }
0x91a: {  	v29 =	vld [tilespmem:s6+$0xC220];
	[tilespmem:s26+$0x0] =	vst v8  }
0x91b: {  	v8 =	vld [tilespmem:s2+$0x210]  }
0x91c: {  	v32 =	vld [tilespmem:s2+$0xC210]  }
0x91d: {  	v33 =	vld [tilespmem:s3+$0x210]  }
0x91e: {  	v34 =	vld [tilespmem:s3+$0xC210]  }
0x91f: {  	v30 =	vadd.f32 v27, v26;
	v31 =	vadd.f32 v29, v28;
	_ =	sdelay $0x1  }
0x920: {  	v9 =	vshrl.u32 v30, $0x10;
	v10 =	vand.u32 $0xFFFF0000, v31  }
0x921: {  	v9 =	vor.u32 v9, v10  }
0x922: {  	[tilespmem:s25+$0x20] =	vst v9;
	v8 =	vadd.f32 v32, v8;
	v9 =	vadd.f32 v34, v33  }
0x923: {  	v35 =	vld [tilespmem:s5+$0x230]  }
0x924: {  	v36 =	vld [tilespmem:s5+$0xC230];
	v8 =	vshrl.u32 v8, $0x10;
	v9 =	vand.u32 $0xFFFF0000, v9  }
0x925: {  	v37 =	vld [tilespmem:s6+$0x230];
	v8 =	vor.u32 v8, v9  }
0x926: {  	v38 =	vld [tilespmem:s6+$0xC230];
	[tilespmem:s26+$0x10] =	vst v8  }
0x927: {  	v8 =	vld [tilespmem:s2+$0x220]  }
0x928: {  	v41 =	vld [tilespmem:s2+$0xC220]  }
0x929: {  	v42 =	vld [tilespmem:s3+$0x220]  }
0x92a: {  	v43 =	vld [tilespmem:s3+$0xC220]  }
0x92b: {  	v39 =	vadd.f32 v36, v35;
	v40 =	vadd.f32 v38, v37;
	_ =	sdelay $0x1  }
0x92c: {  	v9 =	vshrl.u32 v39, $0x10;
	v10 =	vand.u32 $0xFFFF0000, v40  }
0x92d: {  	v9 =	vor.u32 v9, v10  }
0x92e: {  	[tilespmem:s25+$0x30] =	vst v9;
	v8 =	vadd.f32 v41, v8;
	v9 =	vadd.f32 v43, v42  }
0x92f: {  	v44 =	vld [tilespmem:s5+$0x240]  }
0x930: {  	v45 =	vld [tilespmem:s5+$0xC240];
	v8 =	vshrl.u32 v8, $0x10;
	v9 =	vand.u32 $0xFFFF0000, v9  }
0x931: {  	v46 =	vld [tilespmem:s6+$0x240];
	v8 =	vor.u32 v8, v9  }
0x932: {  	v47 =	vld [tilespmem:s6+$0xC240];
	[tilespmem:s26+$0x20] =	vst v8  }
0x933: {  	v8 =	vld [tilespmem:s2+$0x230]  }
0x934: {  	v50 =	vld [tilespmem:s2+$0xC230]  }
0x935: {  	v51 =	vld [tilespmem:s3+$0x230]  }
0x936: {  	v52 =	vld [tilespmem:s3+$0xC230]  }
0x937: {  	v48 =	vadd.f32 v45, v44;
	v49 =	vadd.f32 v47, v46  }
0x938: {  	v16 =	vld [tilespmem:s18+$0x240]  }
0x939: {  	v57 =	vld [tilespmem:s16+$0x240];
	v9 =	vshrl.u32 v48, $0x10;
	v10 =	vand.u32 $0xFFFF0000, v49  }
0x93a: {  	v58 =	vld [tilespmem:s16+$0xC240];
	v9 =	vor.u32 v9, v10  }
0x93b: {  	v61 =	vld [tilespmem:s18+$0xC240];
	[tilespmem:s25+$0x40] =	vst v9;
	v8 =	vadd.f32 v50, v8;
	v9 =	vadd.f32 v52, v51  }
0x93c: {  	v53 =	vld [tilespmem:s5+$0x250]  }
0x93d: {  	v54 =	vld [tilespmem:s5+$0xC250];
	v8 =	vshrl.u32 v8, $0x10;
	v9 =	vand.u32 $0xFFFF0000, v9  }
0x93e: {  	v55 =	vld [tilespmem:s6+$0x250];
	v8 =	vor.u32 v8, v9  }
0x93f: {  	v56 =	vld [tilespmem:s6+$0xC250];
	[tilespmem:s26+$0x30] =	vst v8  }
0x940: {  	v13 =	vadd.f32 v61, v16;
	v10 =	vadd.f32 v58, v57;
	v8 =	vld [tilespmem:s2+$0x240]  }
0x941: {  	v62 =	vld [tilespmem:s2+$0xC240]  }
0x942: {  	v13 =	vand.u32 $0xFFFF0000, v13;
	v10 =	vshrl.u32 v10, $0x10;
	v63 =	vld [tilespmem:s3+$0x240]  }
0x943: {  	v10 =	vor.u32 v10, v13;
	v20 =	vld [tilespmem:s3+$0xC240]  }
0x944: {  	v37 =	vld [tilespmem:s13+$0xC260];
	[tilespmem:s17+$0x40] =	vst v10;
	v59 =	vadd.f32 v54, v53;
	v60 =	vadd.f32 v56, v55  }
0x945: {  	v10 =	vld [tilespmem:s16+$0x250]  }
0x946: {  	v24 =	vld [tilespmem:s16+$0xC250];
	v9 =	vshrl.u32 v59, $0x10;
	v12 =	vand.u32 $0xFFFF0000, v60  }
0x947: {  	v25 =	vld [tilespmem:s18+$0x250];
	v9 =	vor.u32 v9, v12  }
0x948: {  	v28 =	vld [tilespmem:s18+$0xC250];
	[tilespmem:s25+$0x50] =	vst v9;
	v8 =	vadd.f32 v62, v8;
	v9 =	vadd.f32 v20, v63  }
0x949: {  	v21 =	vld [tilespmem:s5+$0x260]  }
0x94a: {  	v22 =	vld [tilespmem:s5+$0xC260];
	v8 =	vshrl.u32 v8, $0x10;
	v9 =	vand.u32 $0xFFFF0000, v9  }
0x94b: {  	v23 =	vld [tilespmem:s6+$0x260];
	v8 =	vor.u32 v8, v9  }
0x94c: {  	v17 =	vld [tilespmem:s6+$0xC260];
	[tilespmem:s26+$0x40] =	vst v8  }
0x94d: {  	v6 =	vadd.f32 v7, v6;
	v8 =	vld [tilespmem:s2+$0x250]  }
0x94e: {  	v5 =	vadd.f32 v37, v5;
	v29 =	vld [tilespmem:s2+$0xC250]  }
0x94f: {  	v6 =	vshrl.u32 v6, $0x10;
	v30 =	vld [tilespmem:s3+$0x250]  }
0x950: {  	v5 =	vand.u32 $0xFFFF0000, v5;
	v10 =	vadd.f32 v24, v10;
	v33 =	vadd.f32 v28, v25;
	v31 =	vld [tilespmem:s3+$0xC250]  }
0x951: {  	v5 =	vor.u32 v6, v5;
	v26 =	vadd.f32 v22, v21;
	v27 =	vadd.f32 v17, v23  }
0x952: {  	v18 =	vld [tilespmem:s10+$0xC270];
	[tilespmem:s30+$0x60] =	vst v5;
	v10 =	vshrl.u32 v10, $0x10;
	v12 =	vand.u32 $0xFFFF0000, v33  }
0x953: {  	v45 =	vld [tilespmem:s14+$0x270];
	v10 =	vor.u32 v10, v12;
	v9 =	vshrl.u32 v26, $0x10;
	v11 =	vand.u32 $0xFFFF0000, v27  }
0x954: {  	v46 =	vld [tilespmem:s14+$0xC270];
	[tilespmem:s17+$0x50] =	vst v10;
	v9 =	vor.u32 v9, v11  }
0x955: {  	v47 =	vld [tilespmem:s13+$0x270];
	[tilespmem:s25+$0x60] =	vst v9;
	v8 =	vadd.f32 v29, v8;
	v9 =	vadd.f32 v31, v30  }
0x956: {  	v10 =	vld [tilespmem:s16+$0x260]  }
0x957: {  	v38 =	vld [tilespmem:s16+$0xC260];
	v8 =	vshrl.u32 v8, $0x10;
	v9 =	vand.u32 $0xFFFF0000, v9  }
0x958: {  	v39 =	vld [tilespmem:s18+$0x260];
	v8 =	vor.u32 v8, v9  }
0x959: {  	v40 =	vld [tilespmem:s18+$0xC260];
	[tilespmem:s26+$0x50] =	vst v8  }
0x95a: {  	v41 =	vld [tilespmem:s2+$0x260]  }
0x95b: {  	v8 =	vld [tilespmem:s2+$0xC260]  }
0x95c: {  	v42 =	vld [tilespmem:s3+$0x260]  }
0x95d: {  	v43 =	vld [tilespmem:s3+$0xC260]  }
0x95e: {  	v48 =	vld [tilespmem:s13+$0xC270];
	v44 =	vadd.f32 v38, v10;
	v9 =	vadd.f32 v40, v39  }
0x95f: {  	v32 =	vld [tilespmem:s5+$0x270]  }
0x960: {  	v34 =	vld [tilespmem:s5+$0xC270];
	v5 =	vshrl.u32 v44, $0x10;
	v9 =	vand.u32 $0xFFFF0000, v9  }
0x961: {  	v35 =	vld [tilespmem:s6+$0x270];
	v5 =	vor.u32 v5, v9  }
0x962: {  	v36 =	vld [tilespmem:s6+$0xC270];
	[tilespmem:s17+$0x60] =	vst v5;
	v49 =	vadd.f32 v8, v41;
	v6 =	vadd.f32 v43, v42  }
0x963: {  	v50 =	vld [tilespmem:s16+$0x270]  }
0x964: {  	v51 =	vld [tilespmem:s16+$0xC270];
	v5 =	vshrl.u32 v49, $0x10;
	v6 =	vand.u32 $0xFFFF0000, v6  }
0x965: {  	v52 =	vld [tilespmem:s18+$0x270];
	v5 =	vor.u32 v5, v6  }
0x966: {  	v53 =	vld [tilespmem:s18+$0xC270];
	[tilespmem:s26+$0x60] =	vst v5  }
0x967: {  	v5 =	vld [tilespmem:s2+$0x270]  }
0x968: {  	v19 =	vld [tilespmem:s2+$0xC270]  }
0x969: {  	v3 =	vadd.f32 v18, v3;
	v54 =	vld [tilespmem:s3+$0x270]  }
0x96a: {  	v13 =	vadd.f32 v34, v32;
	v14 =	vadd.f32 v36, v35;
	v55 =	vld [tilespmem:s3+$0xC270]  }
0x96b: {  	v3 =	vand.u32 $0xFFFF0000, v3  }
0x96c: {  	v58 =	vadd.f32 v48, v47;
	v56 =	vshrl.u32 v13, $0x10;
	v57 =	vand.u32 $0xFFFF0000, v14  }
0x96d: {  	v3 =	vor.u32 v4, v3;
	v10 =	vadd.f32 v46, v45;
	v11 =	vor.u32 v56, v57  }
0x96e: {  	v4 =	vand.u32 $0xFFFF0000, v58;
	[tilespmem:s25+$0x70] =	vst v11;
	v7 =	vadd.f32 v51, v50;
	v6 =	vadd.f32 v53, v52  }
0x96f: {  	v59 =	vshrl.u32 v10, $0x10;
	s1 =	rddreg [dreg:$0x8];
	v5 =	vadd.f32 v19, v5;
	v60 =	vadd.f32 v55, v54  }
0x970: {  	s28 =	rddreg [dreg:$0x12];
	[tilespmem:s29+$0x70] =	vst v3;
	v3 =	vor.u32 v59, v4;
	v61 =	vshrl.u32 v7, $0x10;
	v6 =	vand.u32 $0xFFFF0000, v6  }
0x971: {  	[tilespmem:s30+$0x70] =	vst v3;
	v3 =	vor.u32 v61, v6;
	v62 =	vshrl.u32 v5, $0x10;
	v63 =	vand.u32 $0xFFFF0000, v60  }
0x972: {  	[tilespmem:s17+$0x70] =	vst v3;
	v3 =	vor.u32 v62, v63  }
0x973: {  	[tilespmem:s26+$0x70] =	vst v3  }
0x974: {  	s4 =	rddreg [dreg:$0x11]  }
0x975: {  	s1 =	sor.u32 s1, s28;
	p0 =	sne.s32 s4, $0x4  }
.Ltmp3:
0x976: {  	s1 =	sshrl.u32 s1, $0x3;
	(pc) =	sbr.rel @p0 .LBB2_2-.Ltmp3, $4  }
0x977: {  	s1 =	smul.u32 $0x180, s1  }
0x978: {  	s30 =	rddreg [dreg:$0x3]  }
0x979: {  	s31 =	simm.s32 $0x1B200;
	s6 =	simm.s32 $0x0;
	s0 =	sadd.s32 s30, s1  }
0x97a: {  	[hbm4b:s0+s6] =	stream.linear.scatter [tilespmem:s31], [sflag:$0x6], $0x3000, $0x38;
	[tilespmem:$0x1E200] =	vst v63  }
0x97b: {  	s0 =	simm.s32 $0x5  }
0x97c: {  	_ =	swait.ge [sflag:s0], $0x3000  }
0x97d: {  	[sflag:s0] =	ssyncset.done $0x0  }
0x97e: {  	s1 =	simm.s32 $0x6;
	[sflag:s0] =	ssyncadd.s32 $0xFFFFD000  }
0x97f: {  	_ =	swait.ge [sflag:s1], $0x3000  }
0x980: {  	s2 =	rddreg [dreg:$0x10]  }
0x981: {  	s31 =	rddreg [dreg:$0xf];
	s2 =	sadd.s32 $0x1, s2  }
0x982: {  	p0 =	sne.s32 s2, s31  }
.Ltmp4:
0x983: {  	_ = 	snop;
	(pc) =	sbr.rel @p0 .LBB2_1-.Ltmp4, $3  }
0x984: {  	_ =	sdelay $0x1  }
0x985: {  	[sflag:s1] =	ssyncset.done $0x0  }
0x986: {  	[sflag:s1] =	ssyncadd.s32 $0xFFFFD000  }
0x987: {  	_ =	sfence.sel $0x180000  }
0x988: {  	[bflag:$0x0] =	sbarrier.arrive $0xFFFF  }
0x989: {  	_ =	strace $0x90000047  }
0x98a: {  	s0 =	stileid.u32;
	[bflag:$0x2] =	sbarrier.arrive $0xFFFF  }
0x98b: {  	p0 =	sne.s32 s0, $0x0;
	s0 =	rddreg [dreg:$0x4]  }
0x98c: {  	s0 =	sadd.s32 @!p0 $0x100000, s0  }
0x98d: {  	[sflag:s0] =	ssyncadd.tile.s32 @!p0 $0x1;
	_ =	shalt  }
.Lfunc_end2:
_tile_overlayer_lowered:
.L_overlay_start_2:
0x98e: {  	(tag) =	ssettag $0x2  }
0x98f: {  	s0 =	rddreg [dreg:$0x0];
	s2 =	stileid.u32  }
0x990: {  	s1 =	rddreg [dreg:$0x1];
	p0 =	sne.s32 s2, $0x0  }
0x991: {  	s3 =	rddreg [dreg:$0x2];
	[bflag:$0x3] =	sbarrier.arrive $0xFFFF;
	s2 =	simm.s32 @!p0 $0x1C07  }
0x992: {  	[timem:s3], [sflag:s2] =	dma.local @!p0 [hbm:s0], s1  }
0x993: {  	s0 =	simm.s32 @!p0 $0x7  }
0x994: {  	_ =	swait.ge @!p0 [sflag:s0], s1  }
0x995: {  	s1 =	ssub.s32 @!p0 $0x0, s1;
	[sflag:s0] =	ssyncset.done @!p0 $0x0  }
0x996: {  	[sflag:s0] =	ssyncadd.s32 @!p0 s1  }
0x997: {  	[bflag:$0x3] =	sbarrier.arrive $0xFFFF  }
0x998: {  	_ =	shalt  }

</sc_bundles>
